<compile_context>
chip_gen: v7x
topology: tpu7x:2x2x1
jax: 0.10.2.dev20260603
libtpu: 0.0.44.dev20260713+nightly
codegen_flags: <defaults>
</compile_context>

<pallas_src>
import functools

import numpy as np

import jax
import jax.numpy as jnp
from jax import lax
from jax.experimental import pallas as pl
from jax.experimental.pallas import tpu as pltpu
from jax.experimental.pallas import tpu_sc as plsc

N = 10000
E = 320000
NC = 2
NS = 16
NW = NC * NS
L = 16
K = 128
NCH = 80
EPAD = NW * NCH * K
ACC_ROWS = 10240


def _make_agg(D, depth, nblk):
    mesh = plsc.VectorSubcoreMesh(core_axis_name="c", subcore_axis_name="s")
    BNCH = NCH // nblk

    @functools.partial(
        pl.kernel,
        mesh=mesh,
        compiler_params=pltpu.CompilerParams(use_tc_tiling_on_sc=False),
        out_type=jax.ShapeDtypeStruct((NC, N, D), jnp.float32),
        scratch_types=[
            pltpu.VMEM_SHARED((ACC_ROWS, D), jnp.float32),
            pltpu.VMEM((BNCH, K), jnp.int32),
            pltpu.VMEM((BNCH, K), jnp.int32),
        ] + [pltpu.VMEM((K, D), jnp.float32) for _ in range(depth)]
          + [pltpu.SemaphoreType.DMA for _ in range(depth)],
    )
    def agg(h_hbm, e3_hbm, out_hbm, acc, sidx, didx, *bufs_sems):
        bufs = bufs_sems[:depth]
        sems = bufs_sems[depth:]
        c = lax.axis_index("c")
        s = lax.axis_index("s")
        wid = c * NS + s

        @pl.loop(0, K)
        def _(r):
            @pl.loop(0, D, step=L)
            def _(col):
                bufs[0][r, pl.ds(col, L)] = jnp.zeros((L,), jnp.float32)

        rows_per_tile = ACC_ROWS // NS
        nz = rows_per_tile // K
        for i in range(nz):
            pltpu.async_copy(bufs[0], acc.at[pl.ds(s * rows_per_tile + i * K, K)],
                             sems[i % depth])

        def _drain(q):
            pltpu.make_async_copy(h_hbm.at[pl.ds(0, K)], bufs[q], sems[q]).wait()

        pltpu.sync_copy(e3_hbm.at[0, wid, pl.ds(0, BNCH)], sidx)
        pltpu.sync_copy(e3_hbm.at[1, wid, pl.ds(0, BNCH)], didx)
        for i in range(nz):
            _drain(i % depth)
        for q in range(depth):
            pltpu.async_copy(h_hbm.at[sidx.at[q]], bufs[q], sems[q])

        plsc.subcore_barrier()

        for blk in range(nblk):
            if blk > 0:
                pltpu.sync_copy(e3_hbm.at[0, wid, pl.ds(blk * BNCH, BNCH)], sidx)
                pltpu.sync_copy(e3_hbm.at[1, wid, pl.ds(blk * BNCH, BNCH)], didx)
                for q in range(depth):
                    pltpu.async_copy(h_hbm.at[sidx.at[q]], bufs[q], sems[q])

            @pl.loop(0, BNCH - depth, step=depth)
            def _(j):
                for q in range(depth):
                    _drain(q)
                    pltpu.sync_copy(bufs[q], acc.at[didx.at[j + q]], add=True)
                    pltpu.async_copy(h_hbm.at[sidx.at[j + depth + q]],
                                     bufs[q], sems[q])

            for q in range(depth):
                _drain(q)
                pltpu.sync_copy(bufs[q], acc.at[didx.at[BNCH - depth + q]],
                                add=True)

        plsc.subcore_barrier()

        out_rows = 624
        pltpu.sync_copy(acc.at[pl.ds(s * out_rows, out_rows)],
                        out_hbm.at[c, pl.ds(s * out_rows, out_rows)])

        @pl.when(s == 0)
        def _():
            pltpu.sync_copy(acc.at[pl.ds(NS * out_rows, N - NS * out_rows)],
                            out_hbm.at[c, pl.ds(NS * out_rows, N - NS * out_rows)])

    return agg


def _make_agg128_k64():
    D = 128
    depth = 4
    nblk = 2
    B2 = (NCH * 2) // nblk
    K2 = 64
    mesh = plsc.VectorSubcoreMesh(core_axis_name="c", subcore_axis_name="s")

    @functools.partial(
        pl.kernel,
        mesh=mesh,
        compiler_params=pltpu.CompilerParams(use_tc_tiling_on_sc=False),
        out_type=jax.ShapeDtypeStruct((NC, N, D), jnp.float32),
        scratch_types=[
            pltpu.VMEM_SHARED((ACC_ROWS, D), jnp.float32),
            pltpu.VMEM((B2 // 2, 2 * K2), jnp.int32),
            pltpu.VMEM((B2, K2), jnp.int32),
        ] + [pltpu.VMEM((K2, D), jnp.float32) for _ in range(depth)]
          + [pltpu.SemaphoreType.DMA for _ in range(depth)],
    )
    def agg(h_hbm, srcp_hbm, dstp_hbm, out_hbm, acc, sidx, didx, *bufs_sems):
        bufs = bufs_sems[:depth]
        sems = bufs_sems[depth:]
        c = lax.axis_index("c")
        s = lax.axis_index("s")
        wid = c * NS + s

        @pl.loop(0, K2)
        def _(r):
            @pl.loop(0, D, step=L)
            def _(col):
                bufs[0][r, pl.ds(col, L)] = jnp.zeros((L,), jnp.float32)

        rows_per_tile = ACC_ROWS // NS
        nz = rows_per_tile // K2
        for i in range(nz):
            pltpu.async_copy(bufs[0], acc.at[pl.ds(s * rows_per_tile + i * K2, K2)],
                             sems[i % depth])

        def _drain(q):
            pltpu.make_async_copy(h_hbm.at[pl.ds(0, K2)], bufs[q], sems[q]).wait()

        def _gather(ch, q):
            idx = sidx.at[ch // 2, pl.ds((q % 2) * K2, K2)]
            pltpu.async_copy(h_hbm.at[idx], bufs[q], sems[q])

        pltpu.sync_copy(srcp_hbm.at[wid, pl.ds(0, B2 // 2)], sidx)
        pltpu.sync_copy(dstp_hbm.at[wid, pl.ds(0, B2)], didx)
        for i in range(nz):
            _drain(i % depth)
        for q in range(depth):
            _gather(q, q)

        plsc.subcore_barrier()

        for blk in range(nblk):
            if blk > 0:
                pltpu.sync_copy(srcp_hbm.at[wid, pl.ds(blk * (B2 // 2), B2 // 2)],
                                sidx)
                pltpu.sync_copy(dstp_hbm.at[wid, pl.ds(blk * B2, B2)], didx)
                for q in range(depth):
                    _gather(q, q)

            @pl.loop(0, B2 - depth, step=depth)
            def _(j):
                for q in range(depth):
                    _drain(q)
                    pltpu.sync_copy(bufs[q], acc.at[didx.at[j + q]], add=True)
                    _gather(j + depth + q, q)

            for q in range(depth):
                _drain(q)
                pltpu.sync_copy(bufs[q], acc.at[didx.at[B2 - depth + q]],
                                add=True)

        plsc.subcore_barrier()

        out_rows = 624
        pltpu.sync_copy(acc.at[pl.ds(s * out_rows, out_rows)],
                        out_hbm.at[c, pl.ds(s * out_rows, out_rows)])

        @pl.when(s == 0)
        def _():
            pltpu.sync_copy(acc.at[pl.ds(NS * out_rows, N - NS * out_rows)],
                            out_hbm.at[c, pl.ds(NS * out_rows, N - NS * out_rows)])

    return agg


_agg128 = _make_agg128_k64()
_agg64 = _make_agg(64, depth=4, nblk=1)

_BM = 2000


def _mm_body(x_ref, w_ref, o_ref):
    o_ref[...] = jnp.dot(x_ref[...], w_ref[...],
                         preferred_element_type=jnp.float32)


def _matmul(x, W):
    M, Kd = x.shape
    D = W.shape[1]
    return pl.pallas_call(
        _mm_body,
        grid=(M // _BM,),
        in_specs=[pl.BlockSpec((_BM, Kd), lambda i: (i, 0)),
                  pl.BlockSpec((Kd, D), lambda i: (0, 0))],
        out_specs=pl.BlockSpec((_BM, D), lambda i: (i, 0)),
        out_shape=jax.ShapeDtypeStruct((M, D), jnp.float32),
    )(x, W)


def _fused_body(p_ref, b_ref, w_ref, o_ref):
    a = jax.nn.relu(p_ref[0] + p_ref[1] + b_ref[...])
    o_ref[...] = jnp.dot(a, w_ref[...],
                         preferred_element_type=jnp.float32)


def _fused_matmul(p, b, W):
    _, M, Kd = p.shape
    D = W.shape[1]
    return pl.pallas_call(
        _fused_body,
        grid=(M // _BM,),
        in_specs=[pl.BlockSpec((2, _BM, Kd), lambda i: (0, i, 0)),
                  pl.BlockSpec((1, Kd), lambda i: (0, 0)),
                  pl.BlockSpec((Kd, D), lambda i: (0, 0))],
        out_specs=pl.BlockSpec((_BM, D), lambda i: (i, 0)),
        out_shape=jax.ShapeDtypeStruct((M, D), jnp.float32),
    )(p, b.reshape(1, Kd), W)


def _combine_body(p_ref, b_ref, o_ref):
    o_ref[...] = p_ref[0] + p_ref[1] + b_ref[...]


def _combine(p, b):
    _, M, D = p.shape
    return pl.pallas_call(
        _combine_body,
        grid=(M // _BM,),
        in_specs=[pl.BlockSpec((2, _BM, D), lambda i: (0, i, 0)),
                  pl.BlockSpec((1, D), lambda i: (0, 0))],
        out_specs=pl.BlockSpec((_BM, D), lambda i: (i, 0)),
        out_shape=jax.ShapeDtypeStruct((M, D), jnp.float32),
    )(p, b.reshape(1, D))


_PAD = np.stack([np.arange(EPAD - E, dtype=np.int32) % N,
                 N + np.arange(EPAD - E, dtype=np.int32) % (ACC_ROWS - N)])


def kernel(x, edge_index, W0, b0, W1, b1, W2, b2):
    e3 = jnp.concatenate([edge_index.astype(jnp.int32), jnp.asarray(_PAD)],
                         axis=1)
    srcp = e3[0].reshape(NW, NCH, K)
    dstp = e3[1].reshape(NW, NCH * 2, K // 2)
    e4 = e3.reshape(2, NW, NCH, K)

    h0 = _matmul(x, W0)
    p0 = _agg128(h0, srcp, dstp)
    h1 = _fused_matmul(p0, b0, W1)
    p1 = _agg128(h1, srcp, dstp)
    h2 = _fused_matmul(p1, b1, W2)
    p2 = _agg64(h2, e4)
    return _combine(p2, b2)

# --- scband reference (transcript-rebuilt; emitter-appended) ---
"""Pipeline reference for scband-simple-gcn-52836687675913 (READ-ONLY COPY).

The authoritative reference and input builder live on the scoring server;
editing this copy changes nothing except your own understanding.
"""

import jax, jax.numpy as jnp
import numpy as np

N_NODES = 10000
N_EDGES = 320000
D_IN = 128
D_HID = 128
D_OUT = 64


def setup_inputs(seed: int = 0) -> dict:
    key = jax.random.key(seed)
    ks = jax.random.split(key, 8)
    x = jax.random.normal(ks[0], (N_NODES, D_IN), dtype=jnp.float32)
    edge_index = jax.random.randint(ks[1], (2, N_EDGES), 0, N_NODES, dtype=jnp.int64)
    # GCNConv linear weights (glorot-ish) and biases per layer
    W0 = jax.random.normal(ks[2], (D_IN, D_HID), dtype=jnp.float32) / np.sqrt(D_IN)
    b0 = jnp.zeros((D_HID,), dtype=jnp.float32)
    W1 = jax.random.normal(ks[3], (D_HID, D_HID), dtype=jnp.float32) / np.sqrt(D_HID)
    b1 = jnp.zeros((D_HID,), dtype=jnp.float32)
    W2 = jax.random.normal(ks[4], (D_HID, D_OUT), dtype=jnp.float32) / np.sqrt(D_HID)
    b2 = jnp.zeros((D_OUT,), dtype=jnp.float32)
    return {"x": x, "edge_index": edge_index, "W0": W0, "b0": b0, "W1": W1, "b1": b1, "W2": W2, "b2": b2}


def _gcn_conv(x, edge_index, W, b):
    # PyG GCNConv with normalize=False, edge_weight=None:
    # h = x @ W; out[dst] = sum_{(src,dst) in E} h[src]; out += bias
    src = edge_index[0]
    dst = edge_index[1]
    h = x @ W
    msgs = jnp.take(h, src, axis=0)
    agg = jnp.zeros((x.shape[0], W.shape[1]), dtype=h.dtype).at[dst].add(msgs)
    return agg + b


def reference(x, edge_index, W0, b0, W1, b1, W2, b2):
    # layer 0
    x = _gcn_conv(x, edge_index, W0, b0)
    x = jax.nn.relu(x)
    # dropout is identity in eval mode
    # layer 1
    x = _gcn_conv(x, edge_index, W1, b1)
    x = jax.nn.relu(x)
    # layer 2 (output, no activation)
    x = _gcn_conv(x, edge_index, W2, b2)
    return x

if __name__ == "__main__":
    import jax
    _d = setup_inputs()
    print(jax.jit(kernel)(*tuple(_d.values())))

</pallas_src>

<mosaic_0001>
#map = affine_map<(d0, d1) -> (0, 0)>
#map1 = affine_map<(d0, d1) -> (0, 0, 0)>
module attributes {stable_mosaic.version = 14 : i64} {
  func.func @agg(%arg0: i32, %arg1: i32, %arg2: memref<10000x128xf32, #tpu.memory_space<hbm>>, %arg3: memref<32x80x128xi32, #tpu.memory_space<hbm>>, %arg4: memref<32x160x64xi32, #tpu.memory_space<hbm>>, %arg5: memref<2x10000x128xf32, #tpu.memory_space<hbm>>, %arg6: memref<10240x128xf32, #tpu.memory_space<vmem_shared>>, %arg7: memref<40x128xi32, #tpu.memory_space<vmem>>, %arg8: memref<80x64xi32, #tpu.memory_space<vmem>>, %arg9: memref<64x128xf32, #tpu.memory_space<vmem>>, %arg10: memref<64x128xf32, #tpu.memory_space<vmem>>, %arg11: memref<64x128xf32, #tpu.memory_space<vmem>>, %arg12: memref<64x128xf32, #tpu.memory_space<vmem>>, %arg13: memref<!tpu.dma_semaphore, #tpu.memory_space<semaphore_mem>>, %arg14: memref<!tpu.dma_semaphore, #tpu.memory_space<semaphore_mem>>, %arg15: memref<!tpu.dma_semaphore, #tpu.memory_space<semaphore_mem>>, %arg16: memref<!tpu.dma_semaphore, #tpu.memory_space<semaphore_mem>>) attributes {dimension_semantics = [#tpu.dimension_semantics<core_parallel>, #tpu.dimension_semantics<subcore_parallel>], iteration_bounds = array<i64: 2, 16>, scalar_prefetch = 0 : i64, scratch_operands = 11 : i64, tpu.core_type = #tpu.core_type<sc_vector_subcore>, window_params = [{transform_indices = #map}, {transform_indices = #map1}, {transform_indices = #map1}, {transform_indices = #map1}]} {
    %mul3A = arith.constant 16 : i32
    %mul3A_0 = arith.muli %arg0, %mul3A : i32
    %add3A = arith.addi %mul3A_0, %arg1 : i32
    %scan3A = arith.constant 0 : i32
    %scan3A_1 = arith.constant 64 : i32
    %scan3A_2 = arith.addi %scan3A, %scan3A_1 : i32
    %scan3A_3 = arith.constant 1 : i32
    scf.for %scan3A_271 = %scan3A to %scan3A_2 step %scan3A_3  : i32 {
      %mul3A_272 = arith.constant 1 : i32
      %mul3A_273 = arith.muli %scan3A_271, %mul3A_272 : i32
      %add3A_274 = arith.constant 0 : i32
      %add3A_275 = arith.addi %add3A_274, %mul3A_273 : i32
      %scan3A_276 = arith.constant 0 : i32
      %scan3A_277 = arith.constant 8 : i32
      %scan3A_278 = arith.addi %scan3A_276, %scan3A_277 : i32
      %scan3A_279 = arith.constant 1 : i32
      scf.for %scan3A_281 = %scan3A_276 to %scan3A_278 step %scan3A_279  : i32 {
        %mul3A_282 = arith.constant 16 : i32
        %mul3A_283 = arith.muli %scan3A_281, %mul3A_282 : i32
        %add3A_284 = arith.constant 0 : i32
        %add3A_285 = arith.addi %add3A_284, %mul3A_283 : i32
        %broadcast_in_dim3A = arith.constant 0.000000e+00 : f32
        %broadcast_in_dim3A_286 = vector.broadcast %broadcast_in_dim3A : f32 to vector<16xf32>
        %swap3A = arith.index_cast %add3A_275 : i32 to index
        %swap3A_287 = arith.index_cast %add3A_285 : i32 to index
        %swap3A_288 = tpu.vector_load %arg9[%swap3A, %swap3A_287] {strides = array<i32>} : memref<64x128xf32, #tpu.memory_space<vmem>>, vector<1x16xf32>,
        %swap3A_289 = vector.shape_cast %swap3A_288 : vector<1x16xf32> to vector<16xf32>
        %swap3A_290 = vector.shape_cast %broadcast_in_dim3A_286 : vector<16xf32> to vector<1x16xf32>
        tpu.vector_store %arg9[%swap3A, %swap3A_287], %swap3A_290 {strides = array<i32>} : memref<64x128xf32, #tpu.memory_space<vmem>>, vector<1x16xf32>,
      }
      %scan3A_280 = arith.constant 8 : i32
    }
    %scan3A_4 = arith.constant 64 : i32
    %mul3A_5 = arith.constant 640 : i32
    %mul3A_6 = arith.muli %arg1, %mul3A_5 : i32
    %add3A_7 = arith.constant 0 : i32
    %add3A_8 = arith.addi %mul3A_6, %add3A_7 : i32
    %dma_start3A = arith.constant 0 : i32
    %dma_start3A_9 = tpu.memref_slice %arg6[%add3A_8, %dma_start3A] : memref<10240x128xf32, #tpu.memory_space<vmem_shared>> -> memref<64x128xf32, #tpu.memory_space<vmem_shared>>
    %dma_start3A_10 = arith.constant 0 : i32
    %dma_start3A_11 = tpu.memref_slice %arg6[%add3A_8, %dma_start3A_10] : memref<10240x128xf32, #tpu.memory_space<vmem_shared>> -> memref<64x128xf32, #tpu.memory_space<vmem_shared>>
    tpu.enqueue_dma source(%arg9 : memref<64x128xf32, #tpu.memory_space<vmem>>) target(%dma_start3A_11 : memref<64x128xf32, #tpu.memory_space<vmem_shared>>) target_semaphore(%arg13 : memref<!tpu.dma_semaphore, #tpu.memory_space<semaphore_mem>>)
    %mul3A_12 = arith.constant 640 : i32
    %mul3A_13 = arith.muli %arg1, %mul3A_12 : i32
    %add3A_14 = arith.constant 64 : i32
    %add3A_15 = arith.addi %mul3A_13, %add3A_14 : i32
    %dma_start3A_16 = arith.constant 0 : i32
    %dma_start3A_17 = tpu.memref_slice %arg6[%add3A_15, %dma_start3A_16] : memref<10240x128xf32, #tpu.memory_space<vmem_shared>> -> memref<64x128xf32, #tpu.memory_space<vmem_shared>>
    %dma_start3A_18 = arith.constant 0 : i32
    %dma_start3A_19 = tpu.memref_slice %arg6[%add3A_15, %dma_start3A_18] : memref<10240x128xf32, #tpu.memory_space<vmem_shared>> -> memref<64x128xf32, #tpu.memory_space<vmem_shared>>
    tpu.enqueue_dma source(%arg9 : memref<64x128xf32, #tpu.memory_space<vmem>>) target(%dma_start3A_19 : memref<64x128xf32, #tpu.memory_space<vmem_shared>>) target_semaphore(%arg14 : memref<!tpu.dma_semaphore, #tpu.memory_space<semaphore_mem>>)
    %mul3A_20 = arith.constant 640 : i32
    %mul3A_21 = arith.muli %arg1, %mul3A_20 : i32
    %add3A_22 = arith.constant 128 : i32
    %add3A_23 = arith.addi %mul3A_21, %add3A_22 : i32
    %dma_start3A_24 = arith.constant 0 : i32
    %dma_start3A_25 = tpu.memref_slice %arg6[%add3A_23, %dma_start3A_24] : memref<10240x128xf32, #tpu.memory_space<vmem_shared>> -> memref<64x128xf32, #tpu.memory_space<vmem_shared>>
    %dma_start3A_26 = arith.constant 0 : i32
    %dma_start3A_27 = tpu.memref_slice %arg6[%add3A_23, %dma_start3A_26] : memref<10240x128xf32, #tpu.memory_space<vmem_shared>> -> memref<64x128xf32, #tpu.memory_space<vmem_shared>>
    tpu.enqueue_dma source(%arg9 : memref<64x128xf32, #tpu.memory_space<vmem>>) target(%dma_start3A_27 : memref<64x128xf32, #tpu.memory_space<vmem_shared>>) target_semaphore(%arg15 : memref<!tpu.dma_semaphore, #tpu.memory_space<semaphore_mem>>)
    %mul3A_28 = arith.constant 640 : i32
    %mul3A_29 = arith.muli %arg1, %mul3A_28 : i32
    %add3A_30 = arith.constant 192 : i32
    %add3A_31 = arith.addi %mul3A_29, %add3A_30 : i32
    %dma_start3A_32 = arith.constant 0 : i32
    %dma_start3A_33 = tpu.memref_slice %arg6[%add3A_31, %dma_start3A_32] : memref<10240x128xf32, #tpu.memory_space<vmem_shared>> -> memref<64x128xf32, #tpu.memory_space<vmem_shared>>
    %dma_start3A_34 = arith.constant 0 : i32
    %dma_start3A_35 = tpu.memref_slice %arg6[%add3A_31, %dma_start3A_34] : memref<10240x128xf32, #tpu.memory_space<vmem_shared>> -> memref<64x128xf32, #tpu.memory_space<vmem_shared>>
    tpu.enqueue_dma source(%arg9 : memref<64x128xf32, #tpu.memory_space<vmem>>) target(%dma_start3A_35 : memref<64x128xf32, #tpu.memory_space<vmem_shared>>) target_semaphore(%arg16 : memref<!tpu.dma_semaphore, #tpu.memory_space<semaphore_mem>>)
    %mul3A_36 = arith.constant 640 : i32
    %mul3A_37 = arith.muli %arg1, %mul3A_36 : i32
    %add3A_38 = arith.constant 256 : i32
    %add3A_39 = arith.addi %mul3A_37, %add3A_38 : i32
    %dma_start3A_40 = arith.constant 0 : i32
    %dma_start3A_41 = tpu.memref_slice %arg6[%add3A_39, %dma_start3A_40] : memref<10240x128xf32, #tpu.memory_space<vmem_shared>> -> memref<64x128xf32, #tpu.memory_space<vmem_shared>>
    %dma_start3A_42 = arith.constant 0 : i32
    %dma_start3A_43 = tpu.memref_slice %arg6[%add3A_39, %dma_start3A_42] : memref<10240x128xf32, #tpu.memory_space<vmem_shared>> -> memref<64x128xf32, #tpu.memory_space<vmem_shared>>
    tpu.enqueue_dma source(%arg9 : memref<64x128xf32, #tpu.memory_space<vmem>>) target(%dma_start3A_43 : memref<64x128xf32, #tpu.memory_space<vmem_shared>>) target_semaphore(%arg13 : memref<!tpu.dma_semaphore, #tpu.memory_space<semaphore_mem>>)
    %mul3A_44 = arith.constant 640 : i32
    %mul3A_45 = arith.muli %arg1, %mul3A_44 : i32
    %add3A_46 = arith.constant 320 : i32
    %add3A_47 = arith.addi %mul3A_45, %add3A_46 : i32
    %dma_start3A_48 = arith.constant 0 : i32
    %dma_start3A_49 = tpu.memref_slice %arg6[%add3A_47, %dma_start3A_48] : memref<10240x128xf32, #tpu.memory_space<vmem_shared>> -> memref<64x128xf32, #tpu.memory_space<vmem_shared>>
    %dma_start3A_50 = arith.constant 0 : i32
    %dma_start3A_51 = tpu.memref_slice %arg6[%add3A_47, %dma_start3A_50] : memref<10240x128xf32, #tpu.memory_space<vmem_shared>> -> memref<64x128xf32, #tpu.memory_space<vmem_shared>>
    tpu.enqueue_dma source(%arg9 : memref<64x128xf32, #tpu.memory_space<vmem>>) target(%dma_start3A_51 : memref<64x128xf32, #tpu.memory_space<vmem_shared>>) target_semaphore(%arg14 : memref<!tpu.dma_semaphore, #tpu.memory_space<semaphore_mem>>)
    %mul3A_52 = arith.constant 640 : i32
    %mul3A_53 = arith.muli %arg1, %mul3A_52 : i32
    %add3A_54 = arith.constant 384 : i32
    %add3A_55 = arith.addi %mul3A_53, %add3A_54 : i32
    %dma_start3A_56 = arith.constant 0 : i32
    %dma_start3A_57 = tpu.memref_slice %arg6[%add3A_55, %dma_start3A_56] : memref<10240x128xf32, #tpu.memory_space<vmem_shared>> -> memref<64x128xf32, #tpu.memory_space<vmem_shared>>
    %dma_start3A_58 = arith.constant 0 : i32
    %dma_start3A_59 = tpu.memref_slice %arg6[%add3A_55, %dma_start3A_58] : memref<10240x128xf32, #tpu.memory_space<vmem_shared>> -> memref<64x128xf32, #tpu.memory_space<vmem_shared>>
    tpu.enqueue_dma source(%arg9 : memref<64x128xf32, #tpu.memory_space<vmem>>) target(%dma_start3A_59 : memref<64x128xf32, #tpu.memory_space<vmem_shared>>) target_semaphore(%arg15 : memref<!tpu.dma_semaphore, #tpu.memory_space<semaphore_mem>>)
    %mul3A_60 = arith.constant 640 : i32
    %mul3A_61 = arith.muli %arg1, %mul3A_60 : i32
    %add3A_62 = arith.constant 448 : i32
    %add3A_63 = arith.addi %mul3A_61, %add3A_62 : i32
    %dma_start3A_64 = arith.constant 0 : i32
    %dma_start3A_65 = tpu.memref_slice %arg6[%add3A_63, %dma_start3A_64] : memref<10240x128xf32, #tpu.memory_space<vmem_shared>> -> memref<64x128xf32, #tpu.memory_space<vmem_shared>>
    %dma_start3A_66 = arith.constant 0 : i32
    %dma_start3A_67 = tpu.memref_slice %arg6[%add3A_63, %dma_start3A_66] : memref<10240x128xf32, #tpu.memory_space<vmem_shared>> -> memref<64x128xf32, #tpu.memory_space<vmem_shared>>
    tpu.enqueue_dma source(%arg9 : memref<64x128xf32, #tpu.memory_space<vmem>>) target(%dma_start3A_67 : memref<64x128xf32, #tpu.memory_space<vmem_shared>>) target_semaphore(%arg16 : memref<!tpu.dma_semaphore, #tpu.memory_space<semaphore_mem>>)
    %mul3A_68 = arith.constant 640 : i32
    %mul3A_69 = arith.muli %arg1, %mul3A_68 : i32
    %add3A_70 = arith.constant 512 : i32
    %add3A_71 = arith.addi %mul3A_69, %add3A_70 : i32
    %dma_start3A_72 = arith.constant 0 : i32
    %dma_start3A_73 = tpu.memref_slice %arg6[%add3A_71, %dma_start3A_72] : memref<10240x128xf32, #tpu.memory_space<vmem_shared>> -> memref<64x128xf32, #tpu.memory_space<vmem_shared>>
    %dma_start3A_74 = arith.constant 0 : i32
    %dma_start3A_75 = tpu.memref_slice %arg6[%add3A_71, %dma_start3A_74] : memref<10240x128xf32, #tpu.memory_space<vmem_shared>> -> memref<64x128xf32, #tpu.memory_space<vmem_shared>>
    tpu.enqueue_dma source(%arg9 : memref<64x128xf32, #tpu.memory_space<vmem>>) target(%dma_start3A_75 : memref<64x128xf32, #tpu.memory_space<vmem_shared>>) target_semaphore(%arg13 : memref<!tpu.dma_semaphore, #tpu.memory_space<semaphore_mem>>)
    %mul3A_76 = arith.constant 640 : i32
    %mul3A_77 = arith.muli %arg1, %mul3A_76 : i32
    %add3A_78 = arith.constant 576 : i32
    %add3A_79 = arith.addi %mul3A_77, %add3A_78 : i32
    %dma_start3A_80 = arith.constant 0 : i32
    %dma_start3A_81 = tpu.memref_slice %arg6[%add3A_79, %dma_start3A_80] : memref<10240x128xf32, #tpu.memory_space<vmem_shared>> -> memref<64x128xf32, #tpu.memory_space<vmem_shared>>
    %dma_start3A_82 = arith.constant 0 : i32
    %dma_start3A_83 = tpu.memref_slice %arg6[%add3A_79, %dma_start3A_82] : memref<10240x128xf32, #tpu.memory_space<vmem_shared>> -> memref<64x128xf32, #tpu.memory_space<vmem_shared>>
    tpu.enqueue_dma source(%arg9 : memref<64x128xf32, #tpu.memory_space<vmem>>) target(%dma_start3A_83 : memref<64x128xf32, #tpu.memory_space<vmem_shared>>) target_semaphore(%arg14 : memref<!tpu.dma_semaphore, #tpu.memory_space<semaphore_mem>>)
    "tpu.region"() ({
      %run_scoped3A_271 = tpu.sem_alloc : memref<!tpu.dma_semaphore, #tpu.memory_space<semaphore_mem>>
      %dma_start3A_272 = arith.constant 0 : i32
      %dma_start3A_273 = arith.constant 0 : i32
      %dma_start3A_274 = tpu.memref_slice %arg3[%add3A, %dma_start3A_272, %dma_start3A_273] : memref<32x80x128xi32, #tpu.memory_space<hbm>> -> memref<1x40x128xi32, #tpu.memory_space<hbm>>
      %dma_start3A_275 = tpu.memref_squeeze %dma_start3A_274 : memref<1x40x128xi32, #tpu.memory_space<hbm>> -> memref<40x128xi32, #tpu.memory_space<hbm>>
      %dma_start3A_276 = arith.constant 0 : i32
      %dma_start3A_277 = arith.constant 0 : i32
      %dma_start3A_278 = tpu.memref_slice %arg3[%add3A, %dma_start3A_276, %dma_start3A_277] : memref<32x80x128xi32, #tpu.memory_space<hbm>> -> memref<1x40x128xi32, #tpu.memory_space<hbm>>
      %dma_start3A_279 = tpu.memref_squeeze %dma_start3A_278 : memref<1x40x128xi32, #tpu.memory_space<hbm>> -> memref<40x128xi32, #tpu.memory_space<hbm>>
      tpu.enqueue_dma source(%dma_start3A_279 : memref<40x128xi32, #tpu.memory_space<hbm>>) target(%arg7 : memref<40x128xi32, #tpu.memory_space<vmem>>) target_semaphore(%run_scoped3A_271 : memref<!tpu.dma_semaphore, #tpu.memory_space<semaphore_mem>>)
      %dma_wait3A_280 = arith.constant 0 : i32
      %dma_wait3A_281 = arith.constant 0 : i32
      %dma_wait3A_282 = tpu.memref_slice %arg3[%add3A, %dma_wait3A_280, %dma_wait3A_281] : memref<32x80x128xi32, #tpu.memory_space<hbm>> -> memref<1x40x128xi32, #tpu.memory_space<hbm>>
      %dma_wait3A_283 = tpu.memref_squeeze %dma_wait3A_282 : memref<1x40x128xi32, #tpu.memory_space<hbm>> -> memref<40x128xi32, #tpu.memory_space<hbm>>
      %dma_wait3A_284 = arith.constant 0 : i32
      %dma_wait3A_285 = arith.constant 0 : i32
      %dma_wait3A_286 = tpu.memref_slice %arg3[%add3A, %dma_wait3A_284, %dma_wait3A_285] : memref<32x80x128xi32, #tpu.memory_space<hbm>> -> memref<1x40x128xi32, #tpu.memory_space<hbm>>
      %dma_wait3A_287 = tpu.memref_squeeze %dma_wait3A_286 : memref<1x40x128xi32, #tpu.memory_space<hbm>> -> memref<40x128xi32, #tpu.memory_space<hbm>>
      tpu.wait_dma2 semaphore(%run_scoped3A_271 : memref<!tpu.dma_semaphore, #tpu.memory_space<semaphore_mem>>) src(%dma_wait3A_287 : memref<40x128xi32, #tpu.memory_space<hbm>>) dst(%arg7 : memref<40x128xi32, #tpu.memory_space<vmem>>)
      tpu.yield
    }) : () -> ()
    "tpu.region"() ({
      %run_scoped3A_271 = tpu.sem_alloc : memref<!tpu.dma_semaphore, #tpu.memory_space<semaphore_mem>>
      %dma_start3A_272 = arith.constant 0 : i32
      %dma_start3A_273 = arith.constant 0 : i32
      %dma_start3A_274 = tpu.memref_slice %arg4[%add3A, %dma_start3A_272, %dma_start3A_273] : memref<32x160x64xi32, #tpu.memory_space<hbm>> -> memref<1x80x64xi32, #tpu.memory_space<hbm>>
      %dma_start3A_275 = tpu.memref_squeeze %dma_start3A_274 : memref<1x80x64xi32, #tpu.memory_space<hbm>> -> memref<80x64xi32, #tpu.memory_space<hbm>>
      %dma_start3A_276 = arith.constant 0 : i32
      %dma_start3A_277 = arith.constant 0 : i32
      %dma_start3A_278 = tpu.memref_slice %arg4[%add3A, %dma_start3A_276, %dma_start3A_277] : memref<32x160x64xi32, #tpu.memory_space<hbm>> -> memref<1x80x64xi32, #tpu.memory_space<hbm>>
      %dma_start3A_279 = tpu.memref_squeeze %dma_start3A_278 : memref<1x80x64xi32, #tpu.memory_space<hbm>> -> memref<80x64xi32, #tpu.memory_space<hbm>>
      tpu.enqueue_dma source(%dma_start3A_279 : memref<80x64xi32, #tpu.memory_space<hbm>>) target(%arg8 : memref<80x64xi32, #tpu.memory_space<vmem>>) target_semaphore(%run_scoped3A_271 : memref<!tpu.dma_semaphore, #tpu.memory_space<semaphore_mem>>)
      %dma_wait3A_280 = arith.constant 0 : i32
      %dma_wait3A_281 = arith.constant 0 : i32
      %dma_wait3A_282 = tpu.memref_slice %arg4[%add3A, %dma_wait3A_280, %dma_wait3A_281] : memref<32x160x64xi32, #tpu.memory_space<hbm>> -> memref<1x80x64xi32, #tpu.memory_space<hbm>>
      %dma_wait3A_283 = tpu.memref_squeeze %dma_wait3A_282 : memref<1x80x64xi32, #tpu.memory_space<hbm>> -> memref<80x64xi32, #tpu.memory_space<hbm>>
      %dma_wait3A_284 = arith.constant 0 : i32
      %dma_wait3A_285 = arith.constant 0 : i32
      %dma_wait3A_286 = tpu.memref_slice %arg4[%add3A, %dma_wait3A_284, %dma_wait3A_285] : memref<32x160x64xi32, #tpu.memory_space<hbm>> -> memref<1x80x64xi32, #tpu.memory_space<hbm>>
      %dma_wait3A_287 = tpu.memref_squeeze %dma_wait3A_286 : memref<1x80x64xi32, #tpu.memory_space<hbm>> -> memref<80x64xi32, #tpu.memory_space<hbm>>
      tpu.wait_dma2 semaphore(%run_scoped3A_271 : memref<!tpu.dma_semaphore, #tpu.memory_space<semaphore_mem>>) src(%dma_wait3A_287 : memref<80x64xi32, #tpu.memory_space<hbm>>) dst(%arg8 : memref<80x64xi32, #tpu.memory_space<vmem>>)
      tpu.yield
    }) : () -> ()
    %dma_wait3A = arith.constant 0 : i32
    %dma_wait3A_84 = arith.constant 0 : i32
    %dma_wait3A_85 = tpu.memref_slice %arg2[%dma_wait3A, %dma_wait3A_84] : memref<10000x128xf32, #tpu.memory_space<hbm>> -> memref<64x128xf32, #tpu.memory_space<hbm>>
    %dma_wait3A_86 = arith.constant 0 : i32
    %dma_wait3A_87 = arith.constant 0 : i32
    %dma_wait3A_88 = tpu.memref_slice %arg2[%dma_wait3A_86, %dma_wait3A_87] : memref<10000x128xf32, #tpu.memory_space<hbm>> -> memref<64x128xf32, #tpu.memory_space<hbm>>
    tpu.wait_dma2 semaphore(%arg13 : memref<!tpu.dma_semaphore, #tpu.memory_space<semaphore_mem>>) src(%dma_wait3A_88 : memref<64x128xf32, #tpu.memory_space<hbm>>) dst(%arg9 : memref<64x128xf32, #tpu.memory_space<vmem>>)
    %dma_wait3A_89 = arith.constant 0 : i32
    %dma_wait3A_90 = arith.constant 0 : i32
    %dma_wait3A_91 = tpu.memref_slice %arg2[%dma_wait3A_89, %dma_wait3A_90] : memref<10000x128xf32, #tpu.memory_space<hbm>> -> memref<64x128xf32, #tpu.memory_space<hbm>>
    %dma_wait3A_92 = arith.constant 0 : i32
    %dma_wait3A_93 = arith.constant 0 : i32
    %dma_wait3A_94 = tpu.memref_slice %arg2[%dma_wait3A_92, %dma_wait3A_93] : memref<10000x128xf32, #tpu.memory_space<hbm>> -> memref<64x128xf32, #tpu.memory_space<hbm>>
    tpu.wait_dma2 semaphore(%arg14 : memref<!tpu.dma_semaphore, #tpu.memory_space<semaphore_mem>>) src(%dma_wait3A_94 : memref<64x128xf32, #tpu.memory_space<hbm>>) dst(%arg10 : memref<64x128xf32, #tpu.memory_space<vmem>>)
    %dma_wait3A_95 = arith.constant 0 : i32
    %dma_wait3A_96 = arith.constant 0 : i32
    %dma_wait3A_97 = tpu.memref_slice %arg2[%dma_wait3A_95, %dma_wait3A_96] : memref<10000x128xf32, #tpu.memory_space<hbm>> -> memref<64x128xf32, #tpu.memory_space<hbm>>
    %dma_wait3A_98 = arith.constant 0 : i32
    %dma_wait3A_99 = arith.constant 0 : i32
    %dma_wait3A_100 = tpu.memref_slice %arg2[%dma_wait3A_98, %dma_wait3A_99] : memref<10000x128xf32, #tpu.memory_space<hbm>> -> memref<64x128xf32, #tpu.memory_space<hbm>>
    tpu.wait_dma2 semaphore(%arg15 : memref<!tpu.dma_semaphore, #tpu.memory_space<semaphore_mem>>) src(%dma_wait3A_100 : memref<64x128xf32, #tpu.memory_space<hbm>>) dst(%arg11 : memref<64x128xf32, #tpu.memory_space<vmem>>)
    %dma_wait3A_101 = arith.constant 0 : i32
    %dma_wait3A_102 = arith.constant 0 : i32
    %dma_wait3A_103 = tpu.memref_slice %arg2[%dma_wait3A_101, %dma_wait3A_102] : memref<10000x128xf32, #tpu.memory_space<hbm>> -> memref<64x128xf32, #tpu.memory_space<hbm>>
    %dma_wait3A_104 = arith.constant 0 : i32
    %dma_wait3A_105 = arith.constant 0 : i32
    %dma_wait3A_106 = tpu.memref_slice %arg2[%dma_wait3A_104, %dma_wait3A_105] : memref<10000x128xf32, #tpu.memory_space<hbm>> -> memref<64x128xf32, #tpu.memory_space<hbm>>
    tpu.wait_dma2 semaphore(%arg16 : memref<!tpu.dma_semaphore, #tpu.memory_space<semaphore_mem>>) src(%dma_wait3A_106 : memref<64x128xf32, #tpu.memory_space<hbm>>) dst(%arg12 : memref<64x128xf32, #tpu.memory_space<vmem>>)
    %dma_wait3A_107 = arith.constant 0 : i32
    %dma_wait3A_108 = arith.constant 0 : i32
    %dma_wait3A_109 = tpu.memref_slice %arg2[%dma_wait3A_107, %dma_wait3A_108] : memref<10000x128xf32, #tpu.memory_space<hbm>> -> memref<64x128xf32, #tpu.memory_space<hbm>>
    %dma_wait3A_110 = arith.constant 0 : i32
    %dma_wait3A_111 = arith.constant 0 : i32
    %dma_wait3A_112 = tpu.memref_slice %arg2[%dma_wait3A_110, %dma_wait3A_111] : memref<10000x128xf32, #tpu.memory_space<hbm>> -> memref<64x128xf32, #tpu.memory_space<hbm>>
    tpu.wait_dma2 semaphore(%arg13 : memref<!tpu.dma_semaphore, #tpu.memory_space<semaphore_mem>>) src(%dma_wait3A_112 : memref<64x128xf32, #tpu.memory_space<hbm>>) dst(%arg9 : memref<64x128xf32, #tpu.memory_space<vmem>>)
    %dma_wait3A_113 = arith.constant 0 : i32
    %dma_wait3A_114 = arith.constant 0 : i32
    %dma_wait3A_115 = tpu.memref_slice %arg2[%dma_wait3A_113, %dma_wait3A_114] : memref<10000x128xf32, #tpu.memory_space<hbm>> -> memref<64x128xf32, #tpu.memory_space<hbm>>
    %dma_wait3A_116 = arith.constant 0 : i32
    %dma_wait3A_117 = arith.constant 0 : i32
    %dma_wait3A_118 = tpu.memref_slice %arg2[%dma_wait3A_116, %dma_wait3A_117] : memref<10000x128xf32, #tpu.memory_space<hbm>> -> memref<64x128xf32, #tpu.memory_space<hbm>>
    tpu.wait_dma2 semaphore(%arg14 : memref<!tpu.dma_semaphore, #tpu.memory_space<semaphore_mem>>) src(%dma_wait3A_118 : memref<64x128xf32, #tpu.memory_space<hbm>>) dst(%arg10 : memref<64x128xf32, #tpu.memory_space<vmem>>)
    %dma_wait3A_119 = arith.constant 0 : i32
    %dma_wait3A_120 = arith.constant 0 : i32
    %dma_wait3A_121 = tpu.memref_slice %arg2[%dma_wait3A_119, %dma_wait3A_120] : memref<10000x128xf32, #tpu.memory_space<hbm>> -> memref<64x128xf32, #tpu.memory_space<hbm>>
    %dma_wait3A_122 = arith.constant 0 : i32
    %dma_wait3A_123 = arith.constant 0 : i32
    %dma_wait3A_124 = tpu.memref_slice %arg2[%dma_wait3A_122, %dma_wait3A_123] : memref<10000x128xf32, #tpu.memory_space<hbm>> -> memref<64x128xf32, #tpu.memory_space<hbm>>
    tpu.wait_dma2 semaphore(%arg15 : memref<!tpu.dma_semaphore, #tpu.memory_space<semaphore_mem>>) src(%dma_wait3A_124 : memref<64x128xf32, #tpu.memory_space<hbm>>) dst(%arg11 : memref<64x128xf32, #tpu.memory_space<vmem>>)
    %dma_wait3A_125 = arith.constant 0 : i32
    %dma_wait3A_126 = arith.constant 0 : i32
    %dma_wait3A_127 = tpu.memref_slice %arg2[%dma_wait3A_125, %dma_wait3A_126] : memref<10000x128xf32, #tpu.memory_space<hbm>> -> memref<64x128xf32, #tpu.memory_space<hbm>>
    %dma_wait3A_128 = arith.constant 0 : i32
    %dma_wait3A_129 = arith.constant 0 : i32
    %dma_wait3A_130 = tpu.memref_slice %arg2[%dma_wait3A_128, %dma_wait3A_129] : memref<10000x128xf32, #tpu.memory_space<hbm>> -> memref<64x128xf32, #tpu.memory_space<hbm>>
    tpu.wait_dma2 semaphore(%arg16 : memref<!tpu.dma_semaphore, #tpu.memory_space<semaphore_mem>>) src(%dma_wait3A_130 : memref<64x128xf32, #tpu.memory_space<hbm>>) dst(%arg12 : memref<64x128xf32, #tpu.memory_space<vmem>>)
    %dma_wait3A_131 = arith.constant 0 : i32
    %dma_wait3A_132 = arith.constant 0 : i32
    %dma_wait3A_133 = tpu.memref_slice %arg2[%dma_wait3A_131, %dma_wait3A_132] : memref<10000x128xf32, #tpu.memory_space<hbm>> -> memref<64x128xf32, #tpu.memory_space<hbm>>
    %dma_wait3A_134 = arith.constant 0 : i32
    %dma_wait3A_135 = arith.constant 0 : i32
    %dma_wait3A_136 = tpu.memref_slice %arg2[%dma_wait3A_134, %dma_wait3A_135] : memref<10000x128xf32, #tpu.memory_space<hbm>> -> memref<64x128xf32, #tpu.memory_space<hbm>>
    tpu.wait_dma2 semaphore(%arg13 : memref<!tpu.dma_semaphore, #tpu.memory_space<semaphore_mem>>) src(%dma_wait3A_136 : memref<64x128xf32, #tpu.memory_space<hbm>>) dst(%arg9 : memref<64x128xf32, #tpu.memory_space<vmem>>)
    %dma_wait3A_137 = arith.constant 0 : i32
    %dma_wait3A_138 = arith.constant 0 : i32
    %dma_wait3A_139 = tpu.memref_slice %arg2[%dma_wait3A_137, %dma_wait3A_138] : memref<10000x128xf32, #tpu.memory_space<hbm>> -> memref<64x128xf32, #tpu.memory_space<hbm>>
    %dma_wait3A_140 = arith.constant 0 : i32
    %dma_wait3A_141 = arith.constant 0 : i32
    %dma_wait3A_142 = tpu.memref_slice %arg2[%dma_wait3A_140, %dma_wait3A_141] : memref<10000x128xf32, #tpu.memory_space<hbm>> -> memref<64x128xf32, #tpu.memory_space<hbm>>
    tpu.wait_dma2 semaphore(%arg14 : memref<!tpu.dma_semaphore, #tpu.memory_space<semaphore_mem>>) src(%dma_wait3A_142 : memref<64x128xf32, #tpu.memory_space<hbm>>) dst(%arg10 : memref<64x128xf32, #tpu.memory_space<vmem>>)
    %dma_start3A_143 = arith.constant 0 : i32
    %dma_start3A_144 = arith.constant 0 : i32
    %dma_start3A_145 = tpu.memref_slice %arg7[%dma_start3A_143, %dma_start3A_144] : memref<40x128xi32, #tpu.memory_space<vmem>> -> memref<1x64xi32, #tpu.memory_space<vmem>>
    %dma_start3A_146 = tpu.memref_squeeze %dma_start3A_145 : memref<1x64xi32, #tpu.memory_space<vmem>> -> memref<64xi32, #tpu.memory_space<vmem>>
    %dma_start3A_147 = arith.constant 0 : i32
    %dma_start3A_148 = arith.constant 0 : i32
    %dma_start3A_149 = tpu.memref_slice %arg2[%dma_start3A_147, %dma_start3A_148] : memref<10000x128xf32, #tpu.memory_space<hbm>> -> memref<10000x128xf32, #tpu.memory_space<hbm>>
    tpu.enqueue_indirect_dma source(%dma_start3A_149 : memref<10000x128xf32, #tpu.memory_space<hbm>>) target(%arg9 : memref<64x128xf32, #tpu.memory_space<vmem>>) offsets(%dma_start3A_146 : memref<64xi32, #tpu.memory_space<vmem>>) semaphore(%arg13 : memref<!tpu.dma_semaphore, #tpu.memory_space<semaphore_mem>>)
    %dma_start3A_150 = arith.constant 0 : i32
    %dma_start3A_151 = arith.constant 64 : i32
    %dma_start3A_152 = tpu.memref_slice %arg7[%dma_start3A_150, %dma_start3A_151] : memref<40x128xi32, #tpu.memory_space<vmem>> -> memref<1x64xi32, #tpu.memory_space<vmem>>
    %dma_start3A_153 = tpu.memref_squeeze %dma_start3A_152 : memref<1x64xi32, #tpu.memory_space<vmem>> -> memref<64xi32, #tpu.memory_space<vmem>>
    %dma_start3A_154 = arith.constant 0 : i32
    %dma_start3A_155 = arith.constant 0 : i32
    %dma_start3A_156 = tpu.memref_slice %arg2[%dma_start3A_154, %dma_start3A_155] : memref<10000x128xf32, #tpu.memory_space<hbm>> -> memref<10000x128xf32, #tpu.memory_space<hbm>>
    tpu.enqueue_indirect_dma source(%dma_start3A_156 : memref<10000x128xf32, #tpu.memory_space<hbm>>) target(%arg10 : memref<64x128xf32, #tpu.memory_space<vmem>>) offsets(%dma_start3A_153 : memref<64xi32, #tpu.memory_space<vmem>>) semaphore(%arg14 : memref<!tpu.dma_semaphore, #tpu.memory_space<semaphore_mem>>)
    %dma_start3A_157 = arith.constant 1 : i32
    %dma_start3A_158 = arith.constant 0 : i32
    %dma_start3A_159 = tpu.memref_slice %arg7[%dma_start3A_157, %dma_start3A_158] : memref<40x128xi32, #tpu.memory_space<vmem>> -> memref<1x64xi32, #tpu.memory_space<vmem>>
    %dma_start3A_160 = tpu.memref_squeeze %dma_start3A_159 : memref<1x64xi32, #tpu.memory_space<vmem>> -> memref<64xi32, #tpu.memory_space<vmem>>
    %dma_start3A_161 = arith.constant 0 : i32
    %dma_start3A_162 = arith.constant 0 : i32
    %dma_start3A_163 = tpu.memref_slice %arg2[%dma_start3A_161, %dma_start3A_162] : memref<10000x128xf32, #tpu.memory_space<hbm>> -> memref<10000x128xf32, #tpu.memory_space<hbm>>
    tpu.enqueue_indirect_dma source(%dma_start3A_163 : memref<10000x128xf32, #tpu.memory_space<hbm>>) target(%arg11 : memref<64x128xf32, #tpu.memory_space<vmem>>) offsets(%dma_start3A_160 : memref<64xi32, #tpu.memory_space<vmem>>) semaphore(%arg15 : memref<!tpu.dma_semaphore, #tpu.memory_space<semaphore_mem>>)
    %dma_start3A_164 = arith.constant 1 : i32
    %dma_start3A_165 = arith.constant 64 : i32
    %dma_start3A_166 = tpu.memref_slice %arg7[%dma_start3A_164, %dma_start3A_165] : memref<40x128xi32, #tpu.memory_space<vmem>> -> memref<1x64xi32, #tpu.memory_space<vmem>>
    %dma_start3A_167 = tpu.memref_squeeze %dma_start3A_166 : memref<1x64xi32, #tpu.memory_space<vmem>> -> memref<64xi32, #tpu.memory_space<vmem>>
    %dma_start3A_168 = arith.constant 0 : i32
    %dma_start3A_169 = arith.constant 0 : i32
    %dma_start3A_170 = tpu.memref_slice %arg2[%dma_start3A_168, %dma_start3A_169] : memref<10000x128xf32, #tpu.memory_space<hbm>> -> memref<10000x128xf32, #tpu.memory_space<hbm>>
    tpu.enqueue_indirect_dma source(%dma_start3A_170 : memref<10000x128xf32, #tpu.memory_space<hbm>>) target(%arg12 : memref<64x128xf32, #tpu.memory_space<vmem>>) offsets(%dma_start3A_167 : memref<64xi32, #tpu.memory_space<vmem>>) semaphore(%arg16 : memref<!tpu.dma_semaphore, #tpu.memory_space<semaphore_mem>>)
    %barrier3A = arith.constant 0 : index
    tpu.barrier barrier_id(%barrier3A)
    %scan3A_171 = arith.constant 0 : i32
    %scan3A_172 = arith.constant 19 : i32
    %scan3A_173 = arith.addi %scan3A_171, %scan3A_172 : i32
    %scan3A_174 = arith.constant 1 : i32
    scf.for %scan3A_271 = %scan3A_171 to %scan3A_173 step %scan3A_174  : i32 {
      %mul3A_272 = arith.constant 4 : i32
      %mul3A_273 = arith.muli %scan3A_271, %mul3A_272 : i32
      %add3A_274 = arith.constant 0 : i32
      %add3A_275 = arith.addi %add3A_274, %mul3A_273 : i32
      %dma_wait3A_276 = arith.constant 0 : i32
      %dma_wait3A_277 = arith.constant 0 : i32
      %dma_wait3A_278 = tpu.memref_slice %arg2[%dma_wait3A_276, %dma_wait3A_277] : memref<10000x128xf32, #tpu.memory_space<hbm>> -> memref<64x128xf32, #tpu.memory_space<hbm>>
      %dma_wait3A_279 = arith.constant 0 : i32
      %dma_wait3A_280 = arith.constant 0 : i32
      %dma_wait3A_281 = tpu.memref_slice %arg2[%dma_wait3A_279, %dma_wait3A_280] : memref<10000x128xf32, #tpu.memory_space<hbm>> -> memref<64x128xf32, #tpu.memory_space<hbm>>
      tpu.wait_dma2 semaphore(%arg13 : memref<!tpu.dma_semaphore, #tpu.memory_space<semaphore_mem>>) src(%dma_wait3A_281 : memref<64x128xf32, #tpu.memory_space<hbm>>) dst(%arg9 : memref<64x128xf32, #tpu.memory_space<vmem>>)
      %add3A_282 = arith.constant 0 : i32
      %add3A_283 = arith.addi %add3A_275, %add3A_282 : i32
      "tpu.region"() ({
        %run_scoped3A_436 = tpu.sem_alloc : memref<!tpu.dma_semaphore, #tpu.memory_space<semaphore_mem>>
        %dma_start3A_437 = arith.constant 0 : i32
        %dma_start3A_438 = tpu.memref_slice %arg8[%add3A_283, %dma_start3A_437] : memref<80x64xi32, #tpu.memory_space<vmem>> -> memref<1x64xi32, #tpu.memory_space<vmem>>
        %dma_start3A_439 = tpu.memref_squeeze %dma_start3A_438 : memref<1x64xi32, #tpu.memory_space<vmem>> -> memref<64xi32, #tpu.memory_space<vmem>>
        %dma_start3A_440 = arith.constant 0 : i32
        %dma_start3A_441 = arith.constant 0 : i32
        %dma_start3A_442 = tpu.memref_slice %arg6[%dma_start3A_440, %dma_start3A_441] : memref<10240x128xf32, #tpu.memory_space<vmem_shared>> -> memref<10240x128xf32, #tpu.memory_space<vmem_shared>>
        tpu.enqueue_indirect_dma source(%arg9 : memref<64x128xf32, #tpu.memory_space<vmem>>) target(%dma_start3A_442 : memref<10240x128xf32, #tpu.memory_space<vmem_shared>>) offsets(%dma_start3A_439 : memref<64xi32, #tpu.memory_space<vmem>>) semaphore(%run_scoped3A_436 : memref<!tpu.dma_semaphore, #tpu.memory_space<semaphore_mem>>) {add = true}
        %dma_wait3A_443 = arith.constant 0 : i32
        %dma_wait3A_444 = tpu.memref_slice %arg8[%add3A_283, %dma_wait3A_443] : memref<80x64xi32, #tpu.memory_space<vmem>> -> memref<1x64xi32, #tpu.memory_space<vmem>>
        %dma_wait3A_445 = tpu.memref_squeeze %dma_wait3A_444 : memref<1x64xi32, #tpu.memory_space<vmem>> -> memref<64xi32, #tpu.memory_space<vmem>>
        %dma_wait3A_446 = arith.constant 0 : i32
        %dma_wait3A_447 = arith.constant 0 : i32
        %dma_wait3A_448 = tpu.memref_slice %arg6[%dma_wait3A_446, %dma_wait3A_447] : memref<10240x128xf32, #tpu.memory_space<vmem_shared>> -> memref<10240x128xf32, #tpu.memory_space<vmem_shared>>
        tpu.wait_indirect_dma semaphore(%run_scoped3A_436 : memref<!tpu.dma_semaphore, #tpu.memory_space<semaphore_mem>>) src(%arg9 : memref<64x128xf32, #tpu.memory_space<vmem>>) dst(%dma_wait3A_448 : memref<10240x128xf32, #tpu.memory_space<vmem_shared>>)
        tpu.yield
      }) : () -> ()
      %add3A_284 = arith.constant 4 : i32
      %add3A_285 = arith.addi %add3A_275, %add3A_284 : i32
      %add3A_286 = arith.constant 0 : i32
      %add3A_287 = arith.addi %add3A_285, %add3A_286 : i32
      %jit3A = arith.constant 2 : i32
      %div3A = arith.divsi %add3A_287, %jit3A : i32
      %sign3A = arith.constant 0 : i32
      %sign3A_288 = arith.cmpi sgt, %add3A_287, %sign3A : i32
      %sign3A_289 = arith.extui %sign3A_288 : i1 to i32
      %sign3A_290 = arith.constant 0 : i32
      %sign3A_291 = arith.cmpi slt, %add3A_287, %sign3A_290 : i32
      %sign3A_292 = arith.extui %sign3A_291 : i1 to i32
      %sign3A_293 = arith.subi %sign3A_289, %sign3A_292 : i32
      %sign3A_294 = arith.constant 0 : i32
      %sign3A_295 = arith.cmpi sgt, %jit3A, %sign3A_294 : i32
      %sign3A_296 = arith.extui %sign3A_295 : i1 to i32
      %sign3A_297 = arith.constant 0 : i32
      %sign3A_298 = arith.cmpi slt, %jit3A, %sign3A_297 : i32
      %sign3A_299 = arith.extui %sign3A_298 : i1 to i32
      %sign3A_300 = arith.subi %sign3A_296, %sign3A_299 : i32
      %ne3A = arith.cmpi ne, %sign3A_293, %sign3A_300 : i32
      %rem3A = arith.remsi %add3A_287, %jit3A : i32
      %ne3A_301 = arith.constant 0 : i32
      %ne3A_302 = arith.cmpi ne, %rem3A, %ne3A_301 : i32
      %and3A = arith.andi %ne3A, %ne3A_302 : i1
      %sub3A = arith.constant 1 : i32
      %sub3A_303 = arith.subi %div3A, %sub3A : i32
      %select_n3A = arith.select %and3A, %sub3A_303, %div3A : i32
      %dma_start3A_304 = arith.constant 0 : i32
      %dma_start3A_305 = tpu.memref_slice %arg7[%select_n3A, %dma_start3A_304] : memref<40x128xi32, #tpu.memory_space<vmem>> -> memref<1x64xi32, #tpu.memory_space<vmem>>
      %dma_start3A_306 = tpu.memref_squeeze %dma_start3A_305 : memref<1x64xi32, #tpu.memory_space<vmem>> -> memref<64xi32, #tpu.memory_space<vmem>>
      %dma_start3A_307 = arith.constant 0 : i32
      %dma_start3A_308 = arith.constant 0 : i32
      %dma_start3A_309 = tpu.memref_slice %arg2[%dma_start3A_307, %dma_start3A_308] : memref<10000x128xf32, #tpu.memory_space<hbm>> -> memref<10000x128xf32, #tpu.memory_space<hbm>>
      tpu.enqueue_indirect_dma source(%dma_start3A_309 : memref<10000x128xf32, #tpu.memory_space<hbm>>) target(%arg9 : memref<64x128xf32, #tpu.memory_space<vmem>>) offsets(%dma_start3A_306 : memref<64xi32, #tpu.memory_space<vmem>>) semaphore(%arg13 : memref<!tpu.dma_semaphore, #tpu.memory_space<semaphore_mem>>)
      %dma_wait3A_310 = arith.constant 0 : i32
      %dma_wait3A_311 = arith.constant 0 : i32
      %dma_wait3A_312 = tpu.memref_slice %arg2[%dma_wait3A_310, %dma_wait3A_311] : memref<10000x128xf32, #tpu.memory_space<hbm>> -> memref<64x128xf32, #tpu.memory_space<hbm>>
      %dma_wait3A_313 = arith.constant 0 : i32
      %dma_wait3A_314 = arith.constant 0 : i32
      %dma_wait3A_315 = tpu.memref_slice %arg2[%dma_wait3A_313, %dma_wait3A_314] : memref<10000x128xf32, #tpu.memory_space<hbm>> -> memref<64x128xf32, #tpu.memory_space<hbm>>
      tpu.wait_dma2 semaphore(%arg14 : memref<!tpu.dma_semaphore, #tpu.memory_space<semaphore_mem>>) src(%dma_wait3A_315 : memref<64x128xf32, #tpu.memory_space<hbm>>) dst(%arg10 : memref<64x128xf32, #tpu.memory_space<vmem>>)
      %add3A_316 = arith.constant 1 : i32
      %add3A_317 = arith.addi %add3A_275, %add3A_316 : i32
      "tpu.region"() ({
        %run_scoped3A_436 = tpu.sem_alloc : memref<!tpu.dma_semaphore, #tpu.memory_space<semaphore_mem>>
        %dma_start3A_437 = arith.constant 0 : i32
        %dma_start3A_438 = tpu.memref_slice %arg8[%add3A_317, %dma_start3A_437] : memref<80x64xi32, #tpu.memory_space<vmem>> -> memref<1x64xi32, #tpu.memory_space<vmem>>
        %dma_start3A_439 = tpu.memref_squeeze %dma_start3A_438 : memref<1x64xi32, #tpu.memory_space<vmem>> -> memref<64xi32, #tpu.memory_space<vmem>>
        %dma_start3A_440 = arith.constant 0 : i32
        %dma_start3A_441 = arith.constant 0 : i32
        %dma_start3A_442 = tpu.memref_slice %arg6[%dma_start3A_440, %dma_start3A_441] : memref<10240x128xf32, #tpu.memory_space<vmem_shared>> -> memref<10240x128xf32, #tpu.memory_space<vmem_shared>>
        tpu.enqueue_indirect_dma source(%arg10 : memref<64x128xf32, #tpu.memory_space<vmem>>) target(%dma_start3A_442 : memref<10240x128xf32, #tpu.memory_space<vmem_shared>>) offsets(%dma_start3A_439 : memref<64xi32, #tpu.memory_space<vmem>>) semaphore(%run_scoped3A_436 : memref<!tpu.dma_semaphore, #tpu.memory_space<semaphore_mem>>) {add = true}
        %dma_wait3A_443 = arith.constant 0 : i32
        %dma_wait3A_444 = tpu.memref_slice %arg8[%add3A_317, %dma_wait3A_443] : memref<80x64xi32, #tpu.memory_space<vmem>> -> memref<1x64xi32, #tpu.memory_space<vmem>>
        %dma_wait3A_445 = tpu.memref_squeeze %dma_wait3A_444 : memref<1x64xi32, #tpu.memory_space<vmem>> -> memref<64xi32, #tpu.memory_space<vmem>>
        %dma_wait3A_446 = arith.constant 0 : i32
        %dma_wait3A_447 = arith.constant 0 : i32
        %dma_wait3A_448 = tpu.memref_slice %arg6[%dma_wait3A_446, %dma_wait3A_447] : memref<10240x128xf32, #tpu.memory_space<vmem_shared>> -> memref<10240x128xf32, #tpu.memory_space<vmem_shared>>
        tpu.wait_indirect_dma semaphore(%run_scoped3A_436 : memref<!tpu.dma_semaphore, #tpu.memory_space<semaphore_mem>>) src(%arg10 : memref<64x128xf32, #tpu.memory_space<vmem>>) dst(%dma_wait3A_448 : memref<10240x128xf32, #tpu.memory_space<vmem_shared>>)
        tpu.yield
      }) : () -> ()
      %add3A_318 = arith.constant 4 : i32
      %add3A_319 = arith.addi %add3A_275, %add3A_318 : i32
      %add3A_320 = arith.constant 1 : i32
      %add3A_321 = arith.addi %add3A_319, %add3A_320 : i32
      %jit3A_322 = arith.constant 2 : i32
      %div3A_323 = arith.divsi %add3A_321, %jit3A_322 : i32
      %sign3A_324 = arith.constant 0 : i32
      %sign3A_325 = arith.cmpi sgt, %add3A_321, %sign3A_324 : i32
      %sign3A_326 = arith.extui %sign3A_325 : i1 to i32
      %sign3A_327 = arith.constant 0 : i32
      %sign3A_328 = arith.cmpi slt, %add3A_321, %sign3A_327 : i32
      %sign3A_329 = arith.extui %sign3A_328 : i1 to i32
      %sign3A_330 = arith.subi %sign3A_326, %sign3A_329 : i32
      %sign3A_331 = arith.constant 0 : i32
      %sign3A_332 = arith.cmpi sgt, %jit3A_322, %sign3A_331 : i32
      %sign3A_333 = arith.extui %sign3A_332 : i1 to i32
      %sign3A_334 = arith.constant 0 : i32
      %sign3A_335 = arith.cmpi slt, %jit3A_322, %sign3A_334 : i32
      %sign3A_336 = arith.extui %sign3A_335 : i1 to i32
      %sign3A_337 = arith.subi %sign3A_333, %sign3A_336 : i32
      %ne3A_338 = arith.cmpi ne, %sign3A_330, %sign3A_337 : i32
      %rem3A_339 = arith.remsi %add3A_321, %jit3A_322 : i32
      %ne3A_340 = arith.constant 0 : i32
      %ne3A_341 = arith.cmpi ne, %rem3A_339, %ne3A_340 : i32
      %and3A_342 = arith.andi %ne3A_338, %ne3A_341 : i1
      %sub3A_343 = arith.constant 1 : i32
      %sub3A_344 = arith.subi %div3A_323, %sub3A_343 : i32
      %select_n3A_345 = arith.select %and3A_342, %sub3A_344, %div3A_323 : i32
      %dma_start3A_346 = arith.constant 64 : i32
      %dma_start3A_347 = tpu.memref_slice %arg7[%select_n3A_345, %dma_start3A_346] : memref<40x128xi32, #tpu.memory_space<vmem>> -> memref<1x64xi32, #tpu.memory_space<vmem>>
      %dma_start3A_348 = tpu.memref_squeeze %dma_start3A_347 : memref<1x64xi32, #tpu.memory_space<vmem>> -> memref<64xi32, #tpu.memory_space<vmem>>
      %dma_start3A_349 = arith.constant 0 : i32
      %dma_start3A_350 = arith.constant 0 : i32
      %dma_start3A_351 = tpu.memref_slice %arg2[%dma_start3A_349, %dma_start3A_350] : memref<10000x128xf32, #tpu.memory_space<hbm>> -> memref<10000x128xf32, #tpu.memory_space<hbm>>
      tpu.enqueue_indirect_dma source(%dma_start3A_351 : memref<10000x128xf32, #tpu.memory_space<hbm>>) target(%arg10 : memref<64x128xf32, #tpu.memory_space<vmem>>) offsets(%dma_start3A_348 : memref<64xi32, #tpu.memory_space<vmem>>) semaphore(%arg14 : memref<!tpu.dma_semaphore, #tpu.memory_space<semaphore_mem>>)
      %dma_wait3A_352 = arith.constant 0 : i32
      %dma_wait3A_353 = arith.constant 0 : i32
      %dma_wait3A_354 = tpu.memref_slice %arg2[%dma_wait3A_352, %dma_wait3A_353] : memref<10000x128xf32, #tpu.memory_space<hbm>> -> memref<64x128xf32, #tpu.memory_space<hbm>>
      %dma_wait3A_355 = arith.constant 0 : i32
      %dma_wait3A_356 = arith.constant 0 : i32
      %dma_wait3A_357 = tpu.memref_slice %arg2[%dma_wait3A_355, %dma_wait3A_356] : memref<10000x128xf32, #tpu.memory_space<hbm>> -> memref<64x128xf32, #tpu.memory_space<hbm>>
      tpu.wait_dma2 semaphore(%arg15 : memref<!tpu.dma_semaphore, #tpu.memory_space<semaphore_mem>>) src(%dma_wait3A_357 : memref<64x128xf32, #tpu.memory_space<hbm>>) dst(%arg11 : memref<64x128xf32, #tpu.memory_space<vmem>>)
      %add3A_358 = arith.constant 2 : i32
      %add3A_359 = arith.addi %add3A_275, %add3A_358 : i32
      "tpu.region"() ({
        %run_scoped3A_436 = tpu.sem_alloc : memref<!tpu.dma_semaphore, #tpu.memory_space<semaphore_mem>>
        %dma_start3A_437 = arith.constant 0 : i32
        %dma_start3A_438 = tpu.memref_slice %arg8[%add3A_359, %dma_start3A_437] : memref<80x64xi32, #tpu.memory_space<vmem>> -> memref<1x64xi32, #tpu.memory_space<vmem>>
        %dma_start3A_439 = tpu.memref_squeeze %dma_start3A_438 : memref<1x64xi32, #tpu.memory_space<vmem>> -> memref<64xi32, #tpu.memory_space<vmem>>
        %dma_start3A_440 = arith.constant 0 : i32
        %dma_start3A_441 = arith.constant 0 : i32
        %dma_start3A_442 = tpu.memref_slice %arg6[%dma_start3A_440, %dma_start3A_441] : memref<10240x128xf32, #tpu.memory_space<vmem_shared>> -> memref<10240x128xf32, #tpu.memory_space<vmem_shared>>
        tpu.enqueue_indirect_dma source(%arg11 : memref<64x128xf32, #tpu.memory_space<vmem>>) target(%dma_start3A_442 : memref<10240x128xf32, #tpu.memory_space<vmem_shared>>) offsets(%dma_start3A_439 : memref<64xi32, #tpu.memory_space<vmem>>) semaphore(%run_scoped3A_436 : memref<!tpu.dma_semaphore, #tpu.memory_space<semaphore_mem>>) {add = true}
        %dma_wait3A_443 = arith.constant 0 : i32
        %dma_wait3A_444 = tpu.memref_slice %arg8[%add3A_359, %dma_wait3A_443] : memref<80x64xi32, #tpu.memory_space<vmem>> -> memref<1x64xi32, #tpu.memory_space<vmem>>
        %dma_wait3A_445 = tpu.memref_squeeze %dma_wait3A_444 : memref<1x64xi32, #tpu.memory_space<vmem>> -> memref<64xi32, #tpu.memory_space<vmem>>
        %dma_wait3A_446 = arith.constant 0 : i32
        %dma_wait3A_447 = arith.constant 0 : i32
        %dma_wait3A_448 = tpu.memref_slice %arg6[%dma_wait3A_446, %dma_wait3A_447] : memref<10240x128xf32, #tpu.memory_space<vmem_shared>> -> memref<10240x128xf32, #tpu.memory_space<vmem_shared>>
        tpu.wait_indirect_dma semaphore(%run_scoped3A_436 : memref<!tpu.dma_semaphore, #tpu.memory_space<semaphore_mem>>) src(%arg11 : memref<64x128xf32, #tpu.memory_space<vmem>>) dst(%dma_wait3A_448 : memref<10240x128xf32, #tpu.memory_space<vmem_shared>>)
        tpu.yield
      }) : () -> ()
      %add3A_360 = arith.constant 4 : i32
      %add3A_361 = arith.addi %add3A_275, %add3A_360 : i32
      %add3A_362 = arith.constant 2 : i32
      %add3A_363 = arith.addi %add3A_361, %add3A_362 : i32
      %jit3A_364 = arith.constant 2 : i32
      %div3A_365 = arith.divsi %add3A_363, %jit3A_364 : i32
      %sign3A_366 = arith.constant 0 : i32
      %sign3A_367 = arith.cmpi sgt, %add3A_363, %sign3A_366 : i32
      %sign3A_368 = arith.extui %sign3A_367 : i1 to i32
      %sign3A_369 = arith.constant 0 : i32
      %sign3A_370 = arith.cmpi slt, %add3A_363, %sign3A_369 : i32
      %sign3A_371 = arith.extui %sign3A_370 : i1 to i32
      %sign3A_372 = arith.subi %sign3A_368, %sign3A_371 : i32
      %sign3A_373 = arith.constant 0 : i32
      %sign3A_374 = arith.cmpi sgt, %jit3A_364, %sign3A_373 : i32
      %sign3A_375 = arith.extui %sign3A_374 : i1 to i32
      %sign3A_376 = arith.constant 0 : i32
      %sign3A_377 = arith.cmpi slt, %jit3A_364, %sign3A_376 : i32
      %sign3A_378 = arith.extui %sign3A_377 : i1 to i32
      %sign3A_379 = arith.subi %sign3A_375, %sign3A_378 : i32
      %ne3A_380 = arith.cmpi ne, %sign3A_372, %sign3A_379 : i32
      %rem3A_381 = arith.remsi %add3A_363, %jit3A_364 : i32
      %ne3A_382 = arith.constant 0 : i32
      %ne3A_383 = arith.cmpi ne, %rem3A_381, %ne3A_382 : i32
      %and3A_384 = arith.andi %ne3A_380, %ne3A_383 : i1
      %sub3A_385 = arith.constant 1 : i32
      %sub3A_386 = arith.subi %div3A_365, %sub3A_385 : i32
      %select_n3A_387 = arith.select %and3A_384, %sub3A_386, %div3A_365 : i32
      %dma_start3A_388 = arith.constant 0 : i32
      %dma_start3A_389 = tpu.memref_slice %arg7[%select_n3A_387, %dma_start3A_388] : memref<40x128xi32, #tpu.memory_space<vmem>> -> memref<1x64xi32, #tpu.memory_space<vmem>>
      %dma_start3A_390 = tpu.memref_squeeze %dma_start3A_389 : memref<1x64xi32, #tpu.memory_space<vmem>> -> memref<64xi32, #tpu.memory_space<vmem>>
      %dma_start3A_391 = arith.constant 0 : i32
      %dma_start3A_392 = arith.constant 0 : i32
      %dma_start3A_393 = tpu.memref_slice %arg2[%dma_start3A_391, %dma_start3A_392] : memref<10000x128xf32, #tpu.memory_space<hbm>> -> memref<10000x128xf32, #tpu.memory_space<hbm>>
      tpu.enqueue_indirect_dma source(%dma_start3A_393 : memref<10000x128xf32, #tpu.memory_space<hbm>>) target(%arg11 : memref<64x128xf32, #tpu.memory_space<vmem>>) offsets(%dma_start3A_390 : memref<64xi32, #tpu.memory_space<vmem>>) semaphore(%arg15 : memref<!tpu.dma_semaphore, #tpu.memory_space<semaphore_mem>>)
      %dma_wait3A_394 = arith.constant 0 : i32
      %dma_wait3A_395 = arith.constant 0 : i32
      %dma_wait3A_396 = tpu.memref_slice %arg2[%dma_wait3A_394, %dma_wait3A_395] : memref<10000x128xf32, #tpu.memory_space<hbm>> -> memref<64x128xf32, #tpu.memory_space<hbm>>
      %dma_wait3A_397 = arith.constant 0 : i32
      %dma_wait3A_398 = arith.constant 0 : i32
      %dma_wait3A_399 = tpu.memref_slice %arg2[%dma_wait3A_397, %dma_wait3A_398] : memref<10000x128xf32, #tpu.memory_space<hbm>> -> memref<64x128xf32, #tpu.memory_space<hbm>>
      tpu.wait_dma2 semaphore(%arg16 : memref<!tpu.dma_semaphore, #tpu.memory_space<semaphore_mem>>) src(%dma_wait3A_399 : memref<64x128xf32, #tpu.memory_space<hbm>>) dst(%arg12 : memref<64x128xf32, #tpu.memory_space<vmem>>)
      %add3A_400 = arith.constant 3 : i32
      %add3A_401 = arith.addi %add3A_275, %add3A_400 : i32
      "tpu.region"() ({
        %run_scoped3A_436 = tpu.sem_alloc : memref<!tpu.dma_semaphore, #tpu.memory_space<semaphore_mem>>
        %dma_start3A_437 = arith.constant 0 : i32
        %dma_start3A_438 = tpu.memref_slice %arg8[%add3A_401, %dma_start3A_437] : memref<80x64xi32, #tpu.memory_space<vmem>> -> memref<1x64xi32, #tpu.memory_space<vmem>>
        %dma_start3A_439 = tpu.memref_squeeze %dma_start3A_438 : memref<1x64xi32, #tpu.memory_space<vmem>> -> memref<64xi32, #tpu.memory_space<vmem>>
        %dma_start3A_440 = arith.constant 0 : i32
        %dma_start3A_441 = arith.constant 0 : i32
        %dma_start3A_442 = tpu.memref_slice %arg6[%dma_start3A_440, %dma_start3A_441] : memref<10240x128xf32, #tpu.memory_space<vmem_shared>> -> memref<10240x128xf32, #tpu.memory_space<vmem_shared>>
        tpu.enqueue_indirect_dma source(%arg12 : memref<64x128xf32, #tpu.memory_space<vmem>>) target(%dma_start3A_442 : memref<10240x128xf32, #tpu.memory_space<vmem_shared>>) offsets(%dma_start3A_439 : memref<64xi32, #tpu.memory_space<vmem>>) semaphore(%run_scoped3A_436 : memref<!tpu.dma_semaphore, #tpu.memory_space<semaphore_mem>>) {add = true}
        %dma_wait3A_443 = arith.constant 0 : i32
        %dma_wait3A_444 = tpu.memref_slice %arg8[%add3A_401, %dma_wait3A_443] : memref<80x64xi32, #tpu.memory_space<vmem>> -> memref<1x64xi32, #tpu.memory_space<vmem>>
        %dma_wait3A_445 = tpu.memref_squeeze %dma_wait3A_444 : memref<1x64xi32, #tpu.memory_space<vmem>> -> memref<64xi32, #tpu.memory_space<vmem>>
        %dma_wait3A_446 = arith.constant 0 : i32
        %dma_wait3A_447 = arith.constant 0 : i32
        %dma_wait3A_448 = tpu.memref_slice %arg6[%dma_wait3A_446, %dma_wait3A_447] : memref<10240x128xf32, #tpu.memory_space<vmem_shared>> -> memref<10240x128xf32, #tpu.memory_space<vmem_shared>>
        tpu.wait_indirect_dma semaphore(%run_scoped3A_436 : memref<!tpu.dma_semaphore, #tpu.memory_space<semaphore_mem>>) src(%arg12 : memref<64x128xf32, #tpu.memory_space<vmem>>) dst(%dma_wait3A_448 : memref<10240x128xf32, #tpu.memory_space<vmem_shared>>)
        tpu.yield
      }) : () -> ()
      %add3A_402 = arith.constant 4 : i32
      %add3A_403 = arith.addi %add3A_275, %add3A_402 : i32
      %add3A_404 = arith.constant 3 : i32
      %add3A_405 = arith.addi %add3A_403, %add3A_404 : i32
      %jit3A_406 = arith.constant 2 : i32
      %div3A_407 = arith.divsi %add3A_405, %jit3A_406 : i32
      %sign3A_408 = arith.constant 0 : i32
      %sign3A_409 = arith.cmpi sgt, %add3A_405, %sign3A_408 : i32
      %sign3A_410 = arith.extui %sign3A_409 : i1 to i32
      %sign3A_411 = arith.constant 0 : i32
      %sign3A_412 = arith.cmpi slt, %add3A_405, %sign3A_411 : i32
      %sign3A_413 = arith.extui %sign3A_412 : i1 to i32
      %sign3A_414 = arith.subi %sign3A_410, %sign3A_413 : i32
      %sign3A_415 = arith.constant 0 : i32
      %sign3A_416 = arith.cmpi sgt, %jit3A_406, %sign3A_415 : i32
      %sign3A_417 = arith.extui %sign3A_416 : i1 to i32
      %sign3A_418 = arith.constant 0 : i32
      %sign3A_419 = arith.cmpi slt, %jit3A_406, %sign3A_418 : i32
      %sign3A_420 = arith.extui %sign3A_419 : i1 to i32
      %sign3A_421 = arith.subi %sign3A_417, %sign3A_420 : i32
      %ne3A_422 = arith.cmpi ne, %sign3A_414, %sign3A_421 : i32
      %rem3A_423 = arith.remsi %add3A_405, %jit3A_406 : i32
      %ne3A_424 = arith.constant 0 : i32
      %ne3A_425 = arith.cmpi ne, %rem3A_423, %ne3A_424 : i32
      %and3A_426 = arith.andi %ne3A_422, %ne3A_425 : i1
      %sub3A_427 = arith.constant 1 : i32
      %sub3A_428 = arith.subi %div3A_407, %sub3A_427 : i32
      %select_n3A_429 = arith.select %and3A_426, %sub3A_428, %div3A_407 : i32
      %dma_start3A_430 = arith.constant 64 : i32
      %dma_start3A_431 = tpu.memref_slice %arg7[%select_n3A_429, %dma_start3A_430] : memref<40x128xi32, #tpu.memory_space<vmem>> -> memref<1x64xi32, #tpu.memory_space<vmem>>
      %dma_start3A_432 = tpu.memref_squeeze %dma_start3A_431 : memref<1x64xi32, #tpu.memory_space<vmem>> -> memref<64xi32, #tpu.memory_space<vmem>>
      %dma_start3A_433 = arith.constant 0 : i32
      %dma_start3A_434 = arith.constant 0 : i32
      %dma_start3A_435 = tpu.memref_slice %arg2[%dma_start3A_433, %dma_start3A_434] : memref<10000x128xf32, #tpu.memory_space<hbm>> -> memref<10000x128xf32, #tpu.memory_space<hbm>>
      tpu.enqueue_indirect_dma source(%dma_start3A_435 : memref<10000x128xf32, #tpu.memory_space<hbm>>) target(%arg12 : memref<64x128xf32, #tpu.memory_space<vmem>>) offsets(%dma_start3A_432 : memref<64xi32, #tpu.memory_space<vmem>>) semaphore(%arg16 : memref<!tpu.dma_semaphore, #tpu.memory_space<semaphore_mem>>)
    }
    %scan3A_175 = arith.constant 19 : i32
    %dma_wait3A_176 = arith.constant 0 : i32
    %dma_wait3A_177 = arith.constant 0 : i32
    %dma_wait3A_178 = tpu.memref_slice %arg2[%dma_wait3A_176, %dma_wait3A_177] : memref<10000x128xf32, #tpu.memory_space<hbm>> -> memref<64x128xf32, #tpu.memory_space<hbm>>
    %dma_wait3A_179 = arith.constant 0 : i32
    %dma_wait3A_180 = arith.constant 0 : i32
    %dma_wait3A_181 = tpu.memref_slice %arg2[%dma_wait3A_179, %dma_wait3A_180] : memref<10000x128xf32, #tpu.memory_space<hbm>> -> memref<64x128xf32, #tpu.memory_space<hbm>>
    tpu.wait_dma2 semaphore(%arg13 : memref<!tpu.dma_semaphore, #tpu.memory_space<semaphore_mem>>) src(%dma_wait3A_181 : memref<64x128xf32, #tpu.memory_space<hbm>>) dst(%arg9 : memref<64x128xf32, #tpu.memory_space<vmem>>)
    %run_scoped3A = arith.constant 76 : i32
    "tpu.region"() ({
      %run_scoped3A_271 = tpu.sem_alloc : memref<!tpu.dma_semaphore, #tpu.memory_space<semaphore_mem>>
      %dma_start3A_272 = arith.constant 0 : i32
      %dma_start3A_273 = tpu.memref_slice %arg8[%run_scoped3A, %dma_start3A_272] : memref<80x64xi32, #tpu.memory_space<vmem>> -> memref<1x64xi32, #tpu.memory_space<vmem>>
      %dma_start3A_274 = tpu.memref_squeeze %dma_start3A_273 : memref<1x64xi32, #tpu.memory_space<vmem>> -> memref<64xi32, #tpu.memory_space<vmem>>
      %dma_start3A_275 = arith.constant 0 : i32
      %dma_start3A_276 = arith.constant 0 : i32
      %dma_start3A_277 = tpu.memref_slice %arg6[%dma_start3A_275, %dma_start3A_276] : memref<10240x128xf32, #tpu.memory_space<vmem_shared>> -> memref<10240x128xf32, #tpu.memory_space<vmem_shared>>
      tpu.enqueue_indirect_dma source(%arg9 : memref<64x128xf32, #tpu.memory_space<vmem>>) target(%dma_start3A_277 : memref<10240x128xf32, #tpu.memory_space<vmem_shared>>) offsets(%dma_start3A_274 : memref<64xi32, #tpu.memory_space<vmem>>) semaphore(%run_scoped3A_271 : memref<!tpu.dma_semaphore, #tpu.memory_space<semaphore_mem>>) {add = true}
      %dma_wait3A_278 = arith.constant 0 : i32
      %dma_wait3A_279 = tpu.memref_slice %arg8[%run_scoped3A, %dma_wait3A_278] : memref<80x64xi32, #tpu.memory_space<vmem>> -> memref<1x64xi32, #tpu.memory_space<vmem>>
      %dma_wait3A_280 = tpu.memref_squeeze %dma_wait3A_279 : memref<1x64xi32, #tpu.memory_space<vmem>> -> memref<64xi32, #tpu.memory_space<vmem>>
      %dma_wait3A_281 = arith.constant 0 : i32
      %dma_wait3A_282 = arith.constant 0 : i32
      %dma_wait3A_283 = tpu.memref_slice %arg6[%dma_wait3A_281, %dma_wait3A_282] : memref<10240x128xf32, #tpu.memory_space<vmem_shared>> -> memref<10240x128xf32, #tpu.memory_space<vmem_shared>>
      tpu.wait_indirect_dma semaphore(%run_scoped3A_271 : memref<!tpu.dma_semaphore, #tpu.memory_space<semaphore_mem>>) src(%arg9 : memref<64x128xf32, #tpu.memory_space<vmem>>) dst(%dma_wait3A_283 : memref<10240x128xf32, #tpu.memory_space<vmem_shared>>)
      tpu.yield
    }) : () -> ()
    %dma_wait3A_182 = arith.constant 0 : i32
    %dma_wait3A_183 = arith.constant 0 : i32
    %dma_wait3A_184 = tpu.memref_slice %arg2[%dma_wait3A_182, %dma_wait3A_183] : memref<10000x128xf32, #tpu.memory_space<hbm>> -> memref<64x128xf32, #tpu.memory_space<hbm>>
    %dma_wait3A_185 = arith.constant 0 : i32
    %dma_wait3A_186 = arith.constant 0 : i32
    %dma_wait3A_187 = tpu.memref_slice %arg2[%dma_wait3A_185, %dma_wait3A_186] : memref<10000x128xf32, #tpu.memory_space<hbm>> -> memref<64x128xf32, #tpu.memory_space<hbm>>
    tpu.wait_dma2 semaphore(%arg14 : memref<!tpu.dma_semaphore, #tpu.memory_space<semaphore_mem>>) src(%dma_wait3A_187 : memref<64x128xf32, #tpu.memory_space<hbm>>) dst(%arg10 : memref<64x128xf32, #tpu.memory_space<vmem>>)
    %run_scoped3A_188 = arith.constant 77 : i32
    "tpu.region"() ({
      %run_scoped3A_271 = tpu.sem_alloc : memref<!tpu.dma_semaphore, #tpu.memory_space<semaphore_mem>>
      %dma_start3A_272 = arith.constant 0 : i32
      %dma_start3A_273 = tpu.memref_slice %arg8[%run_scoped3A_188, %dma_start3A_272] : memref<80x64xi32, #tpu.memory_space<vmem>> -> memref<1x64xi32, #tpu.memory_space<vmem>>
      %dma_start3A_274 = tpu.memref_squeeze %dma_start3A_273 : memref<1x64xi32, #tpu.memory_space<vmem>> -> memref<64xi32, #tpu.memory_space<vmem>>
      %dma_start3A_275 = arith.constant 0 : i32
      %dma_start3A_276 = arith.constant 0 : i32
      %dma_start3A_277 = tpu.memref_slice %arg6[%dma_start3A_275, %dma_start3A_276] : memref<10240x128xf32, #tpu.memory_space<vmem_shared>> -> memref<10240x128xf32, #tpu.memory_space<vmem_shared>>
      tpu.enqueue_indirect_dma source(%arg10 : memref<64x128xf32, #tpu.memory_space<vmem>>) target(%dma_start3A_277 : memref<10240x128xf32, #tpu.memory_space<vmem_shared>>) offsets(%dma_start3A_274 : memref<64xi32, #tpu.memory_space<vmem>>) semaphore(%run_scoped3A_271 : memref<!tpu.dma_semaphore, #tpu.memory_space<semaphore_mem>>) {add = true}
      %dma_wait3A_278 = arith.constant 0 : i32
      %dma_wait3A_279 = tpu.memref_slice %arg8[%run_scoped3A_188, %dma_wait3A_278] : memref<80x64xi32, #tpu.memory_space<vmem>> -> memref<1x64xi32, #tpu.memory_space<vmem>>
      %dma_wait3A_280 = tpu.memref_squeeze %dma_wait3A_279 : memref<1x64xi32, #tpu.memory_space<vmem>> -> memref<64xi32, #tpu.memory_space<vmem>>
      %dma_wait3A_281 = arith.constant 0 : i32
      %dma_wait3A_282 = arith.constant 0 : i32
      %dma_wait3A_283 = tpu.memref_slice %arg6[%dma_wait3A_281, %dma_wait3A_282] : memref<10240x128xf32, #tpu.memory_space<vmem_shared>> -> memref<10240x128xf32, #tpu.memory_space<vmem_shared>>
      tpu.wait_indirect_dma semaphore(%run_scoped3A_271 : memref<!tpu.dma_semaphore, #tpu.memory_space<semaphore_mem>>) src(%arg10 : memref<64x128xf32, #tpu.memory_space<vmem>>) dst(%dma_wait3A_283 : memref<10240x128xf32, #tpu.memory_space<vmem_shared>>)
      tpu.yield
    }) : () -> ()
    %dma_wait3A_189 = arith.constant 0 : i32
    %dma_wait3A_190 = arith.constant 0 : i32
    %dma_wait3A_191 = tpu.memref_slice %arg2[%dma_wait3A_189, %dma_wait3A_190] : memref<10000x128xf32, #tpu.memory_space<hbm>> -> memref<64x128xf32, #tpu.memory_space<hbm>>
    %dma_wait3A_192 = arith.constant 0 : i32
    %dma_wait3A_193 = arith.constant 0 : i32
    %dma_wait3A_194 = tpu.memref_slice %arg2[%dma_wait3A_192, %dma_wait3A_193] : memref<10000x128xf32, #tpu.memory_space<hbm>> -> memref<64x128xf32, #tpu.memory_space<hbm>>
    tpu.wait_dma2 semaphore(%arg15 : memref<!tpu.dma_semaphore, #tpu.memory_space<semaphore_mem>>) src(%dma_wait3A_194 : memref<64x128xf32, #tpu.memory_space<hbm>>) dst(%arg11 : memref<64x128xf32, #tpu.memory_space<vmem>>)
    %run_scoped3A_195 = arith.constant 78 : i32
    "tpu.region"() ({
      %run_scoped3A_271 = tpu.sem_alloc : memref<!tpu.dma_semaphore, #tpu.memory_space<semaphore_mem>>
      %dma_start3A_272 = arith.constant 0 : i32
      %dma_start3A_273 = tpu.memref_slice %arg8[%run_scoped3A_195, %dma_start3A_272] : memref<80x64xi32, #tpu.memory_space<vmem>> -> memref<1x64xi32, #tpu.memory_space<vmem>>
      %dma_start3A_274 = tpu.memref_squeeze %dma_start3A_273 : memref<1x64xi32, #tpu.memory_space<vmem>> -> memref<64xi32, #tpu.memory_space<vmem>>
      %dma_start3A_275 = arith.constant 0 : i32
      %dma_start3A_276 = arith.constant 0 : i32
      %dma_start3A_277 = tpu.memref_slice %arg6[%dma_start3A_275, %dma_start3A_276] : memref<10240x128xf32, #tpu.memory_space<vmem_shared>> -> memref<10240x128xf32, #tpu.memory_space<vmem_shared>>
      tpu.enqueue_indirect_dma source(%arg11 : memref<64x128xf32, #tpu.memory_space<vmem>>) target(%dma_start3A_277 : memref<10240x128xf32, #tpu.memory_space<vmem_shared>>) offsets(%dma_start3A_274 : memref<64xi32, #tpu.memory_space<vmem>>) semaphore(%run_scoped3A_271 : memref<!tpu.dma_semaphore, #tpu.memory_space<semaphore_mem>>) {add = true}
      %dma_wait3A_278 = arith.constant 0 : i32
      %dma_wait3A_279 = tpu.memref_slice %arg8[%run_scoped3A_195, %dma_wait3A_278] : memref<80x64xi32, #tpu.memory_space<vmem>> -> memref<1x64xi32, #tpu.memory_space<vmem>>
      %dma_wait3A_280 = tpu.memref_squeeze %dma_wait3A_279 : memref<1x64xi32, #tpu.memory_space<vmem>> -> memref<64xi32, #tpu.memory_space<vmem>>
      %dma_wait3A_281 = arith.constant 0 : i32
      %dma_wait3A_282 = arith.constant 0 : i32
      %dma_wait3A_283 = tpu.memref_slice %arg6[%dma_wait3A_281, %dma_wait3A_282] : memref<10240x128xf32, #tpu.memory_space<vmem_shared>> -> memref<10240x128xf32, #tpu.memory_space<vmem_shared>>
      tpu.wait_indirect_dma semaphore(%run_scoped3A_271 : memref<!tpu.dma_semaphore, #tpu.memory_space<semaphore_mem>>) src(%arg11 : memref<64x128xf32, #tpu.memory_space<vmem>>) dst(%dma_wait3A_283 : memref<10240x128xf32, #tpu.memory_space<vmem_shared>>)
      tpu.yield
    }) : () -> ()
    %dma_wait3A_196 = arith.constant 0 : i32
    %dma_wait3A_197 = arith.constant 0 : i32
    %dma_wait3A_198 = tpu.memref_slice %arg2[%dma_wait3A_196, %dma_wait3A_197] : memref<10000x128xf32, #tpu.memory_space<hbm>> -> memref<64x128xf32, #tpu.memory_space<hbm>>
    %dma_wait3A_199 = arith.constant 0 : i32
    %dma_wait3A_200 = arith.constant 0 : i32
    %dma_wait3A_201 = tpu.memref_slice %arg2[%dma_wait3A_199, %dma_wait3A_200] : memref<10000x128xf32, #tpu.memory_space<hbm>> -> memref<64x128xf32, #tpu.memory_space<hbm>>
    tpu.wait_dma2 semaphore(%arg16 : memref<!tpu.dma_semaphore, #tpu.memory_space<semaphore_mem>>) src(%dma_wait3A_201 : memref<64x128xf32, #tpu.memory_space<hbm>>) dst(%arg12 : memref<64x128xf32, #tpu.memory_space<vmem>>)
    %run_scoped3A_202 = arith.constant 79 : i32
    "tpu.region"() ({
      %run_scoped3A_271 = tpu.sem_alloc : memref<!tpu.dma_semaphore, #tpu.memory_space<semaphore_mem>>
      %dma_start3A_272 = arith.constant 0 : i32
      %dma_start3A_273 = tpu.memref_slice %arg8[%run_scoped3A_202, %dma_start3A_272] : memref<80x64xi32, #tpu.memory_space<vmem>> -> memref<1x64xi32, #tpu.memory_space<vmem>>
      %dma_start3A_274 = tpu.memref_squeeze %dma_start3A_273 : memref<1x64xi32, #tpu.memory_space<vmem>> -> memref<64xi32, #tpu.memory_space<vmem>>
      %dma_start3A_275 = arith.constant 0 : i32
      %dma_start3A_276 = arith.constant 0 : i32
      %dma_start3A_277 = tpu.memref_slice %arg6[%dma_start3A_275, %dma_start3A_276] : memref<10240x128xf32, #tpu.memory_space<vmem_shared>> -> memref<10240x128xf32, #tpu.memory_space<vmem_shared>>
      tpu.enqueue_indirect_dma source(%arg12 : memref<64x128xf32, #tpu.memory_space<vmem>>) target(%dma_start3A_277 : memref<10240x128xf32, #tpu.memory_space<vmem_shared>>) offsets(%dma_start3A_274 : memref<64xi32, #tpu.memory_space<vmem>>) semaphore(%run_scoped3A_271 : memref<!tpu.dma_semaphore, #tpu.memory_space<semaphore_mem>>) {add = true}
      %dma_wait3A_278 = arith.constant 0 : i32
      %dma_wait3A_279 = tpu.memref_slice %arg8[%run_scoped3A_202, %dma_wait3A_278] : memref<80x64xi32, #tpu.memory_space<vmem>> -> memref<1x64xi32, #tpu.memory_space<vmem>>
      %dma_wait3A_280 = tpu.memref_squeeze %dma_wait3A_279 : memref<1x64xi32, #tpu.memory_space<vmem>> -> memref<64xi32, #tpu.memory_space<vmem>>
      %dma_wait3A_281 = arith.constant 0 : i32
      %dma_wait3A_282 = arith.constant 0 : i32
      %dma_wait3A_283 = tpu.memref_slice %arg6[%dma_wait3A_281, %dma_wait3A_282] : memref<10240x128xf32, #tpu.memory_space<vmem_shared>> -> memref<10240x128xf32, #tpu.memory_space<vmem_shared>>
      tpu.wait_indirect_dma semaphore(%run_scoped3A_271 : memref<!tpu.dma_semaphore, #tpu.memory_space<semaphore_mem>>) src(%arg12 : memref<64x128xf32, #tpu.memory_space<vmem>>) dst(%dma_wait3A_283 : memref<10240x128xf32, #tpu.memory_space<vmem_shared>>)
      tpu.yield
    }) : () -> ()
    "tpu.region"() ({
      %run_scoped3A_271 = tpu.sem_alloc : memref<!tpu.dma_semaphore, #tpu.memory_space<semaphore_mem>>
      %dma_start3A_272 = arith.constant 40 : i32
      %dma_start3A_273 = arith.constant 0 : i32
      %dma_start3A_274 = tpu.memref_slice %arg3[%add3A, %dma_start3A_272, %dma_start3A_273] : memref<32x80x128xi32, #tpu.memory_space<hbm>> -> memref<1x40x128xi32, #tpu.memory_space<hbm>>
      %dma_start3A_275 = tpu.memref_squeeze %dma_start3A_274 : memref<1x40x128xi32, #tpu.memory_space<hbm>> -> memref<40x128xi32, #tpu.memory_space<hbm>>
      %dma_start3A_276 = arith.constant 40 : i32
      %dma_start3A_277 = arith.constant 0 : i32
      %dma_start3A_278 = tpu.memref_slice %arg3[%add3A, %dma_start3A_276, %dma_start3A_277] : memref<32x80x128xi32, #tpu.memory_space<hbm>> -> memref<1x40x128xi32, #tpu.memory_space<hbm>>
      %dma_start3A_279 = tpu.memref_squeeze %dma_start3A_278 : memref<1x40x128xi32, #tpu.memory_space<hbm>> -> memref<40x128xi32, #tpu.memory_space<hbm>>
      tpu.enqueue_dma source(%dma_start3A_279 : memref<40x128xi32, #tpu.memory_space<hbm>>) target(%arg7 : memref<40x128xi32, #tpu.memory_space<vmem>>) target_semaphore(%run_scoped3A_271 : memref<!tpu.dma_semaphore, #tpu.memory_space<semaphore_mem>>)
      %dma_wait3A_280 = arith.constant 40 : i32
      %dma_wait3A_281 = arith.constant 0 : i32
      %dma_wait3A_282 = tpu.memref_slice %arg3[%add3A, %dma_wait3A_280, %dma_wait3A_281] : memref<32x80x128xi32, #tpu.memory_space<hbm>> -> memref<1x40x128xi32, #tpu.memory_space<hbm>>
      %dma_wait3A_283 = tpu.memref_squeeze %dma_wait3A_282 : memref<1x40x128xi32, #tpu.memory_space<hbm>> -> memref<40x128xi32, #tpu.memory_space<hbm>>
      %dma_wait3A_284 = arith.constant 40 : i32
      %dma_wait3A_285 = arith.constant 0 : i32
      %dma_wait3A_286 = tpu.memref_slice %arg3[%add3A, %dma_wait3A_284, %dma_wait3A_285] : memref<32x80x128xi32, #tpu.memory_space<hbm>> -> memref<1x40x128xi32, #tpu.memory_space<hbm>>
      %dma_wait3A_287 = tpu.memref_squeeze %dma_wait3A_286 : memref<1x40x128xi32, #tpu.memory_space<hbm>> -> memref<40x128xi32, #tpu.memory_space<hbm>>
      tpu.wait_dma2 semaphore(%run_scoped3A_271 : memref<!tpu.dma_semaphore, #tpu.memory_space<semaphore_mem>>) src(%dma_wait3A_287 : memref<40x128xi32, #tpu.memory_space<hbm>>) dst(%arg7 : memref<40x128xi32, #tpu.memory_space<vmem>>)
      tpu.yield
    }) : () -> ()
    "tpu.region"() ({
      %run_scoped3A_271 = tpu.sem_alloc : memref<!tpu.dma_semaphore, #tpu.memory_space<semaphore_mem>>
      %dma_start3A_272 = arith.constant 80 : i32
      %dma_start3A_273 = arith.constant 0 : i32
      %dma_start3A_274 = tpu.memref_slice %arg4[%add3A, %dma_start3A_272, %dma_start3A_273] : memref<32x160x64xi32, #tpu.memory_space<hbm>> -> memref<1x80x64xi32, #tpu.memory_space<hbm>>
      %dma_start3A_275 = tpu.memref_squeeze %dma_start3A_274 : memref<1x80x64xi32, #tpu.memory_space<hbm>> -> memref<80x64xi32, #tpu.memory_space<hbm>>
      %dma_start3A_276 = arith.constant 80 : i32
      %dma_start3A_277 = arith.constant 0 : i32
      %dma_start3A_278 = tpu.memref_slice %arg4[%add3A, %dma_start3A_276, %dma_start3A_277] : memref<32x160x64xi32, #tpu.memory_space<hbm>> -> memref<1x80x64xi32, #tpu.memory_space<hbm>>
      %dma_start3A_279 = tpu.memref_squeeze %dma_start3A_278 : memref<1x80x64xi32, #tpu.memory_space<hbm>> -> memref<80x64xi32, #tpu.memory_space<hbm>>
      tpu.enqueue_dma source(%dma_start3A_279 : memref<80x64xi32, #tpu.memory_space<hbm>>) target(%arg8 : memref<80x64xi32, #tpu.memory_space<vmem>>) target_semaphore(%run_scoped3A_271 : memref<!tpu.dma_semaphore, #tpu.memory_space<semaphore_mem>>)
      %dma_wait3A_280 = arith.constant 80 : i32
      %dma_wait3A_281 = arith.constant 0 : i32
      %dma_wait3A_282 = tpu.memref_slice %arg4[%add3A, %dma_wait3A_280, %dma_wait3A_281] : memref<32x160x64xi32, #tpu.memory_space<hbm>> -> memref<1x80x64xi32, #tpu.memory_space<hbm>>
      %dma_wait3A_283 = tpu.memref_squeeze %dma_wait3A_282 : memref<1x80x64xi32, #tpu.memory_space<hbm>> -> memref<80x64xi32, #tpu.memory_space<hbm>>
      %dma_wait3A_284 = arith.constant 80 : i32
      %dma_wait3A_285 = arith.constant 0 : i32
      %dma_wait3A_286 = tpu.memref_slice %arg4[%add3A, %dma_wait3A_284, %dma_wait3A_285] : memref<32x160x64xi32, #tpu.memory_space<hbm>> -> memref<1x80x64xi32, #tpu.memory_space<hbm>>
      %dma_wait3A_287 = tpu.memref_squeeze %dma_wait3A_286 : memref<1x80x64xi32, #tpu.memory_space<hbm>> -> memref<80x64xi32, #tpu.memory_space<hbm>>
      tpu.wait_dma2 semaphore(%run_scoped3A_271 : memref<!tpu.dma_semaphore, #tpu.memory_space<semaphore_mem>>) src(%dma_wait3A_287 : memref<80x64xi32, #tpu.memory_space<hbm>>) dst(%arg8 : memref<80x64xi32, #tpu.memory_space<vmem>>)
      tpu.yield
    }) : () -> ()
    %dma_start3A_203 = arith.constant 0 : i32
    %dma_start3A_204 = arith.constant 0 : i32
    %dma_start3A_205 = tpu.memref_slice %arg7[%dma_start3A_203, %dma_start3A_204] : memref<40x128xi32, #tpu.memory_space<vmem>> -> memref<1x64xi32, #tpu.memory_space<vmem>>
    %dma_start3A_206 = tpu.memref_squeeze %dma_start3A_205 : memref<1x64xi32, #tpu.memory_space<vmem>> -> memref<64xi32, #tpu.memory_space<vmem>>
    %dma_start3A_207 = arith.constant 0 : i32
    %dma_start3A_208 = arith.constant 0 : i32
    %dma_start3A_209 = tpu.memref_slice %arg2[%dma_start3A_207, %dma_start3A_208] : memref<10000x128xf32, #tpu.memory_space<hbm>> -> memref<10000x128xf32, #tpu.memory_space<hbm>>
    tpu.enqueue_indirect_dma source(%dma_start3A_209 : memref<10000x128xf32, #tpu.memory_space<hbm>>) target(%arg9 : memref<64x128xf32, #tpu.memory_space<vmem>>) offsets(%dma_start3A_206 : memref<64xi32, #tpu.memory_space<vmem>>) semaphore(%arg13 : memref<!tpu.dma_semaphore, #tpu.memory_space<semaphore_mem>>)
    %dma_start3A_210 = arith.constant 0 : i32
    %dma_start3A_211 = arith.constant 64 : i32
    %dma_start3A_212 = tpu.memref_slice %arg7[%dma_start3A_210, %dma_start3A_211] : memref<40x128xi32, #tpu.memory_space<vmem>> -> memref<1x64xi32, #tpu.memory_space<vmem>>
    %dma_start3A_213 = tpu.memref_squeeze %dma_start3A_212 : memref<1x64xi32, #tpu.memory_space<vmem>> -> memref<64xi32, #tpu.memory_space<vmem>>
    %dma_start3A_214 = arith.constant 0 : i32
    %dma_start3A_215 = arith.constant 0 : i32
    %dma_start3A_216 = tpu.memref_slice %arg2[%dma_start3A_214, %dma_start3A_215] : memref<10000x128xf32, #tpu.memory_space<hbm>> -> memref<10000x128xf32, #tpu.memory_space<hbm>>
    tpu.enqueue_indirect_dma source(%dma_start3A_216 : memref<10000x128xf32, #tpu.memory_space<hbm>>) target(%arg10 : memref<64x128xf32, #tpu.memory_space<vmem>>) offsets(%dma_start3A_213 : memref<64xi32, #tpu.memory_space<vmem>>) semaphore(%arg14 : memref<!tpu.dma_semaphore, #tpu.memory_space<semaphore_mem>>)
    %dma_start3A_217 = arith.constant 1 : i32
    %dma_start3A_218 = arith.constant 0 : i32
    %dma_start3A_219 = tpu.memref_slice %arg7[%dma_start3A_217, %dma_start3A_218] : memref<40x128xi32, #tpu.memory_space<vmem>> -> memref<1x64xi32, #tpu.memory_space<vmem>>
    %dma_start3A_220 = tpu.memref_squeeze %dma_start3A_219 : memref<1x64xi32, #tpu.memory_space<vmem>> -> memref<64xi32, #tpu.memory_space<vmem>>
    %dma_start3A_221 = arith.constant 0 : i32
    %dma_start3A_222 = arith.constant 0 : i32
    %dma_start3A_223 = tpu.memref_slice %arg2[%dma_start3A_221, %dma_start3A_222] : memref<10000x128xf32, #tpu.memory_space<hbm>> -> memref<10000x128xf32, #tpu.memory_space<hbm>>
    tpu.enqueue_indirect_dma source(%dma_start3A_223 : memref<10000x128xf32, #tpu.memory_space<hbm>>) target(%arg11 : memref<64x128xf32, #tpu.memory_space<vmem>>) offsets(%dma_start3A_220 : memref<64xi32, #tpu.memory_space<vmem>>) semaphore(%arg15 : memref<!tpu.dma_semaphore, #tpu.memory_space<semaphore_mem>>)
    %dma_start3A_224 = arith.constant 1 : i32
    %dma_start3A_225 = arith.constant 64 : i32
    %dma_start3A_226 = tpu.memref_slice %arg7[%dma_start3A_224, %dma_start3A_225] : memref<40x128xi32, #tpu.memory_space<vmem>> -> memref<1x64xi32, #tpu.memory_space<vmem>>
    %dma_start3A_227 = tpu.memref_squeeze %dma_start3A_226 : memref<1x64xi32, #tpu.memory_space<vmem>> -> memref<64xi32, #tpu.memory_space<vmem>>
    %dma_start3A_228 = arith.constant 0 : i32
    %dma_start3A_229 = arith.constant 0 : i32
    %dma_start3A_230 = tpu.memref_slice %arg2[%dma_start3A_228, %dma_start3A_229] : memref<10000x128xf32, #tpu.memory_space<hbm>> -> memref<10000x128xf32, #tpu.memory_space<hbm>>
    tpu.enqueue_indirect_dma source(%dma_start3A_230 : memref<10000x128xf32, #tpu.memory_space<hbm>>) target(%arg12 : memref<64x128xf32, #tpu.memory_space<vmem>>) offsets(%dma_start3A_227 : memref<64xi32, #tpu.memory_space<vmem>>) semaphore(%arg16 : memref<!tpu.dma_semaphore, #tpu.memory_space<semaphore_mem>>)
    %scan3A_231 = arith.constant 0 : i32
    %scan3A_232 = arith.constant 19 : i32
    %scan3A_233 = arith.addi %scan3A_231, %scan3A_232 : i32
    %scan3A_234 = arith.constant 1 : i32
    scf.for %scan3A_271 = %scan3A_231 to %scan3A_233 step %scan3A_234  : i32 {
      %mul3A_272 = arith.constant 4 : i32
      %mul3A_273 = arith.muli %scan3A_271, %mul3A_272 : i32
      %add3A_274 = arith.constant 0 : i32
      %add3A_275 = arith.addi %add3A_274, %mul3A_273 : i32
      %dma_wait3A_276 = arith.constant 0 : i32
      %dma_wait3A_277 = arith.constant 0 : i32
      %dma_wait3A_278 = tpu.memref_slice %arg2[%dma_wait3A_276, %dma_wait3A_277] : memref<10000x128xf32, #tpu.memory_space<hbm>> -> memref<64x128xf32, #tpu.memory_space<hbm>>
      %dma_wait3A_279 = arith.constant 0 : i32
      %dma_wait3A_280 = arith.constant 0 : i32
      %dma_wait3A_281 = tpu.memref_slice %arg2[%dma_wait3A_279, %dma_wait3A_280] : memref<10000x128xf32, #tpu.memory_space<hbm>> -> memref<64x128xf32, #tpu.memory_space<hbm>>
      tpu.wait_dma2 semaphore(%arg13 : memref<!tpu.dma_semaphore, #tpu.memory_space<semaphore_mem>>) src(%dma_wait3A_281 : memref<64x128xf32, #tpu.memory_space<hbm>>) dst(%arg9 : memref<64x128xf32, #tpu.memory_space<vmem>>)
      %add3A_282 = arith.constant 0 : i32
      %add3A_283 = arith.addi %add3A_275, %add3A_282 : i32
      "tpu.region"() ({
        %run_scoped3A_436 = tpu.sem_alloc : memref<!tpu.dma_semaphore, #tpu.memory_space<semaphore_mem>>
        %dma_start3A_437 = arith.constant 0 : i32
        %dma_start3A_438 = tpu.memref_slice %arg8[%add3A_283, %dma_start3A_437] : memref<80x64xi32, #tpu.memory_space<vmem>> -> memref<1x64xi32, #tpu.memory_space<vmem>>
        %dma_start3A_439 = tpu.memref_squeeze %dma_start3A_438 : memref<1x64xi32, #tpu.memory_space<vmem>> -> memref<64xi32, #tpu.memory_space<vmem>>
        %dma_start3A_440 = arith.constant 0 : i32
        %dma_start3A_441 = arith.constant 0 : i32
        %dma_start3A_442 = tpu.memref_slice %arg6[%dma_start3A_440, %dma_start3A_441] : memref<10240x128xf32, #tpu.memory_space<vmem_shared>> -> memref<10240x128xf32, #tpu.memory_space<vmem_shared>>
        tpu.enqueue_indirect_dma source(%arg9 : memref<64x128xf32, #tpu.memory_space<vmem>>) target(%dma_start3A_442 : memref<10240x128xf32, #tpu.memory_space<vmem_shared>>) offsets(%dma_start3A_439 : memref<64xi32, #tpu.memory_space<vmem>>) semaphore(%run_scoped3A_436 : memref<!tpu.dma_semaphore, #tpu.memory_space<semaphore_mem>>) {add = true}
        %dma_wait3A_443 = arith.constant 0 : i32
        %dma_wait3A_444 = tpu.memref_slice %arg8[%add3A_283, %dma_wait3A_443] : memref<80x64xi32, #tpu.memory_space<vmem>> -> memref<1x64xi32, #tpu.memory_space<vmem>>
        %dma_wait3A_445 = tpu.memref_squeeze %dma_wait3A_444 : memref<1x64xi32, #tpu.memory_space<vmem>> -> memref<64xi32, #tpu.memory_space<vmem>>
        %dma_wait3A_446 = arith.constant 0 : i32
        %dma_wait3A_447 = arith.constant 0 : i32
        %dma_wait3A_448 = tpu.memref_slice %arg6[%dma_wait3A_446, %dma_wait3A_447] : memref<10240x128xf32, #tpu.memory_space<vmem_shared>> -> memref<10240x128xf32, #tpu.memory_space<vmem_shared>>
        tpu.wait_indirect_dma semaphore(%run_scoped3A_436 : memref<!tpu.dma_semaphore, #tpu.memory_space<semaphore_mem>>) src(%arg9 : memref<64x128xf32, #tpu.memory_space<vmem>>) dst(%dma_wait3A_448 : memref<10240x128xf32, #tpu.memory_space<vmem_shared>>)
        tpu.yield
      }) : () -> ()
      %add3A_284 = arith.constant 4 : i32
      %add3A_285 = arith.addi %add3A_275, %add3A_284 : i32
      %add3A_286 = arith.constant 0 : i32
      %add3A_287 = arith.addi %add3A_285, %add3A_286 : i32
      %jit3A = arith.constant 2 : i32
      %div3A = arith.divsi %add3A_287, %jit3A : i32
      %sign3A = arith.constant 0 : i32
      %sign3A_288 = arith.cmpi sgt, %add3A_287, %sign3A : i32
      %sign3A_289 = arith.extui %sign3A_288 : i1 to i32
      %sign3A_290 = arith.constant 0 : i32
      %sign3A_291 = arith.cmpi slt, %add3A_287, %sign3A_290 : i32
      %sign3A_292 = arith.extui %sign3A_291 : i1 to i32
      %sign3A_293 = arith.subi %sign3A_289, %sign3A_292 : i32
      %sign3A_294 = arith.constant 0 : i32
      %sign3A_295 = arith.cmpi sgt, %jit3A, %sign3A_294 : i32
      %sign3A_296 = arith.extui %sign3A_295 : i1 to i32
      %sign3A_297 = arith.constant 0 : i32
      %sign3A_298 = arith.cmpi slt, %jit3A, %sign3A_297 : i32
      %sign3A_299 = arith.extui %sign3A_298 : i1 to i32
      %sign3A_300 = arith.subi %sign3A_296, %sign3A_299 : i32
      %ne3A = arith.cmpi ne, %sign3A_293, %sign3A_300 : i32
      %rem3A = arith.remsi %add3A_287, %jit3A : i32
      %ne3A_301 = arith.constant 0 : i32
      %ne3A_302 = arith.cmpi ne, %rem3A, %ne3A_301 : i32
      %and3A = arith.andi %ne3A, %ne3A_302 : i1
      %sub3A = arith.constant 1 : i32
      %sub3A_303 = arith.subi %div3A, %sub3A : i32
      %select_n3A = arith.select %and3A, %sub3A_303, %div3A : i32
      %dma_start3A_304 = arith.constant 0 : i32
      %dma_start3A_305 = tpu.memref_slice %arg7[%select_n3A, %dma_start3A_304] : memref<40x128xi32, #tpu.memory_space<vmem>> -> memref<1x64xi32, #tpu.memory_space<vmem>>
      %dma_start3A_306 = tpu.memref_squeeze %dma_start3A_305 : memref<1x64xi32, #tpu.memory_space<vmem>> -> memref<64xi32, #tpu.memory_space<vmem>>
      %dma_start3A_307 = arith.constant 0 : i32
      %dma_start3A_308 = arith.constant 0 : i32
      %dma_start3A_309 = tpu.memref_slice %arg2[%dma_start3A_307, %dma_start3A_308] : memref<10000x128xf32, #tpu.memory_space<hbm>> -> memref<10000x128xf32, #tpu.memory_space<hbm>>
      tpu.enqueue_indirect_dma source(%dma_start3A_309 : memref<10000x128xf32, #tpu.memory_space<hbm>>) target(%arg9 : memref<64x128xf32, #tpu.memory_space<vmem>>) offsets(%dma_start3A_306 : memref<64xi32, #tpu.memory_space<vmem>>) semaphore(%arg13 : memref<!tpu.dma_semaphore, #tpu.memory_space<semaphore_mem>>)
      %dma_wait3A_310 = arith.constant 0 : i32
      %dma_wait3A_311 = arith.constant 0 : i32
      %dma_wait3A_312 = tpu.memref_slice %arg2[%dma_wait3A_310, %dma_wait3A_311] : memref<10000x128xf32, #tpu.memory_space<hbm>> -> memref<64x128xf32, #tpu.memory_space<hbm>>
      %dma_wait3A_313 = arith.constant 0 : i32
      %dma_wait3A_314 = arith.constant 0 : i32
      %dma_wait3A_315 = tpu.memref_slice %arg2[%dma_wait3A_313, %dma_wait3A_314] : memref<10000x128xf32, #tpu.memory_space<hbm>> -> memref<64x128xf32, #tpu.memory_space<hbm>>
      tpu.wait_dma2 semaphore(%arg14 : memref<!tpu.dma_semaphore, #tpu.memory_space<semaphore_mem>>) src(%dma_wait3A_315 : memref<64x128xf32, #tpu.memory_space<hbm>>) dst(%arg10 : memref<64x128xf32, #tpu.memory_space<vmem>>)
      %add3A_316 = arith.constant 1 : i32
      %add3A_317 = arith.addi %add3A_275, %add3A_316 : i32
      "tpu.region"() ({
        %run_scoped3A_436 = tpu.sem_alloc : memref<!tpu.dma_semaphore, #tpu.memory_space<semaphore_mem>>
        %dma_start3A_437 = arith.constant 0 : i32
        %dma_start3A_438 = tpu.memref_slice %arg8[%add3A_317, %dma_start3A_437] : memref<80x64xi32, #tpu.memory_space<vmem>> -> memref<1x64xi32, #tpu.memory_space<vmem>>
        %dma_start3A_439 = tpu.memref_squeeze %dma_start3A_438 : memref<1x64xi32, #tpu.memory_space<vmem>> -> memref<64xi32, #tpu.memory_space<vmem>>
        %dma_start3A_440 = arith.constant 0 : i32
        %dma_start3A_441 = arith.constant 0 : i32
        %dma_start3A_442 = tpu.memref_slice %arg6[%dma_start3A_440, %dma_start3A_441] : memref<10240x128xf32, #tpu.memory_space<vmem_shared>> -> memref<10240x128xf32, #tpu.memory_space<vmem_shared>>
        tpu.enqueue_indirect_dma source(%arg10 : memref<64x128xf32, #tpu.memory_space<vmem>>) target(%dma_start3A_442 : memref<10240x128xf32, #tpu.memory_space<vmem_shared>>) offsets(%dma_start3A_439 : memref<64xi32, #tpu.memory_space<vmem>>) semaphore(%run_scoped3A_436 : memref<!tpu.dma_semaphore, #tpu.memory_space<semaphore_mem>>) {add = true}
        %dma_wait3A_443 = arith.constant 0 : i32
        %dma_wait3A_444 = tpu.memref_slice %arg8[%add3A_317, %dma_wait3A_443] : memref<80x64xi32, #tpu.memory_space<vmem>> -> memref<1x64xi32, #tpu.memory_space<vmem>>
        %dma_wait3A_445 = tpu.memref_squeeze %dma_wait3A_444 : memref<1x64xi32, #tpu.memory_space<vmem>> -> memref<64xi32, #tpu.memory_space<vmem>>
        %dma_wait3A_446 = arith.constant 0 : i32
        %dma_wait3A_447 = arith.constant 0 : i32
        %dma_wait3A_448 = tpu.memref_slice %arg6[%dma_wait3A_446, %dma_wait3A_447] : memref<10240x128xf32, #tpu.memory_space<vmem_shared>> -> memref<10240x128xf32, #tpu.memory_space<vmem_shared>>
        tpu.wait_indirect_dma semaphore(%run_scoped3A_436 : memref<!tpu.dma_semaphore, #tpu.memory_space<semaphore_mem>>) src(%arg10 : memref<64x128xf32, #tpu.memory_space<vmem>>) dst(%dma_wait3A_448 : memref<10240x128xf32, #tpu.memory_space<vmem_shared>>)
        tpu.yield
      }) : () -> ()
      %add3A_318 = arith.constant 4 : i32
      %add3A_319 = arith.addi %add3A_275, %add3A_318 : i32
      %add3A_320 = arith.constant 1 : i32
      %add3A_321 = arith.addi %add3A_319, %add3A_320 : i32
      %jit3A_322 = arith.constant 2 : i32
      %div3A_323 = arith.divsi %add3A_321, %jit3A_322 : i32
      %sign3A_324 = arith.constant 0 : i32
      %sign3A_325 = arith.cmpi sgt, %add3A_321, %sign3A_324 : i32
      %sign3A_326 = arith.extui %sign3A_325 : i1 to i32
      %sign3A_327 = arith.constant 0 : i32
      %sign3A_328 = arith.cmpi slt, %add3A_321, %sign3A_327 : i32
      %sign3A_329 = arith.extui %sign3A_328 : i1 to i32
      %sign3A_330 = arith.subi %sign3A_326, %sign3A_329 : i32
      %sign3A_331 = arith.constant 0 : i32
      %sign3A_332 = arith.cmpi sgt, %jit3A_322, %sign3A_331 : i32
      %sign3A_333 = arith.extui %sign3A_332 : i1 to i32
      %sign3A_334 = arith.constant 0 : i32
      %sign3A_335 = arith.cmpi slt, %jit3A_322, %sign3A_334 : i32
      %sign3A_336 = arith.extui %sign3A_335 : i1 to i32
      %sign3A_337 = arith.subi %sign3A_333, %sign3A_336 : i32
      %ne3A_338 = arith.cmpi ne, %sign3A_330, %sign3A_337 : i32
      %rem3A_339 = arith.remsi %add3A_321, %jit3A_322 : i32
      %ne3A_340 = arith.constant 0 : i32
      %ne3A_341 = arith.cmpi ne, %rem3A_339, %ne3A_340 : i32
      %and3A_342 = arith.andi %ne3A_338, %ne3A_341 : i1
      %sub3A_343 = arith.constant 1 : i32
      %sub3A_344 = arith.subi %div3A_323, %sub3A_343 : i32
      %select_n3A_345 = arith.select %and3A_342, %sub3A_344, %div3A_323 : i32
      %dma_start3A_346 = arith.constant 64 : i32
      %dma_start3A_347 = tpu.memref_slice %arg7[%select_n3A_345, %dma_start3A_346] : memref<40x128xi32, #tpu.memory_space<vmem>> -> memref<1x64xi32, #tpu.memory_space<vmem>>
      %dma_start3A_348 = tpu.memref_squeeze %dma_start3A_347 : memref<1x64xi32, #tpu.memory_space<vmem>> -> memref<64xi32, #tpu.memory_space<vmem>>
      %dma_start3A_349 = arith.constant 0 : i32
      %dma_start3A_350 = arith.constant 0 : i32
      %dma_start3A_351 = tpu.memref_slice %arg2[%dma_start3A_349, %dma_start3A_350] : memref<10000x128xf32, #tpu.memory_space<hbm>> -> memref<10000x128xf32, #tpu.memory_space<hbm>>
      tpu.enqueue_indirect_dma source(%dma_start3A_351 : memref<10000x128xf32, #tpu.memory_space<hbm>>) target(%arg10 : memref<64x128xf32, #tpu.memory_space<vmem>>) offsets(%dma_start3A_348 : memref<64xi32, #tpu.memory_space<vmem>>) semaphore(%arg14 : memref<!tpu.dma_semaphore, #tpu.memory_space<semaphore_mem>>)
      %dma_wait3A_352 = arith.constant 0 : i32
      %dma_wait3A_353 = arith.constant 0 : i32
      %dma_wait3A_354 = tpu.memref_slice %arg2[%dma_wait3A_352, %dma_wait3A_353] : memref<10000x128xf32, #tpu.memory_space<hbm>> -> memref<64x128xf32, #tpu.memory_space<hbm>>
      %dma_wait3A_355 = arith.constant 0 : i32
      %dma_wait3A_356 = arith.constant 0 : i32
      %dma_wait3A_357 = tpu.memref_slice %arg2[%dma_wait3A_355, %dma_wait3A_356] : memref<10000x128xf32, #tpu.memory_space<hbm>> -> memref<64x128xf32, #tpu.memory_space<hbm>>
      tpu.wait_dma2 semaphore(%arg15 : memref<!tpu.dma_semaphore, #tpu.memory_space<semaphore_mem>>) src(%dma_wait3A_357 : memref<64x128xf32, #tpu.memory_space<hbm>>) dst(%arg11 : memref<64x128xf32, #tpu.memory_space<vmem>>)
      %add3A_358 = arith.constant 2 : i32
      %add3A_359 = arith.addi %add3A_275, %add3A_358 : i32
      "tpu.region"() ({
        %run_scoped3A_436 = tpu.sem_alloc : memref<!tpu.dma_semaphore, #tpu.memory_space<semaphore_mem>>
        %dma_start3A_437 = arith.constant 0 : i32
        %dma_start3A_438 = tpu.memref_slice %arg8[%add3A_359, %dma_start3A_437] : memref<80x64xi32, #tpu.memory_space<vmem>> -> memref<1x64xi32, #tpu.memory_space<vmem>>
        %dma_start3A_439 = tpu.memref_squeeze %dma_start3A_438 : memref<1x64xi32, #tpu.memory_space<vmem>> -> memref<64xi32, #tpu.memory_space<vmem>>
        %dma_start3A_440 = arith.constant 0 : i32
        %dma_start3A_441 = arith.constant 0 : i32
        %dma_start3A_442 = tpu.memref_slice %arg6[%dma_start3A_440, %dma_start3A_441] : memref<10240x128xf32, #tpu.memory_space<vmem_shared>> -> memref<10240x128xf32, #tpu.memory_space<vmem_shared>>
        tpu.enqueue_indirect_dma source(%arg11 : memref<64x128xf32, #tpu.memory_space<vmem>>) target(%dma_start3A_442 : memref<10240x128xf32, #tpu.memory_space<vmem_shared>>) offsets(%dma_start3A_439 : memref<64xi32, #tpu.memory_space<vmem>>) semaphore(%run_scoped3A_436 : memref<!tpu.dma_semaphore, #tpu.memory_space<semaphore_mem>>) {add = true}
        %dma_wait3A_443 = arith.constant 0 : i32
        %dma_wait3A_444 = tpu.memref_slice %arg8[%add3A_359, %dma_wait3A_443] : memref<80x64xi32, #tpu.memory_space<vmem>> -> memref<1x64xi32, #tpu.memory_space<vmem>>
        %dma_wait3A_445 = tpu.memref_squeeze %dma_wait3A_444 : memref<1x64xi32, #tpu.memory_space<vmem>> -> memref<64xi32, #tpu.memory_space<vmem>>
        %dma_wait3A_446 = arith.constant 0 : i32
        %dma_wait3A_447 = arith.constant 0 : i32
        %dma_wait3A_448 = tpu.memref_slice %arg6[%dma_wait3A_446, %dma_wait3A_447] : memref<10240x128xf32, #tpu.memory_space<vmem_shared>> -> memref<10240x128xf32, #tpu.memory_space<vmem_shared>>
        tpu.wait_indirect_dma semaphore(%run_scoped3A_436 : memref<!tpu.dma_semaphore, #tpu.memory_space<semaphore_mem>>) src(%arg11 : memref<64x128xf32, #tpu.memory_space<vmem>>) dst(%dma_wait3A_448 : memref<10240x128xf32, #tpu.memory_space<vmem_shared>>)
        tpu.yield
      }) : () -> ()
      %add3A_360 = arith.constant 4 : i32
      %add3A_361 = arith.addi %add3A_275, %add3A_360 : i32
      %add3A_362 = arith.constant 2 : i32
      %add3A_363 = arith.addi %add3A_361, %add3A_362 : i32
      %jit3A_364 = arith.constant 2 : i32
      %div3A_365 = arith.divsi %add3A_363, %jit3A_364 : i32
      %sign3A_366 = arith.constant 0 : i32
      %sign3A_367 = arith.cmpi sgt, %add3A_363, %sign3A_366 : i32
      %sign3A_368 = arith.extui %sign3A_367 : i1 to i32
      %sign3A_369 = arith.constant 0 : i32
      %sign3A_370 = arith.cmpi slt, %add3A_363, %sign3A_369 : i32
      %sign3A_371 = arith.extui %sign3A_370 : i1 to i32
      %sign3A_372 = arith.subi %sign3A_368, %sign3A_371 : i32
      %sign3A_373 = arith.constant 0 : i32
      %sign3A_374 = arith.cmpi sgt, %jit3A_364, %sign3A_373 : i32
      %sign3A_375 = arith.extui %sign3A_374 : i1 to i32
      %sign3A_376 = arith.constant 0 : i32
      %sign3A_377 = arith.cmpi slt, %jit3A_364, %sign3A_376 : i32
      %sign3A_378 = arith.extui %sign3A_377 : i1 to i32
      %sign3A_379 = arith.subi %sign3A_375, %sign3A_378 : i32
      %ne3A_380 = arith.cmpi ne, %sign3A_372, %sign3A_379 : i32
      %rem3A_381 = arith.remsi %add3A_363, %jit3A_364 : i32
      %ne3A_382 = arith.constant 0 : i32
      %ne3A_383 = arith.cmpi ne, %rem3A_381, %ne3A_382 : i32
      %and3A_384 = arith.andi %ne3A_380, %ne3A_383 : i1
      %sub3A_385 = arith.constant 1 : i32
      %sub3A_386 = arith.subi %div3A_365, %sub3A_385 : i32
      %select_n3A_387 = arith.select %and3A_384, %sub3A_386, %div3A_365 : i32
      %dma_start3A_388 = arith.constant 0 : i32
      %dma_start3A_389 = tpu.memref_slice %arg7[%select_n3A_387, %dma_start3A_388] : memref<40x128xi32, #tpu.memory_space<vmem>> -> memref<1x64xi32, #tpu.memory_space<vmem>>
      %dma_start3A_390 = tpu.memref_squeeze %dma_start3A_389 : memref<1x64xi32, #tpu.memory_space<vmem>> -> memref<64xi32, #tpu.memory_space<vmem>>
      %dma_start3A_391 = arith.constant 0 : i32
      %dma_start3A_392 = arith.constant 0 : i32
      %dma_start3A_393 = tpu.memref_slice %arg2[%dma_start3A_391, %dma_start3A_392] : memref<10000x128xf32, #tpu.memory_space<hbm>> -> memref<10000x128xf32, #tpu.memory_space<hbm>>
      tpu.enqueue_indirect_dma source(%dma_start3A_393 : memref<10000x128xf32, #tpu.memory_space<hbm>>) target(%arg11 : memref<64x128xf32, #tpu.memory_space<vmem>>) offsets(%dma_start3A_390 : memref<64xi32, #tpu.memory_space<vmem>>) semaphore(%arg15 : memref<!tpu.dma_semaphore, #tpu.memory_space<semaphore_mem>>)
      %dma_wait3A_394 = arith.constant 0 : i32
      %dma_wait3A_395 = arith.constant 0 : i32
      %dma_wait3A_396 = tpu.memref_slice %arg2[%dma_wait3A_394, %dma_wait3A_395] : memref<10000x128xf32, #tpu.memory_space<hbm>> -> memref<64x128xf32, #tpu.memory_space<hbm>>
      %dma_wait3A_397 = arith.constant 0 : i32
      %dma_wait3A_398 = arith.constant 0 : i32
      %dma_wait3A_399 = tpu.memref_slice %arg2[%dma_wait3A_397, %dma_wait3A_398] : memref<10000x128xf32, #tpu.memory_space<hbm>> -> memref<64x128xf32, #tpu.memory_space<hbm>>
      tpu.wait_dma2 semaphore(%arg16 : memref<!tpu.dma_semaphore, #tpu.memory_space<semaphore_mem>>) src(%dma_wait3A_399 : memref<64x128xf32, #tpu.memory_space<hbm>>) dst(%arg12 : memref<64x128xf32, #tpu.memory_space<vmem>>)
      %add3A_400 = arith.constant 3 : i32
      %add3A_401 = arith.addi %add3A_275, %add3A_400 : i32
      "tpu.region"() ({
        %run_scoped3A_436 = tpu.sem_alloc : memref<!tpu.dma_semaphore, #tpu.memory_space<semaphore_mem>>
        %dma_start3A_437 = arith.constant 0 : i32
        %dma_start3A_438 = tpu.memref_slice %arg8[%add3A_401, %dma_start3A_437] : memref<80x64xi32, #tpu.memory_space<vmem>> -> memref<1x64xi32, #tpu.memory_space<vmem>>
        %dma_start3A_439 = tpu.memref_squeeze %dma_start3A_438 : memref<1x64xi32, #tpu.memory_space<vmem>> -> memref<64xi32, #tpu.memory_space<vmem>>
        %dma_start3A_440 = arith.constant 0 : i32
        %dma_start3A_441 = arith.constant 0 : i32
        %dma_start3A_442 = tpu.memref_slice %arg6[%dma_start3A_440, %dma_start3A_441] : memref<10240x128xf32, #tpu.memory_space<vmem_shared>> -> memref<10240x128xf32, #tpu.memory_space<vmem_shared>>
        tpu.enqueue_indirect_dma source(%arg12 : memref<64x128xf32, #tpu.memory_space<vmem>>) target(%dma_start3A_442 : memref<10240x128xf32, #tpu.memory_space<vmem_shared>>) offsets(%dma_start3A_439 : memref<64xi32, #tpu.memory_space<vmem>>) semaphore(%run_scoped3A_436 : memref<!tpu.dma_semaphore, #tpu.memory_space<semaphore_mem>>) {add = true}
        %dma_wait3A_443 = arith.constant 0 : i32
        %dma_wait3A_444 = tpu.memref_slice %arg8[%add3A_401, %dma_wait3A_443] : memref<80x64xi32, #tpu.memory_space<vmem>> -> memref<1x64xi32, #tpu.memory_space<vmem>>
        %dma_wait3A_445 = tpu.memref_squeeze %dma_wait3A_444 : memref<1x64xi32, #tpu.memory_space<vmem>> -> memref<64xi32, #tpu.memory_space<vmem>>
        %dma_wait3A_446 = arith.constant 0 : i32
        %dma_wait3A_447 = arith.constant 0 : i32
        %dma_wait3A_448 = tpu.memref_slice %arg6[%dma_wait3A_446, %dma_wait3A_447] : memref<10240x128xf32, #tpu.memory_space<vmem_shared>> -> memref<10240x128xf32, #tpu.memory_space<vmem_shared>>
        tpu.wait_indirect_dma semaphore(%run_scoped3A_436 : memref<!tpu.dma_semaphore, #tpu.memory_space<semaphore_mem>>) src(%arg12 : memref<64x128xf32, #tpu.memory_space<vmem>>) dst(%dma_wait3A_448 : memref<10240x128xf32, #tpu.memory_space<vmem_shared>>)
        tpu.yield
      }) : () -> ()
      %add3A_402 = arith.constant 4 : i32
      %add3A_403 = arith.addi %add3A_275, %add3A_402 : i32
      %add3A_404 = arith.constant 3 : i32
      %add3A_405 = arith.addi %add3A_403, %add3A_404 : i32
      %jit3A_406 = arith.constant 2 : i32
      %div3A_407 = arith.divsi %add3A_405, %jit3A_406 : i32
      %sign3A_408 = arith.constant 0 : i32
      %sign3A_409 = arith.cmpi sgt, %add3A_405, %sign3A_408 : i32
      %sign3A_410 = arith.extui %sign3A_409 : i1 to i32
      %sign3A_411 = arith.constant 0 : i32
      %sign3A_412 = arith.cmpi slt, %add3A_405, %sign3A_411 : i32
      %sign3A_413 = arith.extui %sign3A_412 : i1 to i32
      %sign3A_414 = arith.subi %sign3A_410, %sign3A_413 : i32
      %sign3A_415 = arith.constant 0 : i32
      %sign3A_416 = arith.cmpi sgt, %jit3A_406, %sign3A_415 : i32
      %sign3A_417 = arith.extui %sign3A_416 : i1 to i32
      %sign3A_418 = arith.constant 0 : i32
      %sign3A_419 = arith.cmpi slt, %jit3A_406, %sign3A_418 : i32
      %sign3A_420 = arith.extui %sign3A_419 : i1 to i32
      %sign3A_421 = arith.subi %sign3A_417, %sign3A_420 : i32
      %ne3A_422 = arith.cmpi ne, %sign3A_414, %sign3A_421 : i32
      %rem3A_423 = arith.remsi %add3A_405, %jit3A_406 : i32
      %ne3A_424 = arith.constant 0 : i32
      %ne3A_425 = arith.cmpi ne, %rem3A_423, %ne3A_424 : i32
      %and3A_426 = arith.andi %ne3A_422, %ne3A_425 : i1
      %sub3A_427 = arith.constant 1 : i32
      %sub3A_428 = arith.subi %div3A_407, %sub3A_427 : i32
      %select_n3A_429 = arith.select %and3A_426, %sub3A_428, %div3A_407 : i32
      %dma_start3A_430 = arith.constant 64 : i32
      %dma_start3A_431 = tpu.memref_slice %arg7[%select_n3A_429, %dma_start3A_430] : memref<40x128xi32, #tpu.memory_space<vmem>> -> memref<1x64xi32, #tpu.memory_space<vmem>>
      %dma_start3A_432 = tpu.memref_squeeze %dma_start3A_431 : memref<1x64xi32, #tpu.memory_space<vmem>> -> memref<64xi32, #tpu.memory_space<vmem>>
      %dma_start3A_433 = arith.constant 0 : i32
      %dma_start3A_434 = arith.constant 0 : i32
      %dma_start3A_435 = tpu.memref_slice %arg2[%dma_start3A_433, %dma_start3A_434] : memref<10000x128xf32, #tpu.memory_space<hbm>> -> memref<10000x128xf32, #tpu.memory_space<hbm>>
      tpu.enqueue_indirect_dma source(%dma_start3A_435 : memref<10000x128xf32, #tpu.memory_space<hbm>>) target(%arg12 : memref<64x128xf32, #tpu.memory_space<vmem>>) offsets(%dma_start3A_432 : memref<64xi32, #tpu.memory_space<vmem>>) semaphore(%arg16 : memref<!tpu.dma_semaphore, #tpu.memory_space<semaphore_mem>>)
    }
    %scan3A_235 = arith.constant 19 : i32
    %dma_wait3A_236 = arith.constant 0 : i32
    %dma_wait3A_237 = arith.constant 0 : i32
    %dma_wait3A_238 = tpu.memref_slice %arg2[%dma_wait3A_236, %dma_wait3A_237] : memref<10000x128xf32, #tpu.memory_space<hbm>> -> memref<64x128xf32, #tpu.memory_space<hbm>>
    %dma_wait3A_239 = arith.constant 0 : i32
    %dma_wait3A_240 = arith.constant 0 : i32
    %dma_wait3A_241 = tpu.memref_slice %arg2[%dma_wait3A_239, %dma_wait3A_240] : memref<10000x128xf32, #tpu.memory_space<hbm>> -> memref<64x128xf32, #tpu.memory_space<hbm>>
    tpu.wait_dma2 semaphore(%arg13 : memref<!tpu.dma_semaphore, #tpu.memory_space<semaphore_mem>>) src(%dma_wait3A_241 : memref<64x128xf32, #tpu.memory_space<hbm>>) dst(%arg9 : memref<64x128xf32, #tpu.memory_space<vmem>>)
    %run_scoped3A_242 = arith.constant 76 : i32
    "tpu.region"() ({
      %run_scoped3A_271 = tpu.sem_alloc : memref<!tpu.dma_semaphore, #tpu.memory_space<semaphore_mem>>
      %dma_start3A_272 = arith.constant 0 : i32
      %dma_start3A_273 = tpu.memref_slice %arg8[%run_scoped3A_242, %dma_start3A_272] : memref<80x64xi32, #tpu.memory_space<vmem>> -> memref<1x64xi32, #tpu.memory_space<vmem>>
      %dma_start3A_274 = tpu.memref_squeeze %dma_start3A_273 : memref<1x64xi32, #tpu.memory_space<vmem>> -> memref<64xi32, #tpu.memory_space<vmem>>
      %dma_start3A_275 = arith.constant 0 : i32
      %dma_start3A_276 = arith.constant 0 : i32
      %dma_start3A_277 = tpu.memref_slice %arg6[%dma_start3A_275, %dma_start3A_276] : memref<10240x128xf32, #tpu.memory_space<vmem_shared>> -> memref<10240x128xf32, #tpu.memory_space<vmem_shared>>
      tpu.enqueue_indirect_dma source(%arg9 : memref<64x128xf32, #tpu.memory_space<vmem>>) target(%dma_start3A_277 : memref<10240x128xf32, #tpu.memory_space<vmem_shared>>) offsets(%dma_start3A_274 : memref<64xi32, #tpu.memory_space<vmem>>) semaphore(%run_scoped3A_271 : memref<!tpu.dma_semaphore, #tpu.memory_space<semaphore_mem>>) {add = true}
      %dma_wait3A_278 = arith.constant 0 : i32
      %dma_wait3A_279 = tpu.memref_slice %arg8[%run_scoped3A_242, %dma_wait3A_278] : memref<80x64xi32, #tpu.memory_space<vmem>> -> memref<1x64xi32, #tpu.memory_space<vmem>>
      %dma_wait3A_280 = tpu.memref_squeeze %dma_wait3A_279 : memref<1x64xi32, #tpu.memory_space<vmem>> -> memref<64xi32, #tpu.memory_space<vmem>>
      %dma_wait3A_281 = arith.constant 0 : i32
      %dma_wait3A_282 = arith.constant 0 : i32
      %dma_wait3A_283 = tpu.memref_slice %arg6[%dma_wait3A_281, %dma_wait3A_282] : memref<10240x128xf32, #tpu.memory_space<vmem_shared>> -> memref<10240x128xf32, #tpu.memory_space<vmem_shared>>
      tpu.wait_indirect_dma semaphore(%run_scoped3A_271 : memref<!tpu.dma_semaphore, #tpu.memory_space<semaphore_mem>>) src(%arg9 : memref<64x128xf32, #tpu.memory_space<vmem>>) dst(%dma_wait3A_283 : memref<10240x128xf32, #tpu.memory_space<vmem_shared>>)
      tpu.yield
    }) : () -> ()
    %dma_wait3A_243 = arith.constant 0 : i32
    %dma_wait3A_244 = arith.constant 0 : i32
    %dma_wait3A_245 = tpu.memref_slice %arg2[%dma_wait3A_243, %dma_wait3A_244] : memref<10000x128xf32, #tpu.memory_space<hbm>> -> memref<64x128xf32, #tpu.memory_space<hbm>>
    %dma_wait3A_246 = arith.constant 0 : i32
    %dma_wait3A_247 = arith.constant 0 : i32
    %dma_wait3A_248 = tpu.memref_slice %arg2[%dma_wait3A_246, %dma_wait3A_247] : memref<10000x128xf32, #tpu.memory_space<hbm>> -> memref<64x128xf32, #tpu.memory_space<hbm>>
    tpu.wait_dma2 semaphore(%arg14 : memref<!tpu.dma_semaphore, #tpu.memory_space<semaphore_mem>>) src(%dma_wait3A_248 : memref<64x128xf32, #tpu.memory_space<hbm>>) dst(%arg10 : memref<64x128xf32, #tpu.memory_space<vmem>>)
    %run_scoped3A_249 = arith.constant 77 : i32
    "tpu.region"() ({
      %run_scoped3A_271 = tpu.sem_alloc : memref<!tpu.dma_semaphore, #tpu.memory_space<semaphore_mem>>
      %dma_start3A_272 = arith.constant 0 : i32
      %dma_start3A_273 = tpu.memref_slice %arg8[%run_scoped3A_249, %dma_start3A_272] : memref<80x64xi32, #tpu.memory_space<vmem>> -> memref<1x64xi32, #tpu.memory_space<vmem>>
      %dma_start3A_274 = tpu.memref_squeeze %dma_start3A_273 : memref<1x64xi32, #tpu.memory_space<vmem>> -> memref<64xi32, #tpu.memory_space<vmem>>
      %dma_start3A_275 = arith.constant 0 : i32
      %dma_start3A_276 = arith.constant 0 : i32
      %dma_start3A_277 = tpu.memref_slice %arg6[%dma_start3A_275, %dma_start3A_276] : memref<10240x128xf32, #tpu.memory_space<vmem_shared>> -> memref<10240x128xf32, #tpu.memory_space<vmem_shared>>
      tpu.enqueue_indirect_dma source(%arg10 : memref<64x128xf32, #tpu.memory_space<vmem>>) target(%dma_start3A_277 : memref<10240x128xf32, #tpu.memory_space<vmem_shared>>) offsets(%dma_start3A_274 : memref<64xi32, #tpu.memory_space<vmem>>) semaphore(%run_scoped3A_271 : memref<!tpu.dma_semaphore, #tpu.memory_space<semaphore_mem>>) {add = true}
      %dma_wait3A_278 = arith.constant 0 : i32
      %dma_wait3A_279 = tpu.memref_slice %arg8[%run_scoped3A_249, %dma_wait3A_278] : memref<80x64xi32, #tpu.memory_space<vmem>> -> memref<1x64xi32, #tpu.memory_space<vmem>>
      %dma_wait3A_280 = tpu.memref_squeeze %dma_wait3A_279 : memref<1x64xi32, #tpu.memory_space<vmem>> -> memref<64xi32, #tpu.memory_space<vmem>>
      %dma_wait3A_281 = arith.constant 0 : i32
      %dma_wait3A_282 = arith.constant 0 : i32
      %dma_wait3A_283 = tpu.memref_slice %arg6[%dma_wait3A_281, %dma_wait3A_282] : memref<10240x128xf32, #tpu.memory_space<vmem_shared>> -> memref<10240x128xf32, #tpu.memory_space<vmem_shared>>
      tpu.wait_indirect_dma semaphore(%run_scoped3A_271 : memref<!tpu.dma_semaphore, #tpu.memory_space<semaphore_mem>>) src(%arg10 : memref<64x128xf32, #tpu.memory_space<vmem>>) dst(%dma_wait3A_283 : memref<10240x128xf32, #tpu.memory_space<vmem_shared>>)
      tpu.yield
    }) : () -> ()
    %dma_wait3A_250 = arith.constant 0 : i32
    %dma_wait3A_251 = arith.constant 0 : i32
    %dma_wait3A_252 = tpu.memref_slice %arg2[%dma_wait3A_250, %dma_wait3A_251] : memref<10000x128xf32, #tpu.memory_space<hbm>> -> memref<64x128xf32, #tpu.memory_space<hbm>>
    %dma_wait3A_253 = arith.constant 0 : i32
    %dma_wait3A_254 = arith.constant 0 : i32
    %dma_wait3A_255 = tpu.memref_slice %arg2[%dma_wait3A_253, %dma_wait3A_254] : memref<10000x128xf32, #tpu.memory_space<hbm>> -> memref<64x128xf32, #tpu.memory_space<hbm>>
    tpu.wait_dma2 semaphore(%arg15 : memref<!tpu.dma_semaphore, #tpu.memory_space<semaphore_mem>>) src(%dma_wait3A_255 : memref<64x128xf32, #tpu.memory_space<hbm>>) dst(%arg11 : memref<64x128xf32, #tpu.memory_space<vmem>>)
    %run_scoped3A_256 = arith.constant 78 : i32
    "tpu.region"() ({
      %run_scoped3A_271 = tpu.sem_alloc : memref<!tpu.dma_semaphore, #tpu.memory_space<semaphore_mem>>
      %dma_start3A_272 = arith.constant 0 : i32
      %dma_start3A_273 = tpu.memref_slice %arg8[%run_scoped3A_256, %dma_start3A_272] : memref<80x64xi32, #tpu.memory_space<vmem>> -> memref<1x64xi32, #tpu.memory_space<vmem>>
      %dma_start3A_274 = tpu.memref_squeeze %dma_start3A_273 : memref<1x64xi32, #tpu.memory_space<vmem>> -> memref<64xi32, #tpu.memory_space<vmem>>
      %dma_start3A_275 = arith.constant 0 : i32
      %dma_start3A_276 = arith.constant 0 : i32
      %dma_start3A_277 = tpu.memref_slice %arg6[%dma_start3A_275, %dma_start3A_276] : memref<10240x128xf32, #tpu.memory_space<vmem_shared>> -> memref<10240x128xf32, #tpu.memory_space<vmem_shared>>
      tpu.enqueue_indirect_dma source(%arg11 : memref<64x128xf32, #tpu.memory_space<vmem>>) target(%dma_start3A_277 : memref<10240x128xf32, #tpu.memory_space<vmem_shared>>) offsets(%dma_start3A_274 : memref<64xi32, #tpu.memory_space<vmem>>) semaphore(%run_scoped3A_271 : memref<!tpu.dma_semaphore, #tpu.memory_space<semaphore_mem>>) {add = true}
      %dma_wait3A_278 = arith.constant 0 : i32
      %dma_wait3A_279 = tpu.memref_slice %arg8[%run_scoped3A_256, %dma_wait3A_278] : memref<80x64xi32, #tpu.memory_space<vmem>> -> memref<1x64xi32, #tpu.memory_space<vmem>>
      %dma_wait3A_280 = tpu.memref_squeeze %dma_wait3A_279 : memref<1x64xi32, #tpu.memory_space<vmem>> -> memref<64xi32, #tpu.memory_space<vmem>>
      %dma_wait3A_281 = arith.constant 0 : i32
      %dma_wait3A_282 = arith.constant 0 : i32
      %dma_wait3A_283 = tpu.memref_slice %arg6[%dma_wait3A_281, %dma_wait3A_282] : memref<10240x128xf32, #tpu.memory_space<vmem_shared>> -> memref<10240x128xf32, #tpu.memory_space<vmem_shared>>
      tpu.wait_indirect_dma semaphore(%run_scoped3A_271 : memref<!tpu.dma_semaphore, #tpu.memory_space<semaphore_mem>>) src(%arg11 : memref<64x128xf32, #tpu.memory_space<vmem>>) dst(%dma_wait3A_283 : memref<10240x128xf32, #tpu.memory_space<vmem_shared>>)
      tpu.yield
    }) : () -> ()
    %dma_wait3A_257 = arith.constant 0 : i32
    %dma_wait3A_258 = arith.constant 0 : i32
    %dma_wait3A_259 = tpu.memref_slice %arg2[%dma_wait3A_257, %dma_wait3A_258] : memref<10000x128xf32, #tpu.memory_space<hbm>> -> memref<64x128xf32, #tpu.memory_space<hbm>>
    %dma_wait3A_260 = arith.constant 0 : i32
    %dma_wait3A_261 = arith.constant 0 : i32
    %dma_wait3A_262 = tpu.memref_slice %arg2[%dma_wait3A_260, %dma_wait3A_261] : memref<10000x128xf32, #tpu.memory_space<hbm>> -> memref<64x128xf32, #tpu.memory_space<hbm>>
    tpu.wait_dma2 semaphore(%arg16 : memref<!tpu.dma_semaphore, #tpu.memory_space<semaphore_mem>>) src(%dma_wait3A_262 : memref<64x128xf32, #tpu.memory_space<hbm>>) dst(%arg12 : memref<64x128xf32, #tpu.memory_space<vmem>>)
    %run_scoped3A_263 = arith.constant 79 : i32
    "tpu.region"() ({
      %run_scoped3A_271 = tpu.sem_alloc : memref<!tpu.dma_semaphore, #tpu.memory_space<semaphore_mem>>
      %dma_start3A_272 = arith.constant 0 : i32
      %dma_start3A_273 = tpu.memref_slice %arg8[%run_scoped3A_263, %dma_start3A_272] : memref<80x64xi32, #tpu.memory_space<vmem>> -> memref<1x64xi32, #tpu.memory_space<vmem>>
      %dma_start3A_274 = tpu.memref_squeeze %dma_start3A_273 : memref<1x64xi32, #tpu.memory_space<vmem>> -> memref<64xi32, #tpu.memory_space<vmem>>
      %dma_start3A_275 = arith.constant 0 : i32
      %dma_start3A_276 = arith.constant 0 : i32
      %dma_start3A_277 = tpu.memref_slice %arg6[%dma_start3A_275, %dma_start3A_276] : memref<10240x128xf32, #tpu.memory_space<vmem_shared>> -> memref<10240x128xf32, #tpu.memory_space<vmem_shared>>
      tpu.enqueue_indirect_dma source(%arg12 : memref<64x128xf32, #tpu.memory_space<vmem>>) target(%dma_start3A_277 : memref<10240x128xf32, #tpu.memory_space<vmem_shared>>) offsets(%dma_start3A_274 : memref<64xi32, #tpu.memory_space<vmem>>) semaphore(%run_scoped3A_271 : memref<!tpu.dma_semaphore, #tpu.memory_space<semaphore_mem>>) {add = true}
      %dma_wait3A_278 = arith.constant 0 : i32
      %dma_wait3A_279 = tpu.memref_slice %arg8[%run_scoped3A_263, %dma_wait3A_278] : memref<80x64xi32, #tpu.memory_space<vmem>> -> memref<1x64xi32, #tpu.memory_space<vmem>>
      %dma_wait3A_280 = tpu.memref_squeeze %dma_wait3A_279 : memref<1x64xi32, #tpu.memory_space<vmem>> -> memref<64xi32, #tpu.memory_space<vmem>>
      %dma_wait3A_281 = arith.constant 0 : i32
      %dma_wait3A_282 = arith.constant 0 : i32
      %dma_wait3A_283 = tpu.memref_slice %arg6[%dma_wait3A_281, %dma_wait3A_282] : memref<10240x128xf32, #tpu.memory_space<vmem_shared>> -> memref<10240x128xf32, #tpu.memory_space<vmem_shared>>
      tpu.wait_indirect_dma semaphore(%run_scoped3A_271 : memref<!tpu.dma_semaphore, #tpu.memory_space<semaphore_mem>>) src(%arg12 : memref<64x128xf32, #tpu.memory_space<vmem>>) dst(%dma_wait3A_283 : memref<10240x128xf32, #tpu.memory_space<vmem_shared>>)
      tpu.yield
    }) : () -> ()
    %barrier3A_264 = arith.constant 0 : index
    tpu.barrier barrier_id(%barrier3A_264)
    %mul3A_265 = arith.constant 624 : i32
    %mul3A_266 = arith.muli %arg1, %mul3A_265 : i32
    %mul3A_267 = arith.constant 624 : i32
    %mul3A_268 = arith.muli %arg1, %mul3A_267 : i32
    "tpu.region"() ({
      %run_scoped3A_271 = tpu.sem_alloc : memref<!tpu.dma_semaphore, #tpu.memory_space<semaphore_mem>>
      %dma_start3A_272 = arith.constant 0 : i32
      %dma_start3A_273 = tpu.memref_slice %arg5[%arg0, %mul3A_268, %dma_start3A_272] : memref<2x10000x128xf32, #tpu.memory_space<hbm>> -> memref<1x624x128xf32, #tpu.memory_space<hbm>>
      %dma_start3A_274 = tpu.memref_squeeze %dma_start3A_273 : memref<1x624x128xf32, #tpu.memory_space<hbm>> -> memref<624x128xf32, #tpu.memory_space<hbm>>
      %dma_start3A_275 = arith.constant 0 : i32
      %dma_start3A_276 = tpu.memref_slice %arg6[%mul3A_266, %dma_start3A_275] : memref<10240x128xf32, #tpu.memory_space<vmem_shared>> -> memref<624x128xf32, #tpu.memory_space<vmem_shared>>
      tpu.enqueue_dma source(%dma_start3A_276 : memref<624x128xf32, #tpu.memory_space<vmem_shared>>) target(%dma_start3A_274 : memref<624x128xf32, #tpu.memory_space<hbm>>) target_semaphore(%run_scoped3A_271 : memref<!tpu.dma_semaphore, #tpu.memory_space<semaphore_mem>>)
      %dma_wait3A_277 = arith.constant 0 : i32
      %dma_wait3A_278 = tpu.memref_slice %arg5[%arg0, %mul3A_268, %dma_wait3A_277] : memref<2x10000x128xf32, #tpu.memory_space<hbm>> -> memref<1x624x128xf32, #tpu.memory_space<hbm>>
      %dma_wait3A_279 = tpu.memref_squeeze %dma_wait3A_278 : memref<1x624x128xf32, #tpu.memory_space<hbm>> -> memref<624x128xf32, #tpu.memory_space<hbm>>
      %dma_wait3A_280 = arith.constant 0 : i32
      %dma_wait3A_281 = tpu.memref_slice %arg6[%mul3A_266, %dma_wait3A_280] : memref<10240x128xf32, #tpu.memory_space<vmem_shared>> -> memref<624x128xf32, #tpu.memory_space<vmem_shared>>
      tpu.wait_dma2 semaphore(%run_scoped3A_271 : memref<!tpu.dma_semaphore, #tpu.memory_space<semaphore_mem>>) src(%dma_wait3A_281 : memref<624x128xf32, #tpu.memory_space<vmem_shared>>) dst(%dma_wait3A_279 : memref<624x128xf32, #tpu.memory_space<hbm>>)
      tpu.yield
    }) : () -> ()
    %eq3A = arith.constant 0 : i32
    %eq3A_269 = arith.cmpi eq, %arg1, %eq3A : i32
    %convert_element_type3A = arith.extui %eq3A_269 : i1 to i32
    %cond3A = arith.constant 0 : i32
    %cond3A_270 = arith.cmpi ne, %convert_element_type3A, %cond3A : i32
    scf.if %cond3A_270 {
      "tpu.region"() ({
        %run_scoped3A_271 = tpu.sem_alloc : memref<!tpu.dma_semaphore, #tpu.memory_space<semaphore_mem>>
        %dma_start3A_272 = arith.constant 9984 : i32
        %dma_start3A_273 = arith.constant 0 : i32
        %dma_start3A_274 = tpu.memref_slice %arg5[%arg0, %dma_start3A_272, %dma_start3A_273] : memref<2x10000x128xf32, #tpu.memory_space<hbm>> -> memref<1x16x128xf32, #tpu.memory_space<hbm>>
        %dma_start3A_275 = tpu.memref_squeeze %dma_start3A_274 : memref<1x16x128xf32, #tpu.memory_space<hbm>> -> memref<16x128xf32, #tpu.memory_space<hbm>>
        %dma_start3A_276 = arith.constant 9984 : i32
        %dma_start3A_277 = arith.constant 0 : i32
        %dma_start3A_278 = tpu.memref_slice %arg6[%dma_start3A_276, %dma_start3A_277] : memref<10240x128xf32, #tpu.memory_space<vmem_shared>> -> memref<16x128xf32, #tpu.memory_space<vmem_shared>>
        tpu.enqueue_dma source(%dma_start3A_278 : memref<16x128xf32, #tpu.memory_space<vmem_shared>>) target(%dma_start3A_275 : memref<16x128xf32, #tpu.memory_space<hbm>>) target_semaphore(%run_scoped3A_271 : memref<!tpu.dma_semaphore, #tpu.memory_space<semaphore_mem>>)
        %dma_wait3A_279 = arith.constant 9984 : i32
        %dma_wait3A_280 = arith.constant 0 : i32
        %dma_wait3A_281 = tpu.memref_slice %arg5[%arg0, %dma_wait3A_279, %dma_wait3A_280] : memref<2x10000x128xf32, #tpu.memory_space<hbm>> -> memref<1x16x128xf32, #tpu.memory_space<hbm>>
        %dma_wait3A_282 = tpu.memref_squeeze %dma_wait3A_281 : memref<1x16x128xf32, #tpu.memory_space<hbm>> -> memref<16x128xf32, #tpu.memory_space<hbm>>
        %dma_wait3A_283 = arith.constant 9984 : i32
        %dma_wait3A_284 = arith.constant 0 : i32
        %dma_wait3A_285 = tpu.memref_slice %arg6[%dma_wait3A_283, %dma_wait3A_284] : memref<10240x128xf32, #tpu.memory_space<vmem_shared>> -> memref<16x128xf32, #tpu.memory_space<vmem_shared>>
        tpu.wait_dma2 semaphore(%run_scoped3A_271 : memref<!tpu.dma_semaphore, #tpu.memory_space<semaphore_mem>>) src(%dma_wait3A_285 : memref<16x128xf32, #tpu.memory_space<vmem_shared>>) dst(%dma_wait3A_282 : memref<16x128xf32, #tpu.memory_space<hbm>>)
        tpu.yield
      }) : () -> ()
    } else {
    }
    return
  }
}

#map = affine_map<(d0, d1) -> (0, 0)>
#map1 = affine_map<(d0, d1) -> (0, 0, 0)>
module attributes {stable_mosaic.version = 14 : i64} {
  func.func @agg(%arg0: i32, %arg1: i32, %arg2: memref<10000x128xf32, #tpu.memory_space<hbm>>, %arg3: memref<32x80x128xi32, #tpu.memory_space<hbm>>, %arg4: memref<32x160x64xi32, #tpu.memory_space<hbm>>, %arg5: memref<2x10000x128xf32, #tpu.memory_space<hbm>>, %arg6: memref<10240x128xf32, #tpu.memory_space<vmem_shared>>, %arg7: memref<40x128xi32, #tpu.memory_space<vmem>>, %arg8: memref<80x64xi32, #tpu.memory_space<vmem>>, %arg9: memref<64x128xf32, #tpu.memory_space<vmem>>, %arg10: memref<64x128xf32, #tpu.memory_space<vmem>>, %arg11: memref<64x128xf32, #tpu.memory_space<vmem>>, %arg12: memref<64x128xf32, #tpu.memory_space<vmem>>, %arg13: memref<!tpu.dma_semaphore, #tpu.memory_space<semaphore_mem>>, %arg14: memref<!tpu.dma_semaphore, #tpu.memory_space<semaphore_mem>>, %arg15: memref<!tpu.dma_semaphore, #tpu.memory_space<semaphore_mem>>, %arg16: memref<!tpu.dma_semaphore, #tpu.memory_space<semaphore_mem>>) attributes {dimension_semantics = [#tpu.dimension_semantics<core_parallel>, #tpu.dimension_semantics<subcore_parallel>], iteration_bounds = array<i64: 2, 16>, scalar_prefetch = 0 : i64, scratch_operands = 11 : i64, tpu.core_type = #tpu.core_type<sc_vector_subcore>, window_params = [{transform_indices = #map}, {transform_indices = #map1}, {transform_indices = #map1}, {transform_indices = #map1}]} {
    %mul3A = arith.constant 16 : i32
    %mul3A_0 = arith.muli %arg0, %mul3A : i32
    %add3A = arith.addi %mul3A_0, %arg1 : i32
    %scan3A = arith.constant 0 : i32
    %scan3A_1 = arith.constant 64 : i32
    %scan3A_2 = arith.addi %scan3A, %scan3A_1 : i32
    %scan3A_3 = arith.constant 1 : i32
    scf.for %scan3A_271 = %scan3A to %scan3A_2 step %scan3A_3  : i32 {
      %mul3A_272 = arith.constant 1 : i32
      %mul3A_273 = arith.muli %scan3A_271, %mul3A_272 : i32
      %add3A_274 = arith.constant 0 : i32
      %add3A_275 = arith.addi %add3A_274, %mul3A_273 : i32
      %scan3A_276 = arith.constant 0 : i32
      %scan3A_277 = arith.constant 8 : i32
      %scan3A_278 = arith.addi %scan3A_276, %scan3A_277 : i32
      %scan3A_279 = arith.constant 1 : i32
      scf.for %scan3A_281 = %scan3A_276 to %scan3A_278 step %scan3A_279  : i32 {
        %mul3A_282 = arith.constant 16 : i32
        %mul3A_283 = arith.muli %scan3A_281, %mul3A_282 : i32
        %add3A_284 = arith.constant 0 : i32
        %add3A_285 = arith.addi %add3A_284, %mul3A_283 : i32
        %broadcast_in_dim3A = arith.constant 0.000000e+00 : f32
        %broadcast_in_dim3A_286 = vector.broadcast %broadcast_in_dim3A : f32 to vector<16xf32>
        %swap3A = arith.index_cast %add3A_275 : i32 to index
        %swap3A_287 = arith.index_cast %add3A_285 : i32 to index
        %swap3A_288 = tpu.vector_load %arg9[%swap3A, %swap3A_287] {strides = array<i32>} : memref<64x128xf32, #tpu.memory_space<vmem>>, vector<1x16xf32>,
        %swap3A_289 = vector.shape_cast %swap3A_288 : vector<1x16xf32> to vector<16xf32>
        %swap3A_290 = vector.shape_cast %broadcast_in_dim3A_286 : vector<16xf32> to vector<1x16xf32>
        tpu.vector_store %arg9[%swap3A, %swap3A_287], %swap3A_290 {strides = array<i32>} : memref<64x128xf32, #tpu.memory_space<vmem>>, vector<1x16xf32>,
      }
      %scan3A_280 = arith.constant 8 : i32
    }
    %scan3A_4 = arith.constant 64 : i32
    %mul3A_5 = arith.constant 640 : i32
    %mul3A_6 = arith.muli %arg1, %mul3A_5 : i32
    %add3A_7 = arith.constant 0 : i32
    %add3A_8 = arith.addi %mul3A_6, %add3A_7 : i32
    %dma_start3A = arith.constant 0 : i32
    %dma_start3A_9 = tpu.memref_slice %arg6[%add3A_8, %dma_start3A] : memref<10240x128xf32, #tpu.memory_space<vmem_shared>> -> memref<64x128xf32, #tpu.memory_space<vmem_shared>>
    %dma_start3A_10 = arith.constant 0 : i32
    %dma_start3A_11 = tpu.memref_slice %arg6[%add3A_8, %dma_start3A_10] : memref<10240x128xf32, #tpu.memory_space<vmem_shared>> -> memref<64x128xf32, #tpu.memory_space<vmem_shared>>
    tpu.enqueue_dma source(%arg9 : memref<64x128xf32, #tpu.memory_space<vmem>>) target(%dma_start3A_11 : memref<64x128xf32, #tpu.memory_space<vmem_shared>>) target_semaphore(%arg13 : memref<!tpu.dma_semaphore, #tpu.memory_space<semaphore_mem>>)
    %mul3A_12 = arith.constant 640 : i32
    %mul3A_13 = arith.muli %arg1, %mul3A_12 : i32
    %add3A_14 = arith.constant 64 : i32
    %add3A_15 = arith.addi %mul3A_13, %add3A_14 : i32
    %dma_start3A_16 = arith.constant 0 : i32
    %dma_start3A_17 = tpu.memref_slice %arg6[%add3A_15, %dma_start3A_16] : memref<10240x128xf32, #tpu.memory_space<vmem_shared>> -> memref<64x128xf32, #tpu.memory_space<vmem_shared>>
    %dma_start3A_18 = arith.constant 0 : i32
    %dma_start3A_19 = tpu.memref_slice %arg6[%add3A_15, %dma_start3A_18] : memref<10240x128xf32, #tpu.memory_space<vmem_shared>> -> memref<64x128xf32, #tpu.memory_space<vmem_shared>>
    tpu.enqueue_dma source(%arg9 : memref<64x128xf32, #tpu.memory_space<vmem>>) target(%dma_start3A_19 : memref<64x128xf32, #tpu.memory_space<vmem_shared>>) target_semaphore(%arg14 : memref<!tpu.dma_semaphore, #tpu.memory_space<semaphore_mem>>)
    %mul3A_20 = arith.constant 640 : i32
    %mul3A_21 = arith.muli %arg1, %mul3A_20 : i32
    %add3A_22 = arith.constant 128 : i32
    %add3A_23 = arith.addi %mul3A_21, %add3A_22 : i32
    %dma_start3A_24 = arith.constant 0 : i32
    %dma_start3A_25 = tpu.memref_slice %arg6[%add3A_23, %dma_start3A_24] : memref<10240x128xf32, #tpu.memory_space<vmem_shared>> -> memref<64x128xf32, #tpu.memory_space<vmem_shared>>
    %dma_start3A_26 = arith.constant 0 : i32
    %dma_start3A_27 = tpu.memref_slice %arg6[%add3A_23, %dma_start3A_26] : memref<10240x128xf32, #tpu.memory_space<vmem_shared>> -> memref<64x128xf32, #tpu.memory_space<vmem_shared>>
    tpu.enqueue_dma source(%arg9 : memref<64x128xf32, #tpu.memory_space<vmem>>) target(%dma_start3A_27 : memref<64x128xf32, #tpu.memory_space<vmem_shared>>) target_semaphore(%arg15 : memref<!tpu.dma_semaphore, #tpu.memory_space<semaphore_mem>>)
    %mul3A_28 = arith.constant 640 : i32
    %mul3A_29 = arith.muli %arg1, %mul3A_28 : i32
    %add3A_30 = arith.constant 192 : i32
    %add3A_31 = arith.addi %mul3A_29, %add3A_30 : i32
    %dma_start3A_32 = arith.constant 0 : i32
    %dma_start3A_33 = tpu.memref_slice %arg6[%add3A_31, %dma_start3A_32] : memref<10240x128xf32, #tpu.memory_space<vmem_shared>> -> memref<64x128xf32, #tpu.memory_space<vmem_shared>>
    %dma_start3A_34 = arith.constant 0 : i32
    %dma_start3A_35 = tpu.memref_slice %arg6[%add3A_31, %dma_start3A_34] : memref<10240x128xf32, #tpu.memory_space<vmem_shared>> -> memref<64x128xf32, #tpu.memory_space<vmem_shared>>
    tpu.enqueue_dma source(%arg9 : memref<64x128xf32, #tpu.memory_space<vmem>>) target(%dma_start3A_35 : memref<64x128xf32, #tpu.memory_space<vmem_shared>>) target_semaphore(%arg16 : memref<!tpu.dma_semaphore, #tpu.memory_space<semaphore_mem>>)
    %mul3A_36 = arith.constant 640 : i32
    %mul3A_37 = arith.muli %arg1, %mul3A_36 : i32
    %add3A_38 = arith.constant 256 : i32
    %add3A_39 = arith.addi %mul3A_37, %add3A_38 : i32
    %dma_start3A_40 = arith.constant 0 : i32
    %dma_start3A_41 = tpu.memref_slice %arg6[%add3A_39, %dma_start3A_40] : memref<10240x128xf32, #tpu.memory_space<vmem_shared>> -> memref<64x128xf32, #tpu.memory_space<vmem_shared>>
    %dma_start3A_42 = arith.constant 0 : i32
    %dma_start3A_43 = tpu.memref_slice %arg6[%add3A_39, %dma_start3A_42] : memref<10240x128xf32, #tpu.memory_space<vmem_shared>> -> memref<64x128xf32, #tpu.memory_space<vmem_shared>>
    tpu.enqueue_dma source(%arg9 : memref<64x128xf32, #tpu.memory_space<vmem>>) target(%dma_start3A_43 : memref<64x128xf32, #tpu.memory_space<vmem_shared>>) target_semaphore(%arg13 : memref<!tpu.dma_semaphore, #tpu.memory_space<semaphore_mem>>)
    %mul3A_44 = arith.constant 640 : i32
    %mul3A_45 = arith.muli %arg1, %mul3A_44 : i32
    %add3A_46 = arith.constant 320 : i32
    %add3A_47 = arith.addi %mul3A_45, %add3A_46 : i32
    %dma_start3A_48 = arith.constant 0 : i32
    %dma_start3A_49 = tpu.memref_slice %arg6[%add3A_47, %dma_start3A_48] : memref<10240x128xf32, #tpu.memory_space<vmem_shared>> -> memref<64x128xf32, #tpu.memory_space<vmem_shared>>
    %dma_start3A_50 = arith.constant 0 : i32
    %dma_start3A_51 = tpu.memref_slice %arg6[%add3A_47, %dma_start3A_50] : memref<10240x128xf32, #tpu.memory_space<vmem_shared>> -> memref<64x128xf32, #tpu.memory_space<vmem_shared>>
    tpu.enqueue_dma source(%arg9 : memref<64x128xf32, #tpu.memory_space<vmem>>) target(%dma_start3A_51 : memref<64x128xf32, #tpu.memory_space<vmem_shared>>) target_semaphore(%arg14 : memref<!tpu.dma_semaphore, #tpu.memory_space<semaphore_mem>>)
    %mul3A_52 = arith.constant 640 : i32
    %mul3A_53 = arith.muli %arg1, %mul3A_52 : i32
    %add3A_54 = arith.constant 384 : i32
    %add3A_55 = arith.addi %mul3A_53, %add3A_54 : i32
    %dma_start3A_56 = arith.constant 0 : i32
    %dma_start3A_57 = tpu.memref_slice %arg6[%add3A_55, %dma_start3A_56] : memref<10240x128xf32, #tpu.memory_space<vmem_shared>> -> memref<64x128xf32, #tpu.memory_space<vmem_shared>>
    %dma_start3A_58 = arith.constant 0 : i32
    %dma_start3A_59 = tpu.memref_slice %arg6[%add3A_55, %dma_start3A_58] : memref<10240x128xf32, #tpu.memory_space<vmem_shared>> -> memref<64x128xf32, #tpu.memory_space<vmem_shared>>
    tpu.enqueue_dma source(%arg9 : memref<64x128xf32, #tpu.memory_space<vmem>>) target(%dma_start3A_59 : memref<64x128xf32, #tpu.memory_space<vmem_shared>>) target_semaphore(%arg15 : memref<!tpu.dma_semaphore, #tpu.memory_space<semaphore_mem>>)
    %mul3A_60 = arith.constant 640 : i32
    %mul3A_61 = arith.muli %arg1, %mul3A_60 : i32
    %add3A_62 = arith.constant 448 : i32
    %add3A_63 = arith.addi %mul3A_61, %add3A_62 : i32
    %dma_start3A_64 = arith.constant 0 : i32
    %dma_start3A_65 = tpu.memref_slice %arg6[%add3A_63, %dma_start3A_64] : memref<10240x128xf32, #tpu.memory_space<vmem_shared>> -> memref<64x128xf32, #tpu.memory_space<vmem_shared>>
    %dma_start3A_66 = arith.constant 0 : i32
    %dma_start3A_67 = tpu.memref_slice %arg6[%add3A_63, %dma_start3A_66] : memref<10240x128xf32, #tpu.memory_space<vmem_shared>> -> memref<64x128xf32, #tpu.memory_space<vmem_shared>>
    tpu.enqueue_dma source(%arg9 : memref<64x128xf32, #tpu.memory_space<vmem>>) target(%dma_start3A_67 : memref<64x128xf32, #tpu.memory_space<vmem_shared>>) target_semaphore(%arg16 : memref<!tpu.dma_semaphore, #tpu.memory_space<semaphore_mem>>)
    %mul3A_68 = arith.constant 640 : i32
    %mul3A_69 = arith.muli %arg1, %mul3A_68 : i32
    %add3A_70 = arith.constant 512 : i32
    %add3A_71 = arith.addi %mul3A_69, %add3A_70 : i32
    %dma_start3A_72 = arith.constant 0 : i32
    %dma_start3A_73 = tpu.memref_slice %arg6[%add3A_71, %dma_start3A_72] : memref<10240x128xf32, #tpu.memory_space<vmem_shared>> -> memref<64x128xf32, #tpu.memory_space<vmem_shared>>
    %dma_start3A_74 = arith.constant 0 : i32
    %dma_start3A_75 = tpu.memref_slice %arg6[%add3A_71, %dma_start3A_74] : memref<10240x128xf32, #tpu.memory_space<vmem_shared>> -> memref<64x128xf32, #tpu.memory_space<vmem_shared>>
    tpu.enqueue_dma source(%arg9 : memref<64x128xf32, #tpu.memory_space<vmem>>) target(%dma_start3A_75 : memref<64x128xf32, #tpu.memory_space<vmem_shared>>) target_semaphore(%arg13 : memref<!tpu.dma_semaphore, #tpu.memory_space<semaphore_mem>>)
    %mul3A_76 = arith.constant 640 : i32
    %mul3A_77 = arith.muli %arg1, %mul3A_76 : i32
    %add3A_78 = arith.constant 576 : i32
    %add3A_79 = arith.addi %mul3A_77, %add3A_78 : i32
    %dma_start3A_80 = arith.constant 0 : i32
    %dma_start3A_81 = tpu.memref_slice %arg6[%add3A_79, %dma_start3A_80] : memref<10240x128xf32, #tpu.memory_space<vmem_shared>> -> memref<64x128xf32, #tpu.memory_space<vmem_shared>>
    %dma_start3A_82 = arith.constant 0 : i32
    %dma_start3A_83 = tpu.memref_slice %arg6[%add3A_79, %dma_start3A_82] : memref<10240x128xf32, #tpu.memory_space<vmem_shared>> -> memref<64x128xf32, #tpu.memory_space<vmem_shared>>
    tpu.enqueue_dma source(%arg9 : memref<64x128xf32, #tpu.memory_space<vmem>>) target(%dma_start3A_83 : memref<64x128xf32, #tpu.memory_space<vmem_shared>>) target_semaphore(%arg14 : memref<!tpu.dma_semaphore, #tpu.memory_space<semaphore_mem>>)
    "tpu.region"() ({
      %run_scoped3A_271 = tpu.sem_alloc : memref<!tpu.dma_semaphore, #tpu.memory_space<semaphore_mem>>
      %dma_start3A_272 = arith.constant 0 : i32
      %dma_start3A_273 = arith.constant 0 : i32
      %dma_start3A_274 = tpu.memref_slice %arg3[%add3A, %dma_start3A_272, %dma_start3A_273] : memref<32x80x128xi32, #tpu.memory_space<hbm>> -> memref<1x40x128xi32, #tpu.memory_space<hbm>>
      %dma_start3A_275 = tpu.memref_squeeze %dma_start3A_274 : memref<1x40x128xi32, #tpu.memory_space<hbm>> -> memref<40x128xi32, #tpu.memory_space<hbm>>
      %dma_start3A_276 = arith.constant 0 : i32
      %dma_start3A_277 = arith.constant 0 : i32
      %dma_start3A_278 = tpu.memref_slice %arg3[%add3A, %dma_start3A_276, %dma_start3A_277] : memref<32x80x128xi32, #tpu.memory_space<hbm>> -> memref<1x40x128xi32, #tpu.memory_space<hbm>>
      %dma_start3A_279 = tpu.memref_squeeze %dma_start3A_278 : memref<1x40x128xi32, #tpu.memory_space<hbm>> -> memref<40x128xi32, #tpu.memory_space<hbm>>
      tpu.enqueue_dma source(%dma_start3A_279 : memref<40x128xi32, #tpu.memory_space<hbm>>) target(%arg7 : memref<40x128xi32, #tpu.memory_space<vmem>>) target_semaphore(%run_scoped3A_271 : memref<!tpu.dma_semaphore, #tpu.memory_space<semaphore_mem>>)
      %dma_wait3A_280 = arith.constant 0 : i32
      %dma_wait3A_281 = arith.constant 0 : i32
      %dma_wait3A_282 = tpu.memref_slice %arg3[%add3A, %dma_wait3A_280, %dma_wait3A_281] : memref<32x80x128xi32, #tpu.memory_space<hbm>> -> memref<1x40x128xi32, #tpu.memory_space<hbm>>
      %dma_wait3A_283 = tpu.memref_squeeze %dma_wait3A_282 : memref<1x40x128xi32, #tpu.memory_space<hbm>> -> memref<40x128xi32, #tpu.memory_space<hbm>>
      %dma_wait3A_284 = arith.constant 0 : i32
      %dma_wait3A_285 = arith.constant 0 : i32
      %dma_wait3A_286 = tpu.memref_slice %arg3[%add3A, %dma_wait3A_284, %dma_wait3A_285] : memref<32x80x128xi32, #tpu.memory_space<hbm>> -> memref<1x40x128xi32, #tpu.memory_space<hbm>>
      %dma_wait3A_287 = tpu.memref_squeeze %dma_wait3A_286 : memref<1x40x128xi32, #tpu.memory_space<hbm>> -> memref<40x128xi32, #tpu.memory_space<hbm>>
      tpu.wait_dma2 semaphore(%run_scoped3A_271 : memref<!tpu.dma_semaphore, #tpu.memory_space<semaphore_mem>>) src(%dma_wait3A_287 : memref<40x128xi32, #tpu.memory_space<hbm>>) dst(%arg7 : memref<40x128xi32, #tpu.memory_space<vmem>>)
      tpu.yield
    }) : () -> ()
    "tpu.region"() ({
      %run_scoped3A_271 = tpu.sem_alloc : memref<!tpu.dma_semaphore, #tpu.memory_space<semaphore_mem>>
      %dma_start3A_272 = arith.constant 0 : i32
      %dma_start3A_273 = arith.constant 0 : i32
      %dma_start3A_274 = tpu.memref_slice %arg4[%add3A, %dma_start3A_272, %dma_start3A_273] : memref<32x160x64xi32, #tpu.memory_space<hbm>> -> memref<1x80x64xi32, #tpu.memory_space<hbm>>
      %dma_start3A_275 = tpu.memref_squeeze %dma_start3A_274 : memref<1x80x64xi32, #tpu.memory_space<hbm>> -> memref<80x64xi32, #tpu.memory_space<hbm>>
      %dma_start3A_276 = arith.constant 0 : i32
      %dma_start3A_277 = arith.constant 0 : i32
      %dma_start3A_278 = tpu.memref_slice %arg4[%add3A, %dma_start3A_276, %dma_start3A_277] : memref<32x160x64xi32, #tpu.memory_space<hbm>> -> memref<1x80x64xi32, #tpu.memory_space<hbm>>
      %dma_start3A_279 = tpu.memref_squeeze %dma_start3A_278 : memref<1x80x64xi32, #tpu.memory_space<hbm>> -> memref<80x64xi32, #tpu.memory_space<hbm>>
      tpu.enqueue_dma source(%dma_start3A_279 : memref<80x64xi32, #tpu.memory_space<hbm>>) target(%arg8 : memref<80x64xi32, #tpu.memory_space<vmem>>) target_semaphore(%run_scoped3A_271 : memref<!tpu.dma_semaphore, #tpu.memory_space<semaphore_mem>>)
      %dma_wait3A_280 = arith.constant 0 : i32
      %dma_wait3A_281 = arith.constant 0 : i32
      %dma_wait3A_282 = tpu.memref_slice %arg4[%add3A, %dma_wait3A_280, %dma_wait3A_281] : memref<32x160x64xi32, #tpu.memory_space<hbm>> -> memref<1x80x64xi32, #tpu.memory_space<hbm>>
      %dma_wait3A_283 = tpu.memref_squeeze %dma_wait3A_282 : memref<1x80x64xi32, #tpu.memory_space<hbm>> -> memref<80x64xi32, #tpu.memory_space<hbm>>
      %dma_wait3A_284 = arith.constant 0 : i32
      %dma_wait3A_285 = arith.constant 0 : i32
      %dma_wait3A_286 = tpu.memref_slice %arg4[%add3A, %dma_wait3A_284, %dma_wait3A_285] : memref<32x160x64xi32, #tpu.memory_space<hbm>> -> memref<1x80x64xi32, #tpu.memory_space<hbm>>
      %dma_wait3A_287 = tpu.memref_squeeze %dma_wait3A_286 : memref<1x80x64xi32, #tpu.memory_space<hbm>> -> memref<80x64xi32, #tpu.memory_space<hbm>>
      tpu.wait_dma2 semaphore(%run_scoped3A_271 : memref<!tpu.dma_semaphore, #tpu.memory_space<semaphore_mem>>) src(%dma_wait3A_287 : memref<80x64xi32, #tpu.memory_space<hbm>>) dst(%arg8 : memref<80x64xi32, #tpu.memory_space<vmem>>)
      tpu.yield
    }) : () -> ()
    %dma_wait3A = arith.constant 0 : i32
    %dma_wait3A_84 = arith.constant 0 : i32
    %dma_wait3A_85 = tpu.memref_slice %arg2[%dma_wait3A, %dma_wait3A_84] : memref<10000x128xf32, #tpu.memory_space<hbm>> -> memref<64x128xf32, #tpu.memory_space<hbm>>
    %dma_wait3A_86 = arith.constant 0 : i32
    %dma_wait3A_87 = arith.constant 0 : i32
    %dma_wait3A_88 = tpu.memref_slice %arg2[%dma_wait3A_86, %dma_wait3A_87] : memref<10000x128xf32, #tpu.memory_space<hbm>> -> memref<64x128xf32, #tpu.memory_space<hbm>>
    tpu.wait_dma2 semaphore(%arg13 : memref<!tpu.dma_semaphore, #tpu.memory_space<semaphore_mem>>) src(%dma_wait3A_88 : memref<64x128xf32, #tpu.memory_space<hbm>>) dst(%arg9 : memref<64x128xf32, #tpu.memory_space<vmem>>)
    %dma_wait3A_89 = arith.constant 0 : i32
    %dma_wait3A_90 = arith.constant 0 : i32
    %dma_wait3A_91 = tpu.memref_slice %arg2[%dma_wait3A_89, %dma_wait3A_90] : memref<10000x128xf32, #tpu.memory_space<hbm>> -> memref<64x128xf32, #tpu.memory_space<hbm>>
    %dma_wait3A_92 = arith.constant 0 : i32
    %dma_wait3A_93 = arith.constant 0 : i32
    %dma_wait3A_94 = tpu.memref_slice %arg2[%dma_wait3A_92, %dma_wait3A_93] : memref<10000x128xf32, #tpu.memory_space<hbm>> -> memref<64x128xf32, #tpu.memory_space<hbm>>
    tpu.wait_dma2 semaphore(%arg14 : memref<!tpu.dma_semaphore, #tpu.memory_space<semaphore_mem>>) src(%dma_wait3A_94 : memref<64x128xf32, #tpu.memory_space<hbm>>) dst(%arg10 : memref<64x128xf32, #tpu.memory_space<vmem>>)
    %dma_wait3A_95 = arith.constant 0 : i32
    %dma_wait3A_96 = arith.constant 0 : i32
    %dma_wait3A_97 = tpu.memref_slice %arg2[%dma_wait3A_95, %dma_wait3A_96] : memref<10000x128xf32, #tpu.memory_space<hbm>> -> memref<64x128xf32, #tpu.memory_space<hbm>>
    %dma_wait3A_98 = arith.constant 0 : i32
    %dma_wait3A_99 = arith.constant 0 : i32
    %dma_wait3A_100 = tpu.memref_slice %arg2[%dma_wait3A_98, %dma_wait3A_99] : memref<10000x128xf32, #tpu.memory_space<hbm>> -> memref<64x128xf32, #tpu.memory_space<hbm>>
    tpu.wait_dma2 semaphore(%arg15 : memref<!tpu.dma_semaphore, #tpu.memory_space<semaphore_mem>>) src(%dma_wait3A_100 : memref<64x128xf32, #tpu.memory_space<hbm>>) dst(%arg11 : memref<64x128xf32, #tpu.memory_space<vmem>>)
    %dma_wait3A_101 = arith.constant 0 : i32
    %dma_wait3A_102 = arith.constant 0 : i32
    %dma_wait3A_103 = tpu.memref_slice %arg2[%dma_wait3A_101, %dma_wait3A_102] : memref<10000x128xf32, #tpu.memory_space<hbm>> -> memref<64x128xf32, #tpu.memory_space<hbm>>
    %dma_wait3A_104 = arith.constant 0 : i32
    %dma_wait3A_105 = arith.constant 0 : i32
    %dma_wait3A_106 = tpu.memref_slice %arg2[%dma_wait3A_104, %dma_wait3A_105] : memref<10000x128xf32, #tpu.memory_space<hbm>> -> memref<64x128xf32, #tpu.memory_space<hbm>>
    tpu.wait_dma2 semaphore(%arg16 : memref<!tpu.dma_semaphore, #tpu.memory_space<semaphore_mem>>) src(%dma_wait3A_106 : memref<64x128xf32, #tpu.memory_space<hbm>>) dst(%arg12 : memref<64x128xf32, #tpu.memory_space<vmem>>)
    %dma_wait3A_107 = arith.constant 0 : i32
    %dma_wait3A_108 = arith.constant 0 : i32
    %dma_wait3A_109 = tpu.memref_slice %arg2[%dma_wait3A_107, %dma_wait3A_108] : memref<10000x128xf32, #tpu.memory_space<hbm>> -> memref<64x128xf32, #tpu.memory_space<hbm>>
    %dma_wait3A_110 = arith.constant 0 : i32
    %dma_wait3A_111 = arith.constant 0 : i32
    %dma_wait3A_112 = tpu.memref_slice %arg2[%dma_wait3A_110, %dma_wait3A_111] : memref<10000x128xf32, #tpu.memory_space<hbm>> -> memref<64x128xf32, #tpu.memory_space<hbm>>
    tpu.wait_dma2 semaphore(%arg13 : memref<!tpu.dma_semaphore, #tpu.memory_space<semaphore_mem>>) src(%dma_wait3A_112 : memref<64x128xf32, #tpu.memory_space<hbm>>) dst(%arg9 : memref<64x128xf32, #tpu.memory_space<vmem>>)
    %dma_wait3A_113 = arith.constant 0 : i32
    %dma_wait3A_114 = arith.constant 0 : i32
    %dma_wait3A_115 = tpu.memref_slice %arg2[%dma_wait3A_113, %dma_wait3A_114] : memref<10000x128xf32, #tpu.memory_space<hbm>> -> memref<64x128xf32, #tpu.memory_space<hbm>>
    %dma_wait3A_116 = arith.constant 0 : i32
    %dma_wait3A_117 = arith.constant 0 : i32
    %dma_wait3A_118 = tpu.memref_slice %arg2[%dma_wait3A_116, %dma_wait3A_117] : memref<10000x128xf32, #tpu.memory_space<hbm>> -> memref<64x128xf32, #tpu.memory_space<hbm>>
    tpu.wait_dma2 semaphore(%arg14 : memref<!tpu.dma_semaphore, #tpu.memory_space<semaphore_mem>>) src(%dma_wait3A_118 : memref<64x128xf32, #tpu.memory_space<hbm>>) dst(%arg10 : memref<64x128xf32, #tpu.memory_space<vmem>>)
    %dma_wait3A_119 = arith.constant 0 : i32
    %dma_wait3A_120 = arith.constant 0 : i32
    %dma_wait3A_121 = tpu.memref_slice %arg2[%dma_wait3A_119, %dma_wait3A_120] : memref<10000x128xf32, #tpu.memory_space<hbm>> -> memref<64x128xf32, #tpu.memory_space<hbm>>
    %dma_wait3A_122 = arith.constant 0 : i32
    %dma_wait3A_123 = arith.constant 0 : i32
    %dma_wait3A_124 = tpu.memref_slice %arg2[%dma_wait3A_122, %dma_wait3A_123] : memref<10000x128xf32, #tpu.memory_space<hbm>> -> memref<64x128xf32, #tpu.memory_space<hbm>>
    tpu.wait_dma2 semaphore(%arg15 : memref<!tpu.dma_semaphore, #tpu.memory_space<semaphore_mem>>) src(%dma_wait3A_124 : memref<64x128xf32, #tpu.memory_space<hbm>>) dst(%arg11 : memref<64x128xf32, #tpu.memory_space<vmem>>)
    %dma_wait3A_125 = arith.constant 0 : i32
    %dma_wait3A_126 = arith.constant 0 : i32
    %dma_wait3A_127 = tpu.memref_slice %arg2[%dma_wait3A_125, %dma_wait3A_126] : memref<10000x128xf32, #tpu.memory_space<hbm>> -> memref<64x128xf32, #tpu.memory_space<hbm>>
    %dma_wait3A_128 = arith.constant 0 : i32
    %dma_wait3A_129 = arith.constant 0 : i32
    %dma_wait3A_130 = tpu.memref_slice %arg2[%dma_wait3A_128, %dma_wait3A_129] : memref<10000x128xf32, #tpu.memory_space<hbm>> -> memref<64x128xf32, #tpu.memory_space<hbm>>
    tpu.wait_dma2 semaphore(%arg16 : memref<!tpu.dma_semaphore, #tpu.memory_space<semaphore_mem>>) src(%dma_wait3A_130 : memref<64x128xf32, #tpu.memory_space<hbm>>) dst(%arg12 : memref<64x128xf32, #tpu.memory_space<vmem>>)
    %dma_wait3A_131 = arith.constant 0 : i32
    %dma_wait3A_132 = arith.constant 0 : i32
    %dma_wait3A_133 = tpu.memref_slice %arg2[%dma_wait3A_131, %dma_wait3A_132] : memref<10000x128xf32, #tpu.memory_space<hbm>> -> memref<64x128xf32, #tpu.memory_space<hbm>>
    %dma_wait3A_134 = arith.constant 0 : i32
    %dma_wait3A_135 = arith.constant 0 : i32
    %dma_wait3A_136 = tpu.memref_slice %arg2[%dma_wait3A_134, %dma_wait3A_135] : memref<10000x128xf32, #tpu.memory_space<hbm>> -> memref<64x128xf32, #tpu.memory_space<hbm>>
    tpu.wait_dma2 semaphore(%arg13 : memref<!tpu.dma_semaphore, #tpu.memory_space<semaphore_mem>>) src(%dma_wait3A_136 : memref<64x128xf32, #tpu.memory_space<hbm>>) dst(%arg9 : memref<64x128xf32, #tpu.memory_space<vmem>>)
    %dma_wait3A_137 = arith.constant 0 : i32
    %dma_wait3A_138 = arith.constant 0 : i32
    %dma_wait3A_139 = tpu.memref_slice %arg2[%dma_wait3A_137, %dma_wait3A_138] : memref<10000x128xf32, #tpu.memory_space<hbm>> -> memref<64x128xf32, #tpu.memory_space<hbm>>
    %dma_wait3A_140 = arith.constant 0 : i32
    %dma_wait3A_141 = arith.constant 0 : i32
    %dma_wait3A_142 = tpu.memref_slice %arg2[%dma_wait3A_140, %dma_wait3A_141] : memref<10000x128xf32, #tpu.memory_space<hbm>> -> memref<64x128xf32, #tpu.memory_space<hbm>>
    tpu.wait_dma2 semaphore(%arg14 : memref<!tpu.dma_semaphore, #tpu.memory_space<semaphore_mem>>) src(%dma_wait3A_142 : memref<64x128xf32, #tpu.memory_space<hbm>>) dst(%arg10 : memref<64x128xf32, #tpu.memory_space<vmem>>)
    %dma_start3A_143 = arith.constant 0 : i32
    %dma_start3A_144 = arith.constant 0 : i32
    %dma_start3A_145 = tpu.memref_slice %arg7[%dma_start3A_143, %dma_start3A_144] : memref<40x128xi32, #tpu.memory_space<vmem>> -> memref<1x64xi32, #tpu.memory_space<vmem>>
    %dma_start3A_146 = tpu.memref_squeeze %dma_start3A_145 : memref<1x64xi32, #tpu.memory_space<vmem>> -> memref<64xi32, #tpu.memory_space<vmem>>
    %dma_start3A_147 = arith.constant 0 : i32
    %dma_start3A_148 = arith.constant 0 : i32
    %dma_start3A_149 = tpu.memref_slice %arg2[%dma_start3A_147, %dma_start3A_148] : memref<10000x128xf32, #tpu.memory_space<hbm>> -> memref<10000x128xf32, #tpu.memory_space<hbm>>
    tpu.enqueue_indirect_dma source(%dma_start3A_149 : memref<10000x128xf32, #tpu.memory_space<hbm>>) target(%arg9 : memref<64x128xf32, #tpu.memory_space<vmem>>) offsets(%dma_start3A_146 : memref<64xi32, #tpu.memory_space<vmem>>) semaphore(%arg13 : memref<!tpu.dma_semaphore, #tpu.memory_space<semaphore_mem>>)
    %dma_start3A_150 = arith.constant 0 : i32
    %dma_start3A_151 = arith.constant 64 : i32
    %dma_start3A_152 = tpu.memref_slice %arg7[%dma_start3A_150, %dma_start3A_151] : memref<40x128xi32, #tpu.memory_space<vmem>> -> memref<1x64xi32, #tpu.memory_space<vmem>>
    %dma_start3A_153 = tpu.memref_squeeze %dma_start3A_152 : memref<1x64xi32, #tpu.memory_space<vmem>> -> memref<64xi32, #tpu.memory_space<vmem>>
    %dma_start3A_154 = arith.constant 0 : i32
    %dma_start3A_155 = arith.constant 0 : i32
    %dma_start3A_156 = tpu.memref_slice %arg2[%dma_start3A_154, %dma_start3A_155] : memref<10000x128xf32, #tpu.memory_space<hbm>> -> memref<10000x128xf32, #tpu.memory_space<hbm>>
    tpu.enqueue_indirect_dma source(%dma_start3A_156 : memref<10000x128xf32, #tpu.memory_space<hbm>>) target(%arg10 : memref<64x128xf32, #tpu.memory_space<vmem>>) offsets(%dma_start3A_153 : memref<64xi32, #tpu.memory_space<vmem>>) semaphore(%arg14 : memref<!tpu.dma_semaphore, #tpu.memory_space<semaphore_mem>>)
    %dma_start3A_157 = arith.constant 1 : i32
    %dma_start3A_158 = arith.constant 0 : i32
    %dma_start3A_159 = tpu.memref_slice %arg7[%dma_start3A_157, %dma_start3A_158] : memref<40x128xi32, #tpu.memory_space<vmem>> -> memref<1x64xi32, #tpu.memory_space<vmem>>
    %dma_start3A_160 = tpu.memref_squeeze %dma_start3A_159 : memref<1x64xi32, #tpu.memory_space<vmem>> -> memref<64xi32, #tpu.memory_space<vmem>>
    %dma_start3A_161 = arith.constant 0 : i32
    %dma_start3A_162 = arith.constant 0 : i32
    %dma_start3A_163 = tpu.memref_slice %arg2[%dma_start3A_161, %dma_start3A_162] : memref<10000x128xf32, #tpu.memory_space<hbm>> -> memref<10000x128xf32, #tpu.memory_space<hbm>>
    tpu.enqueue_indirect_dma source(%dma_start3A_163 : memref<10000x128xf32, #tpu.memory_space<hbm>>) target(%arg11 : memref<64x128xf32, #tpu.memory_space<vmem>>) offsets(%dma_start3A_160 : memref<64xi32, #tpu.memory_space<vmem>>) semaphore(%arg15 : memref<!tpu.dma_semaphore, #tpu.memory_space<semaphore_mem>>)
    %dma_start3A_164 = arith.constant 1 : i32
    %dma_start3A_165 = arith.constant 64 : i32
    %dma_start3A_166 = tpu.memref_slice %arg7[%dma_start3A_164, %dma_start3A_165] : memref<40x128xi32, #tpu.memory_space<vmem>> -> memref<1x64xi32, #tpu.memory_space<vmem>>
    %dma_start3A_167 = tpu.memref_squeeze %dma_start3A_166 : memref<1x64xi32, #tpu.memory_space<vmem>> -> memref<64xi32, #tpu.memory_space<vmem>>
    %dma_start3A_168 = arith.constant 0 : i32
    %dma_start3A_169 = arith.constant 0 : i32
    %dma_start3A_170 = tpu.memref_slice %arg2[%dma_start3A_168, %dma_start3A_169] : memref<10000x128xf32, #tpu.memory_space<hbm>> -> memref<10000x128xf32, #tpu.memory_space<hbm>>
    tpu.enqueue_indirect_dma source(%dma_start3A_170 : memref<10000x128xf32, #tpu.memory_space<hbm>>) target(%arg12 : memref<64x128xf32, #tpu.memory_space<vmem>>) offsets(%dma_start3A_167 : memref<64xi32, #tpu.memory_space<vmem>>) semaphore(%arg16 : memref<!tpu.dma_semaphore, #tpu.memory_space<semaphore_mem>>)
    %barrier3A = arith.constant 0 : index
    tpu.barrier barrier_id(%barrier3A)
    %scan3A_171 = arith.constant 0 : i32
    %scan3A_172 = arith.constant 19 : i32
    %scan3A_173 = arith.addi %scan3A_171, %scan3A_172 : i32
    %scan3A_174 = arith.constant 1 : i32
    scf.for %scan3A_271 = %scan3A_171 to %scan3A_173 step %scan3A_174  : i32 {
      %mul3A_272 = arith.constant 4 : i32
      %mul3A_273 = arith.muli %scan3A_271, %mul3A_272 : i32
      %add3A_274 = arith.constant 0 : i32
      %add3A_275 = arith.addi %add3A_274, %mul3A_273 : i32
      %dma_wait3A_276 = arith.constant 0 : i32
      %dma_wait3A_277 = arith.constant 0 : i32
      %dma_wait3A_278 = tpu.memref_slice %arg2[%dma_wait3A_276, %dma_wait3A_277] : memref<10000x128xf32, #tpu.memory_space<hbm>> -> memref<64x128xf32, #tpu.memory_space<hbm>>
      %dma_wait3A_279 = arith.constant 0 : i32
      %dma_wait3A_280 = arith.constant 0 : i32
      %dma_wait3A_281 = tpu.memref_slice %arg2[%dma_wait3A_279, %dma_wait3A_280] : memref<10000x128xf32, #tpu.memory_space<hbm>> -> memref<64x128xf32, #tpu.memory_space<hbm>>
      tpu.wait_dma2 semaphore(%arg13 : memref<!tpu.dma_semaphore, #tpu.memory_space<semaphore_mem>>) src(%dma_wait3A_281 : memref<64x128xf32, #tpu.memory_space<hbm>>) dst(%arg9 : memref<64x128xf32, #tpu.memory_space<vmem>>)
      %add3A_282 = arith.constant 0 : i32
      %add3A_283 = arith.addi %add3A_275, %add3A_282 : i32
      "tpu.region"() ({
        %run_scoped3A_436 = tpu.sem_alloc : memref<!tpu.dma_semaphore, #tpu.memory_space<semaphore_mem>>
        %dma_start3A_437 = arith.constant 0 : i32
        %dma_start3A_438 = tpu.memref_slice %arg8[%add3A_283, %dma_start3A_437] : memref<80x64xi32, #tpu.memory_space<vmem>> -> memref<1x64xi32, #tpu.memory_space<vmem>>
        %dma_start3A_439 = tpu.memref_squeeze %dma_start3A_438 : memref<1x64xi32, #tpu.memory_space<vmem>> -> memref<64xi32, #tpu.memory_space<vmem>>
        %dma_start3A_440 = arith.constant 0 : i32
        %dma_start3A_441 = arith.constant 0 : i32
        %dma_start3A_442 = tpu.memref_slice %arg6[%dma_start3A_440, %dma_start3A_441] : memref<10240x128xf32, #tpu.memory_space<vmem_shared>> -> memref<10240x128xf32, #tpu.memory_space<vmem_shared>>
        tpu.enqueue_indirect_dma source(%arg9 : memref<64x128xf32, #tpu.memory_space<vmem>>) target(%dma_start3A_442 : memref<10240x128xf32, #tpu.memory_space<vmem_shared>>) offsets(%dma_start3A_439 : memref<64xi32, #tpu.memory_space<vmem>>) semaphore(%run_scoped3A_436 : memref<!tpu.dma_semaphore, #tpu.memory_space<semaphore_mem>>) {add = true}
        %dma_wait3A_443 = arith.constant 0 : i32
        %dma_wait3A_444 = tpu.memref_slice %arg8[%add3A_283, %dma_wait3A_443] : memref<80x64xi32, #tpu.memory_space<vmem>> -> memref<1x64xi32, #tpu.memory_space<vmem>>
        %dma_wait3A_445 = tpu.memref_squeeze %dma_wait3A_444 : memref<1x64xi32, #tpu.memory_space<vmem>> -> memref<64xi32, #tpu.memory_space<vmem>>
        %dma_wait3A_446 = arith.constant 0 : i32
        %dma_wait3A_447 = arith.constant 0 : i32
        %dma_wait3A_448 = tpu.memref_slice %arg6[%dma_wait3A_446, %dma_wait3A_447] : memref<10240x128xf32, #tpu.memory_space<vmem_shared>> -> memref<10240x128xf32, #tpu.memory_space<vmem_shared>>
        tpu.wait_indirect_dma semaphore(%run_scoped3A_436 : memref<!tpu.dma_semaphore, #tpu.memory_space<semaphore_mem>>) src(%arg9 : memref<64x128xf32, #tpu.memory_space<vmem>>) dst(%dma_wait3A_448 : memref<10240x128xf32, #tpu.memory_space<vmem_shared>>)
        tpu.yield
      }) : () -> ()
      %add3A_284 = arith.constant 4 : i32
      %add3A_285 = arith.addi %add3A_275, %add3A_284 : i32
      %add3A_286 = arith.constant 0 : i32
      %add3A_287 = arith.addi %add3A_285, %add3A_286 : i32
      %jit3A = arith.constant 2 : i32
      %div3A = arith.divsi %add3A_287, %jit3A : i32
      %sign3A = arith.constant 0 : i32
      %sign3A_288 = arith.cmpi sgt, %add3A_287, %sign3A : i32
      %sign3A_289 = arith.extui %sign3A_288 : i1 to i32
      %sign3A_290 = arith.constant 0 : i32
      %sign3A_291 = arith.cmpi slt, %add3A_287, %sign3A_290 : i32
      %sign3A_292 = arith.extui %sign3A_291 : i1 to i32
      %sign3A_293 = arith.subi %sign3A_289, %sign3A_292 : i32
      %sign3A_294 = arith.constant 0 : i32
      %sign3A_295 = arith.cmpi sgt, %jit3A, %sign3A_294 : i32
      %sign3A_296 = arith.extui %sign3A_295 : i1 to i32
      %sign3A_297 = arith.constant 0 : i32
      %sign3A_298 = arith.cmpi slt, %jit3A, %sign3A_297 : i32
      %sign3A_299 = arith.extui %sign3A_298 : i1 to i32
      %sign3A_300 = arith.subi %sign3A_296, %sign3A_299 : i32
      %ne3A = arith.cmpi ne, %sign3A_293, %sign3A_300 : i32
      %rem3A = arith.remsi %add3A_287, %jit3A : i32
      %ne3A_301 = arith.constant 0 : i32
      %ne3A_302 = arith.cmpi ne, %rem3A, %ne3A_301 : i32
      %and3A = arith.andi %ne3A, %ne3A_302 : i1
      %sub3A = arith.constant 1 : i32
      %sub3A_303 = arith.subi %div3A, %sub3A : i32
      %select_n3A = arith.select %and3A, %sub3A_303, %div3A : i32
      %dma_start3A_304 = arith.constant 0 : i32
      %dma_start3A_305 = tpu.memref_slice %arg7[%select_n3A, %dma_start3A_304] : memref<40x128xi32, #tpu.memory_space<vmem>> -> memref<1x64xi32, #tpu.memory_space<vmem>>
      %dma_start3A_306 = tpu.memref_squeeze %dma_start3A_305 : memref<1x64xi32, #tpu.memory_space<vmem>> -> memref<64xi32, #tpu.memory_space<vmem>>
      %dma_start3A_307 = arith.constant 0 : i32
      %dma_start3A_308 = arith.constant 0 : i32
      %dma_start3A_309 = tpu.memref_slice %arg2[%dma_start3A_307, %dma_start3A_308] : memref<10000x128xf32, #tpu.memory_space<hbm>> -> memref<10000x128xf32, #tpu.memory_space<hbm>>
      tpu.enqueue_indirect_dma source(%dma_start3A_309 : memref<10000x128xf32, #tpu.memory_space<hbm>>) target(%arg9 : memref<64x128xf32, #tpu.memory_space<vmem>>) offsets(%dma_start3A_306 : memref<64xi32, #tpu.memory_space<vmem>>) semaphore(%arg13 : memref<!tpu.dma_semaphore, #tpu.memory_space<semaphore_mem>>)
      %dma_wait3A_310 = arith.constant 0 : i32
      %dma_wait3A_311 = arith.constant 0 : i32
      %dma_wait3A_312 = tpu.memref_slice %arg2[%dma_wait3A_310, %dma_wait3A_311] : memref<10000x128xf32, #tpu.memory_space<hbm>> -> memref<64x128xf32, #tpu.memory_space<hbm>>
      %dma_wait3A_313 = arith.constant 0 : i32
      %dma_wait3A_314 = arith.constant 0 : i32
      %dma_wait3A_315 = tpu.memref_slice %arg2[%dma_wait3A_313, %dma_wait3A_314] : memref<10000x128xf32, #tpu.memory_space<hbm>> -> memref<64x128xf32, #tpu.memory_space<hbm>>
      tpu.wait_dma2 semaphore(%arg14 : memref<!tpu.dma_semaphore, #tpu.memory_space<semaphore_mem>>) src(%dma_wait3A_315 : memref<64x128xf32, #tpu.memory_space<hbm>>) dst(%arg10 : memref<64x128xf32, #tpu.memory_space<vmem>>)
      %add3A_316 = arith.constant 1 : i32
      %add3A_317 = arith.addi %add3A_275, %add3A_316 : i32
      "tpu.region"() ({
        %run_scoped3A_436 = tpu.sem_alloc : memref<!tpu.dma_semaphore, #tpu.memory_space<semaphore_mem>>
        %dma_start3A_437 = arith.constant 0 : i32
        %dma_start3A_438 = tpu.memref_slice %arg8[%add3A_317, %dma_start3A_437] : memref<80x64xi32, #tpu.memory_space<vmem>> -> memref<1x64xi32, #tpu.memory_space<vmem>>
        %dma_start3A_439 = tpu.memref_squeeze %dma_start3A_438 : memref<1x64xi32, #tpu.memory_space<vmem>> -> memref<64xi32, #tpu.memory_space<vmem>>
        %dma_start3A_440 = arith.constant 0 : i32
        %dma_start3A_441 = arith.constant 0 : i32
        %dma_start3A_442 = tpu.memref_slice %arg6[%dma_start3A_440, %dma_start3A_441] : memref<10240x128xf32, #tpu.memory_space<vmem_shared>> -> memref<10240x128xf32, #tpu.memory_space<vmem_shared>>
        tpu.enqueue_indirect_dma source(%arg10 : memref<64x128xf32, #tpu.memory_space<vmem>>) target(%dma_start3A_442 : memref<10240x128xf32, #tpu.memory_space<vmem_shared>>) offsets(%dma_start3A_439 : memref<64xi32, #tpu.memory_space<vmem>>) semaphore(%run_scoped3A_436 : memref<!tpu.dma_semaphore, #tpu.memory_space<semaphore_mem>>) {add = true}
        %dma_wait3A_443 = arith.constant 0 : i32
        %dma_wait3A_444 = tpu.memref_slice %arg8[%add3A_317, %dma_wait3A_443] : memref<80x64xi32, #tpu.memory_space<vmem>> -> memref<1x64xi32, #tpu.memory_space<vmem>>
        %dma_wait3A_445 = tpu.memref_squeeze %dma_wait3A_444 : memref<1x64xi32, #tpu.memory_space<vmem>> -> memref<64xi32, #tpu.memory_space<vmem>>
        %dma_wait3A_446 = arith.constant 0 : i32
        %dma_wait3A_447 = arith.constant 0 : i32
        %dma_wait3A_448 = tpu.memref_slice %arg6[%dma_wait3A_446, %dma_wait3A_447] : memref<10240x128xf32, #tpu.memory_space<vmem_shared>> -> memref<10240x128xf32, #tpu.memory_space<vmem_shared>>
        tpu.wait_indirect_dma semaphore(%run_scoped3A_436 : memref<!tpu.dma_semaphore, #tpu.memory_space<semaphore_mem>>) src(%arg10 : memref<64x128xf32, #tpu.memory_space<vmem>>) dst(%dma_wait3A_448 : memref<10240x128xf32, #tpu.memory_space<vmem_shared>>)
        tpu.yield
      }) : () -> ()
      %add3A_318 = arith.constant 4 : i32
      %add3A_319 = arith.addi %add3A_275, %add3A_318 : i32
      %add3A_320 = arith.constant 1 : i32
      %add3A_321 = arith.addi %add3A_319, %add3A_320 : i32
      %jit3A_322 = arith.constant 2 : i32
      %div3A_323 = arith.divsi %add3A_321, %jit3A_322 : i32
      %sign3A_324 = arith.constant 0 : i32
      %sign3A_325 = arith.cmpi sgt, %add3A_321, %sign3A_324 : i32
      %sign3A_326 = arith.extui %sign3A_325 : i1 to i32
      %sign3A_327 = arith.constant 0 : i32
      %sign3A_328 = arith.cmpi slt, %add3A_321, %sign3A_327 : i32
      %sign3A_329 = arith.extui %sign3A_328 : i1 to i32
      %sign3A_330 = arith.subi %sign3A_326, %sign3A_329 : i32
      %sign3A_331 = arith.constant 0 : i32
      %sign3A_332 = arith.cmpi sgt, %jit3A_322, %sign3A_331 : i32
      %sign3A_333 = arith.extui %sign3A_332 : i1 to i32
      %sign3A_334 = arith.constant 0 : i32
      %sign3A_335 = arith.cmpi slt, %jit3A_322, %sign3A_334 : i32
      %sign3A_336 = arith.extui %sign3A_335 : i1 to i32
      %sign3A_337 = arith.subi %sign3A_333, %sign3A_336 : i32
      %ne3A_338 = arith.cmpi ne, %sign3A_330, %sign3A_337 : i32
      %rem3A_339 = arith.remsi %add3A_321, %jit3A_322 : i32
      %ne3A_340 = arith.constant 0 : i32
      %ne3A_341 = arith.cmpi ne, %rem3A_339, %ne3A_340 : i32
      %and3A_342 = arith.andi %ne3A_338, %ne3A_341 : i1
      %sub3A_343 = arith.constant 1 : i32
      %sub3A_344 = arith.subi %div3A_323, %sub3A_343 : i32
      %select_n3A_345 = arith.select %and3A_342, %sub3A_344, %div3A_323 : i32
      %dma_start3A_346 = arith.constant 64 : i32
      %dma_start3A_347 = tpu.memref_slice %arg7[%select_n3A_345, %dma_start3A_346] : memref<40x128xi32, #tpu.memory_space<vmem>> -> memref<1x64xi32, #tpu.memory_space<vmem>>
      %dma_start3A_348 = tpu.memref_squeeze %dma_start3A_347 : memref<1x64xi32, #tpu.memory_space<vmem>> -> memref<64xi32, #tpu.memory_space<vmem>>
      %dma_start3A_349 = arith.constant 0 : i32
      %dma_start3A_350 = arith.constant 0 : i32
      %dma_start3A_351 = tpu.memref_slice %arg2[%dma_start3A_349, %dma_start3A_350] : memref<10000x128xf32, #tpu.memory_space<hbm>> -> memref<10000x128xf32, #tpu.memory_space<hbm>>
      tpu.enqueue_indirect_dma source(%dma_start3A_351 : memref<10000x128xf32, #tpu.memory_space<hbm>>) target(%arg10 : memref<64x128xf32, #tpu.memory_space<vmem>>) offsets(%dma_start3A_348 : memref<64xi32, #tpu.memory_space<vmem>>) semaphore(%arg14 : memref<!tpu.dma_semaphore, #tpu.memory_space<semaphore_mem>>)
      %dma_wait3A_352 = arith.constant 0 : i32
      %dma_wait3A_353 = arith.constant 0 : i32
      %dma_wait3A_354 = tpu.memref_slice %arg2[%dma_wait3A_352, %dma_wait3A_353] : memref<10000x128xf32, #tpu.memory_space<hbm>> -> memref<64x128xf32, #tpu.memory_space<hbm>>
      %dma_wait3A_355 = arith.constant 0 : i32
      %dma_wait3A_356 = arith.constant 0 : i32
      %dma_wait3A_357 = tpu.memref_slice %arg2[%dma_wait3A_355, %dma_wait3A_356] : memref<10000x128xf32, #tpu.memory_space<hbm>> -> memref<64x128xf32, #tpu.memory_space<hbm>>
      tpu.wait_dma2 semaphore(%arg15 : memref<!tpu.dma_semaphore, #tpu.memory_space<semaphore_mem>>) src(%dma_wait3A_357 : memref<64x128xf32, #tpu.memory_space<hbm>>) dst(%arg11 : memref<64x128xf32, #tpu.memory_space<vmem>>)
      %add3A_358 = arith.constant 2 : i32
      %add3A_359 = arith.addi %add3A_275, %add3A_358 : i32
      "tpu.region"() ({
        %run_scoped3A_436 = tpu.sem_alloc : memref<!tpu.dma_semaphore, #tpu.memory_space<semaphore_mem>>
        %dma_start3A_437 = arith.constant 0 : i32
        %dma_start3A_438 = tpu.memref_slice %arg8[%add3A_359, %dma_start3A_437] : memref<80x64xi32, #tpu.memory_space<vmem>> -> memref<1x64xi32, #tpu.memory_space<vmem>>
        %dma_start3A_439 = tpu.memref_squeeze %dma_start3A_438 : memref<1x64xi32, #tpu.memory_space<vmem>> -> memref<64xi32, #tpu.memory_space<vmem>>
        %dma_start3A_440 = arith.constant 0 : i32
        %dma_start3A_441 = arith.constant 0 : i32
        %dma_start3A_442 = tpu.memref_slice %arg6[%dma_start3A_440, %dma_start3A_441] : memref<10240x128xf32, #tpu.memory_space<vmem_shared>> -> memref<10240x128xf32, #tpu.memory_space<vmem_shared>>
        tpu.enqueue_indirect_dma source(%arg11 : memref<64x128xf32, #tpu.memory_space<vmem>>) target(%dma_start3A_442 : memref<10240x128xf32, #tpu.memory_space<vmem_shared>>) offsets(%dma_start3A_439 : memref<64xi32, #tpu.memory_space<vmem>>) semaphore(%run_scoped3A_436 : memref<!tpu.dma_semaphore, #tpu.memory_space<semaphore_mem>>) {add = true}
        %dma_wait3A_443 = arith.constant 0 : i32
        %dma_wait3A_444 = tpu.memref_slice %arg8[%add3A_359, %dma_wait3A_443] : memref<80x64xi32, #tpu.memory_space<vmem>> -> memref<1x64xi32, #tpu.memory_space<vmem>>
        %dma_wait3A_445 = tpu.memref_squeeze %dma_wait3A_444 : memref<1x64xi32, #tpu.memory_space<vmem>> -> memref<64xi32, #tpu.memory_space<vmem>>
        %dma_wait3A_446 = arith.constant 0 : i32
        %dma_wait3A_447 = arith.constant 0 : i32
        %dma_wait3A_448 = tpu.memref_slice %arg6[%dma_wait3A_446, %dma_wait3A_447] : memref<10240x128xf32, #tpu.memory_space<vmem_shared>> -> memref<10240x128xf32, #tpu.memory_space<vmem_shared>>
        tpu.wait_indirect_dma semaphore(%run_scoped3A_436 : memref<!tpu.dma_semaphore, #tpu.memory_space<semaphore_mem>>) src(%arg11 : memref<64x128xf32, #tpu.memory_space<vmem>>) dst(%dma_wait3A_448 : memref<10240x128xf32, #tpu.memory_space<vmem_shared>>)
        tpu.yield
      }) : () -> ()
      %add3A_360 = arith.constant 4 : i32
      %add3A_361 = arith.addi %add3A_275, %add3A_360 : i32
      %add3A_362 = arith.constant 2 : i32
      %add3A_363 = arith.addi %add3A_361, %add3A_362 : i32
      %jit3A_364 = arith.constant 2 : i32
      %div3A_365 = arith.divsi %add3A_363, %jit3A_364 : i32
      %sign3A_366 = arith.constant 0 : i32
      %sign3A_367 = arith.cmpi sgt, %add3A_363, %sign3A_366 : i32
      %sign3A_368 = arith.extui %sign3A_367 : i1 to i32
      %sign3A_369 = arith.constant 0 : i32
      %sign3A_370 = arith.cmpi slt, %add3A_363, %sign3A_369 : i32
      %sign3A_371 = arith.extui %sign3A_370 : i1 to i32
      %sign3A_372 = arith.subi %sign3A_368, %sign3A_371 : i32
      %sign3A_373 = arith.constant 0 : i32
      %sign3A_374 = arith.cmpi sgt, %jit3A_364, %sign3A_373 : i32
      %sign3A_375 = arith.extui %sign3A_374 : i1 to i32
      %sign3A_376 = arith.constant 0 : i32
      %sign3A_377 = arith.cmpi slt, %jit3A_364, %sign3A_376 : i32
      %sign3A_378 = arith.extui %sign3A_377 : i1 to i32
      %sign3A_379 = arith.subi %sign3A_375, %sign3A_378 : i32
      %ne3A_380 = arith.cmpi ne, %sign3A_372, %sign3A_379 : i32
      %rem3A_381 = arith.remsi %add3A_363, %jit3A_364 : i32
      %ne3A_382 = arith.constant 0 : i32
      %ne3A_383 = arith.cmpi ne, %rem3A_381, %ne3A_382 : i32
      %and3A_384 = arith.andi %ne3A_380, %ne3A_383 : i1
      %sub3A_385 = arith.constant 1 : i32
      %sub3A_386 = arith.subi %div3A_365, %sub3A_385 : i32
      %select_n3A_387 = arith.select %and3A_384, %sub3A_386, %div3A_365 : i32
      %dma_start3A_388 = arith.constant 0 : i32
      %dma_start3A_389 = tpu.memref_slice %arg7[%select_n3A_387, %dma_start3A_388] : memref<40x128xi32, #tpu.memory_space<vmem>> -> memref<1x64xi32, #tpu.memory_space<vmem>>
      %dma_start3A_390 = tpu.memref_squeeze %dma_start3A_389 : memref<1x64xi32, #tpu.memory_space<vmem>> -> memref<64xi32, #tpu.memory_space<vmem>>
      %dma_start3A_391 = arith.constant 0 : i32
      %dma_start3A_392 = arith.constant 0 : i32
      %dma_start3A_393 = tpu.memref_slice %arg2[%dma_start3A_391, %dma_start3A_392] : memref<10000x128xf32, #tpu.memory_space<hbm>> -> memref<10000x128xf32, #tpu.memory_space<hbm>>
      tpu.enqueue_indirect_dma source(%dma_start3A_393 : memref<10000x128xf32, #tpu.memory_space<hbm>>) target(%arg11 : memref<64x128xf32, #tpu.memory_space<vmem>>) offsets(%dma_start3A_390 : memref<64xi32, #tpu.memory_space<vmem>>) semaphore(%arg15 : memref<!tpu.dma_semaphore, #tpu.memory_space<semaphore_mem>>)
      %dma_wait3A_394 = arith.constant 0 : i32
      %dma_wait3A_395 = arith.constant 0 : i32
      %dma_wait3A_396 = tpu.memref_slice %arg2[%dma_wait3A_394, %dma_wait3A_395] : memref<10000x128xf32, #tpu.memory_space<hbm>> -> memref<64x128xf32, #tpu.memory_space<hbm>>
      %dma_wait3A_397 = arith.constant 0 : i32
      %dma_wait3A_398 = arith.constant 0 : i32
      %dma_wait3A_399 = tpu.memref_slice %arg2[%dma_wait3A_397, %dma_wait3A_398] : memref<10000x128xf32, #tpu.memory_space<hbm>> -> memref<64x128xf32, #tpu.memory_space<hbm>>
      tpu.wait_dma2 semaphore(%arg16 : memref<!tpu.dma_semaphore, #tpu.memory_space<semaphore_mem>>) src(%dma_wait3A_399 : memref<64x128xf32, #tpu.memory_space<hbm>>) dst(%arg12 : memref<64x128xf32, #tpu.memory_space<vmem>>)
      %add3A_400 = arith.constant 3 : i32
      %add3A_401 = arith.addi %add3A_275, %add3A_400 : i32
      "tpu.region"() ({
        %run_scoped3A_436 = tpu.sem_alloc : memref<!tpu.dma_semaphore, #tpu.memory_space<semaphore_mem>>
        %dma_start3A_437 = arith.constant 0 : i32
        %dma_start3A_438 = tpu.memref_slice %arg8[%add3A_401, %dma_start3A_437] : memref<80x64xi32, #tpu.memory_space<vmem>> -> memref<1x64xi32, #tpu.memory_space<vmem>>
        %dma_start3A_439 = tpu.memref_squeeze %dma_start3A_438 : memref<1x64xi32, #tpu.memory_space<vmem>> -> memref<64xi32, #tpu.memory_space<vmem>>
        %dma_start3A_440 = arith.constant 0 : i32
        %dma_start3A_441 = arith.constant 0 : i32
        %dma_start3A_442 = tpu.memref_slice %arg6[%dma_start3A_440, %dma_start3A_441] : memref<10240x128xf32, #tpu.memory_space<vmem_shared>> -> memref<10240x128xf32, #tpu.memory_space<vmem_shared>>
        tpu.enqueue_indirect_dma source(%arg12 : memref<64x128xf32, #tpu.memory_space<vmem>>) target(%dma_start3A_442 : memref<10240x128xf32, #tpu.memory_space<vmem_shared>>) offsets(%dma_start3A_439 : memref<64xi32, #tpu.memory_space<vmem>>) semaphore(%run_scoped3A_436 : memref<!tpu.dma_semaphore, #tpu.memory_space<semaphore_mem>>) {add = true}
        %dma_wait3A_443 = arith.constant 0 : i32
        %dma_wait3A_444 = tpu.memref_slice %arg8[%add3A_401, %dma_wait3A_443] : memref<80x64xi32, #tpu.memory_space<vmem>> -> memref<1x64xi32, #tpu.memory_space<vmem>>
        %dma_wait3A_445 = tpu.memref_squeeze %dma_wait3A_444 : memref<1x64xi32, #tpu.memory_space<vmem>> -> memref<64xi32, #tpu.memory_space<vmem>>
        %dma_wait3A_446 = arith.constant 0 : i32
        %dma_wait3A_447 = arith.constant 0 : i32
        %dma_wait3A_448 = tpu.memref_slice %arg6[%dma_wait3A_446, %dma_wait3A_447] : memref<10240x128xf32, #tpu.memory_space<vmem_shared>> -> memref<10240x128xf32, #tpu.memory_space<vmem_shared>>
        tpu.wait_indirect_dma semaphore(%run_scoped3A_436 : memref<!tpu.dma_semaphore, #tpu.memory_space<semaphore_mem>>) src(%arg12 : memref<64x128xf32, #tpu.memory_space<vmem>>) dst(%dma_wait3A_448 : memref<10240x128xf32, #tpu.memory_space<vmem_shared>>)
        tpu.yield
      }) : () -> ()
      %add3A_402 = arith.constant 4 : i32
      %add3A_403 = arith.addi %add3A_275, %add3A_402 : i32
      %add3A_404 = arith.constant 3 : i32
      %add3A_405 = arith.addi %add3A_403, %add3A_404 : i32
      %jit3A_406 = arith.constant 2 : i32
      %div3A_407 = arith.divsi %add3A_405, %jit3A_406 : i32
      %sign3A_408 = arith.constant 0 : i32
      %sign3A_409 = arith.cmpi sgt, %add3A_405, %sign3A_408 : i32
      %sign3A_410 = arith.extui %sign3A_409 : i1 to i32
      %sign3A_411 = arith.constant 0 : i32
      %sign3A_412 = arith.cmpi slt, %add3A_405, %sign3A_411 : i32
      %sign3A_413 = arith.extui %sign3A_412 : i1 to i32
      %sign3A_414 = arith.subi %sign3A_410, %sign3A_413 : i32
      %sign3A_415 = arith.constant 0 : i32
      %sign3A_416 = arith.cmpi sgt, %jit3A_406, %sign3A_415 : i32
      %sign3A_417 = arith.extui %sign3A_416 : i1 to i32
      %sign3A_418 = arith.constant 0 : i32
      %sign3A_419 = arith.cmpi slt, %jit3A_406, %sign3A_418 : i32
      %sign3A_420 = arith.extui %sign3A_419 : i1 to i32
      %sign3A_421 = arith.subi %sign3A_417, %sign3A_420 : i32
      %ne3A_422 = arith.cmpi ne, %sign3A_414, %sign3A_421 : i32
      %rem3A_423 = arith.remsi %add3A_405, %jit3A_406 : i32
      %ne3A_424 = arith.constant 0 : i32
      %ne3A_425 = arith.cmpi ne, %rem3A_423, %ne3A_424 : i32
      %and3A_426 = arith.andi %ne3A_422, %ne3A_425 : i1
      %sub3A_427 = arith.constant 1 : i32
      %sub3A_428 = arith.subi %div3A_407, %sub3A_427 : i32
      %select_n3A_429 = arith.select %and3A_426, %sub3A_428, %div3A_407 : i32
      %dma_start3A_430 = arith.constant 64 : i32
      %dma_start3A_431 = tpu.memref_slice %arg7[%select_n3A_429, %dma_start3A_430] : memref<40x128xi32, #tpu.memory_space<vmem>> -> memref<1x64xi32, #tpu.memory_space<vmem>>
      %dma_start3A_432 = tpu.memref_squeeze %dma_start3A_431 : memref<1x64xi32, #tpu.memory_space<vmem>> -> memref<64xi32, #tpu.memory_space<vmem>>
      %dma_start3A_433 = arith.constant 0 : i32
      %dma_start3A_434 = arith.constant 0 : i32
      %dma_start3A_435 = tpu.memref_slice %arg2[%dma_start3A_433, %dma_start3A_434] : memref<10000x128xf32, #tpu.memory_space<hbm>> -> memref<10000x128xf32, #tpu.memory_space<hbm>>
      tpu.enqueue_indirect_dma source(%dma_start3A_435 : memref<10000x128xf32, #tpu.memory_space<hbm>>) target(%arg12 : memref<64x128xf32, #tpu.memory_space<vmem>>) offsets(%dma_start3A_432 : memref<64xi32, #tpu.memory_space<vmem>>) semaphore(%arg16 : memref<!tpu.dma_semaphore, #tpu.memory_space<semaphore_mem>>)
    }
    %scan3A_175 = arith.constant 19 : i32
    %dma_wait3A_176 = arith.constant 0 : i32
    %dma_wait3A_177 = arith.constant 0 : i32
    %dma_wait3A_178 = tpu.memref_slice %arg2[%dma_wait3A_176, %dma_wait3A_177] : memref<10000x128xf32, #tpu.memory_space<hbm>> -> memref<64x128xf32, #tpu.memory_space<hbm>>
    %dma_wait3A_179 = arith.constant 0 : i32
    %dma_wait3A_180 = arith.constant 0 : i32
    %dma_wait3A_181 = tpu.memref_slice %arg2[%dma_wait3A_179, %dma_wait3A_180] : memref<10000x128xf32, #tpu.memory_space<hbm>> -> memref<64x128xf32, #tpu.memory_space<hbm>>
    tpu.wait_dma2 semaphore(%arg13 : memref<!tpu.dma_semaphore, #tpu.memory_space<semaphore_mem>>) src(%dma_wait3A_181 : memref<64x128xf32, #tpu.memory_space<hbm>>) dst(%arg9 : memref<64x128xf32, #tpu.memory_space<vmem>>)
    %run_scoped3A = arith.constant 76 : i32
    "tpu.region"() ({
      %run_scoped3A_271 = tpu.sem_alloc : memref<!tpu.dma_semaphore, #tpu.memory_space<semaphore_mem>>
      %dma_start3A_272 = arith.constant 0 : i32
      %dma_start3A_273 = tpu.memref_slice %arg8[%run_scoped3A, %dma_start3A_272] : memref<80x64xi32, #tpu.memory_space<vmem>> -> memref<1x64xi32, #tpu.memory_space<vmem>>
      %dma_start3A_274 = tpu.memref_squeeze %dma_start3A_273 : memref<1x64xi32, #tpu.memory_space<vmem>> -> memref<64xi32, #tpu.memory_space<vmem>>
      %dma_start3A_275 = arith.constant 0 : i32
      %dma_start3A_276 = arith.constant 0 : i32
      %dma_start3A_277 = tpu.memref_slice %arg6[%dma_start3A_275, %dma_start3A_276] : memref<10240x128xf32, #tpu.memory_space<vmem_shared>> -> memref<10240x128xf32, #tpu.memory_space<vmem_shared>>
      tpu.enqueue_indirect_dma source(%arg9 : memref<64x128xf32, #tpu.memory_space<vmem>>) target(%dma_start3A_277 : memref<10240x128xf32, #tpu.memory_space<vmem_shared>>) offsets(%dma_start3A_274 : memref<64xi32, #tpu.memory_space<vmem>>) semaphore(%run_scoped3A_271 : memref<!tpu.dma_semaphore, #tpu.memory_space<semaphore_mem>>) {add = true}
      %dma_wait3A_278 = arith.constant 0 : i32
      %dma_wait3A_279 = tpu.memref_slice %arg8[%run_scoped3A, %dma_wait3A_278] : memref<80x64xi32, #tpu.memory_space<vmem>> -> memref<1x64xi32, #tpu.memory_space<vmem>>
      %dma_wait3A_280 = tpu.memref_squeeze %dma_wait3A_279 : memref<1x64xi32, #tpu.memory_space<vmem>> -> memref<64xi32, #tpu.memory_space<vmem>>
      %dma_wait3A_281 = arith.constant 0 : i32
      %dma_wait3A_282 = arith.constant 0 : i32
      %dma_wait3A_283 = tpu.memref_slice %arg6[%dma_wait3A_281, %dma_wait3A_282] : memref<10240x128xf32, #tpu.memory_space<vmem_shared>> -> memref<10240x128xf32, #tpu.memory_space<vmem_shared>>
      tpu.wait_indirect_dma semaphore(%run_scoped3A_271 : memref<!tpu.dma_semaphore, #tpu.memory_space<semaphore_mem>>) src(%arg9 : memref<64x128xf32, #tpu.memory_space<vmem>>) dst(%dma_wait3A_283 : memref<10240x128xf32, #tpu.memory_space<vmem_shared>>)
      tpu.yield
    }) : () -> ()
    %dma_wait3A_182 = arith.constant 0 : i32
    %dma_wait3A_183 = arith.constant 0 : i32
    %dma_wait3A_184 = tpu.memref_slice %arg2[%dma_wait3A_182, %dma_wait3A_183] : memref<10000x128xf32, #tpu.memory_space<hbm>> -> memref<64x128xf32, #tpu.memory_space<hbm>>
    %dma_wait3A_185 = arith.constant 0 : i32
    %dma_wait3A_186 = arith.constant 0 : i32
    %dma_wait3A_187 = tpu.memref_slice %arg2[%dma_wait3A_185, %dma_wait3A_186] : memref<10000x128xf32, #tpu.memory_space<hbm>> -> memref<64x128xf32, #tpu.memory_space<hbm>>
    tpu.wait_dma2 semaphore(%arg14 : memref<!tpu.dma_semaphore, #tpu.memory_space<semaphore_mem>>) src(%dma_wait3A_187 : memref<64x128xf32, #tpu.memory_space<hbm>>) dst(%arg10 : memref<64x128xf32, #tpu.memory_space<vmem>>)
    %run_scoped3A_188 = arith.constant 77 : i32
    "tpu.region"() ({
      %run_scoped3A_271 = tpu.sem_alloc : memref<!tpu.dma_semaphore, #tpu.memory_space<semaphore_mem>>
      %dma_start3A_272 = arith.constant 0 : i32
      %dma_start3A_273 = tpu.memref_slice %arg8[%run_scoped3A_188, %dma_start3A_272] : memref<80x64xi32, #tpu.memory_space<vmem>> -> memref<1x64xi32, #tpu.memory_space<vmem>>
      %dma_start3A_274 = tpu.memref_squeeze %dma_start3A_273 : memref<1x64xi32, #tpu.memory_space<vmem>> -> memref<64xi32, #tpu.memory_space<vmem>>
      %dma_start3A_275 = arith.constant 0 : i32
      %dma_start3A_276 = arith.constant 0 : i32
      %dma_start3A_277 = tpu.memref_slice %arg6[%dma_start3A_275, %dma_start3A_276] : memref<10240x128xf32, #tpu.memory_space<vmem_shared>> -> memref<10240x128xf32, #tpu.memory_space<vmem_shared>>
      tpu.enqueue_indirect_dma source(%arg10 : memref<64x128xf32, #tpu.memory_space<vmem>>) target(%dma_start3A_277 : memref<10240x128xf32, #tpu.memory_space<vmem_shared>>) offsets(%dma_start3A_274 : memref<64xi32, #tpu.memory_space<vmem>>) semaphore(%run_scoped3A_271 : memref<!tpu.dma_semaphore, #tpu.memory_space<semaphore_mem>>) {add = true}
      %dma_wait3A_278 = arith.constant 0 : i32
      %dma_wait3A_279 = tpu.memref_slice %arg8[%run_scoped3A_188, %dma_wait3A_278] : memref<80x64xi32, #tpu.memory_space<vmem>> -> memref<1x64xi32, #tpu.memory_space<vmem>>
      %dma_wait3A_280 = tpu.memref_squeeze %dma_wait3A_279 : memref<1x64xi32, #tpu.memory_space<vmem>> -> memref<64xi32, #tpu.memory_space<vmem>>
      %dma_wait3A_281 = arith.constant 0 : i32
      %dma_wait3A_282 = arith.constant 0 : i32
      %dma_wait3A_283 = tpu.memref_slice %arg6[%dma_wait3A_281, %dma_wait3A_282] : memref<10240x128xf32, #tpu.memory_space<vmem_shared>> -> memref<10240x128xf32, #tpu.memory_space<vmem_shared>>
      tpu.wait_indirect_dma semaphore(%run_scoped3A_271 : memref<!tpu.dma_semaphore, #tpu.memory_space<semaphore_mem>>) src(%arg10 : memref<64x128xf32, #tpu.memory_space<vmem>>) dst(%dma_wait3A_283 : memref<10240x128xf32, #tpu.memory_space<vmem_shared>>)
      tpu.yield
    }) : () -> ()
    %dma_wait3A_189 = arith.constant 0 : i32
    %dma_wait3A_190 = arith.constant 0 : i32
    %dma_wait3A_191 = tpu.memref_slice %arg2[%dma_wait3A_189, %dma_wait3A_190] : memref<10000x128xf32, #tpu.memory_space<hbm>> -> memref<64x128xf32, #tpu.memory_space<hbm>>
    %dma_wait3A_192 = arith.constant 0 : i32
    %dma_wait3A_193 = arith.constant 0 : i32
    %dma_wait3A_194 = tpu.memref_slice %arg2[%dma_wait3A_192, %dma_wait3A_193] : memref<10000x128xf32, #tpu.memory_space<hbm>> -> memref<64x128xf32, #tpu.memory_space<hbm>>
    tpu.wait_dma2 semaphore(%arg15 : memref<!tpu.dma_semaphore, #tpu.memory_space<semaphore_mem>>) src(%dma_wait3A_194 : memref<64x128xf32, #tpu.memory_space<hbm>>) dst(%arg11 : memref<64x128xf32, #tpu.memory_space<vmem>>)
    %run_scoped3A_195 = arith.constant 78 : i32
    "tpu.region"() ({
      %run_scoped3A_271 = tpu.sem_alloc : memref<!tpu.dma_semaphore, #tpu.memory_space<semaphore_mem>>
      %dma_start3A_272 = arith.constant 0 : i32
      %dma_start3A_273 = tpu.memref_slice %arg8[%run_scoped3A_195, %dma_start3A_272] : memref<80x64xi32, #tpu.memory_space<vmem>> -> memref<1x64xi32, #tpu.memory_space<vmem>>
      %dma_start3A_274 = tpu.memref_squeeze %dma_start3A_273 : memref<1x64xi32, #tpu.memory_space<vmem>> -> memref<64xi32, #tpu.memory_space<vmem>>
      %dma_start3A_275 = arith.constant 0 : i32
      %dma_start3A_276 = arith.constant 0 : i32
      %dma_start3A_277 = tpu.memref_slice %arg6[%dma_start3A_275, %dma_start3A_276] : memref<10240x128xf32, #tpu.memory_space<vmem_shared>> -> memref<10240x128xf32, #tpu.memory_space<vmem_shared>>
      tpu.enqueue_indirect_dma source(%arg11 : memref<64x128xf32, #tpu.memory_space<vmem>>) target(%dma_start3A_277 : memref<10240x128xf32, #tpu.memory_space<vmem_shared>>) offsets(%dma_start3A_274 : memref<64xi32, #tpu.memory_space<vmem>>) semaphore(%run_scoped3A_271 : memref<!tpu.dma_semaphore, #tpu.memory_space<semaphore_mem>>) {add = true}
      %dma_wait3A_278 = arith.constant 0 : i32
      %dma_wait3A_279 = tpu.memref_slice %arg8[%run_scoped3A_195, %dma_wait3A_278] : memref<80x64xi32, #tpu.memory_space<vmem>> -> memref<1x64xi32, #tpu.memory_space<vmem>>
      %dma_wait3A_280 = tpu.memref_squeeze %dma_wait3A_279 : memref<1x64xi32, #tpu.memory_space<vmem>> -> memref<64xi32, #tpu.memory_space<vmem>>
      %dma_wait3A_281 = arith.constant 0 : i32
      %dma_wait3A_282 = arith.constant 0 : i32
      %dma_wait3A_283 = tpu.memref_slice %arg6[%dma_wait3A_281, %dma_wait3A_282] : memref<10240x128xf32, #tpu.memory_space<vmem_shared>> -> memref<10240x128xf32, #tpu.memory_space<vmem_shared>>
      tpu.wait_indirect_dma semaphore(%run_scoped3A_271 : memref<!tpu.dma_semaphore, #tpu.memory_space<semaphore_mem>>) src(%arg11 : memref<64x128xf32, #tpu.memory_space<vmem>>) dst(%dma_wait3A_283 : memref<10240x128xf32, #tpu.memory_space<vmem_shared>>)
      tpu.yield
    }) : () -> ()
    %dma_wait3A_196 = arith.constant 0 : i32
    %dma_wait3A_197 = arith.constant 0 : i32
    %dma_wait3A_198 = tpu.memref_slice %arg2[%dma_wait3A_196, %dma_wait3A_197] : memref<10000x128xf32, #tpu.memory_space<hbm>> -> memref<64x128xf32, #tpu.memory_space<hbm>>
    %dma_wait3A_199 = arith.constant 0 : i32
    %dma_wait3A_200 = arith.constant 0 : i32
    %dma_wait3A_201 = tpu.memref_slice %arg2[%dma_wait3A_199, %dma_wait3A_200] : memref<10000x128xf32, #tpu.memory_space<hbm>> -> memref<64x128xf32, #tpu.memory_space<hbm>>
    tpu.wait_dma2 semaphore(%arg16 : memref<!tpu.dma_semaphore, #tpu.memory_space<semaphore_mem>>) src(%dma_wait3A_201 : memref<64x128xf32, #tpu.memory_space<hbm>>) dst(%arg12 : memref<64x128xf32, #tpu.memory_space<vmem>>)
    %run_scoped3A_202 = arith.constant 79 : i32
    "tpu.region"() ({
      %run_scoped3A_271 = tpu.sem_alloc : memref<!tpu.dma_semaphore, #tpu.memory_space<semaphore_mem>>
      %dma_start3A_272 = arith.constant 0 : i32
      %dma_start3A_273 = tpu.memref_slice %arg8[%run_scoped3A_202, %dma_start3A_272] : memref<80x64xi32, #tpu.memory_space<vmem>> -> memref<1x64xi32, #tpu.memory_space<vmem>>
      %dma_start3A_274 = tpu.memref_squeeze %dma_start3A_273 : memref<1x64xi32, #tpu.memory_space<vmem>> -> memref<64xi32, #tpu.memory_space<vmem>>
      %dma_start3A_275 = arith.constant 0 : i32
      %dma_start3A_276 = arith.constant 0 : i32
      %dma_start3A_277 = tpu.memref_slice %arg6[%dma_start3A_275, %dma_start3A_276] : memref<10240x128xf32, #tpu.memory_space<vmem_shared>> -> memref<10240x128xf32, #tpu.memory_space<vmem_shared>>
      tpu.enqueue_indirect_dma source(%arg12 : memref<64x128xf32, #tpu.memory_space<vmem>>) target(%dma_start3A_277 : memref<10240x128xf32, #tpu.memory_space<vmem_shared>>) offsets(%dma_start3A_274 : memref<64xi32, #tpu.memory_space<vmem>>) semaphore(%run_scoped3A_271 : memref<!tpu.dma_semaphore, #tpu.memory_space<semaphore_mem>>) {add = true}
      %dma_wait3A_278 = arith.constant 0 : i32
      %dma_wait3A_279 = tpu.memref_slice %arg8[%run_scoped3A_202, %dma_wait3A_278] : memref<80x64xi32, #tpu.memory_space<vmem>> -> memref<1x64xi32, #tpu.memory_space<vmem>>
      %dma_wait3A_280 = tpu.memref_squeeze %dma_wait3A_279 : memref<1x64xi32, #tpu.memory_space<vmem>> -> memref<64xi32, #tpu.memory_space<vmem>>
      %dma_wait3A_281 = arith.constant 0 : i32
      %dma_wait3A_282 = arith.constant 0 : i32
      %dma_wait3A_283 = tpu.memref_slice %arg6[%dma_wait3A_281, %dma_wait3A_282] : memref<10240x128xf32, #tpu.memory_space<vmem_shared>> -> memref<10240x128xf32, #tpu.memory_space<vmem_shared>>
      tpu.wait_indirect_dma semaphore(%run_scoped3A_271 : memref<!tpu.dma_semaphore, #tpu.memory_space<semaphore_mem>>) src(%arg12 : memref<64x128xf32, #tpu.memory_space<vmem>>) dst(%dma_wait3A_283 : memref<10240x128xf32, #tpu.memory_space<vmem_shared>>)
      tpu.yield
    }) : () -> ()
    "tpu.region"() ({
      %run_scoped3A_271 = tpu.sem_alloc : memref<!tpu.dma_semaphore, #tpu.memory_space<semaphore_mem>>
      %dma_start3A_272 = arith.constant 40 : i32
      %dma_start3A_273 = arith.constant 0 : i32
      %dma_start3A_274 = tpu.memref_slice %arg3[%add3A, %dma_start3A_272, %dma_start3A_273] : memref<32x80x128xi32, #tpu.memory_space<hbm>> -> memref<1x40x128xi32, #tpu.memory_space<hbm>>
      %dma_start3A_275 = tpu.memref_squeeze %dma_start3A_274 : memref<1x40x128xi32, #tpu.memory_space<hbm>> -> memref<40x128xi32, #tpu.memory_space<hbm>>
      %dma_start3A_276 = arith.constant 40 : i32
      %dma_start3A_277 = arith.constant 0 : i32
      %dma_start3A_278 = tpu.memref_slice %arg3[%add3A, %dma_start3A_276, %dma_start3A_277] : memref<32x80x128xi32, #tpu.memory_space<hbm>> -> memref<1x40x128xi32, #tpu.memory_space<hbm>>
      %dma_start3A_279 = tpu.memref_squeeze %dma_start3A_278 : memref<1x40x128xi32, #tpu.memory_space<hbm>> -> memref<40x128xi32, #tpu.memory_space<hbm>>
      tpu.enqueue_dma source(%dma_start3A_279 : memref<40x128xi32, #tpu.memory_space<hbm>>) target(%arg7 : memref<40x128xi32, #tpu.memory_space<vmem>>) target_semaphore(%run_scoped3A_271 : memref<!tpu.dma_semaphore, #tpu.memory_space<semaphore_mem>>)
      %dma_wait3A_280 = arith.constant 40 : i32
      %dma_wait3A_281 = arith.constant 0 : i32
      %dma_wait3A_282 = tpu.memref_slice %arg3[%add3A, %dma_wait3A_280, %dma_wait3A_281] : memref<32x80x128xi32, #tpu.memory_space<hbm>> -> memref<1x40x128xi32, #tpu.memory_space<hbm>>
      %dma_wait3A_283 = tpu.memref_squeeze %dma_wait3A_282 : memref<1x40x128xi32, #tpu.memory_space<hbm>> -> memref<40x128xi32, #tpu.memory_space<hbm>>
      %dma_wait3A_284 = arith.constant 40 : i32
      %dma_wait3A_285 = arith.constant 0 : i32
      %dma_wait3A_286 = tpu.memref_slice %arg3[%add3A, %dma_wait3A_284, %dma_wait3A_285] : memref<32x80x128xi32, #tpu.memory_space<hbm>> -> memref<1x40x128xi32, #tpu.memory_space<hbm>>
      %dma_wait3A_287 = tpu.memref_squeeze %dma_wait3A_286 : memref<1x40x128xi32, #tpu.memory_space<hbm>> -> memref<40x128xi32, #tpu.memory_space<hbm>>
      tpu.wait_dma2 semaphore(%run_scoped3A_271 : memref<!tpu.dma_semaphore, #tpu.memory_space<semaphore_mem>>) src(%dma_wait3A_287 : memref<40x128xi32, #tpu.memory_space<hbm>>) dst(%arg7 : memref<40x128xi32, #tpu.memory_space<vmem>>)
      tpu.yield
    }) : () -> ()
    "tpu.region"() ({
      %run_scoped3A_271 = tpu.sem_alloc : memref<!tpu.dma_semaphore, #tpu.memory_space<semaphore_mem>>
      %dma_start3A_272 = arith.constant 80 : i32
      %dma_start3A_273 = arith.constant 0 : i32
      %dma_start3A_274 = tpu.memref_slice %arg4[%add3A, %dma_start3A_272, %dma_start3A_273] : memref<32x160x64xi32, #tpu.memory_space<hbm>> -> memref<1x80x64xi32, #tpu.memory_space<hbm>>
      %dma_start3A_275 = tpu.memref_squeeze %dma_start3A_274 : memref<1x80x64xi32, #tpu.memory_space<hbm>> -> memref<80x64xi32, #tpu.memory_space<hbm>>
      %dma_start3A_276 = arith.constant 80 : i32
      %dma_start3A_277 = arith.constant 0 : i32
      %dma_start3A_278 = tpu.memref_slice %arg4[%add3A, %dma_start3A_276, %dma_start3A_277] : memref<32x160x64xi32, #tpu.memory_space<hbm>> -> memref<1x80x64xi32, #tpu.memory_space<hbm>>
      %dma_start3A_279 = tpu.memref_squeeze %dma_start3A_278 : memref<1x80x64xi32, #tpu.memory_space<hbm>> -> memref<80x64xi32, #tpu.memory_space<hbm>>
      tpu.enqueue_dma source(%dma_start3A_279 : memref<80x64xi32, #tpu.memory_space<hbm>>) target(%arg8 : memref<80x64xi32, #tpu.memory_space<vmem>>) target_semaphore(%run_scoped3A_271 : memref<!tpu.dma_semaphore, #tpu.memory_space<semaphore_mem>>)
      %dma_wait3A_280 = arith.constant 80 : i32
      %dma_wait3A_281 = arith.constant 0 : i32
      %dma_wait3A_282 = tpu.memref_slice %arg4[%add3A, %dma_wait3A_280, %dma_wait3A_281] : memref<32x160x64xi32, #tpu.memory_space<hbm>> -> memref<1x80x64xi32, #tpu.memory_space<hbm>>
      %dma_wait3A_283 = tpu.memref_squeeze %dma_wait3A_282 : memref<1x80x64xi32, #tpu.memory_space<hbm>> -> memref<80x64xi32, #tpu.memory_space<hbm>>
      %dma_wait3A_284 = arith.constant 80 : i32
      %dma_wait3A_285 = arith.constant 0 : i32
      %dma_wait3A_286 = tpu.memref_slice %arg4[%add3A, %dma_wait3A_284, %dma_wait3A_285] : memref<32x160x64xi32, #tpu.memory_space<hbm>> -> memref<1x80x64xi32, #tpu.memory_space<hbm>>
      %dma_wait3A_287 = tpu.memref_squeeze %dma_wait3A_286 : memref<1x80x64xi32, #tpu.memory_space<hbm>> -> memref<80x64xi32, #tpu.memory_space<hbm>>
      tpu.wait_dma2 semaphore(%run_scoped3A_271 : memref<!tpu.dma_semaphore, #tpu.memory_space<semaphore_mem>>) src(%dma_wait3A_287 : memref<80x64xi32, #tpu.memory_space<hbm>>) dst(%arg8 : memref<80x64xi32, #tpu.memory_space<vmem>>)
      tpu.yield
    }) : () -> ()
    %dma_start3A_203 = arith.constant 0 : i32
    %dma_start3A_204 = arith.constant 0 : i32
    %dma_start3A_205 = tpu.memref_slice %arg7[%dma_start3A_203, %dma_start3A_204] : memref<40x128xi32, #tpu.memory_space<vmem>> -> memref<1x64xi32, #tpu.memory_space<vmem>>
    %dma_start3A_206 = tpu.memref_squeeze %dma_start3A_205 : memref<1x64xi32, #tpu.memory_space<vmem>> -> memref<64xi32, #tpu.memory_space<vmem>>
    %dma_start3A_207 = arith.constant 0 : i32
    %dma_start3A_208 = arith.constant 0 : i32
    %dma_start3A_209 = tpu.memref_slice %arg2[%dma_start3A_207, %dma_start3A_208] : memref<10000x128xf32, #tpu.memory_space<hbm>> -> memref<10000x128xf32, #tpu.memory_space<hbm>>
    tpu.enqueue_indirect_dma source(%dma_start3A_209 : memref<10000x128xf32, #tpu.memory_space<hbm>>) target(%arg9 : memref<64x128xf32, #tpu.memory_space<vmem>>) offsets(%dma_start3A_206 : memref<64xi32, #tpu.memory_space<vmem>>) semaphore(%arg13 : memref<!tpu.dma_semaphore, #tpu.memory_space<semaphore_mem>>)
    %dma_start3A_210 = arith.constant 0 : i32
    %dma_start3A_211 = arith.constant 64 : i32
    %dma_start3A_212 = tpu.memref_slice %arg7[%dma_start3A_210, %dma_start3A_211] : memref<40x128xi32, #tpu.memory_space<vmem>> -> memref<1x64xi32, #tpu.memory_space<vmem>>
    %dma_start3A_213 = tpu.memref_squeeze %dma_start3A_212 : memref<1x64xi32, #tpu.memory_space<vmem>> -> memref<64xi32, #tpu.memory_space<vmem>>
    %dma_start3A_214 = arith.constant 0 : i32
    %dma_start3A_215 = arith.constant 0 : i32
    %dma_start3A_216 = tpu.memref_slice %arg2[%dma_start3A_214, %dma_start3A_215] : memref<10000x128xf32, #tpu.memory_space<hbm>> -> memref<10000x128xf32, #tpu.memory_space<hbm>>
    tpu.enqueue_indirect_dma source(%dma_start3A_216 : memref<10000x128xf32, #tpu.memory_space<hbm>>) target(%arg10 : memref<64x128xf32, #tpu.memory_space<vmem>>) offsets(%dma_start3A_213 : memref<64xi32, #tpu.memory_space<vmem>>) semaphore(%arg14 : memref<!tpu.dma_semaphore, #tpu.memory_space<semaphore_mem>>)
    %dma_start3A_217 = arith.constant 1 : i32
    %dma_start3A_218 = arith.constant 0 : i32
    %dma_start3A_219 = tpu.memref_slice %arg7[%dma_start3A_217, %dma_start3A_218] : memref<40x128xi32, #tpu.memory_space<vmem>> -> memref<1x64xi32, #tpu.memory_space<vmem>>
    %dma_start3A_220 = tpu.memref_squeeze %dma_start3A_219 : memref<1x64xi32, #tpu.memory_space<vmem>> -> memref<64xi32, #tpu.memory_space<vmem>>
    %dma_start3A_221 = arith.constant 0 : i32
    %dma_start3A_222 = arith.constant 0 : i32
    %dma_start3A_223 = tpu.memref_slice %arg2[%dma_start3A_221, %dma_start3A_222] : memref<10000x128xf32, #tpu.memory_space<hbm>> -> memref<10000x128xf32, #tpu.memory_space<hbm>>
    tpu.enqueue_indirect_dma source(%dma_start3A_223 : memref<10000x128xf32, #tpu.memory_space<hbm>>) target(%arg11 : memref<64x128xf32, #tpu.memory_space<vmem>>) offsets(%dma_start3A_220 : memref<64xi32, #tpu.memory_space<vmem>>) semaphore(%arg15 : memref<!tpu.dma_semaphore, #tpu.memory_space<semaphore_mem>>)
    %dma_start3A_224 = arith.constant 1 : i32
    %dma_start3A_225 = arith.constant 64 : i32
    %dma_start3A_226 = tpu.memref_slice %arg7[%dma_start3A_224, %dma_start3A_225] : memref<40x128xi32, #tpu.memory_space<vmem>> -> memref<1x64xi32, #tpu.memory_space<vmem>>
    %dma_start3A_227 = tpu.memref_squeeze %dma_start3A_226 : memref<1x64xi32, #tpu.memory_space<vmem>> -> memref<64xi32, #tpu.memory_space<vmem>>
    %dma_start3A_228 = arith.constant 0 : i32
    %dma_start3A_229 = arith.constant 0 : i32
    %dma_start3A_230 = tpu.memref_slice %arg2[%dma_start3A_228, %dma_start3A_229] : memref<10000x128xf32, #tpu.memory_space<hbm>> -> memref<10000x128xf32, #tpu.memory_space<hbm>>
    tpu.enqueue_indirect_dma source(%dma_start3A_230 : memref<10000x128xf32, #tpu.memory_space<hbm>>) target(%arg12 : memref<64x128xf32, #tpu.memory_space<vmem>>) offsets(%dma_start3A_227 : memref<64xi32, #tpu.memory_space<vmem>>) semaphore(%arg16 : memref<!tpu.dma_semaphore, #tpu.memory_space<semaphore_mem>>)
    %scan3A_231 = arith.constant 0 : i32
    %scan3A_232 = arith.constant 19 : i32
    %scan3A_233 = arith.addi %scan3A_231, %scan3A_232 : i32
    %scan3A_234 = arith.constant 1 : i32
    scf.for %scan3A_271 = %scan3A_231 to %scan3A_233 step %scan3A_234  : i32 {
      %mul3A_272 = arith.constant 4 : i32
      %mul3A_273 = arith.muli %scan3A_271, %mul3A_272 : i32
      %add3A_274 = arith.constant 0 : i32
      %add3A_275 = arith.addi %add3A_274, %mul3A_273 : i32
      %dma_wait3A_276 = arith.constant 0 : i32
      %dma_wait3A_277 = arith.constant 0 : i32
      %dma_wait3A_278 = tpu.memref_slice %arg2[%dma_wait3A_276, %dma_wait3A_277] : memref<10000x128xf32, #tpu.memory_space<hbm>> -> memref<64x128xf32, #tpu.memory_space<hbm>>
      %dma_wait3A_279 = arith.constant 0 : i32
      %dma_wait3A_280 = arith.constant 0 : i32
      %dma_wait3A_281 = tpu.memref_slice %arg2[%dma_wait3A_279, %dma_wait3A_280] : memref<10000x128xf32, #tpu.memory_space<hbm>> -> memref<64x128xf32, #tpu.memory_space<hbm>>
      tpu.wait_dma2 semaphore(%arg13 : memref<!tpu.dma_semaphore, #tpu.memory_space<semaphore_mem>>) src(%dma_wait3A_281 : memref<64x128xf32, #tpu.memory_space<hbm>>) dst(%arg9 : memref<64x128xf32, #tpu.memory_space<vmem>>)
      %add3A_282 = arith.constant 0 : i32
      %add3A_283 = arith.addi %add3A_275, %add3A_282 : i32
      "tpu.region"() ({
        %run_scoped3A_436 = tpu.sem_alloc : memref<!tpu.dma_semaphore, #tpu.memory_space<semaphore_mem>>
        %dma_start3A_437 = arith.constant 0 : i32
        %dma_start3A_438 = tpu.memref_slice %arg8[%add3A_283, %dma_start3A_437] : memref<80x64xi32, #tpu.memory_space<vmem>> -> memref<1x64xi32, #tpu.memory_space<vmem>>
        %dma_start3A_439 = tpu.memref_squeeze %dma_start3A_438 : memref<1x64xi32, #tpu.memory_space<vmem>> -> memref<64xi32, #tpu.memory_space<vmem>>
        %dma_start3A_440 = arith.constant 0 : i32
        %dma_start3A_441 = arith.constant 0 : i32
        %dma_start3A_442 = tpu.memref_slice %arg6[%dma_start3A_440, %dma_start3A_441] : memref<10240x128xf32, #tpu.memory_space<vmem_shared>> -> memref<10240x128xf32, #tpu.memory_space<vmem_shared>>
        tpu.enqueue_indirect_dma source(%arg9 : memref<64x128xf32, #tpu.memory_space<vmem>>) target(%dma_start3A_442 : memref<10240x128xf32, #tpu.memory_space<vmem_shared>>) offsets(%dma_start3A_439 : memref<64xi32, #tpu.memory_space<vmem>>) semaphore(%run_scoped3A_436 : memref<!tpu.dma_semaphore, #tpu.memory_space<semaphore_mem>>) {add = true}
        %dma_wait3A_443 = arith.constant 0 : i32
        %dma_wait3A_444 = tpu.memref_slice %arg8[%add3A_283, %dma_wait3A_443] : memref<80x64xi32, #tpu.memory_space<vmem>> -> memref<1x64xi32, #tpu.memory_space<vmem>>
        %dma_wait3A_445 = tpu.memref_squeeze %dma_wait3A_444 : memref<1x64xi32, #tpu.memory_space<vmem>> -> memref<64xi32, #tpu.memory_space<vmem>>
        %dma_wait3A_446 = arith.constant 0 : i32
        %dma_wait3A_447 = arith.constant 0 : i32
        %dma_wait3A_448 = tpu.memref_slice %arg6[%dma_wait3A_446, %dma_wait3A_447] : memref<10240x128xf32, #tpu.memory_space<vmem_shared>> -> memref<10240x128xf32, #tpu.memory_space<vmem_shared>>
        tpu.wait_indirect_dma semaphore(%run_scoped3A_436 : memref<!tpu.dma_semaphore, #tpu.memory_space<semaphore_mem>>) src(%arg9 : memref<64x128xf32, #tpu.memory_space<vmem>>) dst(%dma_wait3A_448 : memref<10240x128xf32, #tpu.memory_space<vmem_shared>>)
        tpu.yield
      }) : () -> ()
      %add3A_284 = arith.constant 4 : i32
      %add3A_285 = arith.addi %add3A_275, %add3A_284 : i32
      %add3A_286 = arith.constant 0 : i32
      %add3A_287 = arith.addi %add3A_285, %add3A_286 : i32
      %jit3A = arith.constant 2 : i32
      %div3A = arith.divsi %add3A_287, %jit3A : i32
      %sign3A = arith.constant 0 : i32
      %sign3A_288 = arith.cmpi sgt, %add3A_287, %sign3A : i32
      %sign3A_289 = arith.extui %sign3A_288 : i1 to i32
      %sign3A_290 = arith.constant 0 : i32
      %sign3A_291 = arith.cmpi slt, %add3A_287, %sign3A_290 : i32
      %sign3A_292 = arith.extui %sign3A_291 : i1 to i32
      %sign3A_293 = arith.subi %sign3A_289, %sign3A_292 : i32
      %sign3A_294 = arith.constant 0 : i32
      %sign3A_295 = arith.cmpi sgt, %jit3A, %sign3A_294 : i32
      %sign3A_296 = arith.extui %sign3A_295 : i1 to i32
      %sign3A_297 = arith.constant 0 : i32
      %sign3A_298 = arith.cmpi slt, %jit3A, %sign3A_297 : i32
      %sign3A_299 = arith.extui %sign3A_298 : i1 to i32
      %sign3A_300 = arith.subi %sign3A_296, %sign3A_299 : i32
      %ne3A = arith.cmpi ne, %sign3A_293, %sign3A_300 : i32
      %rem3A = arith.remsi %add3A_287, %jit3A : i32
      %ne3A_301 = arith.constant 0 : i32
      %ne3A_302 = arith.cmpi ne, %rem3A, %ne3A_301 : i32
      %and3A = arith.andi %ne3A, %ne3A_302 : i1
      %sub3A = arith.constant 1 : i32
      %sub3A_303 = arith.subi %div3A, %sub3A : i32
      %select_n3A = arith.select %and3A, %sub3A_303, %div3A : i32
      %dma_start3A_304 = arith.constant 0 : i32
      %dma_start3A_305 = tpu.memref_slice %arg7[%select_n3A, %dma_start3A_304] : memref<40x128xi32, #tpu.memory_space<vmem>> -> memref<1x64xi32, #tpu.memory_space<vmem>>
      %dma_start3A_306 = tpu.memref_squeeze %dma_start3A_305 : memref<1x64xi32, #tpu.memory_space<vmem>> -> memref<64xi32, #tpu.memory_space<vmem>>
      %dma_start3A_307 = arith.constant 0 : i32
      %dma_start3A_308 = arith.constant 0 : i32
      %dma_start3A_309 = tpu.memref_slice %arg2[%dma_start3A_307, %dma_start3A_308] : memref<10000x128xf32, #tpu.memory_space<hbm>> -> memref<10000x128xf32, #tpu.memory_space<hbm>>
      tpu.enqueue_indirect_dma source(%dma_start3A_309 : memref<10000x128xf32, #tpu.memory_space<hbm>>) target(%arg9 : memref<64x128xf32, #tpu.memory_space<vmem>>) offsets(%dma_start3A_306 : memref<64xi32, #tpu.memory_space<vmem>>) semaphore(%arg13 : memref<!tpu.dma_semaphore, #tpu.memory_space<semaphore_mem>>)
      %dma_wait3A_310 = arith.constant 0 : i32
      %dma_wait3A_311 = arith.constant 0 : i32
      %dma_wait3A_312 = tpu.memref_slice %arg2[%dma_wait3A_310, %dma_wait3A_311] : memref<10000x128xf32, #tpu.memory_space<hbm>> -> memref<64x128xf32, #tpu.memory_space<hbm>>
      %dma_wait3A_313 = arith.constant 0 : i32
      %dma_wait3A_314 = arith.constant 0 : i32
      %dma_wait3A_315 = tpu.memref_slice %arg2[%dma_wait3A_313, %dma_wait3A_314] : memref<10000x128xf32, #tpu.memory_space<hbm>> -> memref<64x128xf32, #tpu.memory_space<hbm>>
      tpu.wait_dma2 semaphore(%arg14 : memref<!tpu.dma_semaphore, #tpu.memory_space<semaphore_mem>>) src(%dma_wait3A_315 : memref<64x128xf32, #tpu.memory_space<hbm>>) dst(%arg10 : memref<64x128xf32, #tpu.memory_space<vmem>>)
      %add3A_316 = arith.constant 1 : i32
      %add3A_317 = arith.addi %add3A_275, %add3A_316 : i32
      "tpu.region"() ({
        %run_scoped3A_436 = tpu.sem_alloc : memref<!tpu.dma_semaphore, #tpu.memory_space<semaphore_mem>>
        %dma_start3A_437 = arith.constant 0 : i32
        %dma_start3A_438 = tpu.memref_slice %arg8[%add3A_317, %dma_start3A_437] : memref<80x64xi32, #tpu.memory_space<vmem>> -> memref<1x64xi32, #tpu.memory_space<vmem>>
        %dma_start3A_439 = tpu.memref_squeeze %dma_start3A_438 : memref<1x64xi32, #tpu.memory_space<vmem>> -> memref<64xi32, #tpu.memory_space<vmem>>
        %dma_start3A_440 = arith.constant 0 : i32
        %dma_start3A_441 = arith.constant 0 : i32
        %dma_start3A_442 = tpu.memref_slice %arg6[%dma_start3A_440, %dma_start3A_441] : memref<10240x128xf32, #tpu.memory_space<vmem_shared>> -> memref<10240x128xf32, #tpu.memory_space<vmem_shared>>
        tpu.enqueue_indirect_dma source(%arg10 : memref<64x128xf32, #tpu.memory_space<vmem>>) target(%dma_start3A_442 : memref<10240x128xf32, #tpu.memory_space<vmem_shared>>) offsets(%dma_start3A_439 : memref<64xi32, #tpu.memory_space<vmem>>) semaphore(%run_scoped3A_436 : memref<!tpu.dma_semaphore, #tpu.memory_space<semaphore_mem>>) {add = true}
        %dma_wait3A_443 = arith.constant 0 : i32
        %dma_wait3A_444 = tpu.memref_slice %arg8[%add3A_317, %dma_wait3A_443] : memref<80x64xi32, #tpu.memory_space<vmem>> -> memref<1x64xi32, #tpu.memory_space<vmem>>
        %dma_wait3A_445 = tpu.memref_squeeze %dma_wait3A_444 : memref<1x64xi32, #tpu.memory_space<vmem>> -> memref<64xi32, #tpu.memory_space<vmem>>
        %dma_wait3A_446 = arith.constant 0 : i32
        %dma_wait3A_447 = arith.constant 0 : i32
        %dma_wait3A_448 = tpu.memref_slice %arg6[%dma_wait3A_446, %dma_wait3A_447] : memref<10240x128xf32, #tpu.memory_space<vmem_shared>> -> memref<10240x128xf32, #tpu.memory_space<vmem_shared>>
        tpu.wait_indirect_dma semaphore(%run_scoped3A_436 : memref<!tpu.dma_semaphore, #tpu.memory_space<semaphore_mem>>) src(%arg10 : memref<64x128xf32, #tpu.memory_space<vmem>>) dst(%dma_wait3A_448 : memref<10240x128xf32, #tpu.memory_space<vmem_shared>>)
        tpu.yield
      }) : () -> ()
      %add3A_318 = arith.constant 4 : i32
      %add3A_319 = arith.addi %add3A_275, %add3A_318 : i32
      %add3A_320 = arith.constant 1 : i32
      %add3A_321 = arith.addi %add3A_319, %add3A_320 : i32
      %jit3A_322 = arith.constant 2 : i32
      %div3A_323 = arith.divsi %add3A_321, %jit3A_322 : i32
      %sign3A_324 = arith.constant 0 : i32
      %sign3A_325 = arith.cmpi sgt, %add3A_321, %sign3A_324 : i32
      %sign3A_326 = arith.extui %sign3A_325 : i1 to i32
      %sign3A_327 = arith.constant 0 : i32
      %sign3A_328 = arith.cmpi slt, %add3A_321, %sign3A_327 : i32
      %sign3A_329 = arith.extui %sign3A_328 : i1 to i32
      %sign3A_330 = arith.subi %sign3A_326, %sign3A_329 : i32
      %sign3A_331 = arith.constant 0 : i32
      %sign3A_332 = arith.cmpi sgt, %jit3A_322, %sign3A_331 : i32
      %sign3A_333 = arith.extui %sign3A_332 : i1 to i32
      %sign3A_334 = arith.constant 0 : i32
      %sign3A_335 = arith.cmpi slt, %jit3A_322, %sign3A_334 : i32
      %sign3A_336 = arith.extui %sign3A_335 : i1 to i32
      %sign3A_337 = arith.subi %sign3A_333, %sign3A_336 : i32
      %ne3A_338 = arith.cmpi ne, %sign3A_330, %sign3A_337 : i32
      %rem3A_339 = arith.remsi %add3A_321, %jit3A_322 : i32
      %ne3A_340 = arith.constant 0 : i32
      %ne3A_341 = arith.cmpi ne, %rem3A_339, %ne3A_340 : i32
      %and3A_342 = arith.andi %ne3A_338, %ne3A_341 : i1
      %sub3A_343 = arith.constant 1 : i32
      %sub3A_344 = arith.subi %div3A_323, %sub3A_343 : i32
      %select_n3A_345 = arith.select %and3A_342, %sub3A_344, %div3A_323 : i32
      %dma_start3A_346 = arith.constant 64 : i32
      %dma_start3A_347 = tpu.memref_slice %arg7[%select_n3A_345, %dma_start3A_346] : memref<40x128xi32, #tpu.memory_space<vmem>> -> memref<1x64xi32, #tpu.memory_space<vmem>>
      %dma_start3A_348 = tpu.memref_squeeze %dma_start3A_347 : memref<1x64xi32, #tpu.memory_space<vmem>> -> memref<64xi32, #tpu.memory_space<vmem>>
      %dma_start3A_349 = arith.constant 0 : i32
      %dma_start3A_350 = arith.constant 0 : i32
      %dma_start3A_351 = tpu.memref_slice %arg2[%dma_start3A_349, %dma_start3A_350] : memref<10000x128xf32, #tpu.memory_space<hbm>> -> memref<10000x128xf32, #tpu.memory_space<hbm>>
      tpu.enqueue_indirect_dma source(%dma_start3A_351 : memref<10000x128xf32, #tpu.memory_space<hbm>>) target(%arg10 : memref<64x128xf32, #tpu.memory_space<vmem>>) offsets(%dma_start3A_348 : memref<64xi32, #tpu.memory_space<vmem>>) semaphore(%arg14 : memref<!tpu.dma_semaphore, #tpu.memory_space<semaphore_mem>>)
      %dma_wait3A_352 = arith.constant 0 : i32
      %dma_wait3A_353 = arith.constant 0 : i32
      %dma_wait3A_354 = tpu.memref_slice %arg2[%dma_wait3A_352, %dma_wait3A_353] : memref<10000x128xf32, #tpu.memory_space<hbm>> -> memref<64x128xf32, #tpu.memory_space<hbm>>
      %dma_wait3A_355 = arith.constant 0 : i32
      %dma_wait3A_356 = arith.constant 0 : i32
      %dma_wait3A_357 = tpu.memref_slice %arg2[%dma_wait3A_355, %dma_wait3A_356] : memref<10000x128xf32, #tpu.memory_space<hbm>> -> memref<64x128xf32, #tpu.memory_space<hbm>>
      tpu.wait_dma2 semaphore(%arg15 : memref<!tpu.dma_semaphore, #tpu.memory_space<semaphore_mem>>) src(%dma_wait3A_357 : memref<64x128xf32, #tpu.memory_space<hbm>>) dst(%arg11 : memref<64x128xf32, #tpu.memory_space<vmem>>)
      %add3A_358 = arith.constant 2 : i32
      %add3A_359 = arith.addi %add3A_275, %add3A_358 : i32
      "tpu.region"() ({
        %run_scoped3A_436 = tpu.sem_alloc : memref<!tpu.dma_semaphore, #tpu.memory_space<semaphore_mem>>
        %dma_start3A_437 = arith.constant 0 : i32
        %dma_start3A_438 = tpu.memref_slice %arg8[%add3A_359, %dma_start3A_437] : memref<80x64xi32, #tpu.memory_space<vmem>> -> memref<1x64xi32, #tpu.memory_space<vmem>>
        %dma_start3A_439 = tpu.memref_squeeze %dma_start3A_438 : memref<1x64xi32, #tpu.memory_space<vmem>> -> memref<64xi32, #tpu.memory_space<vmem>>
        %dma_start3A_440 = arith.constant 0 : i32
        %dma_start3A_441 = arith.constant 0 : i32
        %dma_start3A_442 = tpu.memref_slice %arg6[%dma_start3A_440, %dma_start3A_441] : memref<10240x128xf32, #tpu.memory_space<vmem_shared>> -> memref<10240x128xf32, #tpu.memory_space<vmem_shared>>
        tpu.enqueue_indirect_dma source(%arg11 : memref<64x128xf32, #tpu.memory_space<vmem>>) target(%dma_start3A_442 : memref<10240x128xf32, #tpu.memory_space<vmem_shared>>) offsets(%dma_start3A_439 : memref<64xi32, #tpu.memory_space<vmem>>) semaphore(%run_scoped3A_436 : memref<!tpu.dma_semaphore, #tpu.memory_space<semaphore_mem>>) {add = true}
        %dma_wait3A_443 = arith.constant 0 : i32
        %dma_wait3A_444 = tpu.memref_slice %arg8[%add3A_359, %dma_wait3A_443] : memref<80x64xi32, #tpu.memory_space<vmem>> -> memref<1x64xi32, #tpu.memory_space<vmem>>
        %dma_wait3A_445 = tpu.memref_squeeze %dma_wait3A_444 : memref<1x64xi32, #tpu.memory_space<vmem>> -> memref<64xi32, #tpu.memory_space<vmem>>
        %dma_wait3A_446 = arith.constant 0 : i32
        %dma_wait3A_447 = arith.constant 0 : i32
        %dma_wait3A_448 = tpu.memref_slice %arg6[%dma_wait3A_446, %dma_wait3A_447] : memref<10240x128xf32, #tpu.memory_space<vmem_shared>> -> memref<10240x128xf32, #tpu.memory_space<vmem_shared>>
        tpu.wait_indirect_dma semaphore(%run_scoped3A_436 : memref<!tpu.dma_semaphore, #tpu.memory_space<semaphore_mem>>) src(%arg11 : memref<64x128xf32, #tpu.memory_space<vmem>>) dst(%dma_wait3A_448 : memref<10240x128xf32, #tpu.memory_space<vmem_shared>>)
        tpu.yield
      }) : () -> ()
      %add3A_360 = arith.constant 4 : i32
      %add3A_361 = arith.addi %add3A_275, %add3A_360 : i32
      %add3A_362 = arith.constant 2 : i32
      %add3A_363 = arith.addi %add3A_361, %add3A_362 : i32
      %jit3A_364 = arith.constant 2 : i32
      %div3A_365 = arith.divsi %add3A_363, %jit3A_364 : i32
      %sign3A_366 = arith.constant 0 : i32
      %sign3A_367 = arith.cmpi sgt, %add3A_363, %sign3A_366 : i32
      %sign3A_368 = arith.extui %sign3A_367 : i1 to i32
      %sign3A_369 = arith.constant 0 : i32
      %sign3A_370 = arith.cmpi slt, %add3A_363, %sign3A_369 : i32
      %sign3A_371 = arith.extui %sign3A_370 : i1 to i32
      %sign3A_372 = arith.subi %sign3A_368, %sign3A_371 : i32
      %sign3A_373 = arith.constant 0 : i32
      %sign3A_374 = arith.cmpi sgt, %jit3A_364, %sign3A_373 : i32
      %sign3A_375 = arith.extui %sign3A_374 : i1 to i32
      %sign3A_376 = arith.constant 0 : i32
      %sign3A_377 = arith.cmpi slt, %jit3A_364, %sign3A_376 : i32
      %sign3A_378 = arith.extui %sign3A_377 : i1 to i32
      %sign3A_379 = arith.subi %sign3A_375, %sign3A_378 : i32
      %ne3A_380 = arith.cmpi ne, %sign3A_372, %sign3A_379 : i32
      %rem3A_381 = arith.remsi %add3A_363, %jit3A_364 : i32
      %ne3A_382 = arith.constant 0 : i32
      %ne3A_383 = arith.cmpi ne, %rem3A_381, %ne3A_382 : i32
      %and3A_384 = arith.andi %ne3A_380, %ne3A_383 : i1
      %sub3A_385 = arith.constant 1 : i32
      %sub3A_386 = arith.subi %div3A_365, %sub3A_385 : i32
      %select_n3A_387 = arith.select %and3A_384, %sub3A_386, %div3A_365 : i32
      %dma_start3A_388 = arith.constant 0 : i32
      %dma_start3A_389 = tpu.memref_slice %arg7[%select_n3A_387, %dma_start3A_388] : memref<40x128xi32, #tpu.memory_space<vmem>> -> memref<1x64xi32, #tpu.memory_space<vmem>>
      %dma_start3A_390 = tpu.memref_squeeze %dma_start3A_389 : memref<1x64xi32, #tpu.memory_space<vmem>> -> memref<64xi32, #tpu.memory_space<vmem>>
      %dma_start3A_391 = arith.constant 0 : i32
      %dma_start3A_392 = arith.constant 0 : i32
      %dma_start3A_393 = tpu.memref_slice %arg2[%dma_start3A_391, %dma_start3A_392] : memref<10000x128xf32, #tpu.memory_space<hbm>> -> memref<10000x128xf32, #tpu.memory_space<hbm>>
      tpu.enqueue_indirect_dma source(%dma_start3A_393 : memref<10000x128xf32, #tpu.memory_space<hbm>>) target(%arg11 : memref<64x128xf32, #tpu.memory_space<vmem>>) offsets(%dma_start3A_390 : memref<64xi32, #tpu.memory_space<vmem>>) semaphore(%arg15 : memref<!tpu.dma_semaphore, #tpu.memory_space<semaphore_mem>>)
      %dma_wait3A_394 = arith.constant 0 : i32
      %dma_wait3A_395 = arith.constant 0 : i32
      %dma_wait3A_396 = tpu.memref_slice %arg2[%dma_wait3A_394, %dma_wait3A_395] : memref<10000x128xf32, #tpu.memory_space<hbm>> -> memref<64x128xf32, #tpu.memory_space<hbm>>
      %dma_wait3A_397 = arith.constant 0 : i32
      %dma_wait3A_398 = arith.constant 0 : i32
      %dma_wait3A_399 = tpu.memref_slice %arg2[%dma_wait3A_397, %dma_wait3A_398] : memref<10000x128xf32, #tpu.memory_space<hbm>> -> memref<64x128xf32, #tpu.memory_space<hbm>>
      tpu.wait_dma2 semaphore(%arg16 : memref<!tpu.dma_semaphore, #tpu.memory_space<semaphore_mem>>) src(%dma_wait3A_399 : memref<64x128xf32, #tpu.memory_space<hbm>>) dst(%arg12 : memref<64x128xf32, #tpu.memory_space<vmem>>)
      %add3A_400 = arith.constant 3 : i32
      %add3A_401 = arith.addi %add3A_275, %add3A_400 : i32
      "tpu.region"() ({
        %run_scoped3A_436 = tpu.sem_alloc : memref<!tpu.dma_semaphore, #tpu.memory_space<semaphore_mem>>
        %dma_start3A_437 = arith.constant 0 : i32
        %dma_start3A_438 = tpu.memref_slice %arg8[%add3A_401, %dma_start3A_437] : memref<80x64xi32, #tpu.memory_space<vmem>> -> memref<1x64xi32, #tpu.memory_space<vmem>>
        %dma_start3A_439 = tpu.memref_squeeze %dma_start3A_438 : memref<1x64xi32, #tpu.memory_space<vmem>> -> memref<64xi32, #tpu.memory_space<vmem>>
        %dma_start3A_440 = arith.constant 0 : i32
        %dma_start3A_441 = arith.constant 0 : i32
        %dma_start3A_442 = tpu.memref_slice %arg6[%dma_start3A_440, %dma_start3A_441] : memref<10240x128xf32, #tpu.memory_space<vmem_shared>> -> memref<10240x128xf32, #tpu.memory_space<vmem_shared>>
        tpu.enqueue_indirect_dma source(%arg12 : memref<64x128xf32, #tpu.memory_space<vmem>>) target(%dma_start3A_442 : memref<10240x128xf32, #tpu.memory_space<vmem_shared>>) offsets(%dma_start3A_439 : memref<64xi32, #tpu.memory_space<vmem>>) semaphore(%run_scoped3A_436 : memref<!tpu.dma_semaphore, #tpu.memory_space<semaphore_mem>>) {add = true}
        %dma_wait3A_443 = arith.constant 0 : i32
        %dma_wait3A_444 = tpu.memref_slice %arg8[%add3A_401, %dma_wait3A_443] : memref<80x64xi32, #tpu.memory_space<vmem>> -> memref<1x64xi32, #tpu.memory_space<vmem>>
        %dma_wait3A_445 = tpu.memref_squeeze %dma_wait3A_444 : memref<1x64xi32, #tpu.memory_space<vmem>> -> memref<64xi32, #tpu.memory_space<vmem>>
        %dma_wait3A_446 = arith.constant 0 : i32
        %dma_wait3A_447 = arith.constant 0 : i32
        %dma_wait3A_448 = tpu.memref_slice %arg6[%dma_wait3A_446, %dma_wait3A_447] : memref<10240x128xf32, #tpu.memory_space<vmem_shared>> -> memref<10240x128xf32, #tpu.memory_space<vmem_shared>>
        tpu.wait_indirect_dma semaphore(%run_scoped3A_436 : memref<!tpu.dma_semaphore, #tpu.memory_space<semaphore_mem>>) src(%arg12 : memref<64x128xf32, #tpu.memory_space<vmem>>) dst(%dma_wait3A_448 : memref<10240x128xf32, #tpu.memory_space<vmem_shared>>)
        tpu.yield
      }) : () -> ()
      %add3A_402 = arith.constant 4 : i32
      %add3A_403 = arith.addi %add3A_275, %add3A_402 : i32
      %add3A_404 = arith.constant 3 : i32
      %add3A_405 = arith.addi %add3A_403, %add3A_404 : i32
      %jit3A_406 = arith.constant 2 : i32
      %div3A_407 = arith.divsi %add3A_405, %jit3A_406 : i32
      %sign3A_408 = arith.constant 0 : i32
      %sign3A_409 = arith.cmpi sgt, %add3A_405, %sign3A_408 : i32
      %sign3A_410 = arith.extui %sign3A_409 : i1 to i32
      %sign3A_411 = arith.constant 0 : i32
      %sign3A_412 = arith.cmpi slt, %add3A_405, %sign3A_411 : i32
      %sign3A_413 = arith.extui %sign3A_412 : i1 to i32
      %sign3A_414 = arith.subi %sign3A_410, %sign3A_413 : i32
      %sign3A_415 = arith.constant 0 : i32
      %sign3A_416 = arith.cmpi sgt, %jit3A_406, %sign3A_415 : i32
      %sign3A_417 = arith.extui %sign3A_416 : i1 to i32
      %sign3A_418 = arith.constant 0 : i32
      %sign3A_419 = arith.cmpi slt, %jit3A_406, %sign3A_418 : i32
      %sign3A_420 = arith.extui %sign3A_419 : i1 to i32
      %sign3A_421 = arith.subi %sign3A_417, %sign3A_420 : i32
      %ne3A_422 = arith.cmpi ne, %sign3A_414, %sign3A_421 : i32
      %rem3A_423 = arith.remsi %add3A_405, %jit3A_406 : i32
      %ne3A_424 = arith.constant 0 : i32
      %ne3A_425 = arith.cmpi ne, %rem3A_423, %ne3A_424 : i32
      %and3A_426 = arith.andi %ne3A_422, %ne3A_425 : i1
      %sub3A_427 = arith.constant 1 : i32
      %sub3A_428 = arith.subi %div3A_407, %sub3A_427 : i32
      %select_n3A_429 = arith.select %and3A_426, %sub3A_428, %div3A_407 : i32
      %dma_start3A_430 = arith.constant 64 : i32
      %dma_start3A_431 = tpu.memref_slice %arg7[%select_n3A_429, %dma_start3A_430] : memref<40x128xi32, #tpu.memory_space<vmem>> -> memref<1x64xi32, #tpu.memory_space<vmem>>
      %dma_start3A_432 = tpu.memref_squeeze %dma_start3A_431 : memref<1x64xi32, #tpu.memory_space<vmem>> -> memref<64xi32, #tpu.memory_space<vmem>>
      %dma_start3A_433 = arith.constant 0 : i32
      %dma_start3A_434 = arith.constant 0 : i32
      %dma_start3A_435 = tpu.memref_slice %arg2[%dma_start3A_433, %dma_start3A_434] : memref<10000x128xf32, #tpu.memory_space<hbm>> -> memref<10000x128xf32, #tpu.memory_space<hbm>>
      tpu.enqueue_indirect_dma source(%dma_start3A_435 : memref<10000x128xf32, #tpu.memory_space<hbm>>) target(%arg12 : memref<64x128xf32, #tpu.memory_space<vmem>>) offsets(%dma_start3A_432 : memref<64xi32, #tpu.memory_space<vmem>>) semaphore(%arg16 : memref<!tpu.dma_semaphore, #tpu.memory_space<semaphore_mem>>)
    }
    %scan3A_235 = arith.constant 19 : i32
    %dma_wait3A_236 = arith.constant 0 : i32
    %dma_wait3A_237 = arith.constant 0 : i32
    %dma_wait3A_238 = tpu.memref_slice %arg2[%dma_wait3A_236, %dma_wait3A_237] : memref<10000x128xf32, #tpu.memory_space<hbm>> -> memref<64x128xf32, #tpu.memory_space<hbm>>
    %dma_wait3A_239 = arith.constant 0 : i32
    %dma_wait3A_240 = arith.constant 0 : i32
    %dma_wait3A_241 = tpu.memref_slice %arg2[%dma_wait3A_239, %dma_wait3A_240] : memref<10000x128xf32, #tpu.memory_space<hbm>> -> memref<64x128xf32, #tpu.memory_space<hbm>>
    tpu.wait_dma2 semaphore(%arg13 : memref<!tpu.dma_semaphore, #tpu.memory_space<semaphore_mem>>) src(%dma_wait3A_241 : memref<64x128xf32, #tpu.memory_space<hbm>>) dst(%arg9 : memref<64x128xf32, #tpu.memory_space<vmem>>)
    %run_scoped3A_242 = arith.constant 76 : i32
    "tpu.region"() ({
      %run_scoped3A_271 = tpu.sem_alloc : memref<!tpu.dma_semaphore, #tpu.memory_space<semaphore_mem>>
      %dma_start3A_272 = arith.constant 0 : i32
      %dma_start3A_273 = tpu.memref_slice %arg8[%run_scoped3A_242, %dma_start3A_272] : memref<80x64xi32, #tpu.memory_space<vmem>> -> memref<1x64xi32, #tpu.memory_space<vmem>>
      %dma_start3A_274 = tpu.memref_squeeze %dma_start3A_273 : memref<1x64xi32, #tpu.memory_space<vmem>> -> memref<64xi32, #tpu.memory_space<vmem>>
      %dma_start3A_275 = arith.constant 0 : i32
      %dma_start3A_276 = arith.constant 0 : i32
      %dma_start3A_277 = tpu.memref_slice %arg6[%dma_start3A_275, %dma_start3A_276] : memref<10240x128xf32, #tpu.memory_space<vmem_shared>> -> memref<10240x128xf32, #tpu.memory_space<vmem_shared>>
      tpu.enqueue_indirect_dma source(%arg9 : memref<64x128xf32, #tpu.memory_space<vmem>>) target(%dma_start3A_277 : memref<10240x128xf32, #tpu.memory_space<vmem_shared>>) offsets(%dma_start3A_274 : memref<64xi32, #tpu.memory_space<vmem>>) semaphore(%run_scoped3A_271 : memref<!tpu.dma_semaphore, #tpu.memory_space<semaphore_mem>>) {add = true}
      %dma_wait3A_278 = arith.constant 0 : i32
      %dma_wait3A_279 = tpu.memref_slice %arg8[%run_scoped3A_242, %dma_wait3A_278] : memref<80x64xi32, #tpu.memory_space<vmem>> -> memref<1x64xi32, #tpu.memory_space<vmem>>
      %dma_wait3A_280 = tpu.memref_squeeze %dma_wait3A_279 : memref<1x64xi32, #tpu.memory_space<vmem>> -> memref<64xi32, #tpu.memory_space<vmem>>
      %dma_wait3A_281 = arith.constant 0 : i32
      %dma_wait3A_282 = arith.constant 0 : i32
      %dma_wait3A_283 = tpu.memref_slice %arg6[%dma_wait3A_281, %dma_wait3A_282] : memref<10240x128xf32, #tpu.memory_space<vmem_shared>> -> memref<10240x128xf32, #tpu.memory_space<vmem_shared>>
      tpu.wait_indirect_dma semaphore(%run_scoped3A_271 : memref<!tpu.dma_semaphore, #tpu.memory_space<semaphore_mem>>) src(%arg9 : memref<64x128xf32, #tpu.memory_space<vmem>>) dst(%dma_wait3A_283 : memref<10240x128xf32, #tpu.memory_space<vmem_shared>>)
      tpu.yield
    }) : () -> ()
    %dma_wait3A_243 = arith.constant 0 : i32
    %dma_wait3A_244 = arith.constant 0 : i32
    %dma_wait3A_245 = tpu.memref_slice %arg2[%dma_wait3A_243, %dma_wait3A_244] : memref<10000x128xf32, #tpu.memory_space<hbm>> -> memref<64x128xf32, #tpu.memory_space<hbm>>
    %dma_wait3A_246 = arith.constant 0 : i32
    %dma_wait3A_247 = arith.constant 0 : i32
    %dma_wait3A_248 = tpu.memref_slice %arg2[%dma_wait3A_246, %dma_wait3A_247] : memref<10000x128xf32, #tpu.memory_space<hbm>> -> memref<64x128xf32, #tpu.memory_space<hbm>>
    tpu.wait_dma2 semaphore(%arg14 : memref<!tpu.dma_semaphore, #tpu.memory_space<semaphore_mem>>) src(%dma_wait3A_248 : memref<64x128xf32, #tpu.memory_space<hbm>>) dst(%arg10 : memref<64x128xf32, #tpu.memory_space<vmem>>)
    %run_scoped3A_249 = arith.constant 77 : i32
    "tpu.region"() ({
      %run_scoped3A_271 = tpu.sem_alloc : memref<!tpu.dma_semaphore, #tpu.memory_space<semaphore_mem>>
      %dma_start3A_272 = arith.constant 0 : i32
      %dma_start3A_273 = tpu.memref_slice %arg8[%run_scoped3A_249, %dma_start3A_272] : memref<80x64xi32, #tpu.memory_space<vmem>> -> memref<1x64xi32, #tpu.memory_space<vmem>>
      %dma_start3A_274 = tpu.memref_squeeze %dma_start3A_273 : memref<1x64xi32, #tpu.memory_space<vmem>> -> memref<64xi32, #tpu.memory_space<vmem>>
      %dma_start3A_275 = arith.constant 0 : i32
      %dma_start3A_276 = arith.constant 0 : i32
      %dma_start3A_277 = tpu.memref_slice %arg6[%dma_start3A_275, %dma_start3A_276] : memref<10240x128xf32, #tpu.memory_space<vmem_shared>> -> memref<10240x128xf32, #tpu.memory_space<vmem_shared>>
      tpu.enqueue_indirect_dma source(%arg10 : memref<64x128xf32, #tpu.memory_space<vmem>>) target(%dma_start3A_277 : memref<10240x128xf32, #tpu.memory_space<vmem_shared>>) offsets(%dma_start3A_274 : memref<64xi32, #tpu.memory_space<vmem>>) semaphore(%run_scoped3A_271 : memref<!tpu.dma_semaphore, #tpu.memory_space<semaphore_mem>>) {add = true}
      %dma_wait3A_278 = arith.constant 0 : i32
      %dma_wait3A_279 = tpu.memref_slice %arg8[%run_scoped3A_249, %dma_wait3A_278] : memref<80x64xi32, #tpu.memory_space<vmem>> -> memref<1x64xi32, #tpu.memory_space<vmem>>
      %dma_wait3A_280 = tpu.memref_squeeze %dma_wait3A_279 : memref<1x64xi32, #tpu.memory_space<vmem>> -> memref<64xi32, #tpu.memory_space<vmem>>
      %dma_wait3A_281 = arith.constant 0 : i32
      %dma_wait3A_282 = arith.constant 0 : i32
      %dma_wait3A_283 = tpu.memref_slice %arg6[%dma_wait3A_281, %dma_wait3A_282] : memref<10240x128xf32, #tpu.memory_space<vmem_shared>> -> memref<10240x128xf32, #tpu.memory_space<vmem_shared>>
      tpu.wait_indirect_dma semaphore(%run_scoped3A_271 : memref<!tpu.dma_semaphore, #tpu.memory_space<semaphore_mem>>) src(%arg10 : memref<64x128xf32, #tpu.memory_space<vmem>>) dst(%dma_wait3A_283 : memref<10240x128xf32, #tpu.memory_space<vmem_shared>>)
      tpu.yield
    }) : () -> ()
    %dma_wait3A_250 = arith.constant 0 : i32
    %dma_wait3A_251 = arith.constant 0 : i32
    %dma_wait3A_252 = tpu.memref_slice %arg2[%dma_wait3A_250, %dma_wait3A_251] : memref<10000x128xf32, #tpu.memory_space<hbm>> -> memref<64x128xf32, #tpu.memory_space<hbm>>
    %dma_wait3A_253 = arith.constant 0 : i32
    %dma_wait3A_254 = arith.constant 0 : i32
    %dma_wait3A_255 = tpu.memref_slice %arg2[%dma_wait3A_253, %dma_wait3A_254] : memref<10000x128xf32, #tpu.memory_space<hbm>> -> memref<64x128xf32, #tpu.memory_space<hbm>>
    tpu.wait_dma2 semaphore(%arg15 : memref<!tpu.dma_semaphore, #tpu.memory_space<semaphore_mem>>) src(%dma_wait3A_255 : memref<64x128xf32, #tpu.memory_space<hbm>>) dst(%arg11 : memref<64x128xf32, #tpu.memory_space<vmem>>)
    %run_scoped3A_256 = arith.constant 78 : i32
    "tpu.region"() ({
      %run_scoped3A_271 = tpu.sem_alloc : memref<!tpu.dma_semaphore, #tpu.memory_space<semaphore_mem>>
      %dma_start3A_272 = arith.constant 0 : i32
      %dma_start3A_273 = tpu.memref_slice %arg8[%run_scoped3A_256, %dma_start3A_272] : memref<80x64xi32, #tpu.memory_space<vmem>> -> memref<1x64xi32, #tpu.memory_space<vmem>>
      %dma_start3A_274 = tpu.memref_squeeze %dma_start3A_273 : memref<1x64xi32, #tpu.memory_space<vmem>> -> memref<64xi32, #tpu.memory_space<vmem>>
      %dma_start3A_275 = arith.constant 0 : i32
      %dma_start3A_276 = arith.constant 0 : i32
      %dma_start3A_277 = tpu.memref_slice %arg6[%dma_start3A_275, %dma_start3A_276] : memref<10240x128xf32, #tpu.memory_space<vmem_shared>> -> memref<10240x128xf32, #tpu.memory_space<vmem_shared>>
      tpu.enqueue_indirect_dma source(%arg11 : memref<64x128xf32, #tpu.memory_space<vmem>>) target(%dma_start3A_277 : memref<10240x128xf32, #tpu.memory_space<vmem_shared>>) offsets(%dma_start3A_274 : memref<64xi32, #tpu.memory_space<vmem>>) semaphore(%run_scoped3A_271 : memref<!tpu.dma_semaphore, #tpu.memory_space<semaphore_mem>>) {add = true}
      %dma_wait3A_278 = arith.constant 0 : i32
      %dma_wait3A_279 = tpu.memref_slice %arg8[%run_scoped3A_256, %dma_wait3A_278] : memref<80x64xi32, #tpu.memory_space<vmem>> -> memref<1x64xi32, #tpu.memory_space<vmem>>
      %dma_wait3A_280 = tpu.memref_squeeze %dma_wait3A_279 : memref<1x64xi32, #tpu.memory_space<vmem>> -> memref<64xi32, #tpu.memory_space<vmem>>
      %dma_wait3A_281 = arith.constant 0 : i32
      %dma_wait3A_282 = arith.constant 0 : i32
      %dma_wait3A_283 = tpu.memref_slice %arg6[%dma_wait3A_281, %dma_wait3A_282] : memref<10240x128xf32, #tpu.memory_space<vmem_shared>> -> memref<10240x128xf32, #tpu.memory_space<vmem_shared>>
      tpu.wait_indirect_dma semaphore(%run_scoped3A_271 : memref<!tpu.dma_semaphore, #tpu.memory_space<semaphore_mem>>) src(%arg11 : memref<64x128xf32, #tpu.memory_space<vmem>>) dst(%dma_wait3A_283 : memref<10240x128xf32, #tpu.memory_space<vmem_shared>>)
      tpu.yield
    }) : () -> ()
    %dma_wait3A_257 = arith.constant 0 : i32
    %dma_wait3A_258 = arith.constant 0 : i32
    %dma_wait3A_259 = tpu.memref_slice %arg2[%dma_wait3A_257, %dma_wait3A_258] : memref<10000x128xf32, #tpu.memory_space<hbm>> -> memref<64x128xf32, #tpu.memory_space<hbm>>
    %dma_wait3A_260 = arith.constant 0 : i32
    %dma_wait3A_261 = arith.constant 0 : i32
    %dma_wait3A_262 = tpu.memref_slice %arg2[%dma_wait3A_260, %dma_wait3A_261] : memref<10000x128xf32, #tpu.memory_space<hbm>> -> memref<64x128xf32, #tpu.memory_space<hbm>>
    tpu.wait_dma2 semaphore(%arg16 : memref<!tpu.dma_semaphore, #tpu.memory_space<semaphore_mem>>) src(%dma_wait3A_262 : memref<64x128xf32, #tpu.memory_space<hbm>>) dst(%arg12 : memref<64x128xf32, #tpu.memory_space<vmem>>)
    %run_scoped3A_263 = arith.constant 79 : i32
    "tpu.region"() ({
      %run_scoped3A_271 = tpu.sem_alloc : memref<!tpu.dma_semaphore, #tpu.memory_space<semaphore_mem>>
      %dma_start3A_272 = arith.constant 0 : i32
      %dma_start3A_273 = tpu.memref_slice %arg8[%run_scoped3A_263, %dma_start3A_272] : memref<80x64xi32, #tpu.memory_space<vmem>> -> memref<1x64xi32, #tpu.memory_space<vmem>>
      %dma_start3A_274 = tpu.memref_squeeze %dma_start3A_273 : memref<1x64xi32, #tpu.memory_space<vmem>> -> memref<64xi32, #tpu.memory_space<vmem>>
      %dma_start3A_275 = arith.constant 0 : i32
      %dma_start3A_276 = arith.constant 0 : i32
      %dma_start3A_277 = tpu.memref_slice %arg6[%dma_start3A_275, %dma_start3A_276] : memref<10240x128xf32, #tpu.memory_space<vmem_shared>> -> memref<10240x128xf32, #tpu.memory_space<vmem_shared>>
      tpu.enqueue_indirect_dma source(%arg12 : memref<64x128xf32, #tpu.memory_space<vmem>>) target(%dma_start3A_277 : memref<10240x128xf32, #tpu.memory_space<vmem_shared>>) offsets(%dma_start3A_274 : memref<64xi32, #tpu.memory_space<vmem>>) semaphore(%run_scoped3A_271 : memref<!tpu.dma_semaphore, #tpu.memory_space<semaphore_mem>>) {add = true}
      %dma_wait3A_278 = arith.constant 0 : i32
      %dma_wait3A_279 = tpu.memref_slice %arg8[%run_scoped3A_263, %dma_wait3A_278] : memref<80x64xi32, #tpu.memory_space<vmem>> -> memref<1x64xi32, #tpu.memory_space<vmem>>
      %dma_wait3A_280 = tpu.memref_squeeze %dma_wait3A_279 : memref<1x64xi32, #tpu.memory_space<vmem>> -> memref<64xi32, #tpu.memory_space<vmem>>
      %dma_wait3A_281 = arith.constant 0 : i32
      %dma_wait3A_282 = arith.constant 0 : i32
      %dma_wait3A_283 = tpu.memref_slice %arg6[%dma_wait3A_281, %dma_wait3A_282] : memref<10240x128xf32, #tpu.memory_space<vmem_shared>> -> memref<10240x128xf32, #tpu.memory_space<vmem_shared>>
      tpu.wait_indirect_dma semaphore(%run_scoped3A_271 : memref<!tpu.dma_semaphore, #tpu.memory_space<semaphore_mem>>) src(%arg12 : memref<64x128xf32, #tpu.memory_space<vmem>>) dst(%dma_wait3A_283 : memref<10240x128xf32, #tpu.memory_space<vmem_shared>>)
      tpu.yield
    }) : () -> ()
    %barrier3A_264 = arith.constant 0 : index
    tpu.barrier barrier_id(%barrier3A_264)
    %mul3A_265 = arith.constant 624 : i32
    %mul3A_266 = arith.muli %arg1, %mul3A_265 : i32
    %mul3A_267 = arith.constant 624 : i32
    %mul3A_268 = arith.muli %arg1, %mul3A_267 : i32
    "tpu.region"() ({
      %run_scoped3A_271 = tpu.sem_alloc : memref<!tpu.dma_semaphore, #tpu.memory_space<semaphore_mem>>
      %dma_start3A_272 = arith.constant 0 : i32
      %dma_start3A_273 = tpu.memref_slice %arg5[%arg0, %mul3A_268, %dma_start3A_272] : memref<2x10000x128xf32, #tpu.memory_space<hbm>> -> memref<1x624x128xf32, #tpu.memory_space<hbm>>
      %dma_start3A_274 = tpu.memref_squeeze %dma_start3A_273 : memref<1x624x128xf32, #tpu.memory_space<hbm>> -> memref<624x128xf32, #tpu.memory_space<hbm>>
      %dma_start3A_275 = arith.constant 0 : i32
      %dma_start3A_276 = tpu.memref_slice %arg6[%mul3A_266, %dma_start3A_275] : memref<10240x128xf32, #tpu.memory_space<vmem_shared>> -> memref<624x128xf32, #tpu.memory_space<vmem_shared>>
      tpu.enqueue_dma source(%dma_start3A_276 : memref<624x128xf32, #tpu.memory_space<vmem_shared>>) target(%dma_start3A_274 : memref<624x128xf32, #tpu.memory_space<hbm>>) target_semaphore(%run_scoped3A_271 : memref<!tpu.dma_semaphore, #tpu.memory_space<semaphore_mem>>)
      %dma_wait3A_277 = arith.constant 0 : i32
      %dma_wait3A_278 = tpu.memref_slice %arg5[%arg0, %mul3A_268, %dma_wait3A_277] : memref<2x10000x128xf32, #tpu.memory_space<hbm>> -> memref<1x624x128xf32, #tpu.memory_space<hbm>>
      %dma_wait3A_279 = tpu.memref_squeeze %dma_wait3A_278 : memref<1x624x128xf32, #tpu.memory_space<hbm>> -> memref<624x128xf32, #tpu.memory_space<hbm>>
      %dma_wait3A_280 = arith.constant 0 : i32
      %dma_wait3A_281 = tpu.memref_slice %arg6[%mul3A_266, %dma_wait3A_280] : memref<10240x128xf32, #tpu.memory_space<vmem_shared>> -> memref<624x128xf32, #tpu.memory_space<vmem_shared>>
      tpu.wait_dma2 semaphore(%run_scoped3A_271 : memref<!tpu.dma_semaphore, #tpu.memory_space<semaphore_mem>>) src(%dma_wait3A_281 : memref<624x128xf32, #tpu.memory_space<vmem_shared>>) dst(%dma_wait3A_279 : memref<624x128xf32, #tpu.memory_space<hbm>>)
      tpu.yield
    }) : () -> ()
    %eq3A = arith.constant 0 : i32
    %eq3A_269 = arith.cmpi eq, %arg1, %eq3A : i32
    %convert_element_type3A = arith.extui %eq3A_269 : i1 to i32
    %cond3A = arith.constant 0 : i32
    %cond3A_270 = arith.cmpi ne, %convert_element_type3A, %cond3A : i32
    scf.if %cond3A_270 {
      "tpu.region"() ({
        %run_scoped3A_271 = tpu.sem_alloc : memref<!tpu.dma_semaphore, #tpu.memory_space<semaphore_mem>>
        %dma_start3A_272 = arith.constant 9984 : i32
        %dma_start3A_273 = arith.constant 0 : i32
        %dma_start3A_274 = tpu.memref_slice %arg5[%arg0, %dma_start3A_272, %dma_start3A_273] : memref<2x10000x128xf32, #tpu.memory_space<hbm>> -> memref<1x16x128xf32, #tpu.memory_space<hbm>>
        %dma_start3A_275 = tpu.memref_squeeze %dma_start3A_274 : memref<1x16x128xf32, #tpu.memory_space<hbm>> -> memref<16x128xf32, #tpu.memory_space<hbm>>
        %dma_start3A_276 = arith.constant 9984 : i32
        %dma_start3A_277 = arith.constant 0 : i32
        %dma_start3A_278 = tpu.memref_slice %arg6[%dma_start3A_276, %dma_start3A_277] : memref<10240x128xf32, #tpu.memory_space<vmem_shared>> -> memref<16x128xf32, #tpu.memory_space<vmem_shared>>
        tpu.enqueue_dma source(%dma_start3A_278 : memref<16x128xf32, #tpu.memory_space<vmem_shared>>) target(%dma_start3A_275 : memref<16x128xf32, #tpu.memory_space<hbm>>) target_semaphore(%run_scoped3A_271 : memref<!tpu.dma_semaphore, #tpu.memory_space<semaphore_mem>>)
        %dma_wait3A_279 = arith.constant 9984 : i32
        %dma_wait3A_280 = arith.constant 0 : i32
        %dma_wait3A_281 = tpu.memref_slice %arg5[%arg0, %dma_wait3A_279, %dma_wait3A_280] : memref<2x10000x128xf32, #tpu.memory_space<hbm>> -> memref<1x16x128xf32, #tpu.memory_space<hbm>>
        %dma_wait3A_282 = tpu.memref_squeeze %dma_wait3A_281 : memref<1x16x128xf32, #tpu.memory_space<hbm>> -> memref<16x128xf32, #tpu.memory_space<hbm>>
        %dma_wait3A_283 = arith.constant 9984 : i32
        %dma_wait3A_284 = arith.constant 0 : i32
        %dma_wait3A_285 = tpu.memref_slice %arg6[%dma_wait3A_283, %dma_wait3A_284] : memref<10240x128xf32, #tpu.memory_space<vmem_shared>> -> memref<16x128xf32, #tpu.memory_space<vmem_shared>>
        tpu.wait_dma2 semaphore(%run_scoped3A_271 : memref<!tpu.dma_semaphore, #tpu.memory_space<semaphore_mem>>) src(%dma_wait3A_285 : memref<16x128xf32, #tpu.memory_space<vmem_shared>>) dst(%dma_wait3A_282 : memref<16x128xf32, #tpu.memory_space<hbm>>)
        tpu.yield
      }) : () -> ()
    } else {
    }
    return
  }
}

#map = affine_map<(d0, d1) -> (0, 0)>
#map1 = affine_map<(d0, d1) -> (0, 0, 0, 0)>
#map2 = affine_map<(d0, d1) -> (0, 0, 0)>
module attributes {stable_mosaic.version = 14 : i64} {
  func.func @agg(%arg0: i32, %arg1: i32, %arg2: memref<10000x64xf32, #tpu.memory_space<hbm>>, %arg3: memref<2x32x80x128xi32, #tpu.memory_space<hbm>>, %arg4: memref<2x10000x64xf32, #tpu.memory_space<hbm>>, %arg5: memref<10240x64xf32, #tpu.memory_space<vmem_shared>>, %arg6: memref<80x128xi32, #tpu.memory_space<vmem>>, %arg7: memref<80x128xi32, #tpu.memory_space<vmem>>, %arg8: memref<128x64xf32, #tpu.memory_space<vmem>>, %arg9: memref<128x64xf32, #tpu.memory_space<vmem>>, %arg10: memref<128x64xf32, #tpu.memory_space<vmem>>, %arg11: memref<128x64xf32, #tpu.memory_space<vmem>>, %arg12: memref<!tpu.dma_semaphore, #tpu.memory_space<semaphore_mem>>, %arg13: memref<!tpu.dma_semaphore, #tpu.memory_space<semaphore_mem>>, %arg14: memref<!tpu.dma_semaphore, #tpu.memory_space<semaphore_mem>>, %arg15: memref<!tpu.dma_semaphore, #tpu.memory_space<semaphore_mem>>) attributes {dimension_semantics = [#tpu.dimension_semantics<core_parallel>, #tpu.dimension_semantics<subcore_parallel>], iteration_bounds = array<i64: 2, 16>, scalar_prefetch = 0 : i64, scratch_operands = 11 : i64, tpu.core_type = #tpu.core_type<sc_vector_subcore>, window_params = [{transform_indices = #map}, {transform_indices = #map1}, {transform_indices = #map2}]} {
    %mul3A = arith.constant 16 : i32
    %mul3A_0 = arith.muli %arg0, %mul3A : i32
    %add3A = arith.addi %mul3A_0, %arg1 : i32
    %scan3A = arith.constant 0 : i32
    %scan3A_1 = arith.constant 128 : i32
    %scan3A_2 = arith.addi %scan3A, %scan3A_1 : i32
    %scan3A_3 = arith.constant 1 : i32
    scf.for %scan3A_142 = %scan3A to %scan3A_2 step %scan3A_3  : i32 {
      %mul3A_143 = arith.constant 1 : i32
      %mul3A_144 = arith.muli %scan3A_142, %mul3A_143 : i32
      %add3A_145 = arith.constant 0 : i32
      %add3A_146 = arith.addi %add3A_145, %mul3A_144 : i32
      %scan3A_147 = arith.constant 0 : i32
      %scan3A_148 = arith.constant 4 : i32
      %scan3A_149 = arith.addi %scan3A_147, %scan3A_148 : i32
      %scan3A_150 = arith.constant 1 : i32
      scf.for %scan3A_152 = %scan3A_147 to %scan3A_149 step %scan3A_150  : i32 {
        %mul3A_153 = arith.constant 16 : i32
        %mul3A_154 = arith.muli %scan3A_152, %mul3A_153 : i32
        %add3A_155 = arith.constant 0 : i32
        %add3A_156 = arith.addi %add3A_155, %mul3A_154 : i32
        %broadcast_in_dim3A = arith.constant 0.000000e+00 : f32
        %broadcast_in_dim3A_157 = vector.broadcast %broadcast_in_dim3A : f32 to vector<16xf32>
        %swap3A = arith.index_cast %add3A_146 : i32 to index
        %swap3A_158 = arith.index_cast %add3A_156 : i32 to index
        %swap3A_159 = tpu.vector_load %arg8[%swap3A, %swap3A_158] {strides = array<i32>} : memref<128x64xf32, #tpu.memory_space<vmem>>, vector<1x16xf32>,
        %swap3A_160 = vector.shape_cast %swap3A_159 : vector<1x16xf32> to vector<16xf32>
        %swap3A_161 = vector.shape_cast %broadcast_in_dim3A_157 : vector<16xf32> to vector<1x16xf32>
        tpu.vector_store %arg8[%swap3A, %swap3A_158], %swap3A_161 {strides = array<i32>} : memref<128x64xf32, #tpu.memory_space<vmem>>, vector<1x16xf32>,
      }
      %scan3A_151 = arith.constant 4 : i32
    }
    %scan3A_4 = arith.constant 128 : i32
    %mul3A_5 = arith.constant 640 : i32
    %mul3A_6 = arith.muli %arg1, %mul3A_5 : i32
    %add3A_7 = arith.constant 0 : i32
    %add3A_8 = arith.addi %mul3A_6, %add3A_7 : i32
    %dma_start3A = arith.constant 0 : i32
    %dma_start3A_9 = tpu.memref_slice %arg5[%add3A_8, %dma_start3A] : memref<10240x64xf32, #tpu.memory_space<vmem_shared>> -> memref<128x64xf32, #tpu.memory_space<vmem_shared>>
    %dma_start3A_10 = arith.constant 0 : i32
    %dma_start3A_11 = tpu.memref_slice %arg5[%add3A_8, %dma_start3A_10] : memref<10240x64xf32, #tpu.memory_space<vmem_shared>> -> memref<128x64xf32, #tpu.memory_space<vmem_shared>>
    tpu.enqueue_dma source(%arg8 : memref<128x64xf32, #tpu.memory_space<vmem>>) target(%dma_start3A_11 : memref<128x64xf32, #tpu.memory_space<vmem_shared>>) target_semaphore(%arg12 : memref<!tpu.dma_semaphore, #tpu.memory_space<semaphore_mem>>)
    %mul3A_12 = arith.constant 640 : i32
    %mul3A_13 = arith.muli %arg1, %mul3A_12 : i32
    %add3A_14 = arith.constant 128 : i32
    %add3A_15 = arith.addi %mul3A_13, %add3A_14 : i32
    %dma_start3A_16 = arith.constant 0 : i32
    %dma_start3A_17 = tpu.memref_slice %arg5[%add3A_15, %dma_start3A_16] : memref<10240x64xf32, #tpu.memory_space<vmem_shared>> -> memref<128x64xf32, #tpu.memory_space<vmem_shared>>
    %dma_start3A_18 = arith.constant 0 : i32
    %dma_start3A_19 = tpu.memref_slice %arg5[%add3A_15, %dma_start3A_18] : memref<10240x64xf32, #tpu.memory_space<vmem_shared>> -> memref<128x64xf32, #tpu.memory_space<vmem_shared>>
    tpu.enqueue_dma source(%arg8 : memref<128x64xf32, #tpu.memory_space<vmem>>) target(%dma_start3A_19 : memref<128x64xf32, #tpu.memory_space<vmem_shared>>) target_semaphore(%arg13 : memref<!tpu.dma_semaphore, #tpu.memory_space<semaphore_mem>>)
    %mul3A_20 = arith.constant 640 : i32
    %mul3A_21 = arith.muli %arg1, %mul3A_20 : i32
    %add3A_22 = arith.constant 256 : i32
    %add3A_23 = arith.addi %mul3A_21, %add3A_22 : i32
    %dma_start3A_24 = arith.constant 0 : i32
    %dma_start3A_25 = tpu.memref_slice %arg5[%add3A_23, %dma_start3A_24] : memref<10240x64xf32, #tpu.memory_space<vmem_shared>> -> memref<128x64xf32, #tpu.memory_space<vmem_shared>>
    %dma_start3A_26 = arith.constant 0 : i32
    %dma_start3A_27 = tpu.memref_slice %arg5[%add3A_23, %dma_start3A_26] : memref<10240x64xf32, #tpu.memory_space<vmem_shared>> -> memref<128x64xf32, #tpu.memory_space<vmem_shared>>
    tpu.enqueue_dma source(%arg8 : memref<128x64xf32, #tpu.memory_space<vmem>>) target(%dma_start3A_27 : memref<128x64xf32, #tpu.memory_space<vmem_shared>>) target_semaphore(%arg14 : memref<!tpu.dma_semaphore, #tpu.memory_space<semaphore_mem>>)
    %mul3A_28 = arith.constant 640 : i32
    %mul3A_29 = arith.muli %arg1, %mul3A_28 : i32
    %add3A_30 = arith.constant 384 : i32
    %add3A_31 = arith.addi %mul3A_29, %add3A_30 : i32
    %dma_start3A_32 = arith.constant 0 : i32
    %dma_start3A_33 = tpu.memref_slice %arg5[%add3A_31, %dma_start3A_32] : memref<10240x64xf32, #tpu.memory_space<vmem_shared>> -> memref<128x64xf32, #tpu.memory_space<vmem_shared>>
    %dma_start3A_34 = arith.constant 0 : i32
    %dma_start3A_35 = tpu.memref_slice %arg5[%add3A_31, %dma_start3A_34] : memref<10240x64xf32, #tpu.memory_space<vmem_shared>> -> memref<128x64xf32, #tpu.memory_space<vmem_shared>>
    tpu.enqueue_dma source(%arg8 : memref<128x64xf32, #tpu.memory_space<vmem>>) target(%dma_start3A_35 : memref<128x64xf32, #tpu.memory_space<vmem_shared>>) target_semaphore(%arg15 : memref<!tpu.dma_semaphore, #tpu.memory_space<semaphore_mem>>)
    %mul3A_36 = arith.constant 640 : i32
    %mul3A_37 = arith.muli %arg1, %mul3A_36 : i32
    %add3A_38 = arith.constant 512 : i32
    %add3A_39 = arith.addi %mul3A_37, %add3A_38 : i32
    %dma_start3A_40 = arith.constant 0 : i32
    %dma_start3A_41 = tpu.memref_slice %arg5[%add3A_39, %dma_start3A_40] : memref<10240x64xf32, #tpu.memory_space<vmem_shared>> -> memref<128x64xf32, #tpu.memory_space<vmem_shared>>
    %dma_start3A_42 = arith.constant 0 : i32
    %dma_start3A_43 = tpu.memref_slice %arg5[%add3A_39, %dma_start3A_42] : memref<10240x64xf32, #tpu.memory_space<vmem_shared>> -> memref<128x64xf32, #tpu.memory_space<vmem_shared>>
    tpu.enqueue_dma source(%arg8 : memref<128x64xf32, #tpu.memory_space<vmem>>) target(%dma_start3A_43 : memref<128x64xf32, #tpu.memory_space<vmem_shared>>) target_semaphore(%arg12 : memref<!tpu.dma_semaphore, #tpu.memory_space<semaphore_mem>>)
    %run_scoped3A = arith.constant 0 : i32
    "tpu.region"() ({
      %run_scoped3A_142 = tpu.sem_alloc : memref<!tpu.dma_semaphore, #tpu.memory_space<semaphore_mem>>
      %dma_start3A_143 = arith.constant 0 : i32
      %dma_start3A_144 = arith.constant 0 : i32
      %dma_start3A_145 = tpu.memref_slice %arg3[%run_scoped3A, %add3A, %dma_start3A_143, %dma_start3A_144] : memref<2x32x80x128xi32, #tpu.memory_space<hbm>> -> memref<1x1x80x128xi32, #tpu.memory_space<hbm>>
      %dma_start3A_146 = tpu.memref_squeeze %dma_start3A_145 : memref<1x1x80x128xi32, #tpu.memory_space<hbm>> -> memref<80x128xi32, #tpu.memory_space<hbm>>
      %dma_start3A_147 = arith.constant 0 : i32
      %dma_start3A_148 = arith.constant 0 : i32
      %dma_start3A_149 = tpu.memref_slice %arg3[%run_scoped3A, %add3A, %dma_start3A_147, %dma_start3A_148] : memref<2x32x80x128xi32, #tpu.memory_space<hbm>> -> memref<1x1x80x128xi32, #tpu.memory_space<hbm>>
      %dma_start3A_150 = tpu.memref_squeeze %dma_start3A_149 : memref<1x1x80x128xi32, #tpu.memory_space<hbm>> -> memref<80x128xi32, #tpu.memory_space<hbm>>
      tpu.enqueue_dma source(%dma_start3A_150 : memref<80x128xi32, #tpu.memory_space<hbm>>) target(%arg6 : memref<80x128xi32, #tpu.memory_space<vmem>>) target_semaphore(%run_scoped3A_142 : memref<!tpu.dma_semaphore, #tpu.memory_space<semaphore_mem>>)
      %dma_wait3A_151 = arith.constant 0 : i32
      %dma_wait3A_152 = arith.constant 0 : i32
      %dma_wait3A_153 = tpu.memref_slice %arg3[%run_scoped3A, %add3A, %dma_wait3A_151, %dma_wait3A_152] : memref<2x32x80x128xi32, #tpu.memory_space<hbm>> -> memref<1x1x80x128xi32, #tpu.memory_space<hbm>>
      %dma_wait3A_154 = tpu.memref_squeeze %dma_wait3A_153 : memref<1x1x80x128xi32, #tpu.memory_space<hbm>> -> memref<80x128xi32, #tpu.memory_space<hbm>>
      %dma_wait3A_155 = arith.constant 0 : i32
      %dma_wait3A_156 = arith.constant 0 : i32
      %dma_wait3A_157 = tpu.memref_slice %arg3[%run_scoped3A, %add3A, %dma_wait3A_155, %dma_wait3A_156] : memref<2x32x80x128xi32, #tpu.memory_space<hbm>> -> memref<1x1x80x128xi32, #tpu.memory_space<hbm>>
      %dma_wait3A_158 = tpu.memref_squeeze %dma_wait3A_157 : memref<1x1x80x128xi32, #tpu.memory_space<hbm>> -> memref<80x128xi32, #tpu.memory_space<hbm>>
      tpu.wait_dma2 semaphore(%run_scoped3A_142 : memref<!tpu.dma_semaphore, #tpu.memory_space<semaphore_mem>>) src(%dma_wait3A_158 : memref<80x128xi32, #tpu.memory_space<hbm>>) dst(%arg6 : memref<80x128xi32, #tpu.memory_space<vmem>>)
      tpu.yield
    }) : () -> ()
    %run_scoped3A_44 = arith.constant 1 : i32
    "tpu.region"() ({
      %run_scoped3A_142 = tpu.sem_alloc : memref<!tpu.dma_semaphore, #tpu.memory_space<semaphore_mem>>
      %dma_start3A_143 = arith.constant 0 : i32
      %dma_start3A_144 = arith.constant 0 : i32
      %dma_start3A_145 = tpu.memref_slice %arg3[%run_scoped3A_44, %add3A, %dma_start3A_143, %dma_start3A_144] : memref<2x32x80x128xi32, #tpu.memory_space<hbm>> -> memref<1x1x80x128xi32, #tpu.memory_space<hbm>>
      %dma_start3A_146 = tpu.memref_squeeze %dma_start3A_145 : memref<1x1x80x128xi32, #tpu.memory_space<hbm>> -> memref<80x128xi32, #tpu.memory_space<hbm>>
      %dma_start3A_147 = arith.constant 0 : i32
      %dma_start3A_148 = arith.constant 0 : i32
      %dma_start3A_149 = tpu.memref_slice %arg3[%run_scoped3A_44, %add3A, %dma_start3A_147, %dma_start3A_148] : memref<2x32x80x128xi32, #tpu.memory_space<hbm>> -> memref<1x1x80x128xi32, #tpu.memory_space<hbm>>
      %dma_start3A_150 = tpu.memref_squeeze %dma_start3A_149 : memref<1x1x80x128xi32, #tpu.memory_space<hbm>> -> memref<80x128xi32, #tpu.memory_space<hbm>>
      tpu.enqueue_dma source(%dma_start3A_150 : memref<80x128xi32, #tpu.memory_space<hbm>>) target(%arg7 : memref<80x128xi32, #tpu.memory_space<vmem>>) target_semaphore(%run_scoped3A_142 : memref<!tpu.dma_semaphore, #tpu.memory_space<semaphore_mem>>)
      %dma_wait3A_151 = arith.constant 0 : i32
      %dma_wait3A_152 = arith.constant 0 : i32
      %dma_wait3A_153 = tpu.memref_slice %arg3[%run_scoped3A_44, %add3A, %dma_wait3A_151, %dma_wait3A_152] : memref<2x32x80x128xi32, #tpu.memory_space<hbm>> -> memref<1x1x80x128xi32, #tpu.memory_space<hbm>>
      %dma_wait3A_154 = tpu.memref_squeeze %dma_wait3A_153 : memref<1x1x80x128xi32, #tpu.memory_space<hbm>> -> memref<80x128xi32, #tpu.memory_space<hbm>>
      %dma_wait3A_155 = arith.constant 0 : i32
      %dma_wait3A_156 = arith.constant 0 : i32
      %dma_wait3A_157 = tpu.memref_slice %arg3[%run_scoped3A_44, %add3A, %dma_wait3A_155, %dma_wait3A_156] : memref<2x32x80x128xi32, #tpu.memory_space<hbm>> -> memref<1x1x80x128xi32, #tpu.memory_space<hbm>>
      %dma_wait3A_158 = tpu.memref_squeeze %dma_wait3A_157 : memref<1x1x80x128xi32, #tpu.memory_space<hbm>> -> memref<80x128xi32, #tpu.memory_space<hbm>>
      tpu.wait_dma2 semaphore(%run_scoped3A_142 : memref<!tpu.dma_semaphore, #tpu.memory_space<semaphore_mem>>) src(%dma_wait3A_158 : memref<80x128xi32, #tpu.memory_space<hbm>>) dst(%arg7 : memref<80x128xi32, #tpu.memory_space<vmem>>)
      tpu.yield
    }) : () -> ()
    %dma_wait3A = arith.constant 0 : i32
    %dma_wait3A_45 = arith.constant 0 : i32
    %dma_wait3A_46 = tpu.memref_slice %arg2[%dma_wait3A, %dma_wait3A_45] : memref<10000x64xf32, #tpu.memory_space<hbm>> -> memref<128x64xf32, #tpu.memory_space<hbm>>
    %dma_wait3A_47 = arith.constant 0 : i32
    %dma_wait3A_48 = arith.constant 0 : i32
    %dma_wait3A_49 = tpu.memref_slice %arg2[%dma_wait3A_47, %dma_wait3A_48] : memref<10000x64xf32, #tpu.memory_space<hbm>> -> memref<128x64xf32, #tpu.memory_space<hbm>>
    tpu.wait_dma2 semaphore(%arg12 : memref<!tpu.dma_semaphore, #tpu.memory_space<semaphore_mem>>) src(%dma_wait3A_49 : memref<128x64xf32, #tpu.memory_space<hbm>>) dst(%arg8 : memref<128x64xf32, #tpu.memory_space<vmem>>)
    %dma_wait3A_50 = arith.constant 0 : i32
    %dma_wait3A_51 = arith.constant 0 : i32
    %dma_wait3A_52 = tpu.memref_slice %arg2[%dma_wait3A_50, %dma_wait3A_51] : memref<10000x64xf32, #tpu.memory_space<hbm>> -> memref<128x64xf32, #tpu.memory_space<hbm>>
    %dma_wait3A_53 = arith.constant 0 : i32
    %dma_wait3A_54 = arith.constant 0 : i32
    %dma_wait3A_55 = tpu.memref_slice %arg2[%dma_wait3A_53, %dma_wait3A_54] : memref<10000x64xf32, #tpu.memory_space<hbm>> -> memref<128x64xf32, #tpu.memory_space<hbm>>
    tpu.wait_dma2 semaphore(%arg13 : memref<!tpu.dma_semaphore, #tpu.memory_space<semaphore_mem>>) src(%dma_wait3A_55 : memref<128x64xf32, #tpu.memory_space<hbm>>) dst(%arg9 : memref<128x64xf32, #tpu.memory_space<vmem>>)
    %dma_wait3A_56 = arith.constant 0 : i32
    %dma_wait3A_57 = arith.constant 0 : i32
    %dma_wait3A_58 = tpu.memref_slice %arg2[%dma_wait3A_56, %dma_wait3A_57] : memref<10000x64xf32, #tpu.memory_space<hbm>> -> memref<128x64xf32, #tpu.memory_space<hbm>>
    %dma_wait3A_59 = arith.constant 0 : i32
    %dma_wait3A_60 = arith.constant 0 : i32
    %dma_wait3A_61 = tpu.memref_slice %arg2[%dma_wait3A_59, %dma_wait3A_60] : memref<10000x64xf32, #tpu.memory_space<hbm>> -> memref<128x64xf32, #tpu.memory_space<hbm>>
    tpu.wait_dma2 semaphore(%arg14 : memref<!tpu.dma_semaphore, #tpu.memory_space<semaphore_mem>>) src(%dma_wait3A_61 : memref<128x64xf32, #tpu.memory_space<hbm>>) dst(%arg10 : memref<128x64xf32, #tpu.memory_space<vmem>>)
    %dma_wait3A_62 = arith.constant 0 : i32
    %dma_wait3A_63 = arith.constant 0 : i32
    %dma_wait3A_64 = tpu.memref_slice %arg2[%dma_wait3A_62, %dma_wait3A_63] : memref<10000x64xf32, #tpu.memory_space<hbm>> -> memref<128x64xf32, #tpu.memory_space<hbm>>
    %dma_wait3A_65 = arith.constant 0 : i32
    %dma_wait3A_66 = arith.constant 0 : i32
    %dma_wait3A_67 = tpu.memref_slice %arg2[%dma_wait3A_65, %dma_wait3A_66] : memref<10000x64xf32, #tpu.memory_space<hbm>> -> memref<128x64xf32, #tpu.memory_space<hbm>>
    tpu.wait_dma2 semaphore(%arg15 : memref<!tpu.dma_semaphore, #tpu.memory_space<semaphore_mem>>) src(%dma_wait3A_67 : memref<128x64xf32, #tpu.memory_space<hbm>>) dst(%arg11 : memref<128x64xf32, #tpu.memory_space<vmem>>)
    %dma_wait3A_68 = arith.constant 0 : i32
    %dma_wait3A_69 = arith.constant 0 : i32
    %dma_wait3A_70 = tpu.memref_slice %arg2[%dma_wait3A_68, %dma_wait3A_69] : memref<10000x64xf32, #tpu.memory_space<hbm>> -> memref<128x64xf32, #tpu.memory_space<hbm>>
    %dma_wait3A_71 = arith.constant 0 : i32
    %dma_wait3A_72 = arith.constant 0 : i32
    %dma_wait3A_73 = tpu.memref_slice %arg2[%dma_wait3A_71, %dma_wait3A_72] : memref<10000x64xf32, #tpu.memory_space<hbm>> -> memref<128x64xf32, #tpu.memory_space<hbm>>
    tpu.wait_dma2 semaphore(%arg12 : memref<!tpu.dma_semaphore, #tpu.memory_space<semaphore_mem>>) src(%dma_wait3A_73 : memref<128x64xf32, #tpu.memory_space<hbm>>) dst(%arg8 : memref<128x64xf32, #tpu.memory_space<vmem>>)
    %dma_start3A_74 = arith.constant 0 : i32
    %dma_start3A_75 = arith.constant 0 : i32
    %dma_start3A_76 = tpu.memref_slice %arg6[%dma_start3A_74, %dma_start3A_75] : memref<80x128xi32, #tpu.memory_space<vmem>> -> memref<1x128xi32, #tpu.memory_space<vmem>>
    %dma_start3A_77 = tpu.memref_squeeze %dma_start3A_76 : memref<1x128xi32, #tpu.memory_space<vmem>> -> memref<128xi32, #tpu.memory_space<vmem>>
    %dma_start3A_78 = arith.constant 0 : i32
    %dma_start3A_79 = arith.constant 0 : i32
    %dma_start3A_80 = tpu.memref_slice %arg2[%dma_start3A_78, %dma_start3A_79] : memref<10000x64xf32, #tpu.memory_space<hbm>> -> memref<10000x64xf32, #tpu.memory_space<hbm>>
    tpu.enqueue_indirect_dma source(%dma_start3A_80 : memref<10000x64xf32, #tpu.memory_space<hbm>>) target(%arg8 : memref<128x64xf32, #tpu.memory_space<vmem>>) offsets(%dma_start3A_77 : memref<128xi32, #tpu.memory_space<vmem>>) semaphore(%arg12 : memref<!tpu.dma_semaphore, #tpu.memory_space<semaphore_mem>>)
    %dma_start3A_81 = arith.constant 1 : i32
    %dma_start3A_82 = arith.constant 0 : i32
    %dma_start3A_83 = tpu.memref_slice %arg6[%dma_start3A_81, %dma_start3A_82] : memref<80x128xi32, #tpu.memory_space<vmem>> -> memref<1x128xi32, #tpu.memory_space<vmem>>
    %dma_start3A_84 = tpu.memref_squeeze %dma_start3A_83 : memref<1x128xi32, #tpu.memory_space<vmem>> -> memref<128xi32, #tpu.memory_space<vmem>>
    %dma_start3A_85 = arith.constant 0 : i32
    %dma_start3A_86 = arith.constant 0 : i32
    %dma_start3A_87 = tpu.memref_slice %arg2[%dma_start3A_85, %dma_start3A_86] : memref<10000x64xf32, #tpu.memory_space<hbm>> -> memref<10000x64xf32, #tpu.memory_space<hbm>>
    tpu.enqueue_indirect_dma source(%dma_start3A_87 : memref<10000x64xf32, #tpu.memory_space<hbm>>) target(%arg9 : memref<128x64xf32, #tpu.memory_space<vmem>>) offsets(%dma_start3A_84 : memref<128xi32, #tpu.memory_space<vmem>>) semaphore(%arg13 : memref<!tpu.dma_semaphore, #tpu.memory_space<semaphore_mem>>)
    %dma_start3A_88 = arith.constant 2 : i32
    %dma_start3A_89 = arith.constant 0 : i32
    %dma_start3A_90 = tpu.memref_slice %arg6[%dma_start3A_88, %dma_start3A_89] : memref<80x128xi32, #tpu.memory_space<vmem>> -> memref<1x128xi32, #tpu.memory_space<vmem>>
    %dma_start3A_91 = tpu.memref_squeeze %dma_start3A_90 : memref<1x128xi32, #tpu.memory_space<vmem>> -> memref<128xi32, #tpu.memory_space<vmem>>
    %dma_start3A_92 = arith.constant 0 : i32
    %dma_start3A_93 = arith.constant 0 : i32
    %dma_start3A_94 = tpu.memref_slice %arg2[%dma_start3A_92, %dma_start3A_93] : memref<10000x64xf32, #tpu.memory_space<hbm>> -> memref<10000x64xf32, #tpu.memory_space<hbm>>
    tpu.enqueue_indirect_dma source(%dma_start3A_94 : memref<10000x64xf32, #tpu.memory_space<hbm>>) target(%arg10 : memref<128x64xf32, #tpu.memory_space<vmem>>) offsets(%dma_start3A_91 : memref<128xi32, #tpu.memory_space<vmem>>) semaphore(%arg14 : memref<!tpu.dma_semaphore, #tpu.memory_space<semaphore_mem>>)
    %dma_start3A_95 = arith.constant 3 : i32
    %dma_start3A_96 = arith.constant 0 : i32
    %dma_start3A_97 = tpu.memref_slice %arg6[%dma_start3A_95, %dma_start3A_96] : memref<80x128xi32, #tpu.memory_space<vmem>> -> memref<1x128xi32, #tpu.memory_space<vmem>>
    %dma_start3A_98 = tpu.memref_squeeze %dma_start3A_97 : memref<1x128xi32, #tpu.memory_space<vmem>> -> memref<128xi32, #tpu.memory_space<vmem>>
    %dma_start3A_99 = arith.constant 0 : i32
    %dma_start3A_100 = arith.constant 0 : i32
    %dma_start3A_101 = tpu.memref_slice %arg2[%dma_start3A_99, %dma_start3A_100] : memref<10000x64xf32, #tpu.memory_space<hbm>> -> memref<10000x64xf32, #tpu.memory_space<hbm>>
    tpu.enqueue_indirect_dma source(%dma_start3A_101 : memref<10000x64xf32, #tpu.memory_space<hbm>>) target(%arg11 : memref<128x64xf32, #tpu.memory_space<vmem>>) offsets(%dma_start3A_98 : memref<128xi32, #tpu.memory_space<vmem>>) semaphore(%arg15 : memref<!tpu.dma_semaphore, #tpu.memory_space<semaphore_mem>>)
    %barrier3A = arith.constant 0 : index
    tpu.barrier barrier_id(%barrier3A)
    %scan3A_102 = arith.constant 0 : i32
    %scan3A_103 = arith.constant 19 : i32
    %scan3A_104 = arith.addi %scan3A_102, %scan3A_103 : i32
    %scan3A_105 = arith.constant 1 : i32
    scf.for %scan3A_142 = %scan3A_102 to %scan3A_104 step %scan3A_105  : i32 {
      %mul3A_143 = arith.constant 4 : i32
      %mul3A_144 = arith.muli %scan3A_142, %mul3A_143 : i32
      %add3A_145 = arith.constant 0 : i32
      %add3A_146 = arith.addi %add3A_145, %mul3A_144 : i32
      %dma_wait3A_147 = arith.constant 0 : i32
      %dma_wait3A_148 = arith.constant 0 : i32
      %dma_wait3A_149 = tpu.memref_slice %arg2[%dma_wait3A_147, %dma_wait3A_148] : memref<10000x64xf32, #tpu.memory_space<hbm>> -> memref<128x64xf32, #tpu.memory_space<hbm>>
      %dma_wait3A_150 = arith.constant 0 : i32
      %dma_wait3A_151 = arith.constant 0 : i32
      %dma_wait3A_152 = tpu.memref_slice %arg2[%dma_wait3A_150, %dma_wait3A_151] : memref<10000x64xf32, #tpu.memory_space<hbm>> -> memref<128x64xf32, #tpu.memory_space<hbm>>
      tpu.wait_dma2 semaphore(%arg12 : memref<!tpu.dma_semaphore, #tpu.memory_space<semaphore_mem>>) src(%dma_wait3A_152 : memref<128x64xf32, #tpu.memory_space<hbm>>) dst(%arg8 : memref<128x64xf32, #tpu.memory_space<vmem>>)
      %add3A_153 = arith.constant 0 : i32
      %add3A_154 = arith.addi %add3A_146, %add3A_153 : i32
      "tpu.region"() ({
        %run_scoped3A_219 = tpu.sem_alloc : memref<!tpu.dma_semaphore, #tpu.memory_space<semaphore_mem>>
        %dma_start3A_220 = arith.constant 0 : i32
        %dma_start3A_221 = tpu.memref_slice %arg7[%add3A_154, %dma_start3A_220] : memref<80x128xi32, #tpu.memory_space<vmem>> -> memref<1x128xi32, #tpu.memory_space<vmem>>
        %dma_start3A_222 = tpu.memref_squeeze %dma_start3A_221 : memref<1x128xi32, #tpu.memory_space<vmem>> -> memref<128xi32, #tpu.memory_space<vmem>>
        %dma_start3A_223 = arith.constant 0 : i32
        %dma_start3A_224 = arith.constant 0 : i32
        %dma_start3A_225 = tpu.memref_slice %arg5[%dma_start3A_223, %dma_start3A_224] : memref<10240x64xf32, #tpu.memory_space<vmem_shared>> -> memref<10240x64xf32, #tpu.memory_space<vmem_shared>>
        tpu.enqueue_indirect_dma source(%arg8 : memref<128x64xf32, #tpu.memory_space<vmem>>) target(%dma_start3A_225 : memref<10240x64xf32, #tpu.memory_space<vmem_shared>>) offsets(%dma_start3A_222 : memref<128xi32, #tpu.memory_space<vmem>>) semaphore(%run_scoped3A_219 : memref<!tpu.dma_semaphore, #tpu.memory_space<semaphore_mem>>) {add = true}
        %dma_wait3A_226 = arith.constant 0 : i32
        %dma_wait3A_227 = tpu.memref_slice %arg7[%add3A_154, %dma_wait3A_226] : memref<80x128xi32, #tpu.memory_space<vmem>> -> memref<1x128xi32, #tpu.memory_space<vmem>>
        %dma_wait3A_228 = tpu.memref_squeeze %dma_wait3A_227 : memref<1x128xi32, #tpu.memory_space<vmem>> -> memref<128xi32, #tpu.memory_space<vmem>>
        %dma_wait3A_229 = arith.constant 0 : i32
        %dma_wait3A_230 = arith.constant 0 : i32
        %dma_wait3A_231 = tpu.memref_slice %arg5[%dma_wait3A_229, %dma_wait3A_230] : memref<10240x64xf32, #tpu.memory_space<vmem_shared>> -> memref<10240x64xf32, #tpu.memory_space<vmem_shared>>
        tpu.wait_indirect_dma semaphore(%run_scoped3A_219 : memref<!tpu.dma_semaphore, #tpu.memory_space<semaphore_mem>>) src(%arg8 : memref<128x64xf32, #tpu.memory_space<vmem>>) dst(%dma_wait3A_231 : memref<10240x64xf32, #tpu.memory_space<vmem_shared>>)
        tpu.yield
      }) : () -> ()
      %add3A_155 = arith.constant 4 : i32
      %add3A_156 = arith.addi %add3A_146, %add3A_155 : i32
      %add3A_157 = arith.constant 0 : i32
      %add3A_158 = arith.addi %add3A_156, %add3A_157 : i32
      %dma_start3A_159 = arith.constant 0 : i32
      %dma_start3A_160 = tpu.memref_slice %arg6[%add3A_158, %dma_start3A_159] : memref<80x128xi32, #tpu.memory_space<vmem>> -> memref<1x128xi32, #tpu.memory_space<vmem>>
      %dma_start3A_161 = tpu.memref_squeeze %dma_start3A_160 : memref<1x128xi32, #tpu.memory_space<vmem>> -> memref<128xi32, #tpu.memory_space<vmem>>
      %dma_start3A_162 = arith.constant 0 : i32
      %dma_start3A_163 = arith.constant 0 : i32
      %dma_start3A_164 = tpu.memref_slice %arg2[%dma_start3A_162, %dma_start3A_163] : memref<10000x64xf32, #tpu.memory_space<hbm>> -> memref<10000x64xf32, #tpu.memory_space<hbm>>
      tpu.enqueue_indirect_dma source(%dma_start3A_164 : memref<10000x64xf32, #tpu.memory_space<hbm>>) target(%arg8 : memref<128x64xf32, #tpu.memory_space<vmem>>) offsets(%dma_start3A_161 : memref<128xi32, #tpu.memory_space<vmem>>) semaphore(%arg12 : memref<!tpu.dma_semaphore, #tpu.memory_space<semaphore_mem>>)
      %dma_wait3A_165 = arith.constant 0 : i32
      %dma_wait3A_166 = arith.constant 0 : i32
      %dma_wait3A_167 = tpu.memref_slice %arg2[%dma_wait3A_165, %dma_wait3A_166] : memref<10000x64xf32, #tpu.memory_space<hbm>> -> memref<128x64xf32, #tpu.memory_space<hbm>>
      %dma_wait3A_168 = arith.constant 0 : i32
      %dma_wait3A_169 = arith.constant 0 : i32
      %dma_wait3A_170 = tpu.memref_slice %arg2[%dma_wait3A_168, %dma_wait3A_169] : memref<10000x64xf32, #tpu.memory_space<hbm>> -> memref<128x64xf32, #tpu.memory_space<hbm>>
      tpu.wait_dma2 semaphore(%arg13 : memref<!tpu.dma_semaphore, #tpu.memory_space<semaphore_mem>>) src(%dma_wait3A_170 : memref<128x64xf32, #tpu.memory_space<hbm>>) dst(%arg9 : memref<128x64xf32, #tpu.memory_space<vmem>>)
      %add3A_171 = arith.constant 1 : i32
      %add3A_172 = arith.addi %add3A_146, %add3A_171 : i32
      "tpu.region"() ({
        %run_scoped3A_219 = tpu.sem_alloc : memref<!tpu.dma_semaphore, #tpu.memory_space<semaphore_mem>>
        %dma_start3A_220 = arith.constant 0 : i32
        %dma_start3A_221 = tpu.memref_slice %arg7[%add3A_172, %dma_start3A_220] : memref<80x128xi32, #tpu.memory_space<vmem>> -> memref<1x128xi32, #tpu.memory_space<vmem>>
        %dma_start3A_222 = tpu.memref_squeeze %dma_start3A_221 : memref<1x128xi32, #tpu.memory_space<vmem>> -> memref<128xi32, #tpu.memory_space<vmem>>
        %dma_start3A_223 = arith.constant 0 : i32
        %dma_start3A_224 = arith.constant 0 : i32
        %dma_start3A_225 = tpu.memref_slice %arg5[%dma_start3A_223, %dma_start3A_224] : memref<10240x64xf32, #tpu.memory_space<vmem_shared>> -> memref<10240x64xf32, #tpu.memory_space<vmem_shared>>
        tpu.enqueue_indirect_dma source(%arg9 : memref<128x64xf32, #tpu.memory_space<vmem>>) target(%dma_start3A_225 : memref<10240x64xf32, #tpu.memory_space<vmem_shared>>) offsets(%dma_start3A_222 : memref<128xi32, #tpu.memory_space<vmem>>) semaphore(%run_scoped3A_219 : memref<!tpu.dma_semaphore, #tpu.memory_space<semaphore_mem>>) {add = true}
        %dma_wait3A_226 = arith.constant 0 : i32
        %dma_wait3A_227 = tpu.memref_slice %arg7[%add3A_172, %dma_wait3A_226] : memref<80x128xi32, #tpu.memory_space<vmem>> -> memref<1x128xi32, #tpu.memory_space<vmem>>
        %dma_wait3A_228 = tpu.memref_squeeze %dma_wait3A_227 : memref<1x128xi32, #tpu.memory_space<vmem>> -> memref<128xi32, #tpu.memory_space<vmem>>
        %dma_wait3A_229 = arith.constant 0 : i32
        %dma_wait3A_230 = arith.constant 0 : i32
        %dma_wait3A_231 = tpu.memref_slice %arg5[%dma_wait3A_229, %dma_wait3A_230] : memref<10240x64xf32, #tpu.memory_space<vmem_shared>> -> memref<10240x64xf32, #tpu.memory_space<vmem_shared>>
        tpu.wait_indirect_dma semaphore(%run_scoped3A_219 : memref<!tpu.dma_semaphore, #tpu.memory_space<semaphore_mem>>) src(%arg9 : memref<128x64xf32, #tpu.memory_space<vmem>>) dst(%dma_wait3A_231 : memref<10240x64xf32, #tpu.memory_space<vmem_shared>>)
        tpu.yield
      }) : () -> ()
      %add3A_173 = arith.constant 4 : i32
      %add3A_174 = arith.addi %add3A_146, %add3A_173 : i32
      %add3A_175 = arith.constant 1 : i32
      %add3A_176 = arith.addi %add3A_174, %add3A_175 : i32
      %dma_start3A_177 = arith.constant 0 : i32
      %dma_start3A_178 = tpu.memref_slice %arg6[%add3A_176, %dma_start3A_177] : memref<80x128xi32, #tpu.memory_space<vmem>> -> memref<1x128xi32, #tpu.memory_space<vmem>>
      %dma_start3A_179 = tpu.memref_squeeze %dma_start3A_178 : memref<1x128xi32, #tpu.memory_space<vmem>> -> memref<128xi32, #tpu.memory_space<vmem>>
      %dma_start3A_180 = arith.constant 0 : i32
      %dma_start3A_181 = arith.constant 0 : i32
      %dma_start3A_182 = tpu.memref_slice %arg2[%dma_start3A_180, %dma_start3A_181] : memref<10000x64xf32, #tpu.memory_space<hbm>> -> memref<10000x64xf32, #tpu.memory_space<hbm>>
      tpu.enqueue_indirect_dma source(%dma_start3A_182 : memref<10000x64xf32, #tpu.memory_space<hbm>>) target(%arg9 : memref<128x64xf32, #tpu.memory_space<vmem>>) offsets(%dma_start3A_179 : memref<128xi32, #tpu.memory_space<vmem>>) semaphore(%arg13 : memref<!tpu.dma_semaphore, #tpu.memory_space<semaphore_mem>>)
      %dma_wait3A_183 = arith.constant 0 : i32
      %dma_wait3A_184 = arith.constant 0 : i32
      %dma_wait3A_185 = tpu.memref_slice %arg2[%dma_wait3A_183, %dma_wait3A_184] : memref<10000x64xf32, #tpu.memory_space<hbm>> -> memref<128x64xf32, #tpu.memory_space<hbm>>
      %dma_wait3A_186 = arith.constant 0 : i32
      %dma_wait3A_187 = arith.constant 0 : i32
      %dma_wait3A_188 = tpu.memref_slice %arg2[%dma_wait3A_186, %dma_wait3A_187] : memref<10000x64xf32, #tpu.memory_space<hbm>> -> memref<128x64xf32, #tpu.memory_space<hbm>>
      tpu.wait_dma2 semaphore(%arg14 : memref<!tpu.dma_semaphore, #tpu.memory_space<semaphore_mem>>) src(%dma_wait3A_188 : memref<128x64xf32, #tpu.memory_space<hbm>>) dst(%arg10 : memref<128x64xf32, #tpu.memory_space<vmem>>)
      %add3A_189 = arith.constant 2 : i32
      %add3A_190 = arith.addi %add3A_146, %add3A_189 : i32
      "tpu.region"() ({
        %run_scoped3A_219 = tpu.sem_alloc : memref<!tpu.dma_semaphore, #tpu.memory_space<semaphore_mem>>
        %dma_start3A_220 = arith.constant 0 : i32
        %dma_start3A_221 = tpu.memref_slice %arg7[%add3A_190, %dma_start3A_220] : memref<80x128xi32, #tpu.memory_space<vmem>> -> memref<1x128xi32, #tpu.memory_space<vmem>>
        %dma_start3A_222 = tpu.memref_squeeze %dma_start3A_221 : memref<1x128xi32, #tpu.memory_space<vmem>> -> memref<128xi32, #tpu.memory_space<vmem>>
        %dma_start3A_223 = arith.constant 0 : i32
        %dma_start3A_224 = arith.constant 0 : i32
        %dma_start3A_225 = tpu.memref_slice %arg5[%dma_start3A_223, %dma_start3A_224] : memref<10240x64xf32, #tpu.memory_space<vmem_shared>> -> memref<10240x64xf32, #tpu.memory_space<vmem_shared>>
        tpu.enqueue_indirect_dma source(%arg10 : memref<128x64xf32, #tpu.memory_space<vmem>>) target(%dma_start3A_225 : memref<10240x64xf32, #tpu.memory_space<vmem_shared>>) offsets(%dma_start3A_222 : memref<128xi32, #tpu.memory_space<vmem>>) semaphore(%run_scoped3A_219 : memref<!tpu.dma_semaphore, #tpu.memory_space<semaphore_mem>>) {add = true}
        %dma_wait3A_226 = arith.constant 0 : i32
        %dma_wait3A_227 = tpu.memref_slice %arg7[%add3A_190, %dma_wait3A_226] : memref<80x128xi32, #tpu.memory_space<vmem>> -> memref<1x128xi32, #tpu.memory_space<vmem>>
        %dma_wait3A_228 = tpu.memref_squeeze %dma_wait3A_227 : memref<1x128xi32, #tpu.memory_space<vmem>> -> memref<128xi32, #tpu.memory_space<vmem>>
        %dma_wait3A_229 = arith.constant 0 : i32
        %dma_wait3A_230 = arith.constant 0 : i32
        %dma_wait3A_231 = tpu.memref_slice %arg5[%dma_wait3A_229, %dma_wait3A_230] : memref<10240x64xf32, #tpu.memory_space<vmem_shared>> -> memref<10240x64xf32, #tpu.memory_space<vmem_shared>>
        tpu.wait_indirect_dma semaphore(%run_scoped3A_219 : memref<!tpu.dma_semaphore, #tpu.memory_space<semaphore_mem>>) src(%arg10 : memref<128x64xf32, #tpu.memory_space<vmem>>) dst(%dma_wait3A_231 : memref<10240x64xf32, #tpu.memory_space<vmem_shared>>)
        tpu.yield
      }) : () -> ()
      %add3A_191 = arith.constant 4 : i32
      %add3A_192 = arith.addi %add3A_146, %add3A_191 : i32
      %add3A_193 = arith.constant 2 : i32
      %add3A_194 = arith.addi %add3A_192, %add3A_193 : i32
      %dma_start3A_195 = arith.constant 0 : i32
      %dma_start3A_196 = tpu.memref_slice %arg6[%add3A_194, %dma_start3A_195] : memref<80x128xi32, #tpu.memory_space<vmem>> -> memref<1x128xi32, #tpu.memory_space<vmem>>
      %dma_start3A_197 = tpu.memref_squeeze %dma_start3A_196 : memref<1x128xi32, #tpu.memory_space<vmem>> -> memref<128xi32, #tpu.memory_space<vmem>>
      %dma_start3A_198 = arith.constant 0 : i32
      %dma_start3A_199 = arith.constant 0 : i32
      %dma_start3A_200 = tpu.memref_slice %arg2[%dma_start3A_198, %dma_start3A_199] : memref<10000x64xf32, #tpu.memory_space<hbm>> -> memref<10000x64xf32, #tpu.memory_space<hbm>>
      tpu.enqueue_indirect_dma source(%dma_start3A_200 : memref<10000x64xf32, #tpu.memory_space<hbm>>) target(%arg10 : memref<128x64xf32, #tpu.memory_space<vmem>>) offsets(%dma_start3A_197 : memref<128xi32, #tpu.memory_space<vmem>>) semaphore(%arg14 : memref<!tpu.dma_semaphore, #tpu.memory_space<semaphore_mem>>)
      %dma_wait3A_201 = arith.constant 0 : i32
      %dma_wait3A_202 = arith.constant 0 : i32
      %dma_wait3A_203 = tpu.memref_slice %arg2[%dma_wait3A_201, %dma_wait3A_202] : memref<10000x64xf32, #tpu.memory_space<hbm>> -> memref<128x64xf32, #tpu.memory_space<hbm>>
      %dma_wait3A_204 = arith.constant 0 : i32
      %dma_wait3A_205 = arith.constant 0 : i32
      %dma_wait3A_206 = tpu.memref_slice %arg2[%dma_wait3A_204, %dma_wait3A_205] : memref<10000x64xf32, #tpu.memory_space<hbm>> -> memref<128x64xf32, #tpu.memory_space<hbm>>
      tpu.wait_dma2 semaphore(%arg15 : memref<!tpu.dma_semaphore, #tpu.memory_space<semaphore_mem>>) src(%dma_wait3A_206 : memref<128x64xf32, #tpu.memory_space<hbm>>) dst(%arg11 : memref<128x64xf32, #tpu.memory_space<vmem>>)
      %add3A_207 = arith.constant 3 : i32
      %add3A_208 = arith.addi %add3A_146, %add3A_207 : i32
      "tpu.region"() ({
        %run_scoped3A_219 = tpu.sem_alloc : memref<!tpu.dma_semaphore, #tpu.memory_space<semaphore_mem>>
        %dma_start3A_220 = arith.constant 0 : i32
        %dma_start3A_221 = tpu.memref_slice %arg7[%add3A_208, %dma_start3A_220] : memref<80x128xi32, #tpu.memory_space<vmem>> -> memref<1x128xi32, #tpu.memory_space<vmem>>
        %dma_start3A_222 = tpu.memref_squeeze %dma_start3A_221 : memref<1x128xi32, #tpu.memory_space<vmem>> -> memref<128xi32, #tpu.memory_space<vmem>>
        %dma_start3A_223 = arith.constant 0 : i32
        %dma_start3A_224 = arith.constant 0 : i32
        %dma_start3A_225 = tpu.memref_slice %arg5[%dma_start3A_223, %dma_start3A_224] : memref<10240x64xf32, #tpu.memory_space<vmem_shared>> -> memref<10240x64xf32, #tpu.memory_space<vmem_shared>>
        tpu.enqueue_indirect_dma source(%arg11 : memref<128x64xf32, #tpu.memory_space<vmem>>) target(%dma_start3A_225 : memref<10240x64xf32, #tpu.memory_space<vmem_shared>>) offsets(%dma_start3A_222 : memref<128xi32, #tpu.memory_space<vmem>>) semaphore(%run_scoped3A_219 : memref<!tpu.dma_semaphore, #tpu.memory_space<semaphore_mem>>) {add = true}
        %dma_wait3A_226 = arith.constant 0 : i32
        %dma_wait3A_227 = tpu.memref_slice %arg7[%add3A_208, %dma_wait3A_226] : memref<80x128xi32, #tpu.memory_space<vmem>> -> memref<1x128xi32, #tpu.memory_space<vmem>>
        %dma_wait3A_228 = tpu.memref_squeeze %dma_wait3A_227 : memref<1x128xi32, #tpu.memory_space<vmem>> -> memref<128xi32, #tpu.memory_space<vmem>>
        %dma_wait3A_229 = arith.constant 0 : i32
        %dma_wait3A_230 = arith.constant 0 : i32
        %dma_wait3A_231 = tpu.memref_slice %arg5[%dma_wait3A_229, %dma_wait3A_230] : memref<10240x64xf32, #tpu.memory_space<vmem_shared>> -> memref<10240x64xf32, #tpu.memory_space<vmem_shared>>
        tpu.wait_indirect_dma semaphore(%run_scoped3A_219 : memref<!tpu.dma_semaphore, #tpu.memory_space<semaphore_mem>>) src(%arg11 : memref<128x64xf32, #tpu.memory_space<vmem>>) dst(%dma_wait3A_231 : memref<10240x64xf32, #tpu.memory_space<vmem_shared>>)
        tpu.yield
      }) : () -> ()
      %add3A_209 = arith.constant 4 : i32
      %add3A_210 = arith.addi %add3A_146, %add3A_209 : i32
      %add3A_211 = arith.constant 3 : i32
      %add3A_212 = arith.addi %add3A_210, %add3A_211 : i32
      %dma_start3A_213 = arith.constant 0 : i32
      %dma_start3A_214 = tpu.memref_slice %arg6[%add3A_212, %dma_start3A_213] : memref<80x128xi32, #tpu.memory_space<vmem>> -> memref<1x128xi32, #tpu.memory_space<vmem>>
      %dma_start3A_215 = tpu.memref_squeeze %dma_start3A_214 : memref<1x128xi32, #tpu.memory_space<vmem>> -> memref<128xi32, #tpu.memory_space<vmem>>
      %dma_start3A_216 = arith.constant 0 : i32
      %dma_start3A_217 = arith.constant 0 : i32
      %dma_start3A_218 = tpu.memref_slice %arg2[%dma_start3A_216, %dma_start3A_217] : memref<10000x64xf32, #tpu.memory_space<hbm>> -> memref<10000x64xf32, #tpu.memory_space<hbm>>
      tpu.enqueue_indirect_dma source(%dma_start3A_218 : memref<10000x64xf32, #tpu.memory_space<hbm>>) target(%arg11 : memref<128x64xf32, #tpu.memory_space<vmem>>) offsets(%dma_start3A_215 : memref<128xi32, #tpu.memory_space<vmem>>) semaphore(%arg15 : memref<!tpu.dma_semaphore, #tpu.memory_space<semaphore_mem>>)
    }
    %scan3A_106 = arith.constant 19 : i32
    %dma_wait3A_107 = arith.constant 0 : i32
    %dma_wait3A_108 = arith.constant 0 : i32
    %dma_wait3A_109 = tpu.memref_slice %arg2[%dma_wait3A_107, %dma_wait3A_108] : memref<10000x64xf32, #tpu.memory_space<hbm>> -> memref<128x64xf32, #tpu.memory_space<hbm>>
    %dma_wait3A_110 = arith.constant 0 : i32
    %dma_wait3A_111 = arith.constant 0 : i32
    %dma_wait3A_112 = tpu.memref_slice %arg2[%dma_wait3A_110, %dma_wait3A_111] : memref<10000x64xf32, #tpu.memory_space<hbm>> -> memref<128x64xf32, #tpu.memory_space<hbm>>
    tpu.wait_dma2 semaphore(%arg12 : memref<!tpu.dma_semaphore, #tpu.memory_space<semaphore_mem>>) src(%dma_wait3A_112 : memref<128x64xf32, #tpu.memory_space<hbm>>) dst(%arg8 : memref<128x64xf32, #tpu.memory_space<vmem>>)
    %run_scoped3A_113 = arith.constant 76 : i32
    "tpu.region"() ({
      %run_scoped3A_142 = tpu.sem_alloc : memref<!tpu.dma_semaphore, #tpu.memory_space<semaphore_mem>>
      %dma_start3A_143 = arith.constant 0 : i32
      %dma_start3A_144 = tpu.memref_slice %arg7[%run_scoped3A_113, %dma_start3A_143] : memref<80x128xi32, #tpu.memory_space<vmem>> -> memref<1x128xi32, #tpu.memory_space<vmem>>
      %dma_start3A_145 = tpu.memref_squeeze %dma_start3A_144 : memref<1x128xi32, #tpu.memory_space<vmem>> -> memref<128xi32, #tpu.memory_space<vmem>>
      %dma_start3A_146 = arith.constant 0 : i32
      %dma_start3A_147 = arith.constant 0 : i32
      %dma_start3A_148 = tpu.memref_slice %arg5[%dma_start3A_146, %dma_start3A_147] : memref<10240x64xf32, #tpu.memory_space<vmem_shared>> -> memref<10240x64xf32, #tpu.memory_space<vmem_shared>>
      tpu.enqueue_indirect_dma source(%arg8 : memref<128x64xf32, #tpu.memory_space<vmem>>) target(%dma_start3A_148 : memref<10240x64xf32, #tpu.memory_space<vmem_shared>>) offsets(%dma_start3A_145 : memref<128xi32, #tpu.memory_space<vmem>>) semaphore(%run_scoped3A_142 : memref<!tpu.dma_semaphore, #tpu.memory_space<semaphore_mem>>) {add = true}
      %dma_wait3A_149 = arith.constant 0 : i32
      %dma_wait3A_150 = tpu.memref_slice %arg7[%run_scoped3A_113, %dma_wait3A_149] : memref<80x128xi32, #tpu.memory_space<vmem>> -> memref<1x128xi32, #tpu.memory_space<vmem>>
      %dma_wait3A_151 = tpu.memref_squeeze %dma_wait3A_150 : memref<1x128xi32, #tpu.memory_space<vmem>> -> memref<128xi32, #tpu.memory_space<vmem>>
      %dma_wait3A_152 = arith.constant 0 : i32
      %dma_wait3A_153 = arith.constant 0 : i32
      %dma_wait3A_154 = tpu.memref_slice %arg5[%dma_wait3A_152, %dma_wait3A_153] : memref<10240x64xf32, #tpu.memory_space<vmem_shared>> -> memref<10240x64xf32, #tpu.memory_space<vmem_shared>>
      tpu.wait_indirect_dma semaphore(%run_scoped3A_142 : memref<!tpu.dma_semaphore, #tpu.memory_space<semaphore_mem>>) src(%arg8 : memref<128x64xf32, #tpu.memory_space<vmem>>) dst(%dma_wait3A_154 : memref<10240x64xf32, #tpu.memory_space<vmem_shared>>)
      tpu.yield
    }) : () -> ()
    %dma_wait3A_114 = arith.constant 0 : i32
    %dma_wait3A_115 = arith.constant 0 : i32
    %dma_wait3A_116 = tpu.memref_slice %arg2[%dma_wait3A_114, %dma_wait3A_115] : memref<10000x64xf32, #tpu.memory_space<hbm>> -> memref<128x64xf32, #tpu.memory_space<hbm>>
    %dma_wait3A_117 = arith.constant 0 : i32
    %dma_wait3A_118 = arith.constant 0 : i32
    %dma_wait3A_119 = tpu.memref_slice %arg2[%dma_wait3A_117, %dma_wait3A_118] : memref<10000x64xf32, #tpu.memory_space<hbm>> -> memref<128x64xf32, #tpu.memory_space<hbm>>
    tpu.wait_dma2 semaphore(%arg13 : memref<!tpu.dma_semaphore, #tpu.memory_space<semaphore_mem>>) src(%dma_wait3A_119 : memref<128x64xf32, #tpu.memory_space<hbm>>) dst(%arg9 : memref<128x64xf32, #tpu.memory_space<vmem>>)
    %run_scoped3A_120 = arith.constant 77 : i32
    "tpu.region"() ({
      %run_scoped3A_142 = tpu.sem_alloc : memref<!tpu.dma_semaphore, #tpu.memory_space<semaphore_mem>>
      %dma_start3A_143 = arith.constant 0 : i32
      %dma_start3A_144 = tpu.memref_slice %arg7[%run_scoped3A_120, %dma_start3A_143] : memref<80x128xi32, #tpu.memory_space<vmem>> -> memref<1x128xi32, #tpu.memory_space<vmem>>
      %dma_start3A_145 = tpu.memref_squeeze %dma_start3A_144 : memref<1x128xi32, #tpu.memory_space<vmem>> -> memref<128xi32, #tpu.memory_space<vmem>>
      %dma_start3A_146 = arith.constant 0 : i32
      %dma_start3A_147 = arith.constant 0 : i32
      %dma_start3A_148 = tpu.memref_slice %arg5[%dma_start3A_146, %dma_start3A_147] : memref<10240x64xf32, #tpu.memory_space<vmem_shared>> -> memref<10240x64xf32, #tpu.memory_space<vmem_shared>>
      tpu.enqueue_indirect_dma source(%arg9 : memref<128x64xf32, #tpu.memory_space<vmem>>) target(%dma_start3A_148 : memref<10240x64xf32, #tpu.memory_space<vmem_shared>>) offsets(%dma_start3A_145 : memref<128xi32, #tpu.memory_space<vmem>>) semaphore(%run_scoped3A_142 : memref<!tpu.dma_semaphore, #tpu.memory_space<semaphore_mem>>) {add = true}
      %dma_wait3A_149 = arith.constant 0 : i32
      %dma_wait3A_150 = tpu.memref_slice %arg7[%run_scoped3A_120, %dma_wait3A_149] : memref<80x128xi32, #tpu.memory_space<vmem>> -> memref<1x128xi32, #tpu.memory_space<vmem>>
      %dma_wait3A_151 = tpu.memref_squeeze %dma_wait3A_150 : memref<1x128xi32, #tpu.memory_space<vmem>> -> memref<128xi32, #tpu.memory_space<vmem>>
      %dma_wait3A_152 = arith.constant 0 : i32
      %dma_wait3A_153 = arith.constant 0 : i32
      %dma_wait3A_154 = tpu.memref_slice %arg5[%dma_wait3A_152, %dma_wait3A_153] : memref<10240x64xf32, #tpu.memory_space<vmem_shared>> -> memref<10240x64xf32, #tpu.memory_space<vmem_shared>>
      tpu.wait_indirect_dma semaphore(%run_scoped3A_142 : memref<!tpu.dma_semaphore, #tpu.memory_space<semaphore_mem>>) src(%arg9 : memref<128x64xf32, #tpu.memory_space<vmem>>) dst(%dma_wait3A_154 : memref<10240x64xf32, #tpu.memory_space<vmem_shared>>)
      tpu.yield
    }) : () -> ()
    %dma_wait3A_121 = arith.constant 0 : i32
    %dma_wait3A_122 = arith.constant 0 : i32
    %dma_wait3A_123 = tpu.memref_slice %arg2[%dma_wait3A_121, %dma_wait3A_122] : memref<10000x64xf32, #tpu.memory_space<hbm>> -> memref<128x64xf32, #tpu.memory_space<hbm>>
    %dma_wait3A_124 = arith.constant 0 : i32
    %dma_wait3A_125 = arith.constant 0 : i32
    %dma_wait3A_126 = tpu.memref_slice %arg2[%dma_wait3A_124, %dma_wait3A_125] : memref<10000x64xf32, #tpu.memory_space<hbm>> -> memref<128x64xf32, #tpu.memory_space<hbm>>
    tpu.wait_dma2 semaphore(%arg14 : memref<!tpu.dma_semaphore, #tpu.memory_space<semaphore_mem>>) src(%dma_wait3A_126 : memref<128x64xf32, #tpu.memory_space<hbm>>) dst(%arg10 : memref<128x64xf32, #tpu.memory_space<vmem>>)
    %run_scoped3A_127 = arith.constant 78 : i32
    "tpu.region"() ({
      %run_scoped3A_142 = tpu.sem_alloc : memref<!tpu.dma_semaphore, #tpu.memory_space<semaphore_mem>>
      %dma_start3A_143 = arith.constant 0 : i32
      %dma_start3A_144 = tpu.memref_slice %arg7[%run_scoped3A_127, %dma_start3A_143] : memref<80x128xi32, #tpu.memory_space<vmem>> -> memref<1x128xi32, #tpu.memory_space<vmem>>
      %dma_start3A_145 = tpu.memref_squeeze %dma_start3A_144 : memref<1x128xi32, #tpu.memory_space<vmem>> -> memref<128xi32, #tpu.memory_space<vmem>>
      %dma_start3A_146 = arith.constant 0 : i32
      %dma_start3A_147 = arith.constant 0 : i32
      %dma_start3A_148 = tpu.memref_slice %arg5[%dma_start3A_146, %dma_start3A_147] : memref<10240x64xf32, #tpu.memory_space<vmem_shared>> -> memref<10240x64xf32, #tpu.memory_space<vmem_shared>>
      tpu.enqueue_indirect_dma source(%arg10 : memref<128x64xf32, #tpu.memory_space<vmem>>) target(%dma_start3A_148 : memref<10240x64xf32, #tpu.memory_space<vmem_shared>>) offsets(%dma_start3A_145 : memref<128xi32, #tpu.memory_space<vmem>>) semaphore(%run_scoped3A_142 : memref<!tpu.dma_semaphore, #tpu.memory_space<semaphore_mem>>) {add = true}
      %dma_wait3A_149 = arith.constant 0 : i32
      %dma_wait3A_150 = tpu.memref_slice %arg7[%run_scoped3A_127, %dma_wait3A_149] : memref<80x128xi32, #tpu.memory_space<vmem>> -> memref<1x128xi32, #tpu.memory_space<vmem>>
      %dma_wait3A_151 = tpu.memref_squeeze %dma_wait3A_150 : memref<1x128xi32, #tpu.memory_space<vmem>> -> memref<128xi32, #tpu.memory_space<vmem>>
      %dma_wait3A_152 = arith.constant 0 : i32
      %dma_wait3A_153 = arith.constant 0 : i32
      %dma_wait3A_154 = tpu.memref_slice %arg5[%dma_wait3A_152, %dma_wait3A_153] : memref<10240x64xf32, #tpu.memory_space<vmem_shared>> -> memref<10240x64xf32, #tpu.memory_space<vmem_shared>>
      tpu.wait_indirect_dma semaphore(%run_scoped3A_142 : memref<!tpu.dma_semaphore, #tpu.memory_space<semaphore_mem>>) src(%arg10 : memref<128x64xf32, #tpu.memory_space<vmem>>) dst(%dma_wait3A_154 : memref<10240x64xf32, #tpu.memory_space<vmem_shared>>)
      tpu.yield
    }) : () -> ()
    %dma_wait3A_128 = arith.constant 0 : i32
    %dma_wait3A_129 = arith.constant 0 : i32
    %dma_wait3A_130 = tpu.memref_slice %arg2[%dma_wait3A_128, %dma_wait3A_129] : memref<10000x64xf32, #tpu.memory_space<hbm>> -> memref<128x64xf32, #tpu.memory_space<hbm>>
    %dma_wait3A_131 = arith.constant 0 : i32
    %dma_wait3A_132 = arith.constant 0 : i32
    %dma_wait3A_133 = tpu.memref_slice %arg2[%dma_wait3A_131, %dma_wait3A_132] : memref<10000x64xf32, #tpu.memory_space<hbm>> -> memref<128x64xf32, #tpu.memory_space<hbm>>
    tpu.wait_dma2 semaphore(%arg15 : memref<!tpu.dma_semaphore, #tpu.memory_space<semaphore_mem>>) src(%dma_wait3A_133 : memref<128x64xf32, #tpu.memory_space<hbm>>) dst(%arg11 : memref<128x64xf32, #tpu.memory_space<vmem>>)
    %run_scoped3A_134 = arith.constant 79 : i32
    "tpu.region"() ({
      %run_scoped3A_142 = tpu.sem_alloc : memref<!tpu.dma_semaphore, #tpu.memory_space<semaphore_mem>>
      %dma_start3A_143 = arith.constant 0 : i32
      %dma_start3A_144 = tpu.memref_slice %arg7[%run_scoped3A_134, %dma_start3A_143] : memref<80x128xi32, #tpu.memory_space<vmem>> -> memref<1x128xi32, #tpu.memory_space<vmem>>
      %dma_start3A_145 = tpu.memref_squeeze %dma_start3A_144 : memref<1x128xi32, #tpu.memory_space<vmem>> -> memref<128xi32, #tpu.memory_space<vmem>>
      %dma_start3A_146 = arith.constant 0 : i32
      %dma_start3A_147 = arith.constant 0 : i32
      %dma_start3A_148 = tpu.memref_slice %arg5[%dma_start3A_146, %dma_start3A_147] : memref<10240x64xf32, #tpu.memory_space<vmem_shared>> -> memref<10240x64xf32, #tpu.memory_space<vmem_shared>>
      tpu.enqueue_indirect_dma source(%arg11 : memref<128x64xf32, #tpu.memory_space<vmem>>) target(%dma_start3A_148 : memref<10240x64xf32, #tpu.memory_space<vmem_shared>>) offsets(%dma_start3A_145 : memref<128xi32, #tpu.memory_space<vmem>>) semaphore(%run_scoped3A_142 : memref<!tpu.dma_semaphore, #tpu.memory_space<semaphore_mem>>) {add = true}
      %dma_wait3A_149 = arith.constant 0 : i32
      %dma_wait3A_150 = tpu.memref_slice %arg7[%run_scoped3A_134, %dma_wait3A_149] : memref<80x128xi32, #tpu.memory_space<vmem>> -> memref<1x128xi32, #tpu.memory_space<vmem>>
      %dma_wait3A_151 = tpu.memref_squeeze %dma_wait3A_150 : memref<1x128xi32, #tpu.memory_space<vmem>> -> memref<128xi32, #tpu.memory_space<vmem>>
      %dma_wait3A_152 = arith.constant 0 : i32
      %dma_wait3A_153 = arith.constant 0 : i32
      %dma_wait3A_154 = tpu.memref_slice %arg5[%dma_wait3A_152, %dma_wait3A_153] : memref<10240x64xf32, #tpu.memory_space<vmem_shared>> -> memref<10240x64xf32, #tpu.memory_space<vmem_shared>>
      tpu.wait_indirect_dma semaphore(%run_scoped3A_142 : memref<!tpu.dma_semaphore, #tpu.memory_space<semaphore_mem>>) src(%arg11 : memref<128x64xf32, #tpu.memory_space<vmem>>) dst(%dma_wait3A_154 : memref<10240x64xf32, #tpu.memory_space<vmem_shared>>)
      tpu.yield
    }) : () -> ()
    %barrier3A_135 = arith.constant 0 : index
    tpu.barrier barrier_id(%barrier3A_135)
    %mul3A_136 = arith.constant 624 : i32
    %mul3A_137 = arith.muli %arg1, %mul3A_136 : i32
    %mul3A_138 = arith.constant 624 : i32
    %mul3A_139 = arith.muli %arg1, %mul3A_138 : i32
    "tpu.region"() ({
      %run_scoped3A_142 = tpu.sem_alloc : memref<!tpu.dma_semaphore, #tpu.memory_space<semaphore_mem>>
      %dma_start3A_143 = arith.constant 0 : i32
      %dma_start3A_144 = tpu.memref_slice %arg4[%arg0, %mul3A_139, %dma_start3A_143] : memref<2x10000x64xf32, #tpu.memory_space<hbm>> -> memref<1x624x64xf32, #tpu.memory_space<hbm>>
      %dma_start3A_145 = tpu.memref_squeeze %dma_start3A_144 : memref<1x624x64xf32, #tpu.memory_space<hbm>> -> memref<624x64xf32, #tpu.memory_space<hbm>>
      %dma_start3A_146 = arith.constant 0 : i32
      %dma_start3A_147 = tpu.memref_slice %arg5[%mul3A_137, %dma_start3A_146] : memref<10240x64xf32, #tpu.memory_space<vmem_shared>> -> memref<624x64xf32, #tpu.memory_space<vmem_shared>>
      tpu.enqueue_dma source(%dma_start3A_147 : memref<624x64xf32, #tpu.memory_space<vmem_shared>>) target(%dma_start3A_145 : memref<624x64xf32, #tpu.memory_space<hbm>>) target_semaphore(%run_scoped3A_142 : memref<!tpu.dma_semaphore, #tpu.memory_space<semaphore_mem>>)
      %dma_wait3A_148 = arith.constant 0 : i32
      %dma_wait3A_149 = tpu.memref_slice %arg4[%arg0, %mul3A_139, %dma_wait3A_148] : memref<2x10000x64xf32, #tpu.memory_space<hbm>> -> memref<1x624x64xf32, #tpu.memory_space<hbm>>
      %dma_wait3A_150 = tpu.memref_squeeze %dma_wait3A_149 : memref<1x624x64xf32, #tpu.memory_space<hbm>> -> memref<624x64xf32, #tpu.memory_space<hbm>>
      %dma_wait3A_151 = arith.constant 0 : i32
      %dma_wait3A_152 = tpu.memref_slice %arg5[%mul3A_137, %dma_wait3A_151] : memref<10240x64xf32, #tpu.memory_space<vmem_shared>> -> memref<624x64xf32, #tpu.memory_space<vmem_shared>>
      tpu.wait_dma2 semaphore(%run_scoped3A_142 : memref<!tpu.dma_semaphore, #tpu.memory_space<semaphore_mem>>) src(%dma_wait3A_152 : memref<624x64xf32, #tpu.memory_space<vmem_shared>>) dst(%dma_wait3A_150 : memref<624x64xf32, #tpu.memory_space<hbm>>)
      tpu.yield
    }) : () -> ()
    %eq3A = arith.constant 0 : i32
    %eq3A_140 = arith.cmpi eq, %arg1, %eq3A : i32
    %convert_element_type3A = arith.extui %eq3A_140 : i1 to i32
    %cond3A = arith.constant 0 : i32
    %cond3A_141 = arith.cmpi ne, %convert_element_type3A, %cond3A : i32
    scf.if %cond3A_141 {
      "tpu.region"() ({
        %run_scoped3A_142 = tpu.sem_alloc : memref<!tpu.dma_semaphore, #tpu.memory_space<semaphore_mem>>
        %dma_start3A_143 = arith.constant 9984 : i32
        %dma_start3A_144 = arith.constant 0 : i32
        %dma_start3A_145 = tpu.memref_slice %arg4[%arg0, %dma_start3A_143, %dma_start3A_144] : memref<2x10000x64xf32, #tpu.memory_space<hbm>> -> memref<1x16x64xf32, #tpu.memory_space<hbm>>
        %dma_start3A_146 = tpu.memref_squeeze %dma_start3A_145 : memref<1x16x64xf32, #tpu.memory_space<hbm>> -> memref<16x64xf32, #tpu.memory_space<hbm>>
        %dma_start3A_147 = arith.constant 9984 : i32
        %dma_start3A_148 = arith.constant 0 : i32
        %dma_start3A_149 = tpu.memref_slice %arg5[%dma_start3A_147, %dma_start3A_148] : memref<10240x64xf32, #tpu.memory_space<vmem_shared>> -> memref<16x64xf32, #tpu.memory_space<vmem_shared>>
        tpu.enqueue_dma source(%dma_start3A_149 : memref<16x64xf32, #tpu.memory_space<vmem_shared>>) target(%dma_start3A_146 : memref<16x64xf32, #tpu.memory_space<hbm>>) target_semaphore(%run_scoped3A_142 : memref<!tpu.dma_semaphore, #tpu.memory_space<semaphore_mem>>)
        %dma_wait3A_150 = arith.constant 9984 : i32
        %dma_wait3A_151 = arith.constant 0 : i32
        %dma_wait3A_152 = tpu.memref_slice %arg4[%arg0, %dma_wait3A_150, %dma_wait3A_151] : memref<2x10000x64xf32, #tpu.memory_space<hbm>> -> memref<1x16x64xf32, #tpu.memory_space<hbm>>
        %dma_wait3A_153 = tpu.memref_squeeze %dma_wait3A_152 : memref<1x16x64xf32, #tpu.memory_space<hbm>> -> memref<16x64xf32, #tpu.memory_space<hbm>>
        %dma_wait3A_154 = arith.constant 9984 : i32
        %dma_wait3A_155 = arith.constant 0 : i32
        %dma_wait3A_156 = tpu.memref_slice %arg5[%dma_wait3A_154, %dma_wait3A_155] : memref<10240x64xf32, #tpu.memory_space<vmem_shared>> -> memref<16x64xf32, #tpu.memory_space<vmem_shared>>
        tpu.wait_dma2 semaphore(%run_scoped3A_142 : memref<!tpu.dma_semaphore, #tpu.memory_space<semaphore_mem>>) src(%dma_wait3A_156 : memref<16x64xf32, #tpu.memory_space<vmem_shared>>) dst(%dma_wait3A_153 : memref<16x64xf32, #tpu.memory_space<hbm>>)
        tpu.yield
      }) : () -> ()
    } else {
    }
    return
  }
}

module attributes {stable_mosaic.version = 14 : i64} {
  func.func @_mm_body(%arg0: i32, %arg1: memref<2000x128xf32, #tpu.memory_space<vmem>>, %arg2: memref<128x128xf32, #tpu.memory_space<vmem>>, %arg3: memref<2000x128xf32, #tpu.memory_space<vmem>>) attributes {dimension_semantics = [#tpu.dimension_semantics<arbitrary>], iteration_bounds = array<i64: 5>, scalar_prefetch = 0 : i64, scratch_operands = 0 : i64, tpu.core_type = #tpu.core_type<tc>, window_params = [{transform_indices = @transform_0, window_bounds = array<i64: 2000, 128>}, {pipeline_mode = #tpu.pipeline_mode<synchronous>, transform_indices = @transform_1, window_bounds = array<i64: 128, 128>}, {transform_indices = @transform_2, window_bounds = array<i64: 2000, 128>}]} {
    %get3A = arith.constant 0 : index
    %get3A_0 = arith.constant 0 : index
    %get3A_1 = vector.load %arg1[%get3A, %get3A_0] : memref<2000x128xf32, #tpu.memory_space<vmem>>, vector<2000x128xf32>
    %get3A_2 = arith.constant 0 : index
    %get3A_3 = arith.constant 0 : index
    %get3A_4 = vector.load %arg2[%get3A_2, %get3A_3] : memref<128x128xf32, #tpu.memory_space<vmem>>, vector<128x128xf32>
    %dot_general3A = arith.constant dense<0.000000e+00> : vector<2000x128xf32>
    %dot_general3A_5 = tpu.matmul %get3A_1, %get3A_4, %dot_general3A {dimension_numbers = #tpu.dot_dimension_numbers<[1], [0], [0], [1], [0, 0, 1, 1], [], []>, transpose_lhs_hint = false} : vector<2000x128xf32>, vector<128x128xf32>, vector<2000x128xf32> -> vector<2000x128xf32>
    %swap3A = arith.constant 0 : index
    %swap3A_6 = arith.constant 0 : index
    %swap3A_7 = vector.load %arg3[%swap3A, %swap3A_6] : memref<2000x128xf32, #tpu.memory_space<vmem>>, vector<2000x128xf32>
    tpu.vector_store %arg3[%swap3A, %swap3A_6], %dot_general3A_5 {strides = array<i32>} : memref<2000x128xf32, #tpu.memory_space<vmem>>, vector<2000x128xf32>,
    return
  }
  func.func @transform_0(%arg0: i32) -> (i32, i32) {
    %c0_i32 = arith.constant 0 : i32
    %c0_i32_0 = arith.constant 0 : i32
    return %arg0, %c0_i32 : i32, i32
  }
  func.func @transform_1(%arg0: i32) -> (i32, i32) {
    %c0_i32 = arith.constant 0 : i32
    %c0_i32_0 = arith.constant 0 : i32
    %c0_i32_1 = arith.constant 0 : i32
    return %c0_i32, %c0_i32_0 : i32, i32
  }
  func.func @transform_2(%arg0: i32) -> (i32, i32) {
    %c0_i32 = arith.constant 0 : i32
    %c0_i32_0 = arith.constant 0 : i32
    return %arg0, %c0_i32 : i32, i32
  }
}

module attributes {stable_mosaic.version = 14 : i64} {
  func.func @_fused_body(%arg0: i32, %arg1: memref<2x2000x128xf32, #tpu.memory_space<vmem>>, %arg2: memref<1x128xf32, #tpu.memory_space<vmem>>, %arg3: memref<128x128xf32, #tpu.memory_space<vmem>>, %arg4: memref<2000x128xf32, #tpu.memory_space<vmem>>) attributes {dimension_semantics = [#tpu.dimension_semantics<arbitrary>], iteration_bounds = array<i64: 5>, scalar_prefetch = 0 : i64, scratch_operands = 0 : i64, tpu.core_type = #tpu.core_type<tc>, window_params = [{transform_indices = @transform_0, window_bounds = array<i64: 2, 2000, 128>}, {pipeline_mode = #tpu.pipeline_mode<synchronous>, transform_indices = @transform_1, window_bounds = array<i64: 1, 128>}, {pipeline_mode = #tpu.pipeline_mode<synchronous>, transform_indices = @transform_2, window_bounds = array<i64: 128, 128>}, {transform_indices = @transform_3, window_bounds = array<i64: 2000, 128>}]} {
    %get3A = arith.constant 0 : index
    %get3A_0 = arith.constant 0 : index
    %get3A_1 = arith.constant 0 : index
    %get3A_2 = vector.load %arg1[%get3A, %get3A_0, %get3A_1] : memref<2x2000x128xf32, #tpu.memory_space<vmem>>, vector<1x2000x128xf32>
    %get3A_3 = vector.shape_cast %get3A_2 : vector<1x2000x128xf32> to vector<2000x128xf32>
    %get3A_4 = arith.constant 1 : index
    %get3A_5 = arith.constant 0 : index
    %get3A_6 = arith.constant 0 : index
    %get3A_7 = vector.load %arg1[%get3A_4, %get3A_5, %get3A_6] : memref<2x2000x128xf32, #tpu.memory_space<vmem>>, vector<1x2000x128xf32>
    %get3A_8 = vector.shape_cast %get3A_7 : vector<1x2000x128xf32> to vector<2000x128xf32>
    %add3A = arith.addf %get3A_3, %get3A_8 : vector<2000x128xf32>
    %get3A_9 = arith.constant 0 : index
    %get3A_10 = arith.constant 0 : index
    %get3A_11 = vector.load %arg2[%get3A_9, %get3A_10] : memref<1x128xf32, #tpu.memory_space<vmem>>, vector<1x128xf32>
    %add3A_12 = vector.broadcast %get3A_11 : vector<1x128xf32> to vector<2000x128xf32>
    %add3A_13 = arith.addf %add3A, %add3A_12 : vector<2000x128xf32>
    %max3A = arith.constant 0.000000e+00 : f32
    %max3A_14 = vector.broadcast %max3A : f32 to vector<2000x128xf32>
    %max3A_15 = arith.maximumf %add3A_13, %max3A_14 : vector<2000x128xf32>
    %get3A_16 = arith.constant 0 : index
    %get3A_17 = arith.constant 0 : index
    %get3A_18 = vector.load %arg3[%get3A_16, %get3A_17] : memref<128x128xf32, #tpu.memory_space<vmem>>, vector<128x128xf32>
    %dot_general3A = arith.constant dense<0.000000e+00> : vector<2000x128xf32>
    %dot_general3A_19 = tpu.matmul %max3A_15, %get3A_18, %dot_general3A {dimension_numbers = #tpu.dot_dimension_numbers<[1], [0], [0], [1], [0, 0, 1, 1], [], []>, transpose_lhs_hint = false} : vector<2000x128xf32>, vector<128x128xf32>, vector<2000x128xf32> -> vector<2000x128xf32>
    %swap3A = arith.constant 0 : index
    %swap3A_20 = arith.constant 0 : index
    %swap3A_21 = vector.load %arg4[%swap3A, %swap3A_20] : memref<2000x128xf32, #tpu.memory_space<vmem>>, vector<2000x128xf32>
    tpu.vector_store %arg4[%swap3A, %swap3A_20], %dot_general3A_19 {strides = array<i32>} : memref<2000x128xf32, #tpu.memory_space<vmem>>, vector<2000x128xf32>,
    return
  }
  func.func @transform_0(%arg0: i32) -> (i32, i32, i32) {
    %c0_i32 = arith.constant 0 : i32
    %c0_i32_0 = arith.constant 0 : i32
    %c0_i32_1 = arith.constant 0 : i32
    return %c0_i32, %arg0, %c0_i32_0 : i32, i32, i32
  }
  func.func @transform_1(%arg0: i32) -> (i32, i32) {
    %c0_i32 = arith.constant 0 : i32
    %c0_i32_0 = arith.constant 0 : i32
    %c0_i32_1 = arith.constant 0 : i32
    return %c0_i32, %c0_i32_0 : i32, i32
  }
  func.func @transform_2(%arg0: i32) -> (i32, i32) {
    %c0_i32 = arith.constant 0 : i32
    %c0_i32_0 = arith.constant 0 : i32
    %c0_i32_1 = arith.constant 0 : i32
    return %c0_i32, %c0_i32_0 : i32, i32
  }
  func.func @transform_3(%arg0: i32) -> (i32, i32) {
    %c0_i32 = arith.constant 0 : i32
    %c0_i32_0 = arith.constant 0 : i32
    return %arg0, %c0_i32 : i32, i32
  }
}

module attributes {stable_mosaic.version = 14 : i64} {
  func.func @_fused_body(%arg0: i32, %arg1: memref<2x2000x128xf32, #tpu.memory_space<vmem>>, %arg2: memref<1x128xf32, #tpu.memory_space<vmem>>, %arg3: memref<128x64xf32, #tpu.memory_space<vmem>>, %arg4: memref<2000x64xf32, #tpu.memory_space<vmem>>) attributes {dimension_semantics = [#tpu.dimension_semantics<arbitrary>], iteration_bounds = array<i64: 5>, scalar_prefetch = 0 : i64, scratch_operands = 0 : i64, tpu.core_type = #tpu.core_type<tc>, window_params = [{transform_indices = @transform_0, window_bounds = array<i64: 2, 2000, 128>}, {pipeline_mode = #tpu.pipeline_mode<synchronous>, transform_indices = @transform_1, window_bounds = array<i64: 1, 128>}, {pipeline_mode = #tpu.pipeline_mode<synchronous>, transform_indices = @transform_2, window_bounds = array<i64: 128, 64>}, {transform_indices = @transform_3, window_bounds = array<i64: 2000, 64>}]} {
    %get3A = arith.constant 0 : index
    %get3A_0 = arith.constant 0 : index
    %get3A_1 = arith.constant 0 : index
    %get3A_2 = vector.load %arg1[%get3A, %get3A_0, %get3A_1] : memref<2x2000x128xf32, #tpu.memory_space<vmem>>, vector<1x2000x128xf32>
    %get3A_3 = vector.shape_cast %get3A_2 : vector<1x2000x128xf32> to vector<2000x128xf32>
    %get3A_4 = arith.constant 1 : index
    %get3A_5 = arith.constant 0 : index
    %get3A_6 = arith.constant 0 : index
    %get3A_7 = vector.load %arg1[%get3A_4, %get3A_5, %get3A_6] : memref<2x2000x128xf32, #tpu.memory_space<vmem>>, vector<1x2000x128xf32>
    %get3A_8 = vector.shape_cast %get3A_7 : vector<1x2000x128xf32> to vector<2000x128xf32>
    %add3A = arith.addf %get3A_3, %get3A_8 : vector<2000x128xf32>
    %get3A_9 = arith.constant 0 : index
    %get3A_10 = arith.constant 0 : index
    %get3A_11 = vector.load %arg2[%get3A_9, %get3A_10] : memref<1x128xf32, #tpu.memory_space<vmem>>, vector<1x128xf32>
    %add3A_12 = vector.broadcast %get3A_11 : vector<1x128xf32> to vector<2000x128xf32>
    %add3A_13 = arith.addf %add3A, %add3A_12 : vector<2000x128xf32>
    %max3A = arith.constant 0.000000e+00 : f32
    %max3A_14 = vector.broadcast %max3A : f32 to vector<2000x128xf32>
    %max3A_15 = arith.maximumf %add3A_13, %max3A_14 : vector<2000x128xf32>
    %get3A_16 = arith.constant 0 : index
    %get3A_17 = arith.constant 0 : index
    %get3A_18 = vector.load %arg3[%get3A_16, %get3A_17] : memref<128x64xf32, #tpu.memory_space<vmem>>, vector<128x64xf32>
    %dot_general3A = arith.constant dense<0.000000e+00> : vector<2000x64xf32>
    %dot_general3A_19 = tpu.matmul %max3A_15, %get3A_18, %dot_general3A {dimension_numbers = #tpu.dot_dimension_numbers<[1], [0], [0], [1], [0, 0, 1, 1], [], []>, transpose_lhs_hint = false} : vector<2000x128xf32>, vector<128x64xf32>, vector<2000x64xf32> -> vector<2000x64xf32>
    %swap3A = arith.constant 0 : index
    %swap3A_20 = arith.constant 0 : index
    %swap3A_21 = vector.load %arg4[%swap3A, %swap3A_20] : memref<2000x64xf32, #tpu.memory_space<vmem>>, vector<2000x64xf32>
    tpu.vector_store %arg4[%swap3A, %swap3A_20], %dot_general3A_19 {strides = array<i32>} : memref<2000x64xf32, #tpu.memory_space<vmem>>, vector<2000x64xf32>,
    return
  }
  func.func @transform_0(%arg0: i32) -> (i32, i32, i32) {
    %c0_i32 = arith.constant 0 : i32
    %c0_i32_0 = arith.constant 0 : i32
    %c0_i32_1 = arith.constant 0 : i32
    return %c0_i32, %arg0, %c0_i32_0 : i32, i32, i32
  }
  func.func @transform_1(%arg0: i32) -> (i32, i32) {
    %c0_i32 = arith.constant 0 : i32
    %c0_i32_0 = arith.constant 0 : i32
    %c0_i32_1 = arith.constant 0 : i32
    return %c0_i32, %c0_i32_0 : i32, i32
  }
  func.func @transform_2(%arg0: i32) -> (i32, i32) {
    %c0_i32 = arith.constant 0 : i32
    %c0_i32_0 = arith.constant 0 : i32
    %c0_i32_1 = arith.constant 0 : i32
    return %c0_i32, %c0_i32_0 : i32, i32
  }
  func.func @transform_3(%arg0: i32) -> (i32, i32) {
    %c0_i32 = arith.constant 0 : i32
    %c0_i32_0 = arith.constant 0 : i32
    return %arg0, %c0_i32 : i32, i32
  }
}

module attributes {stable_mosaic.version = 14 : i64} {
  func.func @_combine_body(%arg0: i32, %arg1: memref<2x2000x64xf32, #tpu.memory_space<vmem>>, %arg2: memref<1x64xf32, #tpu.memory_space<vmem>>, %arg3: memref<2000x64xf32, #tpu.memory_space<vmem>>) attributes {dimension_semantics = [#tpu.dimension_semantics<arbitrary>], iteration_bounds = array<i64: 5>, scalar_prefetch = 0 : i64, scratch_operands = 0 : i64, tpu.core_type = #tpu.core_type<tc>, window_params = [{transform_indices = @transform_0, window_bounds = array<i64: 2, 2000, 64>}, {pipeline_mode = #tpu.pipeline_mode<synchronous>, transform_indices = @transform_1, window_bounds = array<i64: 1, 64>}, {transform_indices = @transform_2, window_bounds = array<i64: 2000, 64>}]} {
    %get3A = arith.constant 0 : index
    %get3A_0 = arith.constant 0 : index
    %get3A_1 = arith.constant 0 : index
    %get3A_2 = vector.load %arg1[%get3A, %get3A_0, %get3A_1] : memref<2x2000x64xf32, #tpu.memory_space<vmem>>, vector<1x2000x64xf32>
    %get3A_3 = vector.shape_cast %get3A_2 : vector<1x2000x64xf32> to vector<2000x64xf32>
    %get3A_4 = arith.constant 1 : index
    %get3A_5 = arith.constant 0 : index
    %get3A_6 = arith.constant 0 : index
    %get3A_7 = vector.load %arg1[%get3A_4, %get3A_5, %get3A_6] : memref<2x2000x64xf32, #tpu.memory_space<vmem>>, vector<1x2000x64xf32>
    %get3A_8 = vector.shape_cast %get3A_7 : vector<1x2000x64xf32> to vector<2000x64xf32>
    %add3A = arith.addf %get3A_3, %get3A_8 : vector<2000x64xf32>
    %get3A_9 = arith.constant 0 : index
    %get3A_10 = arith.constant 0 : index
    %get3A_11 = vector.load %arg2[%get3A_9, %get3A_10] : memref<1x64xf32, #tpu.memory_space<vmem>>, vector<1x64xf32>
    %add3A_12 = vector.broadcast %get3A_11 : vector<1x64xf32> to vector<2000x64xf32>
    %add3A_13 = arith.addf %add3A, %add3A_12 : vector<2000x64xf32>
    %swap3A = arith.constant 0 : index
    %swap3A_14 = arith.constant 0 : index
    %swap3A_15 = vector.load %arg3[%swap3A, %swap3A_14] : memref<2000x64xf32, #tpu.memory_space<vmem>>, vector<2000x64xf32>
    tpu.vector_store %arg3[%swap3A, %swap3A_14], %add3A_13 {strides = array<i32>} : memref<2000x64xf32, #tpu.memory_space<vmem>>, vector<2000x64xf32>,
    return
  }
  func.func @transform_0(%arg0: i32) -> (i32, i32, i32) {
    %c0_i32 = arith.constant 0 : i32
    %c0_i32_0 = arith.constant 0 : i32
    %c0_i32_1 = arith.constant 0 : i32
    return %c0_i32, %arg0, %c0_i32_0 : i32, i32, i32
  }
  func.func @transform_1(%arg0: i32) -> (i32, i32) {
    %c0_i32 = arith.constant 0 : i32
    %c0_i32_0 = arith.constant 0 : i32
    %c0_i32_1 = arith.constant 0 : i32
    return %c0_i32, %c0_i32_0 : i32, i32
  }
  func.func @transform_2(%arg0: i32) -> (i32, i32) {
    %c0_i32 = arith.constant 0 : i32
    %c0_i32_0 = arith.constant 0 : i32
    return %arg0, %c0_i32 : i32, i32
  }
}

</mosaic_0001>

<sc_bundles>
// kernel: kernel.12.cloned.1.call-start
scs
__scs_entry_jumppad:
0x0: {  	(pc) =	sbr.rel $0x88, $3  }
0x1: {  	(tag) =	ssettag $0x0;
	lr =	simm.s32 $0x1  }
0x2: {  	[smem:$0x3F99] =	sst lr;
	_ =	strace $0xD0000000  }
0x3: {  	_ = 	snop  }
0x4: {  	_ = 	snop  }
0x5: {  	_ = 	snop  }
0x6: {  	_ = 	snop  }
0x7: {  	_ = 	snop  }
__scs_overlays_trampoline_lowered:
0x8: {  	[smem:$0x3FA8] =	sst s0  }
0x9: {  	[smem:$0x3FA9] =	sst s1  }
0xa: {  	[smem:$0x3FAA] =	sst s2  }
0xb: {  	[smem:$0x3FAB] =	sst s3  }
0xc: {  	[smem:$0x3FAC] =	sst s4  }
0xd: {  	[smem:$0x3FAD] =	sst s5  }
0xe: {  	[smem:$0x3FAE] =	sst s6  }
0xf: {  	[smem:$0x3FAF] =	sst s7  }
0x10: {  	[smem:$0x3FB0] =	sst s8  }
0x11: {  	[smem:$0x3FB1] =	sst s9;
	s0 =	simm.s32 @!p0 $0x0  }
0x12: {  	s1 =	sld [smem:$0x3F97];
	s0 =	simm.s32 @p0 $0x1  }
0x13: {  	[smem:$0x3FB2] =	sst s0;
	s0 =	simm.s32 @!p1 $0x0  }
0x14: {  	s2 =	sld [smem:$0x3F96];
	s0 =	simm.s32 @p1 $0x1  }
0x15: {  	[smem:$0x3FB3] =	sst s0;
	s0 =	simm.s32 @!p2 $0x0  }
0x16: {  	s3 =	sld [smem:$0x3FDB];
	s0 =	simm.s32 @p2 $0x1  }
0x17: {  	s4 =	simm.s32 $0x1BF5;
	[smem:$0x3FB5] =	sst s0  }
0x18: {  	s0 =	sld [smem:$0x3F98];
	_ =	swait.ge [sflag:s4], $0x0  }
0x19: {  	s7 =	sld [smem:$0x3F99]  }
0x1a: {  	s8 =	sadd.s32 $0xFFFFE003, lr  }
0x1b: {  	s9 =	sadd.s32 $0xFFFFFEF7, lr;
	s5 =	simm.s32 $0xFFFFFFFF;
	p2 =	slt.u32 s8, $0xFFFFF086  }
0x1c: {  	p1 =	slt.u32 s9, $0xF7A;
	s5 =	simm.s32 @!p2 $0x0  }
0x1d: {  	s5 =	simm.s32 @p1 $0x1;
	p0 =	seq.s32 s7, s2  }
0x1e: {  	s7 =	smul.u32 @!p0 $0xF7A, s2;
	p2 =	seq.s32 @!p0 s5, $0x0  }
0x1f: {  	s9 =	smul.u32 $0xF7A, s1;
	s8 =	simm.s32 @!p0 $0x1BF5;
	p2 =	por !p2, p0  }
0x20: {  	[sflag:s8] =	ssyncset.s32 @!p0 $0xFFFFF086;
	s6 =	sadd.s32 @!p0 s3, s7;
	s7 =	simm.s32 @!p0 $0x108  }
0x21: {  	s3 =	sadd.s32 s3, s9;
	s6 =	sadd.s32 @!p0 $0x88, s6;
	s7 =	simm.s32 @p2 $0x1082  }
0x22: {  	[simem:s7], [sflag:s8] =	dma.local @!p0 [hbm:s6], $0xF7A  }
0x23: {  	s9 =	sor.u32 $0xD0000000, s2;
	s6 =	simm.s32 $0x108;
	_ =	swait.ge @!p0 [sflag:s8], $0x0  }
0x24: {  	s3 =	sadd.s32 $0x88, s3;
	s6 =	simm.s32 @!p1 $0x1082;
	[sflag:s4] =	ssyncset.s32 $0xFFFFF086  }
0x25: {  	[simem:s6], [sflag:s4] =	dma.local [hbm:s3], $0xF7A  }
0x26: {  	[smem:$0x3F99] =	sst s1;
	(tag) =	ssettag s2;
	_ =	strace s9  }
0x27: {  	s1 =	sld [smem:$0x3FA9]  }
0x28: {  	s2 =	sld [smem:$0x3FAA]  }
0x29: {  	s4 =	sld [smem:$0x3FAC]  }
0x2a: {  	p0 =	seq.s32 s5, $0x0;
	s5 =	sld [smem:$0x3FAD]  }
0x2b: {  	s6 =	sld [smem:$0x3FAE]  }
0x2c: {  	s7 =	sld [smem:$0x3FAF]  }
0x2d: {  	s3 =	simm.s32 $0x108;
	s8 =	sld [smem:$0x3FB0]  }
0x2e: {  	s3 =	simm.s32 @!p0 $0x1082;
	s9 =	sld [smem:$0x3FB1]  }
0x2f: {  	lr =	sadd.s32 s0, s3;
	s0 =	sld [smem:$0x3FA8]  }
0x30: {  	s3 =	sld [smem:$0x3FAB]  }
0x31: {  	[smem:$0x3FB4] =	sst s10  }
0x32: {  	s10 =	sld [smem:$0x3FB2];
	_ =	sdelay $0x3  }
0x33: {  	p0 =	seq.s32 s10, $0x1;
	s10 =	sld [smem:$0x3FB4];
	_ =	sdelay $0x3  }
0x34: {  	[smem:$0x3FB4] =	sst s10  }
0x35: {  	s10 =	sld [smem:$0x3FB3];
	_ =	sdelay $0x3  }
0x36: {  	p1 =	seq.s32 s10, $0x1;
	s10 =	sld [smem:$0x3FB4];
	_ =	sdelay $0x3  }
0x37: {  	[smem:$0x3FB4] =	sst s10  }
0x38: {  	s10 =	sld [smem:$0x3FB5]  }
0x39: {  	_ = 	snop;
	(pc) =	sbr.ind lr, $3  }
0x3a: {  	_ = 	snop  }
0x3b: {  	_ = 	snop  }
0x3c: {  	p2 =	seq.s32 s10, $0x1;
	s10 =	sld [smem:$0x3FB4]  }
0x3d: {  	_ =	shalt  }
0x3e: {  	_ =	shalt  }
0x3f: {  	_ =	shalt  }
0x40: {  	_ =	shalt  }
0x41: {  	_ =	shalt  }
0x42: {  	_ =	shalt  }
0x43: {  	_ =	shalt  }
0x44: {  	_ =	shalt  }
0x45: {  	_ =	shalt  }
0x46: {  	_ =	shalt  }
0x47: {  	_ =	shalt  }
0x48: {  	_ =	shalt  }
0x49: {  	_ =	shalt  }
0x4a: {  	_ =	shalt  }
0x4b: {  	_ =	shalt  }
0x4c: {  	_ =	shalt  }
0x4d: {  	_ =	shalt  }
0x4e: {  	_ =	shalt  }
0x4f: {  	_ =	shalt  }
0x50: {  	_ =	shalt  }
0x51: {  	_ =	shalt  }
0x52: {  	_ =	shalt  }
0x53: {  	_ =	shalt  }
0x54: {  	_ =	shalt  }
0x55: {  	_ =	shalt  }
0x56: {  	_ =	shalt  }
0x57: {  	_ =	shalt  }
0x58: {  	_ =	shalt  }
0x59: {  	_ =	shalt  }
0x5a: {  	_ =	shalt  }
0x5b: {  	_ =	shalt  }
0x5c: {  	_ =	shalt  }
0x5d: {  	_ =	shalt  }
0x5e: {  	_ =	shalt  }
0x5f: {  	_ =	shalt  }
0x60: {  	_ =	shalt  }
0x61: {  	_ =	shalt  }
0x62: {  	_ =	shalt  }
0x63: {  	_ =	shalt  }
0x64: {  	_ =	shalt  }
0x65: {  	_ =	shalt  }
0x66: {  	_ =	shalt  }
0x67: {  	_ =	shalt  }
0x68: {  	_ =	shalt  }
0x69: {  	_ =	shalt  }
0x6a: {  	_ =	shalt  }
0x6b: {  	_ =	shalt  }
0x6c: {  	_ =	shalt  }
0x6d: {  	_ =	shalt  }
0x6e: {  	_ =	shalt  }
0x6f: {  	_ =	shalt  }
0x70: {  	_ =	shalt  }
0x71: {  	_ =	shalt  }
0x72: {  	_ =	shalt  }
0x73: {  	_ =	shalt  }
0x74: {  	_ =	shalt  }
0x75: {  	_ =	shalt  }
0x76: {  	_ =	shalt  }
0x77: {  	_ =	shalt  }
0x78: {  	_ =	shalt  }
0x79: {  	_ =	shalt  }
0x7a: {  	_ =	shalt  }
0x7b: {  	_ =	shalt  }
0x7c: {  	_ =	shalt  }
0x7d: {  	_ =	shalt  }
0x7e: {  	_ =	shalt  }
0x7f: {  	_ =	shalt  }
0x80: {  	_ =	shalt  }
0x81: {  	_ =	shalt  }
0x82: {  	_ =	shalt  }
0x83: {  	_ =	shalt  }
0x84: {  	_ =	shalt  }
0x85: {  	_ =	shalt  }
0x86: {  	_ =	shalt  }
0x87: {  	_ =	shalt  }
.Lfunc_end0:
.L_simem_size_0:
called_computation.1_lowered:
.L_overlay_start_0:
0x88: {  	s2 =	sld [smem:$0x3FD9]  }
0x89: {  	s3 =	sld [smem:$0x3FFE];
	_ =	sdelay $0x1  }
0x8a: {  	s1 =	srdreg.scid  }
0x8b: {  	s0 =	sand.u32 $0x1, s1  }
0x8c: {  	s17 =	sshll.u32 s0, $0xA;
	s2 =	sadd.s32 s3, s2  }
0x8d: {  	s2 =	sadd.s32 s2, s17  }
0x8e: {  	[smem:$0x3FC0] =	sst s2  }
0x8f: {  	_ = 	snop  }
0x90: {  	s2 =	sld [smem:$0x3FD0];
	(tm) =	ssettm $0x1  }
0x91: {  	s18 =	sld [smem:$0x3FFB];
	_ =	sdelay $0x3  }
0x92: {  	_ =	strace s18  }
0x93: {  	s3 =	sld [smem:$0x3FFC];
	_ =	sdelay $0x3  }
0x94: {  	_ =	strace s3  }
0x95: {  	s3 =	sld [smem:$0x3FFD];
	_ =	sdelay $0x3  }
0x96: {  	_ =	strace s3  }
0x97: {  	_ =	strace $0x8FFFFFFF  }
0x98: {  	s19 =	sld [smem:$0x3FDB];
	_ =	sdelay $0x1  }
0x99: {  	s4 =	simm.s32 $_scs_section_size  }
0x9a: {  	s5 =	simm.s32 $_size__tile_overlayer_lowered;
	s6 =	simm.s32 $_tile_overlayer_lowered  }
0x9b: {  	s22 =	simm.s32 $0x1BFF;
	s21 =	sshll.u32 s6, $0x1;
	s3 =	sadd.s32 s4, s19  }
0x9c: {  	s7 =	simm.s32 $0x0;
	s20 =	sshll.u32 s5, $0x1;
	s5 =	sadd.s32 s21, s3  }
0x9d: {  	[timem:s7], [sflag:s22] =	dma.local [hbm:s5], s20  }
0x9e: {  	_ =	swait.ge [sflag:s22], s20  }
0x9f: {  	s4 =	ssub.s32 $0x0, s20;
	[sflag:s22] =	ssyncset.done $0x0  }
0xa0: {  	[sflag:s22] =	ssyncadd.s32 s4;
	_ =	sdelay $0x1  }
0xa1: {  	s23 =	simm.s32 $0x1B8B  }
0xa2: {  	_ =	swait.ge [sflag:s23], $0x1  }
0xa3: {  	[sflag:s23] =	ssyncset.done $0x0  }
0xa4: {  	s25 =	simm.s32 $0x1B8E;
	s24 =	sld [smem:$0x3FFE];
	[sflag:s23] =	ssyncadd.s32 $0xFFFFFFFF  }
0xa5: {  	s26 =	simm.s32 $execute0_lowered;
	[smem:$0x3FD2] =	sst s25  }
0xa6: {  	s5 =	sshll.u32 s26, $0x1;
	_ =	strace $0x80000049;
	[dreg:$0x1] =	wrdreg $0xFFFFFFFF  }
0xa7: {  	s28 =	simm.s32 $_size_execute0_lowered;
	s3 =	sadd.s32 s3, s5;
	[dreg:$0x0] =	wrdreg $0x0  }
0xa8: {  	s5 =	sshll.u32 s28, $0x1;
	[dreg:$0x2] =	wrdreg s3  }
0xa9: {  	[dreg:$0x3] =	wrdreg s5  }
0xaa: {  	[dreg:$0x4] =	wrdreg $0xC0  }
0xab: {  	_ =	task [dreg:s7], $0x5FFFF  }
0xac: {  	[dreg:$0x1] =	wrdreg $0xFFFFFFFF  }
0xad: {  	[dreg:$0x0] =	wrdreg $0x60  }
0xae: {  	[dreg:$0x2] =	wrdreg s24  }
0xaf: {  	[dreg:$0x3] =	wrdreg s2  }
0xb0: {  	[dreg:$0x4] =	wrdreg $0x0  }
0xb1: {  	[dreg:$0x5] =	wrdreg $0x9  }
0xb2: {  	_ =	task.clear_ibuf [dreg:s7], $0x6FFFF;
	_ =	strace $0x90000049  }
0xb3: {  	s29 =	simm.s32 $0x9;
	_ =	strace $0x8000004B  }
0xb4: {  	_ =	swait.ge [sflag:s29], $0x1  }
0xb5: {  	[sflag:s29] =	ssyncadd.s32 $0xFFFFFFFF  }
0xb6: {  	_ =	strace $0x9000004B  }
0xb7: {  	_ =	sfence  }
0xb8: {  	s30 =	sld [smem:$0x0];
	_ =	sdelay $0x2  }
0xb9: {  	s31 =	sshll.u32 s1, $0xD;
	s1 =	sshrl.u32 s1, $0x2  }
0xba: {  	s3 =	sand.u32 $0x4000, s31;
	s1 =	sadd.s32 s1, s30  }
0xbb: {  	s0 =	sor.u32 s3, s0;
	s1 =	sshll.u32 s1, $0x11  }
0xbc: {  	s0 =	sor.u32 s1, s0  }
0xbd: {  	s0 =	sadd.s32 $0x8F2B, s0  }
0xbe: {  	[sflag:s0] =	ssyncadd.remote.s32 $0x1  }
0xbf: {  	_ =	sfence.sel $0xFFFF  }
0xc0: {  	[dreg:$0x0] =	wrdreg $0xFFFFFFFF;
	(pc) =	sbr.abs _section_cstart, $3  }
0xc1: {  	[dreg:$0x1] =	wrdreg $0xFFFFFFFF  }
0xc2: {  	_ =	task.clear_ibuf [dreg:s7], $0x2FFFF;
	_ =	strace $0x9FFFFFFF  }
0xc3: {  	(tm) =	ssettm $0x7FFFFFFF  }
tec
execute0_lowered:
.L_overlay_start_1:
0x0: {  	(tag) =	ssettag $0x1  }
0x1: {  	s0 =	rddreg [dreg:$0x0]  }
0x2: {  	s3 =	rddreg [dreg:$0x1]  }
0x3: {  	s1 =	rddreg [dreg:$0x2];
	s2 =	simm.s32 $0x0  }
0x4: {  	s11 =	stileid.u32;
	s5 =	srdreg.scid;
	s28 =	simm.s32 $0x15400  }
0x5: {  	s29 =	simm.s32 $0x1;
	s30 =	simm.s32 $0x2;
	s31 =	simm.s32 $0x3  }
0x6: {  	[smem:$0x7FF] =	sst s2;
	s6 =	smul.u32 $0x50000, s11;
	s4 =	sadd.s32 $0xC800, s0  }
0x7: {  	s7 =	sadd.s32 $0x2800, s0;
	s8 =	sand.u32 $0x1, s5;
	s0 =	sadd.s32 $0x33A00, s0  }
0x8: {  	s21 =	smul.u32 $0x13800, s11;
	p0 =	sne.s32 s11, $0x0;
	_ =	strace $0x8000004A  }
0x9: {  	s9 =	ssub.s32 $0x2, s8;
	s10 =	sshll.u32 s8, $0x4;
	s8 =	smul.u32 $0x138800, s8  }
0xa: {  	s24 =	sshrl.u32 s6, $0x2;
	s25 =	sshrl.u32 s9, $0x1;
	s26 =	sor.u32 s11, s10  }
0xb: {  	s10 =	simm.s32 $0x140C0;
	s11 =	simm.s32 $0x1C800;
	s5 =	sadd.s32 s24, s1  }
0xc: {  	s6 =	ssub.s32 s9, s25;
	s9 =	smul.u32 $0x2800, s26;
	s12 =	sadd.s32 $0x2000, s5  }
0xd: {  	s23 =	sadd.s32 s21, s8;
	s13 =	sadd.s32 $0x4000, s5;
	[dreg:$0x4] =	wrdreg s12  }
0xe: {  	s8 =	sshrl.u32 s8, $0x3;
	s14 =	sadd.s32 $0x6000, s5;
	[dreg:$0x5] =	wrdreg s13  }
0xf: {  	s26 =	sadd.s32 s21, s1;
	s15 =	sadd.s32 $0x8000, s5;
	[dreg:$0x6] =	wrdreg s14  }
0x10: {  	s16 =	sadd.s32 $0xA000, s5;
	s17 =	sadd.s32 $0xC000, s5;
	[dreg:$0x7] =	wrdreg s15  }
0x11: {  	s18 =	sadd.s32 $0xE000, s5;
	s19 =	sadd.s32 $0x10000, s5;
	[dreg:$0x8] =	wrdreg s16  }
0x12: {  	s20 =	sadd.s32 $0x12000, s5;
	s24 =	sshrl.u32 s23, $0x3;
	[dreg:$0x9] =	wrdreg s17  }
0x13: {  	s25 =	sadd.s32 s0, s8;
	s21 =	smax.u32 s6, $0x1;
	[dreg:$0xa] =	wrdreg s18  }
0x14: {  	s23 =	simm.s32 $0x14000;
	s6 =	simm.s32 $0x14040;
	[dreg:$0xb] =	wrdreg s19  }
0x15: {  	s8 =	simm.s32 $0x14080;
	[dreg:$0xc] =	wrdreg s20;
	s9 =	sshrl.u32 s9, $0x3  }
0x16: {  	s19 =	sadd.s32 s0, s24;
	s20 =	sadd.s32 $0x27000, s25;
	s24 =	sshrl.u32 s26, $0x3  }
0x17: {  	s26 =	simm.s32 $0x5;
	s0 =	simm.s32 $0x4;
	s13 =	simm.s32 $0x16740  }
0x18: {  	s14 =	simm.s32 $0x16780;
	s15 =	simm.s32 $0x167C0;
	s12 =	sadd.s32 s7, s9  }
0x19: {  	s22 =	sadd.s32 s3, s9;
	s9 =	sadd.s32 $0x280, s9;
	[dreg:$0xd] =	wrdreg s12  }
0x1a: {  	[dreg:$0xe] =	wrdreg s22;
	s7 =	sadd.s32 s7, s9;
	s3 =	sadd.s32 s3, s9  }
0x1b: {  	s22 =	simm.s32 $0x16800;
	s9 =	simm.s32 $0x1A800;
	[dreg:$0xf] =	wrdreg s7  }
0x1c: {  	s12 =	simm.s32 $0x16700;
	[dreg:$0x10] =	wrdreg s3;
	s3 =	sadd.s32 $0x138000, s1  }
0x1d: {  	v0 =	vimm.f32 $0.0e+00;
	s7 =	simm.s32 $0x18800;
	s25 =	sshrl.u32 @!p0 s3, $0x3;
	s3 =	simm.s32 $0x40  }
.LBB2_1:
0x1e: {  	s16 =	simm.s32 $0x0;
	s17 =	simm.s32 $0x200  }
.LBB2_2:
0x1f: {  	p1 =	sne.s32 s17, $0x7E00;
	[tilespmem:s16+$0x16870] =	vst v0  }
0x20: {  	[tilespmem:s16+$0x16800] =	vst v0  }
0x21: {  	[tilespmem:s16+$0x16810] =	vst v0  }
.Ltmp0:
0x22: {  	[tilespmem:s16+$0x16820] =	vst v0;
	(pc) =	sbr.rel @p1 .LBB2_2-.Ltmp0, $4  }
0x23: {  	[tilespmem:s16+$0x16830] =	vst v0  }
0x24: {  	[tilespmem:s16+$0x16840] =	vst v0  }
0x25: {  	[tilespmem:s16+$0x16850] =	vst v0  }
0x26: {  	[tilespmem:s16+$0x16860] =	vst v0;
	s16 =	sshra.s32 s17, $0x2;
	s17 =	sadd.s32 $0x200, s17  }
0x27: {  	[tilespmem:s16+$0x16870] =	vst v0  }
0x28: {  	[tilespmem:s16+$0x16800] =	vst v0  }
0x29: {  	[tilespmem:s16+$0x16810] =	vst v0  }
0x2a: {  	[tilespmem:s16+$0x16820] =	vst v0  }
0x2b: {  	[tilespmem:s16+$0x16830] =	vst v0  }
0x2c: {  	[tilespmem:s16+$0x16840] =	vst v0  }
0x2d: {  	[tilespmem:s16+$0x16850] =	vst v0  }
0x2e: {  	[tilespmem:s16+$0x16860] =	vst v0  }
0x2f: {  	[spmem:s5] =	stream.linear.scatter [tilespmem:s22], [sflag:$0x1], $0x2000, $0x38;
	[tilespmem:$0x1E800] =	vst v63  }
0x30: {  	s17 =	rddreg [dreg:$0x4]  }
0x31: {  	[spmem:s17] =	stream.linear.scatter [tilespmem:s22], [sflag:$0x2], $0x2000, $0x38;
	[tilespmem:$0x1E800] =	vst v63  }
0x32: {  	s18 =	rddreg [dreg:$0x5]  }
0x33: {  	[spmem:s18] =	stream.linear.scatter [tilespmem:s22], [sflag:$0x3], $0x2000, $0x38;
	[tilespmem:$0x1E800] =	vst v63  }
0x34: {  	s17 =	rddreg [dreg:$0x6]  }
0x35: {  	[spmem:s17] =	stream.linear.scatter [tilespmem:s22], [sflag:$0x4], $0x2000, $0x38;
	[tilespmem:$0x1E800] =	vst v63  }
0x36: {  	s18 =	rddreg [dreg:$0x7]  }
0x37: {  	[spmem:s18] =	stream.linear.scatter [tilespmem:s22], [sflag:$0x1], $0x2000, $0x38;
	[tilespmem:$0x1E800] =	vst v63  }
0x38: {  	s17 =	rddreg [dreg:$0x8]  }
0x39: {  	[spmem:s17] =	stream.linear.scatter [tilespmem:s22], [sflag:$0x2], $0x2000, $0x38;
	[tilespmem:$0x1E800] =	vst v63  }
0x3a: {  	s18 =	rddreg [dreg:$0x9]  }
0x3b: {  	[spmem:s18] =	stream.linear.scatter [tilespmem:s22], [sflag:$0x3], $0x2000, $0x38;
	[tilespmem:$0x1E800] =	vst v63  }
0x3c: {  	s17 =	rddreg [dreg:$0xa]  }
0x3d: {  	[spmem:s17] =	stream.linear.scatter [tilespmem:s22], [sflag:$0x4], $0x2000, $0x38;
	[tilespmem:$0x1E800] =	vst v63  }
0x3e: {  	s18 =	rddreg [dreg:$0xb]  }
0x3f: {  	[spmem:s18] =	stream.linear.scatter [tilespmem:s22], [sflag:$0x1], $0x2000, $0x38;
	[tilespmem:$0x1E800] =	vst v63  }
0x40: {  	s17 =	rddreg [dreg:$0xc]  }
0x41: {  	[spmem:s17] =	stream.linear.scatter [tilespmem:s22], [sflag:$0x2], $0x2000, $0x38;
	[tilespmem:$0x1E800] =	vst v63  }
0x42: {  	s16 =	simm.s32 $0x0;
	s17 =	rddreg [dreg:$0xd]  }
0x43: {  	[tilespmem:s23], [sflag:$0x5] =	stream.linear.gather [hbm4b:s17+s16], $0x1400, $0x38;
	[tilespmem:$0x1E800] =	vst v63  }
0x44: {  	_ =	swait.ge [sflag:s26], $0x1400  }
0x45: {  	[sflag:s26] =	ssyncset.done $0x0  }
0x46: {  	s18 =	rddreg [dreg:$0xe];
	[sflag:s26] =	ssyncadd.s32 $0xFFFFEC00  }
0x47: {  	[tilespmem:s28], [sflag:$0x5] =	stream.linear.gather [hbm4b:s18+s16], $0x1400, $0x38;
	[tilespmem:$0x1E800] =	vst v63  }
0x48: {  	_ =	swait.ge [sflag:s26], $0x1400  }
0x49: {  	[sflag:s26] =	ssyncset.done $0x0  }
0x4a: {  	[sflag:s26] =	ssyncadd.s32 $0xFFFFEC00  }
0x4b: {  	_ =	swait.ge [sflag:s29], $0x2000  }
0x4c: {  	[sflag:s29] =	ssyncset.done $0x0  }
0x4d: {  	[sflag:s29] =	ssyncadd.s32 $0xFFFFE000  }
0x4e: {  	_ =	swait.ge [sflag:s30], $0x2000  }
0x4f: {  	[sflag:s30] =	ssyncset.done $0x0  }
0x50: {  	[sflag:s30] =	ssyncadd.s32 $0xFFFFE000  }
0x51: {  	_ =	swait.ge [sflag:s31], $0x2000  }
0x52: {  	[sflag:s31] =	ssyncset.done $0x0  }
0x53: {  	[sflag:s31] =	ssyncadd.s32 $0xFFFFE000  }
0x54: {  	_ =	swait.ge [sflag:s0], $0x2000  }
0x55: {  	[sflag:s0] =	ssyncset.done $0x0  }
0x56: {  	[sflag:s0] =	ssyncadd.s32 $0xFFFFE000  }
0x57: {  	_ =	swait.ge [sflag:s29], $0x2000  }
0x58: {  	[sflag:s29] =	ssyncset.done $0x0  }
0x59: {  	[sflag:s29] =	ssyncadd.s32 $0xFFFFE000  }
0x5a: {  	_ =	swait.ge [sflag:s30], $0x2000  }
0x5b: {  	[sflag:s30] =	ssyncset.done $0x0  }
0x5c: {  	[sflag:s30] =	ssyncadd.s32 $0xFFFFE000  }
0x5d: {  	_ =	swait.ge [sflag:s31], $0x2000  }
0x5e: {  	[sflag:s31] =	ssyncset.done $0x0  }
0x5f: {  	[sflag:s31] =	ssyncadd.s32 $0xFFFFE000  }
0x60: {  	_ =	swait.ge [sflag:s0], $0x2000  }
0x61: {  	[sflag:s0] =	ssyncset.done $0x0  }
0x62: {  	[sflag:s0] =	ssyncadd.s32 $0xFFFFE000  }
0x63: {  	_ =	swait.ge [sflag:s29], $0x2000  }
0x64: {  	[sflag:s29] =	ssyncset.done $0x0  }
0x65: {  	[sflag:s29] =	ssyncadd.s32 $0xFFFFE000  }
0x66: {  	_ =	swait.ge [sflag:s30], $0x2000  }
0x67: {  	[sflag:s30] =	ssyncset.done $0x0  }
0x68: {  	[sflag:s30] =	ssyncadd.s32 $0xFFFFE000  }
0x69: {  	[tilespmem:s22], [sflag:$0x1] =	stream.indirect.gather [hbm4b:s4+s3], $0x80, s23, s3, $0xb8;
	[tilespmem:$0x1E800] =	vst v63  }
0x6a: {  	_ = 	snop  }
0x6b: {  	[tilespmem:s7], [sflag:$0x2] =	stream.indirect.gather [hbm4b:s4+s3], $0x80, s6, s3, $0xb8;
	[tilespmem:$0x1E800] =	vst v63  }
0x6c: {  	_ = 	snop  }
0x6d: {  	[tilespmem:s9], [sflag:$0x3] =	stream.indirect.gather [hbm4b:s4+s3], $0x80, s8, s3, $0xb8;
	[tilespmem:$0x1E800] =	vst v63  }
0x6e: {  	_ = 	snop  }
0x6f: {  	[tilespmem:s11], [sflag:$0x4] =	stream.indirect.gather [hbm4b:s4+s3], $0x80, s10, s3, $0xb8;
	[tilespmem:$0x1E800] =	vst v63  }
0x70: {  	[bflag:$0x0] =	sbarrier.arrive $0xFFFF  }
0x71: {  	_ =	swait.ge [sflag:s29], $0x2000  }
0x72: {  	[sflag:s29] =	ssyncset.done $0x0  }
0x73: {  	s18 =	simm.s32 $0x15400;
	[sflag:s29] =	ssyncadd.s32 $0xFFFFE000  }
0x74: {  	[spmem:s1] =	stream.indirect.scatter.add.f32 [tilespmem:s22], [sflag:$0x5], $0x80, s18, s3, $0xb8;
	[tilespmem:$0x1E800] =	vst v63  }
0x75: {  	_ =	swait.ge [sflag:s26], $0x2000  }
0x76: {  	[sflag:s26] =	ssyncset.done $0x0  }
0x77: {  	s17 =	simm.s32 $0x14100;
	[sflag:s26] =	ssyncadd.s32 $0xFFFFE000  }
0x78: {  	[tilespmem:s22], [sflag:$0x1] =	stream.indirect.gather [hbm4b:s4+s3], $0x80, s17, s3, $0xb8;
	[tilespmem:$0x1E800] =	vst v63  }
0x79: {  	_ =	swait.ge [sflag:s30], $0x2000  }
0x7a: {  	[sflag:s30] =	ssyncset.done $0x0  }
0x7b: {  	s18 =	simm.s32 $0x15440;
	[sflag:s30] =	ssyncadd.s32 $0xFFFFE000  }
0x7c: {  	[spmem:s1] =	stream.indirect.scatter.add.f32 [tilespmem:s7], [sflag:$0x5], $0x80, s18, s3, $0xb8;
	[tilespmem:$0x1E800] =	vst v63  }
0x7d: {  	_ =	swait.ge [sflag:s26], $0x2000  }
0x7e: {  	[sflag:s26] =	ssyncset.done $0x0  }
0x7f: {  	s17 =	simm.s32 $0x14140;
	[sflag:s26] =	ssyncadd.s32 $0xFFFFE000  }
0x80: {  	[tilespmem:s7], [sflag:$0x2] =	stream.indirect.gather [hbm4b:s4+s3], $0x80, s17, s3, $0xb8;
	[tilespmem:$0x1E800] =	vst v63  }
0x81: {  	_ =	swait.ge [sflag:s31], $0x2000  }
0x82: {  	[sflag:s31] =	ssyncset.done $0x0  }
0x83: {  	s18 =	simm.s32 $0x15480;
	[sflag:s31] =	ssyncadd.s32 $0xFFFFE000  }
0x84: {  	[spmem:s1] =	stream.indirect.scatter.add.f32 [tilespmem:s9], [sflag:$0x5], $0x80, s18, s3, $0xb8;
	[tilespmem:$0x1E800] =	vst v63  }
0x85: {  	_ =	swait.ge [sflag:s26], $0x2000  }
0x86: {  	[sflag:s26] =	ssyncset.done $0x0  }
0x87: {  	s17 =	simm.s32 $0x14180;
	[sflag:s26] =	ssyncadd.s32 $0xFFFFE000  }
0x88: {  	[tilespmem:s9], [sflag:$0x3] =	stream.indirect.gather [hbm4b:s4+s3], $0x80, s17, s3, $0xb8;
	[tilespmem:$0x1E800] =	vst v63  }
0x89: {  	_ =	swait.ge [sflag:s0], $0x2000  }
0x8a: {  	[sflag:s0] =	ssyncset.done $0x0  }
0x8b: {  	s18 =	simm.s32 $0x154C0;
	[sflag:s0] =	ssyncadd.s32 $0xFFFFE000  }
0x8c: {  	[spmem:s1] =	stream.indirect.scatter.add.f32 [tilespmem:s11], [sflag:$0x5], $0x80, s18, s3, $0xb8;
	[tilespmem:$0x1E800] =	vst v63  }
0x8d: {  	_ =	swait.ge [sflag:s26], $0x2000  }
0x8e: {  	[sflag:s26] =	ssyncset.done $0x0  }
0x8f: {  	s16 =	simm.s32 $0x400;
	s17 =	simm.s32 $0x141C0;
	[sflag:s26] =	ssyncadd.s32 $0xFFFFE000  }
.LBB2_4:
0x90: {  	[tilespmem:s11], [sflag:$0x4] =	stream.indirect.gather [hbm4b:s4+s3], $0x80, s17, s3, $0xb8;
	[tilespmem:$0x1E800] =	vst v63  }
0x91: {  	s17 =	smov.u32 s16  }
0x92: {  	p1 =	sne.s32 s16, $0x4800;
	s16 =	sadd.s32 $0x400, s16;
	_ =	swait.ge [sflag:s29], $0x2000  }
0x93: {  	s17 =	sshra.s32 s17, $0x2;
	[sflag:s29] =	ssyncset.done $0x0  }
0x94: {  	s18 =	sadd.s32 $0x15400, s17;
	[sflag:s29] =	ssyncadd.s32 $0xFFFFE000  }
0x95: {  	[spmem:s1] =	stream.indirect.scatter.add.f32 [tilespmem:s22], [sflag:$0x5], $0x80, s18, s3, $0xb8;
	[tilespmem:$0x1E800] =	vst v63  }
0x96: {  	_ =	swait.ge [sflag:s26], $0x2000  }
0x97: {  	[sflag:s26] =	ssyncset.done $0x0  }
0x98: {  	s18 =	sadd.s32 $0x14100, s17;
	[sflag:s26] =	ssyncadd.s32 $0xFFFFE000  }
0x99: {  	[tilespmem:s22], [sflag:$0x1] =	stream.indirect.gather [hbm4b:s4+s3], $0x80, s18, s3, $0xb8;
	[tilespmem:$0x1E800] =	vst v63  }
0x9a: {  	_ =	swait.ge [sflag:s30], $0x2000  }
0x9b: {  	[sflag:s30] =	ssyncset.done $0x0  }
0x9c: {  	s18 =	sadd.s32 $0x15440, s17;
	[sflag:s30] =	ssyncadd.s32 $0xFFFFE000  }
0x9d: {  	[spmem:s1] =	stream.indirect.scatter.add.f32 [tilespmem:s7], [sflag:$0x5], $0x80, s18, s3, $0xb8;
	[tilespmem:$0x1E800] =	vst v63  }
0x9e: {  	_ =	swait.ge [sflag:s26], $0x2000  }
0x9f: {  	[sflag:s26] =	ssyncset.done $0x0  }
0xa0: {  	s18 =	sadd.s32 $0x14140, s17;
	[sflag:s26] =	ssyncadd.s32 $0xFFFFE000  }
0xa1: {  	[tilespmem:s7], [sflag:$0x2] =	stream.indirect.gather [hbm4b:s4+s3], $0x80, s18, s3, $0xb8;
	[tilespmem:$0x1E800] =	vst v63  }
0xa2: {  	_ =	swait.ge [sflag:s31], $0x2000  }
0xa3: {  	[sflag:s31] =	ssyncset.done $0x0  }
0xa4: {  	s18 =	sadd.s32 $0x15480, s17;
	[sflag:s31] =	ssyncadd.s32 $0xFFFFE000  }
0xa5: {  	[spmem:s1] =	stream.indirect.scatter.add.f32 [tilespmem:s9], [sflag:$0x5], $0x80, s18, s3, $0xb8;
	[tilespmem:$0x1E800] =	vst v63  }
0xa6: {  	_ =	swait.ge [sflag:s26], $0x2000  }
0xa7: {  	[sflag:s26] =	ssyncset.done $0x0  }
0xa8: {  	s18 =	sadd.s32 $0x14180, s17;
	[sflag:s26] =	ssyncadd.s32 $0xFFFFE000  }
0xa9: {  	[tilespmem:s9], [sflag:$0x3] =	stream.indirect.gather [hbm4b:s4+s3], $0x80, s18, s3, $0xb8;
	[tilespmem:$0x1E800] =	vst v63  }
0xaa: {  	_ =	swait.ge [sflag:s0], $0x2000  }
0xab: {  	[sflag:s0] =	ssyncset.done $0x0  }
.Ltmp1:
0xac: {  	s18 =	sadd.s32 $0x154C0, s17;
	[sflag:s0] =	ssyncadd.s32 $0xFFFFE000;
	(pc) =	sbr.rel @p1 .LBB2_4-.Ltmp1, $4  }
0xad: {  	[spmem:s1] =	stream.indirect.scatter.add.f32 [tilespmem:s11], [sflag:$0x5], $0x80, s18, s3, $0xb8;
	[tilespmem:$0x1E800] =	vst v63  }
0xae: {  	_ =	swait.ge [sflag:s26], $0x2000  }
0xaf: {  	[sflag:s26] =	ssyncset.done $0x0  }
0xb0: {  	s17 =	sadd.s32 $0x141C0, s17;
	[sflag:s26] =	ssyncadd.s32 $0xFFFFE000  }
0xb1: {  	[tilespmem:s11], [sflag:$0x4] =	stream.indirect.gather [hbm4b:s4+s3], $0x80, s17, s3, $0xb8;
	[tilespmem:$0x1E800] =	vst v63  }
0xb2: {  	_ =	swait.ge [sflag:s29], $0x2000  }
0xb3: {  	[sflag:s29] =	ssyncset.done $0x0  }
0xb4: {  	[sflag:s29] =	ssyncadd.s32 $0xFFFFE000  }
0xb5: {  	[spmem:s1] =	stream.indirect.scatter.add.f32 [tilespmem:s22], [sflag:$0x5], $0x80, s12, s3, $0xb8;
	[tilespmem:$0x1E800] =	vst v63  }
0xb6: {  	_ =	swait.ge [sflag:s26], $0x2000  }
0xb7: {  	[sflag:s26] =	ssyncset.done $0x0  }
0xb8: {  	[sflag:s26] =	ssyncadd.s32 $0xFFFFE000  }
0xb9: {  	_ =	swait.ge [sflag:s30], $0x2000  }
0xba: {  	[sflag:s30] =	ssyncset.done $0x0  }
0xbb: {  	[sflag:s30] =	ssyncadd.s32 $0xFFFFE000  }
0xbc: {  	[spmem:s1] =	stream.indirect.scatter.add.f32 [tilespmem:s7], [sflag:$0x5], $0x80, s13, s3, $0xb8;
	[tilespmem:$0x1E800] =	vst v63  }
0xbd: {  	_ =	swait.ge [sflag:s26], $0x2000  }
0xbe: {  	[sflag:s26] =	ssyncset.done $0x0  }
0xbf: {  	[sflag:s26] =	ssyncadd.s32 $0xFFFFE000  }
0xc0: {  	_ =	swait.ge [sflag:s31], $0x2000  }
0xc1: {  	[sflag:s31] =	ssyncset.done $0x0  }
0xc2: {  	[sflag:s31] =	ssyncadd.s32 $0xFFFFE000  }
0xc3: {  	[spmem:s1] =	stream.indirect.scatter.add.f32 [tilespmem:s9], [sflag:$0x5], $0x80, s14, s3, $0xb8;
	[tilespmem:$0x1E800] =	vst v63  }
0xc4: {  	_ =	swait.ge [sflag:s26], $0x2000  }
0xc5: {  	[sflag:s26] =	ssyncset.done $0x0  }
0xc6: {  	[sflag:s26] =	ssyncadd.s32 $0xFFFFE000  }
0xc7: {  	_ =	swait.ge [sflag:s0], $0x2000  }
0xc8: {  	[sflag:s0] =	ssyncset.done $0x0  }
0xc9: {  	[sflag:s0] =	ssyncadd.s32 $0xFFFFE000  }
0xca: {  	[spmem:s1] =	stream.indirect.scatter.add.f32 [tilespmem:s11], [sflag:$0x5], $0x80, s15, s3, $0xb8;
	[tilespmem:$0x1E800] =	vst v63  }
0xcb: {  	_ =	swait.ge [sflag:s26], $0x2000  }
0xcc: {  	[sflag:s26] =	ssyncset.done $0x0  }
0xcd: {  	s16 =	simm.s32 $0x0;
	s18 =	rddreg [dreg:$0xf];
	[sflag:s26] =	ssyncadd.s32 $0xFFFFE000  }
0xce: {  	[tilespmem:s23], [sflag:$0x5] =	stream.linear.gather [hbm4b:s18+s16], $0x1400, $0x38;
	[tilespmem:$0x1E800] =	vst v63  }
0xcf: {  	_ =	swait.ge [sflag:s26], $0x1400  }
0xd0: {  	[sflag:s26] =	ssyncset.done $0x0  }
0xd1: {  	s18 =	rddreg [dreg:$0x10];
	[sflag:s26] =	ssyncadd.s32 $0xFFFFEC00  }
0xd2: {  	[tilespmem:s28], [sflag:$0x5] =	stream.linear.gather [hbm4b:s18+s16], $0x1400, $0x38;
	[tilespmem:$0x1E800] =	vst v63  }
0xd3: {  	_ =	swait.ge [sflag:s26], $0x1400  }
0xd4: {  	[sflag:s26] =	ssyncset.done $0x0  }
0xd5: {  	[sflag:s26] =	ssyncadd.s32 $0xFFFFEC00  }
0xd6: {  	[tilespmem:s22], [sflag:$0x1] =	stream.indirect.gather [hbm4b:s4+s3], $0x80, s23, s3, $0xb8;
	[tilespmem:$0x1E800] =	vst v63  }
0xd7: {  	_ = 	snop  }
0xd8: {  	[tilespmem:s7], [sflag:$0x2] =	stream.indirect.gather [hbm4b:s4+s3], $0x80, s6, s3, $0xb8;
	[tilespmem:$0x1E800] =	vst v63  }
0xd9: {  	_ = 	snop  }
0xda: {  	[tilespmem:s9], [sflag:$0x3] =	stream.indirect.gather [hbm4b:s4+s3], $0x80, s8, s3, $0xb8;
	[tilespmem:$0x1E800] =	vst v63  }
0xdb: {  	_ = 	snop  }
0xdc: {  	[tilespmem:s11], [sflag:$0x4] =	stream.indirect.gather [hbm4b:s4+s3], $0x80, s10, s3, $0xb8;
	[tilespmem:$0x1E800] =	vst v63  }
0xdd: {  	_ =	swait.ge [sflag:s29], $0x2000  }
0xde: {  	[sflag:s29] =	ssyncset.done $0x0  }
0xdf: {  	s18 =	simm.s32 $0x15400;
	[sflag:s29] =	ssyncadd.s32 $0xFFFFE000  }
0xe0: {  	[spmem:s1] =	stream.indirect.scatter.add.f32 [tilespmem:s22], [sflag:$0x5], $0x80, s18, s3, $0xb8;
	[tilespmem:$0x1E800] =	vst v63  }
0xe1: {  	_ =	swait.ge [sflag:s26], $0x2000  }
0xe2: {  	[sflag:s26] =	ssyncset.done $0x0  }
0xe3: {  	s17 =	simm.s32 $0x14100;
	[sflag:s26] =	ssyncadd.s32 $0xFFFFE000  }
0xe4: {  	[tilespmem:s22], [sflag:$0x1] =	stream.indirect.gather [hbm4b:s4+s3], $0x80, s17, s3, $0xb8;
	[tilespmem:$0x1E800] =	vst v63  }
0xe5: {  	_ =	swait.ge [sflag:s30], $0x2000  }
0xe6: {  	[sflag:s30] =	ssyncset.done $0x0  }
0xe7: {  	s18 =	simm.s32 $0x15440;
	[sflag:s30] =	ssyncadd.s32 $0xFFFFE000  }
0xe8: {  	[spmem:s1] =	stream.indirect.scatter.add.f32 [tilespmem:s7], [sflag:$0x5], $0x80, s18, s3, $0xb8;
	[tilespmem:$0x1E800] =	vst v63  }
0xe9: {  	_ =	swait.ge [sflag:s26], $0x2000  }
0xea: {  	[sflag:s26] =	ssyncset.done $0x0  }
0xeb: {  	s17 =	simm.s32 $0x14140;
	[sflag:s26] =	ssyncadd.s32 $0xFFFFE000  }
0xec: {  	[tilespmem:s7], [sflag:$0x2] =	stream.indirect.gather [hbm4b:s4+s3], $0x80, s17, s3, $0xb8;
	[tilespmem:$0x1E800] =	vst v63  }
0xed: {  	_ =	swait.ge [sflag:s31], $0x2000  }
0xee: {  	[sflag:s31] =	ssyncset.done $0x0  }
0xef: {  	s18 =	simm.s32 $0x15480;
	[sflag:s31] =	ssyncadd.s32 $0xFFFFE000  }
0xf0: {  	[spmem:s1] =	stream.indirect.scatter.add.f32 [tilespmem:s9], [sflag:$0x5], $0x80, s18, s3, $0xb8;
	[tilespmem:$0x1E800] =	vst v63  }
0xf1: {  	_ =	swait.ge [sflag:s26], $0x2000  }
0xf2: {  	[sflag:s26] =	ssyncset.done $0x0  }
0xf3: {  	s17 =	simm.s32 $0x14180;
	[sflag:s26] =	ssyncadd.s32 $0xFFFFE000  }
0xf4: {  	[tilespmem:s9], [sflag:$0x3] =	stream.indirect.gather [hbm4b:s4+s3], $0x80, s17, s3, $0xb8;
	[tilespmem:$0x1E800] =	vst v63  }
0xf5: {  	_ =	swait.ge [sflag:s0], $0x2000  }
0xf6: {  	[sflag:s0] =	ssyncset.done $0x0  }
0xf7: {  	s18 =	simm.s32 $0x154C0;
	[sflag:s0] =	ssyncadd.s32 $0xFFFFE000  }
0xf8: {  	[spmem:s1] =	stream.indirect.scatter.add.f32 [tilespmem:s11], [sflag:$0x5], $0x80, s18, s3, $0xb8;
	[tilespmem:$0x1E800] =	vst v63  }
0xf9: {  	_ =	swait.ge [sflag:s26], $0x2000  }
0xfa: {  	[sflag:s26] =	ssyncset.done $0x0  }
0xfb: {  	s16 =	simm.s32 $0x400;
	s17 =	simm.s32 $0x141C0;
	[sflag:s26] =	ssyncadd.s32 $0xFFFFE000  }
.LBB2_6:
0xfc: {  	[tilespmem:s11], [sflag:$0x4] =	stream.indirect.gather [hbm4b:s4+s3], $0x80, s17, s3, $0xb8;
	[tilespmem:$0x1E800] =	vst v63  }
0xfd: {  	s17 =	smov.u32 s16  }
0xfe: {  	p1 =	sne.s32 s16, $0x4800;
	s16 =	sadd.s32 $0x400, s16;
	_ =	swait.ge [sflag:s29], $0x2000  }
0xff: {  	s17 =	sshra.s32 s17, $0x2;
	[sflag:s29] =	ssyncset.done $0x0  }
0x100: {  	s18 =	sadd.s32 $0x15400, s17;
	[sflag:s29] =	ssyncadd.s32 $0xFFFFE000  }
0x101: {  	[spmem:s1] =	stream.indirect.scatter.add.f32 [tilespmem:s22], [sflag:$0x5], $0x80, s18, s3, $0xb8;
	[tilespmem:$0x1E800] =	vst v63  }
0x102: {  	_ =	swait.ge [sflag:s26], $0x2000  }
0x103: {  	[sflag:s26] =	ssyncset.done $0x0  }
0x104: {  	s18 =	sadd.s32 $0x14100, s17;
	[sflag:s26] =	ssyncadd.s32 $0xFFFFE000  }
0x105: {  	[tilespmem:s22], [sflag:$0x1] =	stream.indirect.gather [hbm4b:s4+s3], $0x80, s18, s3, $0xb8;
	[tilespmem:$0x1E800] =	vst v63  }
0x106: {  	_ =	swait.ge [sflag:s30], $0x2000  }
0x107: {  	[sflag:s30] =	ssyncset.done $0x0  }
0x108: {  	s18 =	sadd.s32 $0x15440, s17;
	[sflag:s30] =	ssyncadd.s32 $0xFFFFE000  }
0x109: {  	[spmem:s1] =	stream.indirect.scatter.add.f32 [tilespmem:s7], [sflag:$0x5], $0x80, s18, s3, $0xb8;
	[tilespmem:$0x1E800] =	vst v63  }
0x10a: {  	_ =	swait.ge [sflag:s26], $0x2000  }
0x10b: {  	[sflag:s26] =	ssyncset.done $0x0  }
0x10c: {  	s18 =	sadd.s32 $0x14140, s17;
	[sflag:s26] =	ssyncadd.s32 $0xFFFFE000  }
0x10d: {  	[tilespmem:s7], [sflag:$0x2] =	stream.indirect.gather [hbm4b:s4+s3], $0x80, s18, s3, $0xb8;
	[tilespmem:$0x1E800] =	vst v63  }
0x10e: {  	_ =	swait.ge [sflag:s31], $0x2000  }
0x10f: {  	[sflag:s31] =	ssyncset.done $0x0  }
0x110: {  	s18 =	sadd.s32 $0x15480, s17;
	[sflag:s31] =	ssyncadd.s32 $0xFFFFE000  }
0x111: {  	[spmem:s1] =	stream.indirect.scatter.add.f32 [tilespmem:s9], [sflag:$0x5], $0x80, s18, s3, $0xb8;
	[tilespmem:$0x1E800] =	vst v63  }
0x112: {  	_ =	swait.ge [sflag:s26], $0x2000  }
0x113: {  	[sflag:s26] =	ssyncset.done $0x0  }
0x114: {  	s18 =	sadd.s32 $0x14180, s17;
	[sflag:s26] =	ssyncadd.s32 $0xFFFFE000  }
0x115: {  	[tilespmem:s9], [sflag:$0x3] =	stream.indirect.gather [hbm4b:s4+s3], $0x80, s18, s3, $0xb8;
	[tilespmem:$0x1E800] =	vst v63  }
0x116: {  	_ =	swait.ge [sflag:s0], $0x2000  }
0x117: {  	[sflag:s0] =	ssyncset.done $0x0  }
.Ltmp2:
0x118: {  	s18 =	sadd.s32 $0x154C0, s17;
	[sflag:s0] =	ssyncadd.s32 $0xFFFFE000;
	(pc) =	sbr.rel @p1 .LBB2_6-.Ltmp2, $4  }
0x119: {  	[spmem:s1] =	stream.indirect.scatter.add.f32 [tilespmem:s11], [sflag:$0x5], $0x80, s18, s3, $0xb8;
	[tilespmem:$0x1E800] =	vst v63  }
0x11a: {  	_ =	swait.ge [sflag:s26], $0x2000  }
0x11b: {  	[sflag:s26] =	ssyncset.done $0x0  }
0x11c: {  	s17 =	sadd.s32 $0x141C0, s17;
	[sflag:s26] =	ssyncadd.s32 $0xFFFFE000  }
0x11d: {  	[tilespmem:s11], [sflag:$0x4] =	stream.indirect.gather [hbm4b:s4+s3], $0x80, s17, s3, $0xb8;
	[tilespmem:$0x1E800] =	vst v63  }
0x11e: {  	_ =	swait.ge [sflag:s29], $0x2000  }
0x11f: {  	[sflag:s29] =	ssyncset.done $0x0  }
0x120: {  	[sflag:s29] =	ssyncadd.s32 $0xFFFFE000  }
0x121: {  	[spmem:s1] =	stream.indirect.scatter.add.f32 [tilespmem:s22], [sflag:$0x5], $0x80, s12, s3, $0xb8;
	[tilespmem:$0x1E800] =	vst v63  }
0x122: {  	_ =	swait.ge [sflag:s26], $0x2000  }
0x123: {  	[sflag:s26] =	ssyncset.done $0x0  }
0x124: {  	[sflag:s26] =	ssyncadd.s32 $0xFFFFE000  }
0x125: {  	_ =	swait.ge [sflag:s30], $0x2000  }
0x126: {  	[sflag:s30] =	ssyncset.done $0x0  }
0x127: {  	[sflag:s30] =	ssyncadd.s32 $0xFFFFE000  }
0x128: {  	[spmem:s1] =	stream.indirect.scatter.add.f32 [tilespmem:s7], [sflag:$0x5], $0x80, s13, s3, $0xb8;
	[tilespmem:$0x1E800] =	vst v63  }
0x129: {  	_ =	swait.ge [sflag:s26], $0x2000  }
0x12a: {  	[sflag:s26] =	ssyncset.done $0x0  }
0x12b: {  	[sflag:s26] =	ssyncadd.s32 $0xFFFFE000  }
0x12c: {  	_ =	swait.ge [sflag:s31], $0x2000  }
0x12d: {  	[sflag:s31] =	ssyncset.done $0x0  }
0x12e: {  	[sflag:s31] =	ssyncadd.s32 $0xFFFFE000  }
0x12f: {  	[spmem:s1] =	stream.indirect.scatter.add.f32 [tilespmem:s9], [sflag:$0x5], $0x80, s14, s3, $0xb8;
	[tilespmem:$0x1E800] =	vst v63  }
0x130: {  	_ =	swait.ge [sflag:s26], $0x2000  }
0x131: {  	[sflag:s26] =	ssyncset.done $0x0  }
0x132: {  	[sflag:s26] =	ssyncadd.s32 $0xFFFFE000  }
0x133: {  	_ =	swait.ge [sflag:s0], $0x2000  }
0x134: {  	[sflag:s0] =	ssyncset.done $0x0  }
0x135: {  	[sflag:s0] =	ssyncadd.s32 $0xFFFFE000  }
0x136: {  	[spmem:s1] =	stream.indirect.scatter.add.f32 [tilespmem:s11], [sflag:$0x5], $0x80, s15, s3, $0xb8;
	[tilespmem:$0x1E800] =	vst v63  }
0x137: {  	_ =	swait.ge [sflag:s26], $0x2000  }
0x138: {  	s16 =	stileid.u32;
	[sflag:s26] =	ssyncset.done $0x0  }
0x139: {  	s16 =	sshll.u32 s16, $0x6;
	[sflag:s26] =	ssyncadd.s32 $0xFFFFE000  }
0x13a: {  	s16 =	sor.u32 $0x1C05, s16;
	[bflag:$0x0] =	sbarrier.arrive $0xFFFF  }
0x13b: {  	[hbm:s19], [sflag:s16] =	dma.local [spmem:s24], $0x2700  }
0x13c: {  	_ =	swait.ge [sflag:s26], $0x2700  }
0x13d: {  	s2 =	sadd.s32 $0x1, s2;
	[sflag:s26] =	ssyncset.done $0x0  }
0x13e: {  	p1 =	sne.s32 s2, s21;
	[sflag:s26] =	ssyncadd.s32 $0xFFFFD900  }
0x13f: {  	[hbm:s20], [sflag:s16] =	dma.local @!p0 [spmem:s25], $0x100  }
.Ltmp3:
0x140: {  	_ = 	snop;
	(pc) =	sbr.rel @p1 .LBB2_1-.Ltmp3, $4  }
0x141: {  	s16 =	simm.s32 @!p0 $0x5  }
0x142: {  	_ =	swait.ge @!p0 [sflag:s16], $0x100  }
0x143: {  	[sflag:s16] =	ssyncset.done @!p0 $0x0  }
0x144: {  	[sflag:s16] =	ssyncadd.s32 @!p0 $0xFFFFFF00  }
0x145: {  	_ =	sfence.sel $0x180000  }
0x146: {  	[bflag:$0x0] =	sbarrier.arrive $0xFFFF  }
0x147: {  	_ =	strace $0x9000004A  }
0x148: {  	[bflag:$0x2] =	sbarrier.arrive $0xFFFF  }
0x149: {  	s0 =	rddreg [dreg:$0x3]  }
0x14a: {  	s0 =	sadd.s32 @!p0 $0x100000, s0  }
0x14b: {  	[sflag:s0] =	ssyncadd.tile.s32 @!p0 $0x1;
	_ =	shalt  }
.Lfunc_end2:
_tile_overlayer_lowered:
.L_overlay_start_2:
0x14c: {  	(tag) =	ssettag $0x2  }
0x14d: {  	s0 =	rddreg [dreg:$0x0];
	s2 =	stileid.u32  }
0x14e: {  	s1 =	rddreg [dreg:$0x1];
	p0 =	sne.s32 s2, $0x0  }
0x14f: {  	s3 =	rddreg [dreg:$0x2];
	[bflag:$0x3] =	sbarrier.arrive $0xFFFF;
	s2 =	simm.s32 @!p0 $0x1C05  }
0x150: {  	[timem:s3], [sflag:s2] =	dma.local @!p0 [hbm:s0], s1  }
0x151: {  	s0 =	simm.s32 @!p0 $0x5  }
0x152: {  	_ =	swait.ge @!p0 [sflag:s0], s1  }
0x153: {  	s1 =	ssub.s32 @!p0 $0x0, s1;
	[sflag:s0] =	ssyncset.done @!p0 $0x0  }
0x154: {  	[sflag:s0] =	ssyncadd.s32 @!p0 s1  }
0x155: {  	[bflag:$0x3] =	sbarrier.arrive $0xFFFF  }
0x156: {  	_ =	shalt  }

// kernel: kernel.15.cloned.1.call-start
scs
__scs_entry_jumppad:
0x0: {  	(pc) =	sbr.rel $0x88, $3  }
0x1: {  	(tag) =	ssettag $0x0;
	lr =	simm.s32 $0x1  }
0x2: {  	[smem:$0x3F99] =	sst lr;
	_ =	strace $0xD0000000  }
0x3: {  	_ = 	snop  }
0x4: {  	_ = 	snop  }
0x5: {  	_ = 	snop  }
0x6: {  	_ = 	snop  }
0x7: {  	_ = 	snop  }
__scs_overlays_trampoline_lowered:
0x8: {  	[smem:$0x3FA8] =	sst s0  }
0x9: {  	[smem:$0x3FA9] =	sst s1  }
0xa: {  	[smem:$0x3FAA] =	sst s2  }
0xb: {  	[smem:$0x3FAB] =	sst s3  }
0xc: {  	[smem:$0x3FAC] =	sst s4  }
0xd: {  	[smem:$0x3FAD] =	sst s5  }
0xe: {  	[smem:$0x3FAE] =	sst s6  }
0xf: {  	[smem:$0x3FAF] =	sst s7  }
0x10: {  	[smem:$0x3FB0] =	sst s8  }
0x11: {  	[smem:$0x3FB1] =	sst s9;
	s0 =	simm.s32 @!p0 $0x0  }
0x12: {  	s1 =	sld [smem:$0x3F97];
	s0 =	simm.s32 @p0 $0x1  }
0x13: {  	[smem:$0x3FB2] =	sst s0;
	s0 =	simm.s32 @!p1 $0x0  }
0x14: {  	s2 =	sld [smem:$0x3F96];
	s0 =	simm.s32 @p1 $0x1  }
0x15: {  	[smem:$0x3FB3] =	sst s0;
	s0 =	simm.s32 @!p2 $0x0  }
0x16: {  	s3 =	sld [smem:$0x3FDB];
	s0 =	simm.s32 @p2 $0x1  }
0x17: {  	s4 =	simm.s32 $0x1BF5;
	[smem:$0x3FB5] =	sst s0  }
0x18: {  	s0 =	sld [smem:$0x3F98];
	_ =	swait.ge [sflag:s4], $0x0  }
0x19: {  	s7 =	sld [smem:$0x3F99]  }
0x1a: {  	s8 =	sadd.s32 $0xFFFFE003, lr  }
0x1b: {  	s9 =	sadd.s32 $0xFFFFFEF7, lr;
	s5 =	simm.s32 $0xFFFFFFFF;
	p2 =	slt.u32 s8, $0xFFFFF086  }
0x1c: {  	p1 =	slt.u32 s9, $0xF7A;
	s5 =	simm.s32 @!p2 $0x0  }
0x1d: {  	s5 =	simm.s32 @p1 $0x1;
	p0 =	seq.s32 s7, s2  }
0x1e: {  	s7 =	smul.u32 @!p0 $0xF7A, s2;
	p2 =	seq.s32 @!p0 s5, $0x0  }
0x1f: {  	s9 =	smul.u32 $0xF7A, s1;
	s8 =	simm.s32 @!p0 $0x1BF5;
	p2 =	por !p2, p0  }
0x20: {  	[sflag:s8] =	ssyncset.s32 @!p0 $0xFFFFF086;
	s6 =	sadd.s32 @!p0 s3, s7;
	s7 =	simm.s32 @!p0 $0x108  }
0x21: {  	s3 =	sadd.s32 s3, s9;
	s6 =	sadd.s32 @!p0 $0x88, s6;
	s7 =	simm.s32 @p2 $0x1082  }
0x22: {  	[simem:s7], [sflag:s8] =	dma.local @!p0 [hbm:s6], $0xF7A  }
0x23: {  	s9 =	sor.u32 $0xD0000000, s2;
	s6 =	simm.s32 $0x108;
	_ =	swait.ge @!p0 [sflag:s8], $0x0  }
0x24: {  	s3 =	sadd.s32 $0x88, s3;
	s6 =	simm.s32 @!p1 $0x1082;
	[sflag:s4] =	ssyncset.s32 $0xFFFFF086  }
0x25: {  	[simem:s6], [sflag:s4] =	dma.local [hbm:s3], $0xF7A  }
0x26: {  	[smem:$0x3F99] =	sst s1;
	(tag) =	ssettag s2;
	_ =	strace s9  }
0x27: {  	s1 =	sld [smem:$0x3FA9]  }
0x28: {  	s2 =	sld [smem:$0x3FAA]  }
0x29: {  	s4 =	sld [smem:$0x3FAC]  }
0x2a: {  	p0 =	seq.s32 s5, $0x0;
	s5 =	sld [smem:$0x3FAD]  }
0x2b: {  	s6 =	sld [smem:$0x3FAE]  }
0x2c: {  	s7 =	sld [smem:$0x3FAF]  }
0x2d: {  	s3 =	simm.s32 $0x108;
	s8 =	sld [smem:$0x3FB0]  }
0x2e: {  	s3 =	simm.s32 @!p0 $0x1082;
	s9 =	sld [smem:$0x3FB1]  }
0x2f: {  	lr =	sadd.s32 s0, s3;
	s0 =	sld [smem:$0x3FA8]  }
0x30: {  	s3 =	sld [smem:$0x3FAB]  }
0x31: {  	[smem:$0x3FB4] =	sst s10  }
0x32: {  	s10 =	sld [smem:$0x3FB2];
	_ =	sdelay $0x3  }
0x33: {  	p0 =	seq.s32 s10, $0x1;
	s10 =	sld [smem:$0x3FB4];
	_ =	sdelay $0x3  }
0x34: {  	[smem:$0x3FB4] =	sst s10  }
0x35: {  	s10 =	sld [smem:$0x3FB3];
	_ =	sdelay $0x3  }
0x36: {  	p1 =	seq.s32 s10, $0x1;
	s10 =	sld [smem:$0x3FB4];
	_ =	sdelay $0x3  }
0x37: {  	[smem:$0x3FB4] =	sst s10  }
0x38: {  	s10 =	sld [smem:$0x3FB5]  }
0x39: {  	_ = 	snop;
	(pc) =	sbr.ind lr, $3  }
0x3a: {  	_ = 	snop  }
0x3b: {  	_ = 	snop  }
0x3c: {  	p2 =	seq.s32 s10, $0x1;
	s10 =	sld [smem:$0x3FB4]  }
0x3d: {  	_ =	shalt  }
0x3e: {  	_ =	shalt  }
0x3f: {  	_ =	shalt  }
0x40: {  	_ =	shalt  }
0x41: {  	_ =	shalt  }
0x42: {  	_ =	shalt  }
0x43: {  	_ =	shalt  }
0x44: {  	_ =	shalt  }
0x45: {  	_ =	shalt  }
0x46: {  	_ =	shalt  }
0x47: {  	_ =	shalt  }
0x48: {  	_ =	shalt  }
0x49: {  	_ =	shalt  }
0x4a: {  	_ =	shalt  }
0x4b: {  	_ =	shalt  }
0x4c: {  	_ =	shalt  }
0x4d: {  	_ =	shalt  }
0x4e: {  	_ =	shalt  }
0x4f: {  	_ =	shalt  }
0x50: {  	_ =	shalt  }
0x51: {  	_ =	shalt  }
0x52: {  	_ =	shalt  }
0x53: {  	_ =	shalt  }
0x54: {  	_ =	shalt  }
0x55: {  	_ =	shalt  }
0x56: {  	_ =	shalt  }
0x57: {  	_ =	shalt  }
0x58: {  	_ =	shalt  }
0x59: {  	_ =	shalt  }
0x5a: {  	_ =	shalt  }
0x5b: {  	_ =	shalt  }
0x5c: {  	_ =	shalt  }
0x5d: {  	_ =	shalt  }
0x5e: {  	_ =	shalt  }
0x5f: {  	_ =	shalt  }
0x60: {  	_ =	shalt  }
0x61: {  	_ =	shalt  }
0x62: {  	_ =	shalt  }
0x63: {  	_ =	shalt  }
0x64: {  	_ =	shalt  }
0x65: {  	_ =	shalt  }
0x66: {  	_ =	shalt  }
0x67: {  	_ =	shalt  }
0x68: {  	_ =	shalt  }
0x69: {  	_ =	shalt  }
0x6a: {  	_ =	shalt  }
0x6b: {  	_ =	shalt  }
0x6c: {  	_ =	shalt  }
0x6d: {  	_ =	shalt  }
0x6e: {  	_ =	shalt  }
0x6f: {  	_ =	shalt  }
0x70: {  	_ =	shalt  }
0x71: {  	_ =	shalt  }
0x72: {  	_ =	shalt  }
0x73: {  	_ =	shalt  }
0x74: {  	_ =	shalt  }
0x75: {  	_ =	shalt  }
0x76: {  	_ =	shalt  }
0x77: {  	_ =	shalt  }
0x78: {  	_ =	shalt  }
0x79: {  	_ =	shalt  }
0x7a: {  	_ =	shalt  }
0x7b: {  	_ =	shalt  }
0x7c: {  	_ =	shalt  }
0x7d: {  	_ =	shalt  }
0x7e: {  	_ =	shalt  }
0x7f: {  	_ =	shalt  }
0x80: {  	_ =	shalt  }
0x81: {  	_ =	shalt  }
0x82: {  	_ =	shalt  }
0x83: {  	_ =	shalt  }
0x84: {  	_ =	shalt  }
0x85: {  	_ =	shalt  }
0x86: {  	_ =	shalt  }
0x87: {  	_ =	shalt  }
.Lfunc_end0:
.L_simem_size_0:
called_computation.2_lowered:
.L_overlay_start_0:
0x88: {  	s2 =	sld [smem:$0x3FD9]  }
0x89: {  	s3 =	sld [smem:$0x3FFE];
	_ =	sdelay $0x1  }
0x8a: {  	s1 =	srdreg.scid  }
0x8b: {  	s0 =	sand.u32 $0x1, s1  }
0x8c: {  	s17 =	sshll.u32 s0, $0xA;
	s2 =	sadd.s32 s3, s2  }
0x8d: {  	s2 =	sadd.s32 s2, s17  }
0x8e: {  	[smem:$0x3FC0] =	sst s2  }
0x8f: {  	_ = 	snop  }
0x90: {  	s2 =	sld [smem:$0x3FD0];
	(tm) =	ssettm $0x1  }
0x91: {  	s18 =	sld [smem:$0x3FFB];
	_ =	sdelay $0x3  }
0x92: {  	_ =	strace s18  }
0x93: {  	s3 =	sld [smem:$0x3FFC];
	_ =	sdelay $0x3  }
0x94: {  	_ =	strace s3  }
0x95: {  	s3 =	sld [smem:$0x3FFD];
	_ =	sdelay $0x3  }
0x96: {  	_ =	strace s3  }
0x97: {  	_ =	strace $0x8FFFFFFF  }
0x98: {  	s19 =	sld [smem:$0x3FDB];
	_ =	sdelay $0x1  }
0x99: {  	s4 =	simm.s32 $_scs_section_size  }
0x9a: {  	s5 =	simm.s32 $_size__tile_overlayer_lowered;
	s6 =	simm.s32 $_tile_overlayer_lowered  }
0x9b: {  	s22 =	simm.s32 $0x1BFF;
	s21 =	sshll.u32 s6, $0x1;
	s3 =	sadd.s32 s4, s19  }
0x9c: {  	s7 =	simm.s32 $0x0;
	s20 =	sshll.u32 s5, $0x1;
	s5 =	sadd.s32 s21, s3  }
0x9d: {  	[timem:s7], [sflag:s22] =	dma.local [hbm:s5], s20  }
0x9e: {  	_ =	swait.ge [sflag:s22], s20  }
0x9f: {  	s4 =	ssub.s32 $0x0, s20;
	[sflag:s22] =	ssyncset.done $0x0  }
0xa0: {  	[sflag:s22] =	ssyncadd.s32 s4;
	_ =	sdelay $0x1  }
0xa1: {  	s23 =	simm.s32 $0x1B8B  }
0xa2: {  	_ =	swait.ge [sflag:s23], $0x1  }
0xa3: {  	[sflag:s23] =	ssyncset.done $0x0  }
0xa4: {  	s25 =	simm.s32 $0x1B8E;
	s24 =	sld [smem:$0x3FFE];
	[sflag:s23] =	ssyncadd.s32 $0xFFFFFFFF  }
0xa5: {  	s26 =	simm.s32 $execute0_lowered;
	[smem:$0x3FD2] =	sst s25  }
0xa6: {  	s5 =	sshll.u32 s26, $0x1;
	_ =	strace $0x8000004C;
	[dreg:$0x1] =	wrdreg $0xFFFFFFFF  }
0xa7: {  	s28 =	simm.s32 $_size_execute0_lowered;
	s3 =	sadd.s32 s3, s5;
	[dreg:$0x0] =	wrdreg $0x0  }
0xa8: {  	s5 =	sshll.u32 s28, $0x1;
	[dreg:$0x2] =	wrdreg s3  }
0xa9: {  	[dreg:$0x3] =	wrdreg s5  }
0xaa: {  	[dreg:$0x4] =	wrdreg $0xC0  }
0xab: {  	_ =	task [dreg:s7], $0x5FFFF  }
0xac: {  	[dreg:$0x1] =	wrdreg $0xFFFFFFFF  }
0xad: {  	[dreg:$0x0] =	wrdreg $0x60  }
0xae: {  	[dreg:$0x2] =	wrdreg s2  }
0xaf: {  	[dreg:$0x3] =	wrdreg s24  }
0xb0: {  	[dreg:$0x4] =	wrdreg $0x0  }
0xb1: {  	[dreg:$0x5] =	wrdreg $0x9  }
0xb2: {  	_ =	task.clear_ibuf [dreg:s7], $0x6FFFF;
	_ =	strace $0x9000004C  }
0xb3: {  	s29 =	simm.s32 $0x9;
	_ =	strace $0x8000004E  }
0xb4: {  	_ =	swait.ge [sflag:s29], $0x1  }
0xb5: {  	[sflag:s29] =	ssyncadd.s32 $0xFFFFFFFF  }
0xb6: {  	_ =	strace $0x9000004E  }
0xb7: {  	_ =	sfence  }
0xb8: {  	s30 =	sld [smem:$0x0];
	_ =	sdelay $0x2  }
0xb9: {  	s31 =	sshll.u32 s1, $0xD;
	s1 =	sshrl.u32 s1, $0x2  }
0xba: {  	s3 =	sand.u32 $0x4000, s31;
	s1 =	sadd.s32 s1, s30  }
0xbb: {  	s0 =	sor.u32 s3, s0;
	s1 =	sshll.u32 s1, $0x11  }
0xbc: {  	s0 =	sor.u32 s1, s0  }
0xbd: {  	s0 =	sadd.s32 $0x8F2B, s0  }
0xbe: {  	[sflag:s0] =	ssyncadd.remote.s32 $0x1  }
0xbf: {  	_ =	sfence.sel $0xFFFF  }
0xc0: {  	[dreg:$0x0] =	wrdreg $0xFFFFFFFF;
	(pc) =	sbr.abs _section_cstart, $3  }
0xc1: {  	[dreg:$0x1] =	wrdreg $0xFFFFFFFF  }
0xc2: {  	_ =	task.clear_ibuf [dreg:s7], $0x2FFFF;
	_ =	strace $0x9FFFFFFF  }
0xc3: {  	(tm) =	ssettm $0x7FFFFFFF  }
tec
execute0_lowered:
.L_overlay_start_1:
0x0: {  	(tag) =	ssettag $0x1  }
0x1: {  	s0 =	srdreg.scid  }
0x2: {  	s18 =	stileid.u32;
	s5 =	rddreg [dreg:$0x1]  }
0x3: {  	s3 =	rddreg [dreg:$0x2];
	s4 =	simm.s32 $0x0;
	s16 =	simm.s32 $0xA000  }
0x4: {  	s17 =	simm.s32 $0x5;
	s19 =	simm.s32 $0x1;
	s20 =	simm.s32 $0x2  }
0x5: {  	s21 =	simm.s32 $0x3;
	s22 =	simm.s32 $0x4;
	s23 =	simm.s32 $0x80  }
0x6: {  	s28 =	simm.s32 $0x11000;
	s30 =	simm.s32 $0x13000;
	s29 =	simm.s32 $0xEF80  }
0x7: {  	s1 =	sand.u32 $0x1, s0;
	s0 =	rddreg [dreg:$0x0];
	s6 =	smul.u32 $0x28000, s18  }
0x8: {  	[smem:$0x7FF] =	sst s4;
	s12 =	sadd.s32 $0x2800, s5;
	s13 =	smul.u32 $0x9C00, s18  }
0x9: {  	p0 =	sne.s32 s18, $0x0;
	s2 =	sshll.u32 s1, $0x4;
	_ =	strace $0x8000004D  }
0xa: {  	s7 =	ssub.s32 $0x2, s1;
	s1 =	smul.u32 $0x9C400, s1;
	s2 =	sor.u32 s18, s2  }
0xb: {  	s24 =	sshrl.u32 s6, $0x2;
	s25 =	sshrl.u32 s7, $0x1;
	s31 =	sadd.s32 s13, s3  }
0xc: {  	s2 =	smul.u32 $0x2800, s2;
	s15 =	sadd.s32 s13, s1;
	s1 =	sshrl.u32 s1, $0x3  }
0xd: {  	s14 =	ssub.s32 s7, s25;
	s26 =	sshrl.u32 s15, $0x3;
	s1 =	sadd.s32 s12, s1  }
0xe: {  	s14 =	smax.u32 s14, $0x1;
	s15 =	simm.s32 $0xF000;
	s2 =	sshrl.u32 s2, $0x3  }
0xf: {  	s12 =	sadd.s32 s12, s26;
	s13 =	sadd.s32 $0x13800, s1;
	s1 =	sadd.s32 $0x9C000, s3  }
0x10: {  	s26 =	simm.s32 $0xEF00;
	s2 =	sadd.s32 s2, s5;
	s5 =	sadd.s32 s24, s3  }
0x11: {  	s24 =	sshrl.u32 s31, $0x3;
	s25 =	sshrl.u32 @!p0 s1, $0x3;
	s6 =	sadd.s32 $0x2000, s5  }
0x12: {  	s7 =	sadd.s32 $0x4000, s5;
	s8 =	sadd.s32 $0x6000, s5;
	s9 =	sadd.s32 $0x8000, s5  }
0x13: {  	v0 =	vimm.f32 $0.0e+00;
	s10 =	sadd.s32 $0x81C00, s2;
	s11 =	sadd.s32 $0x8BC00, s2;
	s2 =	simm.s32 $0x15000  }
.LBB2_1:
0x14: {  	s31 =	simm.s32 $0x100;
	s1 =	simm.s32 $0x0  }
.LBB2_2:
0x15: {  	p1 =	sne.s32 s31, $0x7F00;
	[tilespmem:s1+$0xF030] =	vst v0;
	s18 =	smov.u32 s31;
	s31 =	sadd.s32 $0x100, s31  }
.Ltmp0:
0x16: {  	[tilespmem:s1+$0xF020] =	vst v0;
	(pc) =	sbr.rel @p1 .LBB2_2-.Ltmp0, $3  }
0x17: {  	[tilespmem:s1+$0xF000] =	vst v0  }
0x18: {  	[tilespmem:s1+$0xF010] =	vst v0;
	_ =	sdelay $0x1  }
0x19: {  	s1 =	sshra.s32 s18, $0x2  }
0x1a: {  	[tilespmem:s1+$0xF030] =	vst v0  }
0x1b: {  	[tilespmem:s1+$0xF020] =	vst v0  }
0x1c: {  	[tilespmem:s1+$0xF000] =	vst v0  }
0x1d: {  	[tilespmem:s1+$0xF010] =	vst v0  }
0x1e: {  	[spmem:s5] =	stream.linear.scatter [tilespmem:s15], [sflag:$0x1], $0x2000, $0x38;
	[tilespmem:$0x17000] =	vst v63  }
0x1f: {  	_ = 	snop  }
0x20: {  	[spmem:s6] =	stream.linear.scatter [tilespmem:s15], [sflag:$0x2], $0x2000, $0x38;
	[tilespmem:$0x17000] =	vst v63  }
0x21: {  	_ = 	snop  }
0x22: {  	[spmem:s7] =	stream.linear.scatter [tilespmem:s15], [sflag:$0x3], $0x2000, $0x38;
	[tilespmem:$0x17000] =	vst v63  }
0x23: {  	_ = 	snop  }
0x24: {  	[spmem:s8] =	stream.linear.scatter [tilespmem:s15], [sflag:$0x4], $0x2000, $0x38;
	[tilespmem:$0x17000] =	vst v63  }
0x25: {  	_ = 	snop  }
0x26: {  	[spmem:s9] =	stream.linear.scatter [tilespmem:s15], [sflag:$0x1], $0x2000, $0x38;
	[tilespmem:$0x17000] =	vst v63  }
0x27: {  	s1 =	simm.s32 $0x0  }
0x28: {  	[tilespmem:s16], [sflag:$0x5] =	stream.linear.gather [hbm4b:s10+s1], $0x2800, $0x38;
	[tilespmem:$0x17000] =	vst v63  }
0x29: {  	_ =	swait.ge [sflag:s17], $0x2800  }
0x2a: {  	[sflag:s17] =	ssyncset.done $0x0  }
0x2b: {  	s18 =	simm.s32 $0xC800;
	[sflag:s17] =	ssyncadd.s32 $0xFFFFD800  }
0x2c: {  	[tilespmem:s18], [sflag:$0x5] =	stream.linear.gather [hbm4b:s11+s1], $0x2800, $0x38;
	[tilespmem:$0x17000] =	vst v63  }
0x2d: {  	_ =	swait.ge [sflag:s17], $0x2800  }
0x2e: {  	[sflag:s17] =	ssyncset.done $0x0  }
0x2f: {  	[sflag:s17] =	ssyncadd.s32 $0xFFFFD800  }
0x30: {  	_ =	swait.ge [sflag:s19], $0x2000  }
0x31: {  	[sflag:s19] =	ssyncset.done $0x0  }
0x32: {  	[sflag:s19] =	ssyncadd.s32 $0xFFFFE000  }
0x33: {  	_ =	swait.ge [sflag:s20], $0x2000  }
0x34: {  	[sflag:s20] =	ssyncset.done $0x0  }
0x35: {  	[sflag:s20] =	ssyncadd.s32 $0xFFFFE000  }
0x36: {  	_ =	swait.ge [sflag:s21], $0x2000  }
0x37: {  	[sflag:s21] =	ssyncset.done $0x0  }
0x38: {  	[sflag:s21] =	ssyncadd.s32 $0xFFFFE000  }
0x39: {  	_ =	swait.ge [sflag:s22], $0x2000  }
0x3a: {  	[sflag:s22] =	ssyncset.done $0x0  }
0x3b: {  	[sflag:s22] =	ssyncadd.s32 $0xFFFFE000  }
0x3c: {  	_ =	swait.ge [sflag:s19], $0x2000  }
0x3d: {  	[sflag:s19] =	ssyncset.done $0x0  }
0x3e: {  	[sflag:s19] =	ssyncadd.s32 $0xFFFFE000  }
0x3f: {  	[tilespmem:s15], [sflag:$0x1] =	stream.indirect.gather [hbm4b:s0+s23], $0x40, s16, s23, $0xb8;
	[tilespmem:$0x17000] =	vst v63  }
0x40: {  	s18 =	simm.s32 $0xA080  }
0x41: {  	[tilespmem:s28], [sflag:$0x2] =	stream.indirect.gather [hbm4b:s0+s23], $0x40, s18, s23, $0xb8;
	[tilespmem:$0x17000] =	vst v63  }
0x42: {  	s18 =	simm.s32 $0xA100  }
0x43: {  	[tilespmem:s30], [sflag:$0x3] =	stream.indirect.gather [hbm4b:s0+s23], $0x40, s18, s23, $0xb8;
	[tilespmem:$0x17000] =	vst v63  }
0x44: {  	s18 =	simm.s32 $0xA180  }
0x45: {  	[tilespmem:s2], [sflag:$0x4] =	stream.indirect.gather [hbm4b:s0+s23], $0x40, s18, s23, $0xb8;
	[tilespmem:$0x17000] =	vst v63  }
0x46: {  	[bflag:$0x0] =	sbarrier.arrive $0xFFFF  }
0x47: {  	_ =	swait.ge [sflag:s19], $0x2000  }
0x48: {  	[sflag:s19] =	ssyncset.done $0x0  }
0x49: {  	s18 =	simm.s32 $0xC800;
	[sflag:s19] =	ssyncadd.s32 $0xFFFFE000  }
0x4a: {  	[spmem:s3] =	stream.indirect.scatter.add.f32 [tilespmem:s15], [sflag:$0x5], $0x40, s18, s23, $0xb8;
	[tilespmem:$0x17000] =	vst v63  }
0x4b: {  	_ =	swait.ge [sflag:s17], $0x2000  }
0x4c: {  	[sflag:s17] =	ssyncset.done $0x0  }
0x4d: {  	s18 =	simm.s32 $0xA200;
	[sflag:s17] =	ssyncadd.s32 $0xFFFFE000  }
0x4e: {  	[tilespmem:s15], [sflag:$0x1] =	stream.indirect.gather [hbm4b:s0+s23], $0x40, s18, s23, $0xb8;
	[tilespmem:$0x17000] =	vst v63  }
0x4f: {  	_ =	swait.ge [sflag:s20], $0x2000  }
0x50: {  	[sflag:s20] =	ssyncset.done $0x0  }
0x51: {  	s18 =	simm.s32 $0xC880;
	[sflag:s20] =	ssyncadd.s32 $0xFFFFE000  }
0x52: {  	[spmem:s3] =	stream.indirect.scatter.add.f32 [tilespmem:s28], [sflag:$0x5], $0x40, s18, s23, $0xb8;
	[tilespmem:$0x17000] =	vst v63  }
0x53: {  	_ =	swait.ge [sflag:s17], $0x2000  }
0x54: {  	[sflag:s17] =	ssyncset.done $0x0  }
0x55: {  	s18 =	simm.s32 $0xA280;
	[sflag:s17] =	ssyncadd.s32 $0xFFFFE000  }
0x56: {  	[tilespmem:s28], [sflag:$0x2] =	stream.indirect.gather [hbm4b:s0+s23], $0x40, s18, s23, $0xb8;
	[tilespmem:$0x17000] =	vst v63  }
0x57: {  	_ =	swait.ge [sflag:s21], $0x2000  }
0x58: {  	[sflag:s21] =	ssyncset.done $0x0  }
0x59: {  	s18 =	simm.s32 $0xC900;
	[sflag:s21] =	ssyncadd.s32 $0xFFFFE000  }
0x5a: {  	[spmem:s3] =	stream.indirect.scatter.add.f32 [tilespmem:s30], [sflag:$0x5], $0x40, s18, s23, $0xb8;
	[tilespmem:$0x17000] =	vst v63  }
0x5b: {  	_ =	swait.ge [sflag:s17], $0x2000  }
0x5c: {  	[sflag:s17] =	ssyncset.done $0x0  }
0x5d: {  	s18 =	simm.s32 $0xA300;
	[sflag:s17] =	ssyncadd.s32 $0xFFFFE000  }
0x5e: {  	[tilespmem:s30], [sflag:$0x3] =	stream.indirect.gather [hbm4b:s0+s23], $0x40, s18, s23, $0xb8;
	[tilespmem:$0x17000] =	vst v63  }
0x5f: {  	_ =	swait.ge [sflag:s22], $0x2000  }
0x60: {  	[sflag:s22] =	ssyncset.done $0x0  }
0x61: {  	s18 =	simm.s32 $0xC980;
	[sflag:s22] =	ssyncadd.s32 $0xFFFFE000  }
0x62: {  	[spmem:s3] =	stream.indirect.scatter.add.f32 [tilespmem:s2], [sflag:$0x5], $0x40, s18, s23, $0xb8;
	[tilespmem:$0x17000] =	vst v63  }
0x63: {  	_ =	swait.ge [sflag:s17], $0x2000  }
0x64: {  	[sflag:s17] =	ssyncset.done $0x0  }
0x65: {  	s31 =	simm.s32 $0x800;
	s1 =	simm.s32 $0xA380;
	[sflag:s17] =	ssyncadd.s32 $0xFFFFE000  }
.LBB2_4:
0x66: {  	[tilespmem:s2], [sflag:$0x4] =	stream.indirect.gather [hbm4b:s0+s23], $0x40, s1, s23, $0xb8;
	[tilespmem:$0x17000] =	vst v63  }
0x67: {  	s1 =	smov.u32 s31  }
0x68: {  	p1 =	sne.s32 s31, $0x9000;
	s31 =	sadd.s32 $0x800, s31;
	_ =	swait.ge [sflag:s19], $0x2000  }
0x69: {  	s1 =	sshra.s32 s1, $0x2;
	[sflag:s19] =	ssyncset.done $0x0  }
0x6a: {  	s18 =	sadd.s32 $0xC800, s1;
	[sflag:s19] =	ssyncadd.s32 $0xFFFFE000  }
0x6b: {  	[spmem:s3] =	stream.indirect.scatter.add.f32 [tilespmem:s15], [sflag:$0x5], $0x40, s18, s23, $0xb8;
	[tilespmem:$0x17000] =	vst v63  }
0x6c: {  	_ =	swait.ge [sflag:s17], $0x2000  }
0x6d: {  	[sflag:s17] =	ssyncset.done $0x0  }
0x6e: {  	s18 =	sadd.s32 $0xA200, s1;
	[sflag:s17] =	ssyncadd.s32 $0xFFFFE000  }
0x6f: {  	[tilespmem:s15], [sflag:$0x1] =	stream.indirect.gather [hbm4b:s0+s23], $0x40, s18, s23, $0xb8;
	[tilespmem:$0x17000] =	vst v63  }
0x70: {  	_ =	swait.ge [sflag:s20], $0x2000  }
0x71: {  	[sflag:s20] =	ssyncset.done $0x0  }
0x72: {  	s18 =	sadd.s32 $0xC880, s1;
	[sflag:s20] =	ssyncadd.s32 $0xFFFFE000  }
0x73: {  	[spmem:s3] =	stream.indirect.scatter.add.f32 [tilespmem:s28], [sflag:$0x5], $0x40, s18, s23, $0xb8;
	[tilespmem:$0x17000] =	vst v63  }
0x74: {  	_ =	swait.ge [sflag:s17], $0x2000  }
0x75: {  	[sflag:s17] =	ssyncset.done $0x0  }
0x76: {  	s18 =	sadd.s32 $0xA280, s1;
	[sflag:s17] =	ssyncadd.s32 $0xFFFFE000  }
0x77: {  	[tilespmem:s28], [sflag:$0x2] =	stream.indirect.gather [hbm4b:s0+s23], $0x40, s18, s23, $0xb8;
	[tilespmem:$0x17000] =	vst v63  }
0x78: {  	_ =	swait.ge [sflag:s21], $0x2000  }
0x79: {  	[sflag:s21] =	ssyncset.done $0x0  }
0x7a: {  	s18 =	sadd.s32 $0xC900, s1;
	[sflag:s21] =	ssyncadd.s32 $0xFFFFE000  }
0x7b: {  	[spmem:s3] =	stream.indirect.scatter.add.f32 [tilespmem:s30], [sflag:$0x5], $0x40, s18, s23, $0xb8;
	[tilespmem:$0x17000] =	vst v63  }
0x7c: {  	_ =	swait.ge [sflag:s17], $0x2000  }
0x7d: {  	[sflag:s17] =	ssyncset.done $0x0  }
0x7e: {  	s18 =	sadd.s32 $0xA300, s1;
	[sflag:s17] =	ssyncadd.s32 $0xFFFFE000  }
0x7f: {  	[tilespmem:s30], [sflag:$0x3] =	stream.indirect.gather [hbm4b:s0+s23], $0x40, s18, s23, $0xb8;
	[tilespmem:$0x17000] =	vst v63  }
0x80: {  	_ =	swait.ge [sflag:s22], $0x2000  }
0x81: {  	[sflag:s22] =	ssyncset.done $0x0  }
.Ltmp1:
0x82: {  	s18 =	sadd.s32 $0xC980, s1;
	[sflag:s22] =	ssyncadd.s32 $0xFFFFE000;
	(pc) =	sbr.rel @p1 .LBB2_4-.Ltmp1, $4  }
0x83: {  	[spmem:s3] =	stream.indirect.scatter.add.f32 [tilespmem:s2], [sflag:$0x5], $0x40, s18, s23, $0xb8;
	[tilespmem:$0x17000] =	vst v63  }
0x84: {  	_ =	swait.ge [sflag:s17], $0x2000  }
0x85: {  	[sflag:s17] =	ssyncset.done $0x0  }
0x86: {  	s1 =	sadd.s32 $0xA380, s1;
	[sflag:s17] =	ssyncadd.s32 $0xFFFFE000  }
0x87: {  	[tilespmem:s2], [sflag:$0x4] =	stream.indirect.gather [hbm4b:s0+s23], $0x40, s1, s23, $0xb8;
	[tilespmem:$0x17000] =	vst v63  }
0x88: {  	_ =	swait.ge [sflag:s19], $0x2000  }
0x89: {  	[sflag:s19] =	ssyncset.done $0x0  }
0x8a: {  	s31 =	simm.s32 $0xEE00;
	[sflag:s19] =	ssyncadd.s32 $0xFFFFE000  }
0x8b: {  	[spmem:s3] =	stream.indirect.scatter.add.f32 [tilespmem:s15], [sflag:$0x5], $0x40, s31, s23, $0xb8;
	[tilespmem:$0x17000] =	vst v63  }
0x8c: {  	_ =	swait.ge [sflag:s17], $0x2000  }
0x8d: {  	[sflag:s17] =	ssyncset.done $0x0  }
0x8e: {  	[sflag:s17] =	ssyncadd.s32 $0xFFFFE000  }
0x8f: {  	_ =	swait.ge [sflag:s20], $0x2000  }
0x90: {  	[sflag:s20] =	ssyncset.done $0x0  }
0x91: {  	s18 =	simm.s32 $0xEE80;
	[sflag:s20] =	ssyncadd.s32 $0xFFFFE000  }
0x92: {  	[spmem:s3] =	stream.indirect.scatter.add.f32 [tilespmem:s28], [sflag:$0x5], $0x40, s18, s23, $0xb8;
	[tilespmem:$0x17000] =	vst v63  }
0x93: {  	_ =	swait.ge [sflag:s17], $0x2000  }
0x94: {  	[sflag:s17] =	ssyncset.done $0x0  }
0x95: {  	[sflag:s17] =	ssyncadd.s32 $0xFFFFE000  }
0x96: {  	_ =	swait.ge [sflag:s21], $0x2000  }
0x97: {  	[sflag:s21] =	ssyncset.done $0x0  }
0x98: {  	[sflag:s21] =	ssyncadd.s32 $0xFFFFE000  }
0x99: {  	[spmem:s3] =	stream.indirect.scatter.add.f32 [tilespmem:s30], [sflag:$0x5], $0x40, s26, s23, $0xb8;
	[tilespmem:$0x17000] =	vst v63  }
0x9a: {  	_ =	swait.ge [sflag:s17], $0x2000  }
0x9b: {  	[sflag:s17] =	ssyncset.done $0x0  }
0x9c: {  	[sflag:s17] =	ssyncadd.s32 $0xFFFFE000  }
0x9d: {  	_ =	swait.ge [sflag:s22], $0x2000  }
0x9e: {  	[sflag:s22] =	ssyncset.done $0x0  }
0x9f: {  	[sflag:s22] =	ssyncadd.s32 $0xFFFFE000  }
0xa0: {  	[spmem:s3] =	stream.indirect.scatter.add.f32 [tilespmem:s2], [sflag:$0x5], $0x40, s29, s23, $0xb8;
	[tilespmem:$0x17000] =	vst v63  }
0xa1: {  	_ =	swait.ge [sflag:s17], $0x2000  }
0xa2: {  	s31 =	stileid.u32;
	[sflag:s17] =	ssyncset.done $0x0  }
0xa3: {  	s1 =	sshll.u32 s31, $0x6;
	[sflag:s17] =	ssyncadd.s32 $0xFFFFE000  }
0xa4: {  	s1 =	sor.u32 $0x1C05, s1;
	[bflag:$0x0] =	sbarrier.arrive $0xFFFF  }
0xa5: {  	[hbm:s12], [sflag:s1] =	dma.local [spmem:s24], $0x1380  }
0xa6: {  	_ =	swait.ge [sflag:s17], $0x1380  }
0xa7: {  	s4 =	sadd.s32 $0x1, s4;
	[sflag:s17] =	ssyncset.done $0x0  }
0xa8: {  	p1 =	sne.s32 s4, s14;
	[sflag:s17] =	ssyncadd.s32 $0xFFFFEC80  }
0xa9: {  	[hbm:s13], [sflag:s1] =	dma.local @!p0 [spmem:s25], $0x80  }
.Ltmp2:
0xaa: {  	_ = 	snop;
	(pc) =	sbr.rel @p1 .LBB2_1-.Ltmp2, $4  }
0xab: {  	s1 =	simm.s32 @!p0 $0x5  }
0xac: {  	_ =	swait.ge @!p0 [sflag:s1], $0x80  }
0xad: {  	[sflag:s1] =	ssyncset.done @!p0 $0x0  }
0xae: {  	[sflag:s1] =	ssyncadd.s32 @!p0 $0xFFFFFF80  }
0xaf: {  	_ =	sfence.sel $0x180000  }
0xb0: {  	[bflag:$0x0] =	sbarrier.arrive $0xFFFF  }
0xb1: {  	_ =	strace $0x9000004D  }
0xb2: {  	[bflag:$0x2] =	sbarrier.arrive $0xFFFF  }
0xb3: {  	s0 =	rddreg [dreg:$0x3]  }
0xb4: {  	s0 =	sadd.s32 @!p0 $0x100000, s0  }
0xb5: {  	[sflag:s0] =	ssyncadd.tile.s32 @!p0 $0x1;
	_ =	shalt  }
.Lfunc_end2:
_tile_overlayer_lowered:
.L_overlay_start_2:
0xb6: {  	(tag) =	ssettag $0x2  }
0xb7: {  	s0 =	rddreg [dreg:$0x0];
	s2 =	stileid.u32  }
0xb8: {  	s1 =	rddreg [dreg:$0x1];
	p0 =	sne.s32 s2, $0x0  }
0xb9: {  	s3 =	rddreg [dreg:$0x2];
	[bflag:$0x3] =	sbarrier.arrive $0xFFFF;
	s2 =	simm.s32 @!p0 $0x1C05  }
0xba: {  	[timem:s3], [sflag:s2] =	dma.local @!p0 [hbm:s0], s1  }
0xbb: {  	s0 =	simm.s32 @!p0 $0x5  }
0xbc: {  	_ =	swait.ge @!p0 [sflag:s0], s1  }
0xbd: {  	s1 =	ssub.s32 @!p0 $0x0, s1;
	[sflag:s0] =	ssyncset.done @!p0 $0x0  }
0xbe: {  	[sflag:s0] =	ssyncadd.s32 @!p0 s1  }
0xbf: {  	[bflag:$0x3] =	sbarrier.arrive $0xFFFF  }
0xc0: {  	_ =	shalt  }

// kernel: kernel.9.cloned.1.call-start
scs
__scs_entry_jumppad:
0x0: {  	(pc) =	sbr.rel $0x88, $3  }
0x1: {  	(tag) =	ssettag $0x0;
	lr =	simm.s32 $0x1  }
0x2: {  	[smem:$0x3F99] =	sst lr;
	_ =	strace $0xD0000000  }
0x3: {  	_ = 	snop  }
0x4: {  	_ = 	snop  }
0x5: {  	_ = 	snop  }
0x6: {  	_ = 	snop  }
0x7: {  	_ = 	snop  }
__scs_overlays_trampoline_lowered:
0x8: {  	[smem:$0x3FA8] =	sst s0  }
0x9: {  	[smem:$0x3FA9] =	sst s1  }
0xa: {  	[smem:$0x3FAA] =	sst s2  }
0xb: {  	[smem:$0x3FAB] =	sst s3  }
0xc: {  	[smem:$0x3FAC] =	sst s4  }
0xd: {  	[smem:$0x3FAD] =	sst s5  }
0xe: {  	[smem:$0x3FAE] =	sst s6  }
0xf: {  	[smem:$0x3FAF] =	sst s7  }
0x10: {  	[smem:$0x3FB0] =	sst s8  }
0x11: {  	[smem:$0x3FB1] =	sst s9;
	s0 =	simm.s32 @!p0 $0x0  }
0x12: {  	s1 =	sld [smem:$0x3F97];
	s0 =	simm.s32 @p0 $0x1  }
0x13: {  	[smem:$0x3FB2] =	sst s0;
	s0 =	simm.s32 @!p1 $0x0  }
0x14: {  	s2 =	sld [smem:$0x3F96];
	s0 =	simm.s32 @p1 $0x1  }
0x15: {  	[smem:$0x3FB3] =	sst s0;
	s0 =	simm.s32 @!p2 $0x0  }
0x16: {  	s3 =	sld [smem:$0x3FDB];
	s0 =	simm.s32 @p2 $0x1  }
0x17: {  	s4 =	simm.s32 $0x1BF5;
	[smem:$0x3FB5] =	sst s0  }
0x18: {  	s0 =	sld [smem:$0x3F98];
	_ =	swait.ge [sflag:s4], $0x0  }
0x19: {  	s7 =	sld [smem:$0x3F99]  }
0x1a: {  	s8 =	sadd.s32 $0xFFFFE003, lr  }
0x1b: {  	s9 =	sadd.s32 $0xFFFFFEF7, lr;
	s5 =	simm.s32 $0xFFFFFFFF;
	p2 =	slt.u32 s8, $0xFFFFF086  }
0x1c: {  	p1 =	slt.u32 s9, $0xF7A;
	s5 =	simm.s32 @!p2 $0x0  }
0x1d: {  	s5 =	simm.s32 @p1 $0x1;
	p0 =	seq.s32 s7, s2  }
0x1e: {  	s7 =	smul.u32 @!p0 $0xF7A, s2;
	p2 =	seq.s32 @!p0 s5, $0x0  }
0x1f: {  	s9 =	smul.u32 $0xF7A, s1;
	s8 =	simm.s32 @!p0 $0x1BF5;
	p2 =	por !p2, p0  }
0x20: {  	[sflag:s8] =	ssyncset.s32 @!p0 $0xFFFFF086;
	s6 =	sadd.s32 @!p0 s3, s7;
	s7 =	simm.s32 @!p0 $0x108  }
0x21: {  	s3 =	sadd.s32 s3, s9;
	s6 =	sadd.s32 @!p0 $0x88, s6;
	s7 =	simm.s32 @p2 $0x1082  }
0x22: {  	[simem:s7], [sflag:s8] =	dma.local @!p0 [hbm:s6], $0xF7A  }
0x23: {  	s9 =	sor.u32 $0xD0000000, s2;
	s6 =	simm.s32 $0x108;
	_ =	swait.ge @!p0 [sflag:s8], $0x0  }
0x24: {  	s3 =	sadd.s32 $0x88, s3;
	s6 =	simm.s32 @!p1 $0x1082;
	[sflag:s4] =	ssyncset.s32 $0xFFFFF086  }
0x25: {  	[simem:s6], [sflag:s4] =	dma.local [hbm:s3], $0xF7A  }
0x26: {  	[smem:$0x3F99] =	sst s1;
	(tag) =	ssettag s2;
	_ =	strace s9  }
0x27: {  	s1 =	sld [smem:$0x3FA9]  }
0x28: {  	s2 =	sld [smem:$0x3FAA]  }
0x29: {  	s4 =	sld [smem:$0x3FAC]  }
0x2a: {  	p0 =	seq.s32 s5, $0x0;
	s5 =	sld [smem:$0x3FAD]  }
0x2b: {  	s6 =	sld [smem:$0x3FAE]  }
0x2c: {  	s7 =	sld [smem:$0x3FAF]  }
0x2d: {  	s3 =	simm.s32 $0x108;
	s8 =	sld [smem:$0x3FB0]  }
0x2e: {  	s3 =	simm.s32 @!p0 $0x1082;
	s9 =	sld [smem:$0x3FB1]  }
0x2f: {  	lr =	sadd.s32 s0, s3;
	s0 =	sld [smem:$0x3FA8]  }
0x30: {  	s3 =	sld [smem:$0x3FAB]  }
0x31: {  	[smem:$0x3FB4] =	sst s10  }
0x32: {  	s10 =	sld [smem:$0x3FB2];
	_ =	sdelay $0x3  }
0x33: {  	p0 =	seq.s32 s10, $0x1;
	s10 =	sld [smem:$0x3FB4];
	_ =	sdelay $0x3  }
0x34: {  	[smem:$0x3FB4] =	sst s10  }
0x35: {  	s10 =	sld [smem:$0x3FB3];
	_ =	sdelay $0x3  }
0x36: {  	p1 =	seq.s32 s10, $0x1;
	s10 =	sld [smem:$0x3FB4];
	_ =	sdelay $0x3  }
0x37: {  	[smem:$0x3FB4] =	sst s10  }
0x38: {  	s10 =	sld [smem:$0x3FB5]  }
0x39: {  	_ = 	snop;
	(pc) =	sbr.ind lr, $3  }
0x3a: {  	_ = 	snop  }
0x3b: {  	_ = 	snop  }
0x3c: {  	p2 =	seq.s32 s10, $0x1;
	s10 =	sld [smem:$0x3FB4]  }
0x3d: {  	_ =	shalt  }
0x3e: {  	_ =	shalt  }
0x3f: {  	_ =	shalt  }
0x40: {  	_ =	shalt  }
0x41: {  	_ =	shalt  }
0x42: {  	_ =	shalt  }
0x43: {  	_ =	shalt  }
0x44: {  	_ =	shalt  }
0x45: {  	_ =	shalt  }
0x46: {  	_ =	shalt  }
0x47: {  	_ =	shalt  }
0x48: {  	_ =	shalt  }
0x49: {  	_ =	shalt  }
0x4a: {  	_ =	shalt  }
0x4b: {  	_ =	shalt  }
0x4c: {  	_ =	shalt  }
0x4d: {  	_ =	shalt  }
0x4e: {  	_ =	shalt  }
0x4f: {  	_ =	shalt  }
0x50: {  	_ =	shalt  }
0x51: {  	_ =	shalt  }
0x52: {  	_ =	shalt  }
0x53: {  	_ =	shalt  }
0x54: {  	_ =	shalt  }
0x55: {  	_ =	shalt  }
0x56: {  	_ =	shalt  }
0x57: {  	_ =	shalt  }
0x58: {  	_ =	shalt  }
0x59: {  	_ =	shalt  }
0x5a: {  	_ =	shalt  }
0x5b: {  	_ =	shalt  }
0x5c: {  	_ =	shalt  }
0x5d: {  	_ =	shalt  }
0x5e: {  	_ =	shalt  }
0x5f: {  	_ =	shalt  }
0x60: {  	_ =	shalt  }
0x61: {  	_ =	shalt  }
0x62: {  	_ =	shalt  }
0x63: {  	_ =	shalt  }
0x64: {  	_ =	shalt  }
0x65: {  	_ =	shalt  }
0x66: {  	_ =	shalt  }
0x67: {  	_ =	shalt  }
0x68: {  	_ =	shalt  }
0x69: {  	_ =	shalt  }
0x6a: {  	_ =	shalt  }
0x6b: {  	_ =	shalt  }
0x6c: {  	_ =	shalt  }
0x6d: {  	_ =	shalt  }
0x6e: {  	_ =	shalt  }
0x6f: {  	_ =	shalt  }
0x70: {  	_ =	shalt  }
0x71: {  	_ =	shalt  }
0x72: {  	_ =	shalt  }
0x73: {  	_ =	shalt  }
0x74: {  	_ =	shalt  }
0x75: {  	_ =	shalt  }
0x76: {  	_ =	shalt  }
0x77: {  	_ =	shalt  }
0x78: {  	_ =	shalt  }
0x79: {  	_ =	shalt  }
0x7a: {  	_ =	shalt  }
0x7b: {  	_ =	shalt  }
0x7c: {  	_ =	shalt  }
0x7d: {  	_ =	shalt  }
0x7e: {  	_ =	shalt  }
0x7f: {  	_ =	shalt  }
0x80: {  	_ =	shalt  }
0x81: {  	_ =	shalt  }
0x82: {  	_ =	shalt  }
0x83: {  	_ =	shalt  }
0x84: {  	_ =	shalt  }
0x85: {  	_ =	shalt  }
0x86: {  	_ =	shalt  }
0x87: {  	_ =	shalt  }
.Lfunc_end0:
.L_simem_size_0:
called_computation_lowered:
.L_overlay_start_0:
0x88: {  	s2 =	sld [smem:$0x3FD9]  }
0x89: {  	s3 =	sld [smem:$0x3FFE];
	_ =	sdelay $0x1  }
0x8a: {  	s1 =	srdreg.scid  }
0x8b: {  	s0 =	sand.u32 $0x1, s1  }
0x8c: {  	s17 =	sshll.u32 s0, $0xA;
	s2 =	sadd.s32 s3, s2  }
0x8d: {  	s2 =	sadd.s32 s2, s17  }
0x8e: {  	[smem:$0x3FC0] =	sst s2  }
0x8f: {  	_ = 	snop  }
0x90: {  	s2 =	sld [smem:$0x3FD0];
	(tm) =	ssettm $0x1  }
0x91: {  	s18 =	sld [smem:$0x3FFB];
	_ =	sdelay $0x3  }
0x92: {  	_ =	strace s18  }
0x93: {  	s3 =	sld [smem:$0x3FFC];
	_ =	sdelay $0x3  }
0x94: {  	_ =	strace s3  }
0x95: {  	s3 =	sld [smem:$0x3FFD];
	_ =	sdelay $0x3  }
0x96: {  	_ =	strace s3  }
0x97: {  	_ =	strace $0x8FFFFFFF  }
0x98: {  	s19 =	sld [smem:$0x3FDB];
	_ =	sdelay $0x1  }
0x99: {  	s4 =	simm.s32 $_scs_section_size  }
0x9a: {  	s5 =	simm.s32 $_size__tile_overlayer_lowered;
	s6 =	simm.s32 $_tile_overlayer_lowered  }
0x9b: {  	s22 =	simm.s32 $0x1BFF;
	s21 =	sshll.u32 s6, $0x1;
	s3 =	sadd.s32 s4, s19  }
0x9c: {  	s7 =	simm.s32 $0x0;
	s20 =	sshll.u32 s5, $0x1;
	s5 =	sadd.s32 s21, s3  }
0x9d: {  	[timem:s7], [sflag:s22] =	dma.local [hbm:s5], s20  }
0x9e: {  	_ =	swait.ge [sflag:s22], s20  }
0x9f: {  	s4 =	ssub.s32 $0x0, s20;
	[sflag:s22] =	ssyncset.done $0x0  }
0xa0: {  	[sflag:s22] =	ssyncadd.s32 s4;
	_ =	sdelay $0x1  }
0xa1: {  	s23 =	simm.s32 $0x1B8B  }
0xa2: {  	_ =	swait.ge [sflag:s23], $0x1  }
0xa3: {  	[sflag:s23] =	ssyncset.done $0x0  }
0xa4: {  	s25 =	simm.s32 $0x1B8E;
	s24 =	sld [smem:$0x3FFE];
	[sflag:s23] =	ssyncadd.s32 $0xFFFFFFFF  }
0xa5: {  	s26 =	simm.s32 $execute0_lowered;
	[smem:$0x3FD2] =	sst s25  }
0xa6: {  	s5 =	sshll.u32 s26, $0x1;
	_ =	strace $0x80000046;
	[dreg:$0x1] =	wrdreg $0xFFFFFFFF  }
0xa7: {  	s28 =	simm.s32 $_size_execute0_lowered;
	s3 =	sadd.s32 s3, s5;
	[dreg:$0x0] =	wrdreg $0x0  }
0xa8: {  	s5 =	sshll.u32 s28, $0x1;
	[dreg:$0x2] =	wrdreg s3  }
0xa9: {  	[dreg:$0x3] =	wrdreg s5  }
0xaa: {  	[dreg:$0x4] =	wrdreg $0xC0  }
0xab: {  	_ =	task [dreg:s7], $0x5FFFF  }
0xac: {  	[dreg:$0x1] =	wrdreg $0xFFFFFFFF  }
0xad: {  	[dreg:$0x0] =	wrdreg $0x60  }
0xae: {  	[dreg:$0x2] =	wrdreg s24  }
0xaf: {  	[dreg:$0x3] =	wrdreg s2  }
0xb0: {  	[dreg:$0x4] =	wrdreg $0x0  }
0xb1: {  	[dreg:$0x5] =	wrdreg $0x9  }
0xb2: {  	_ =	task.clear_ibuf [dreg:s7], $0x6FFFF;
	_ =	strace $0x90000046  }
0xb3: {  	s29 =	simm.s32 $0x9;
	_ =	strace $0x80000048  }
0xb4: {  	_ =	swait.ge [sflag:s29], $0x1  }
0xb5: {  	[sflag:s29] =	ssyncadd.s32 $0xFFFFFFFF  }
0xb6: {  	_ =	strace $0x90000048  }
0xb7: {  	_ =	sfence  }
0xb8: {  	s30 =	sld [smem:$0x0];
	_ =	sdelay $0x2  }
0xb9: {  	s31 =	sshll.u32 s1, $0xD;
	s1 =	sshrl.u32 s1, $0x2  }
0xba: {  	s3 =	sand.u32 $0x4000, s31;
	s1 =	sadd.s32 s1, s30  }
0xbb: {  	s0 =	sor.u32 s3, s0;
	s1 =	sshll.u32 s1, $0x11  }
0xbc: {  	s0 =	sor.u32 s1, s0  }
0xbd: {  	s0 =	sadd.s32 $0x8F2B, s0  }
0xbe: {  	[sflag:s0] =	ssyncadd.remote.s32 $0x1  }
0xbf: {  	_ =	sfence.sel $0xFFFF  }
0xc0: {  	[dreg:$0x0] =	wrdreg $0xFFFFFFFF;
	(pc) =	sbr.abs _section_cstart, $3  }
0xc1: {  	[dreg:$0x1] =	wrdreg $0xFFFFFFFF  }
0xc2: {  	_ =	task.clear_ibuf [dreg:s7], $0x2FFFF;
	_ =	strace $0x9FFFFFFF  }
0xc3: {  	(tm) =	ssettm $0x7FFFFFFF  }
tec
execute0_lowered:
.L_overlay_start_1:
0x0: {  	(tag) =	ssettag $0x1  }
0x1: {  	s0 =	rddreg [dreg:$0x0]  }
0x2: {  	s3 =	rddreg [dreg:$0x1]  }
0x3: {  	s1 =	rddreg [dreg:$0x2];
	s2 =	simm.s32 $0x0  }
0x4: {  	s11 =	stileid.u32;
	s5 =	srdreg.scid;
	s28 =	simm.s32 $0x15400  }
0x5: {  	s29 =	simm.s32 $0x1;
	s30 =	simm.s32 $0x2;
	s31 =	simm.s32 $0x3  }
0x6: {  	[smem:$0x7FF] =	sst s2;
	s6 =	smul.u32 $0x50000, s11;
	s4 =	sadd.s32 $0xC800, s0  }
0x7: {  	s7 =	sadd.s32 $0x2800, s0;
	s8 =	sand.u32 $0x1, s5;
	s0 =	sadd.s32 $0x33A00, s0  }
0x8: {  	s21 =	smul.u32 $0x13800, s11;
	p0 =	sne.s32 s11, $0x0;
	_ =	strace $0x80000047  }
0x9: {  	s9 =	ssub.s32 $0x2, s8;
	s10 =	sshll.u32 s8, $0x4;
	s8 =	smul.u32 $0x138800, s8  }
0xa: {  	s24 =	sshrl.u32 s6, $0x2;
	s25 =	sshrl.u32 s9, $0x1;
	s26 =	sor.u32 s11, s10  }
0xb: {  	s10 =	simm.s32 $0x140C0;
	s11 =	simm.s32 $0x1C800;
	s5 =	sadd.s32 s24, s1  }
0xc: {  	s6 =	ssub.s32 s9, s25;
	s9 =	smul.u32 $0x2800, s26;
	s12 =	sadd.s32 $0x2000, s5  }
0xd: {  	s23 =	sadd.s32 s21, s8;
	s13 =	sadd.s32 $0x4000, s5;
	[dreg:$0x4] =	wrdreg s12  }
0xe: {  	s8 =	sshrl.u32 s8, $0x3;
	s14 =	sadd.s32 $0x6000, s5;
	[dreg:$0x5] =	wrdreg s13  }
0xf: {  	s26 =	sadd.s32 s21, s1;
	s15 =	sadd.s32 $0x8000, s5;
	[dreg:$0x6] =	wrdreg s14  }
0x10: {  	s16 =	sadd.s32 $0xA000, s5;
	s17 =	sadd.s32 $0xC000, s5;
	[dreg:$0x7] =	wrdreg s15  }
0x11: {  	s18 =	sadd.s32 $0xE000, s5;
	s19 =	sadd.s32 $0x10000, s5;
	[dreg:$0x8] =	wrdreg s16  }
0x12: {  	s20 =	sadd.s32 $0x12000, s5;
	s24 =	sshrl.u32 s23, $0x3;
	[dreg:$0x9] =	wrdreg s17  }
0x13: {  	s25 =	sadd.s32 s0, s8;
	s21 =	smax.u32 s6, $0x1;
	[dreg:$0xa] =	wrdreg s18  }
0x14: {  	s23 =	simm.s32 $0x14000;
	s6 =	simm.s32 $0x14040;
	[dreg:$0xb] =	wrdreg s19  }
0x15: {  	s8 =	simm.s32 $0x14080;
	[dreg:$0xc] =	wrdreg s20;
	s9 =	sshrl.u32 s9, $0x3  }
0x16: {  	s19 =	sadd.s32 s0, s24;
	s20 =	sadd.s32 $0x27000, s25;
	s24 =	sshrl.u32 s26, $0x3  }
0x17: {  	s26 =	simm.s32 $0x5;
	s0 =	simm.s32 $0x4;
	s13 =	simm.s32 $0x16740  }
0x18: {  	s14 =	simm.s32 $0x16780;
	s15 =	simm.s32 $0x167C0;
	s12 =	sadd.s32 s7, s9  }
0x19: {  	s22 =	sadd.s32 s3, s9;
	s9 =	sadd.s32 $0x280, s9;
	[dreg:$0xd] =	wrdreg s12  }
0x1a: {  	[dreg:$0xe] =	wrdreg s22;
	s7 =	sadd.s32 s7, s9;
	s3 =	sadd.s32 s3, s9  }
0x1b: {  	s22 =	simm.s32 $0x16800;
	s9 =	simm.s32 $0x1A800;
	[dreg:$0xf] =	wrdreg s7  }
0x1c: {  	s12 =	simm.s32 $0x16700;
	[dreg:$0x10] =	wrdreg s3;
	s3 =	sadd.s32 $0x138000, s1  }
0x1d: {  	v0 =	vimm.f32 $0.0e+00;
	s7 =	simm.s32 $0x18800;
	s25 =	sshrl.u32 @!p0 s3, $0x3;
	s3 =	simm.s32 $0x40  }
.LBB2_1:
0x1e: {  	s16 =	simm.s32 $0x0;
	s17 =	simm.s32 $0x200  }
.LBB2_2:
0x1f: {  	p1 =	sne.s32 s17, $0x7E00;
	[tilespmem:s16+$0x16870] =	vst v0  }
0x20: {  	[tilespmem:s16+$0x16800] =	vst v0  }
0x21: {  	[tilespmem:s16+$0x16810] =	vst v0  }
.Ltmp0:
0x22: {  	[tilespmem:s16+$0x16820] =	vst v0;
	(pc) =	sbr.rel @p1 .LBB2_2-.Ltmp0, $4  }
0x23: {  	[tilespmem:s16+$0x16830] =	vst v0  }
0x24: {  	[tilespmem:s16+$0x16840] =	vst v0  }
0x25: {  	[tilespmem:s16+$0x16850] =	vst v0  }
0x26: {  	[tilespmem:s16+$0x16860] =	vst v0;
	s16 =	sshra.s32 s17, $0x2;
	s17 =	sadd.s32 $0x200, s17  }
0x27: {  	[tilespmem:s16+$0x16870] =	vst v0  }
0x28: {  	[tilespmem:s16+$0x16800] =	vst v0  }
0x29: {  	[tilespmem:s16+$0x16810] =	vst v0  }
0x2a: {  	[tilespmem:s16+$0x16820] =	vst v0  }
0x2b: {  	[tilespmem:s16+$0x16830] =	vst v0  }
0x2c: {  	[tilespmem:s16+$0x16840] =	vst v0  }
0x2d: {  	[tilespmem:s16+$0x16850] =	vst v0  }
0x2e: {  	[tilespmem:s16+$0x16860] =	vst v0  }
0x2f: {  	[spmem:s5] =	stream.linear.scatter [tilespmem:s22], [sflag:$0x1], $0x2000, $0x38;
	[tilespmem:$0x1E800] =	vst v63  }
0x30: {  	s17 =	rddreg [dreg:$0x4]  }
0x31: {  	[spmem:s17] =	stream.linear.scatter [tilespmem:s22], [sflag:$0x2], $0x2000, $0x38;
	[tilespmem:$0x1E800] =	vst v63  }
0x32: {  	s18 =	rddreg [dreg:$0x5]  }
0x33: {  	[spmem:s18] =	stream.linear.scatter [tilespmem:s22], [sflag:$0x3], $0x2000, $0x38;
	[tilespmem:$0x1E800] =	vst v63  }
0x34: {  	s17 =	rddreg [dreg:$0x6]  }
0x35: {  	[spmem:s17] =	stream.linear.scatter [tilespmem:s22], [sflag:$0x4], $0x2000, $0x38;
	[tilespmem:$0x1E800] =	vst v63  }
0x36: {  	s18 =	rddreg [dreg:$0x7]  }
0x37: {  	[spmem:s18] =	stream.linear.scatter [tilespmem:s22], [sflag:$0x1], $0x2000, $0x38;
	[tilespmem:$0x1E800] =	vst v63  }
0x38: {  	s17 =	rddreg [dreg:$0x8]  }
0x39: {  	[spmem:s17] =	stream.linear.scatter [tilespmem:s22], [sflag:$0x2], $0x2000, $0x38;
	[tilespmem:$0x1E800] =	vst v63  }
0x3a: {  	s18 =	rddreg [dreg:$0x9]  }
0x3b: {  	[spmem:s18] =	stream.linear.scatter [tilespmem:s22], [sflag:$0x3], $0x2000, $0x38;
	[tilespmem:$0x1E800] =	vst v63  }
0x3c: {  	s17 =	rddreg [dreg:$0xa]  }
0x3d: {  	[spmem:s17] =	stream.linear.scatter [tilespmem:s22], [sflag:$0x4], $0x2000, $0x38;
	[tilespmem:$0x1E800] =	vst v63  }
0x3e: {  	s18 =	rddreg [dreg:$0xb]  }
0x3f: {  	[spmem:s18] =	stream.linear.scatter [tilespmem:s22], [sflag:$0x1], $0x2000, $0x38;
	[tilespmem:$0x1E800] =	vst v63  }
0x40: {  	s17 =	rddreg [dreg:$0xc]  }
0x41: {  	[spmem:s17] =	stream.linear.scatter [tilespmem:s22], [sflag:$0x2], $0x2000, $0x38;
	[tilespmem:$0x1E800] =	vst v63  }
0x42: {  	s16 =	simm.s32 $0x0;
	s17 =	rddreg [dreg:$0xd]  }
0x43: {  	[tilespmem:s23], [sflag:$0x5] =	stream.linear.gather [hbm4b:s17+s16], $0x1400, $0x38;
	[tilespmem:$0x1E800] =	vst v63  }
0x44: {  	_ =	swait.ge [sflag:s26], $0x1400  }
0x45: {  	[sflag:s26] =	ssyncset.done $0x0  }
0x46: {  	s18 =	rddreg [dreg:$0xe];
	[sflag:s26] =	ssyncadd.s32 $0xFFFFEC00  }
0x47: {  	[tilespmem:s28], [sflag:$0x5] =	stream.linear.gather [hbm4b:s18+s16], $0x1400, $0x38;
	[tilespmem:$0x1E800] =	vst v63  }
0x48: {  	_ =	swait.ge [sflag:s26], $0x1400  }
0x49: {  	[sflag:s26] =	ssyncset.done $0x0  }
0x4a: {  	[sflag:s26] =	ssyncadd.s32 $0xFFFFEC00  }
0x4b: {  	_ =	swait.ge [sflag:s29], $0x2000  }
0x4c: {  	[sflag:s29] =	ssyncset.done $0x0  }
0x4d: {  	[sflag:s29] =	ssyncadd.s32 $0xFFFFE000  }
0x4e: {  	_ =	swait.ge [sflag:s30], $0x2000  }
0x4f: {  	[sflag:s30] =	ssyncset.done $0x0  }
0x50: {  	[sflag:s30] =	ssyncadd.s32 $0xFFFFE000  }
0x51: {  	_ =	swait.ge [sflag:s31], $0x2000  }
0x52: {  	[sflag:s31] =	ssyncset.done $0x0  }
0x53: {  	[sflag:s31] =	ssyncadd.s32 $0xFFFFE000  }
0x54: {  	_ =	swait.ge [sflag:s0], $0x2000  }
0x55: {  	[sflag:s0] =	ssyncset.done $0x0  }
0x56: {  	[sflag:s0] =	ssyncadd.s32 $0xFFFFE000  }
0x57: {  	_ =	swait.ge [sflag:s29], $0x2000  }
0x58: {  	[sflag:s29] =	ssyncset.done $0x0  }
0x59: {  	[sflag:s29] =	ssyncadd.s32 $0xFFFFE000  }
0x5a: {  	_ =	swait.ge [sflag:s30], $0x2000  }
0x5b: {  	[sflag:s30] =	ssyncset.done $0x0  }
0x5c: {  	[sflag:s30] =	ssyncadd.s32 $0xFFFFE000  }
0x5d: {  	_ =	swait.ge [sflag:s31], $0x2000  }
0x5e: {  	[sflag:s31] =	ssyncset.done $0x0  }
0x5f: {  	[sflag:s31] =	ssyncadd.s32 $0xFFFFE000  }
0x60: {  	_ =	swait.ge [sflag:s0], $0x2000  }
0x61: {  	[sflag:s0] =	ssyncset.done $0x0  }
0x62: {  	[sflag:s0] =	ssyncadd.s32 $0xFFFFE000  }
0x63: {  	_ =	swait.ge [sflag:s29], $0x2000  }
0x64: {  	[sflag:s29] =	ssyncset.done $0x0  }
0x65: {  	[sflag:s29] =	ssyncadd.s32 $0xFFFFE000  }
0x66: {  	_ =	swait.ge [sflag:s30], $0x2000  }
0x67: {  	[sflag:s30] =	ssyncset.done $0x0  }
0x68: {  	[sflag:s30] =	ssyncadd.s32 $0xFFFFE000  }
0x69: {  	[tilespmem:s22], [sflag:$0x1] =	stream.indirect.gather [hbm4b:s4+s3], $0x80, s23, s3, $0xb8;
	[tilespmem:$0x1E800] =	vst v63  }
0x6a: {  	_ = 	snop  }
0x6b: {  	[tilespmem:s7], [sflag:$0x2] =	stream.indirect.gather [hbm4b:s4+s3], $0x80, s6, s3, $0xb8;
	[tilespmem:$0x1E800] =	vst v63  }
0x6c: {  	_ = 	snop  }
0x6d: {  	[tilespmem:s9], [sflag:$0x3] =	stream.indirect.gather [hbm4b:s4+s3], $0x80, s8, s3, $0xb8;
	[tilespmem:$0x1E800] =	vst v63  }
0x6e: {  	_ = 	snop  }
0x6f: {  	[tilespmem:s11], [sflag:$0x4] =	stream.indirect.gather [hbm4b:s4+s3], $0x80, s10, s3, $0xb8;
	[tilespmem:$0x1E800] =	vst v63  }
0x70: {  	[bflag:$0x0] =	sbarrier.arrive $0xFFFF  }
0x71: {  	_ =	swait.ge [sflag:s29], $0x2000  }
0x72: {  	[sflag:s29] =	ssyncset.done $0x0  }
0x73: {  	s18 =	simm.s32 $0x15400;
	[sflag:s29] =	ssyncadd.s32 $0xFFFFE000  }
0x74: {  	[spmem:s1] =	stream.indirect.scatter.add.f32 [tilespmem:s22], [sflag:$0x5], $0x80, s18, s3, $0xb8;
	[tilespmem:$0x1E800] =	vst v63  }
0x75: {  	_ =	swait.ge [sflag:s26], $0x2000  }
0x76: {  	[sflag:s26] =	ssyncset.done $0x0  }
0x77: {  	s17 =	simm.s32 $0x14100;
	[sflag:s26] =	ssyncadd.s32 $0xFFFFE000  }
0x78: {  	[tilespmem:s22], [sflag:$0x1] =	stream.indirect.gather [hbm4b:s4+s3], $0x80, s17, s3, $0xb8;
	[tilespmem:$0x1E800] =	vst v63  }
0x79: {  	_ =	swait.ge [sflag:s30], $0x2000  }
0x7a: {  	[sflag:s30] =	ssyncset.done $0x0  }
0x7b: {  	s18 =	simm.s32 $0x15440;
	[sflag:s30] =	ssyncadd.s32 $0xFFFFE000  }
0x7c: {  	[spmem:s1] =	stream.indirect.scatter.add.f32 [tilespmem:s7], [sflag:$0x5], $0x80, s18, s3, $0xb8;
	[tilespmem:$0x1E800] =	vst v63  }
0x7d: {  	_ =	swait.ge [sflag:s26], $0x2000  }
0x7e: {  	[sflag:s26] =	ssyncset.done $0x0  }
0x7f: {  	s17 =	simm.s32 $0x14140;
	[sflag:s26] =	ssyncadd.s32 $0xFFFFE000  }
0x80: {  	[tilespmem:s7], [sflag:$0x2] =	stream.indirect.gather [hbm4b:s4+s3], $0x80, s17, s3, $0xb8;
	[tilespmem:$0x1E800] =	vst v63  }
0x81: {  	_ =	swait.ge [sflag:s31], $0x2000  }
0x82: {  	[sflag:s31] =	ssyncset.done $0x0  }
0x83: {  	s18 =	simm.s32 $0x15480;
	[sflag:s31] =	ssyncadd.s32 $0xFFFFE000  }
0x84: {  	[spmem:s1] =	stream.indirect.scatter.add.f32 [tilespmem:s9], [sflag:$0x5], $0x80, s18, s3, $0xb8;
	[tilespmem:$0x1E800] =	vst v63  }
0x85: {  	_ =	swait.ge [sflag:s26], $0x2000  }
0x86: {  	[sflag:s26] =	ssyncset.done $0x0  }
0x87: {  	s17 =	simm.s32 $0x14180;
	[sflag:s26] =	ssyncadd.s32 $0xFFFFE000  }
0x88: {  	[tilespmem:s9], [sflag:$0x3] =	stream.indirect.gather [hbm4b:s4+s3], $0x80, s17, s3, $0xb8;
	[tilespmem:$0x1E800] =	vst v63  }
0x89: {  	_ =	swait.ge [sflag:s0], $0x2000  }
0x8a: {  	[sflag:s0] =	ssyncset.done $0x0  }
0x8b: {  	s18 =	simm.s32 $0x154C0;
	[sflag:s0] =	ssyncadd.s32 $0xFFFFE000  }
0x8c: {  	[spmem:s1] =	stream.indirect.scatter.add.f32 [tilespmem:s11], [sflag:$0x5], $0x80, s18, s3, $0xb8;
	[tilespmem:$0x1E800] =	vst v63  }
0x8d: {  	_ =	swait.ge [sflag:s26], $0x2000  }
0x8e: {  	[sflag:s26] =	ssyncset.done $0x0  }
0x8f: {  	s16 =	simm.s32 $0x400;
	s17 =	simm.s32 $0x141C0;
	[sflag:s26] =	ssyncadd.s32 $0xFFFFE000  }
.LBB2_4:
0x90: {  	[tilespmem:s11], [sflag:$0x4] =	stream.indirect.gather [hbm4b:s4+s3], $0x80, s17, s3, $0xb8;
	[tilespmem:$0x1E800] =	vst v63  }
0x91: {  	s17 =	smov.u32 s16  }
0x92: {  	p1 =	sne.s32 s16, $0x4800;
	s16 =	sadd.s32 $0x400, s16;
	_ =	swait.ge [sflag:s29], $0x2000  }
0x93: {  	s17 =	sshra.s32 s17, $0x2;
	[sflag:s29] =	ssyncset.done $0x0  }
0x94: {  	s18 =	sadd.s32 $0x15400, s17;
	[sflag:s29] =	ssyncadd.s32 $0xFFFFE000  }
0x95: {  	[spmem:s1] =	stream.indirect.scatter.add.f32 [tilespmem:s22], [sflag:$0x5], $0x80, s18, s3, $0xb8;
	[tilespmem:$0x1E800] =	vst v63  }
0x96: {  	_ =	swait.ge [sflag:s26], $0x2000  }
0x97: {  	[sflag:s26] =	ssyncset.done $0x0  }
0x98: {  	s18 =	sadd.s32 $0x14100, s17;
	[sflag:s26] =	ssyncadd.s32 $0xFFFFE000  }
0x99: {  	[tilespmem:s22], [sflag:$0x1] =	stream.indirect.gather [hbm4b:s4+s3], $0x80, s18, s3, $0xb8;
	[tilespmem:$0x1E800] =	vst v63  }
0x9a: {  	_ =	swait.ge [sflag:s30], $0x2000  }
0x9b: {  	[sflag:s30] =	ssyncset.done $0x0  }
0x9c: {  	s18 =	sadd.s32 $0x15440, s17;
	[sflag:s30] =	ssyncadd.s32 $0xFFFFE000  }
0x9d: {  	[spmem:s1] =	stream.indirect.scatter.add.f32 [tilespmem:s7], [sflag:$0x5], $0x80, s18, s3, $0xb8;
	[tilespmem:$0x1E800] =	vst v63  }
0x9e: {  	_ =	swait.ge [sflag:s26], $0x2000  }
0x9f: {  	[sflag:s26] =	ssyncset.done $0x0  }
0xa0: {  	s18 =	sadd.s32 $0x14140, s17;
	[sflag:s26] =	ssyncadd.s32 $0xFFFFE000  }
0xa1: {  	[tilespmem:s7], [sflag:$0x2] =	stream.indirect.gather [hbm4b:s4+s3], $0x80, s18, s3, $0xb8;
	[tilespmem:$0x1E800] =	vst v63  }
0xa2: {  	_ =	swait.ge [sflag:s31], $0x2000  }
0xa3: {  	[sflag:s31] =	ssyncset.done $0x0  }
0xa4: {  	s18 =	sadd.s32 $0x15480, s17;
	[sflag:s31] =	ssyncadd.s32 $0xFFFFE000  }
0xa5: {  	[spmem:s1] =	stream.indirect.scatter.add.f32 [tilespmem:s9], [sflag:$0x5], $0x80, s18, s3, $0xb8;
	[tilespmem:$0x1E800] =	vst v63  }
0xa6: {  	_ =	swait.ge [sflag:s26], $0x2000  }
0xa7: {  	[sflag:s26] =	ssyncset.done $0x0  }
0xa8: {  	s18 =	sadd.s32 $0x14180, s17;
	[sflag:s26] =	ssyncadd.s32 $0xFFFFE000  }
0xa9: {  	[tilespmem:s9], [sflag:$0x3] =	stream.indirect.gather [hbm4b:s4+s3], $0x80, s18, s3, $0xb8;
	[tilespmem:$0x1E800] =	vst v63  }
0xaa: {  	_ =	swait.ge [sflag:s0], $0x2000  }
0xab: {  	[sflag:s0] =	ssyncset.done $0x0  }
.Ltmp1:
0xac: {  	s18 =	sadd.s32 $0x154C0, s17;
	[sflag:s0] =	ssyncadd.s32 $0xFFFFE000;
	(pc) =	sbr.rel @p1 .LBB2_4-.Ltmp1, $4  }
0xad: {  	[spmem:s1] =	stream.indirect.scatter.add.f32 [tilespmem:s11], [sflag:$0x5], $0x80, s18, s3, $0xb8;
	[tilespmem:$0x1E800] =	vst v63  }
0xae: {  	_ =	swait.ge [sflag:s26], $0x2000  }
0xaf: {  	[sflag:s26] =	ssyncset.done $0x0  }
0xb0: {  	s17 =	sadd.s32 $0x141C0, s17;
	[sflag:s26] =	ssyncadd.s32 $0xFFFFE000  }
0xb1: {  	[tilespmem:s11], [sflag:$0x4] =	stream.indirect.gather [hbm4b:s4+s3], $0x80, s17, s3, $0xb8;
	[tilespmem:$0x1E800] =	vst v63  }
0xb2: {  	_ =	swait.ge [sflag:s29], $0x2000  }
0xb3: {  	[sflag:s29] =	ssyncset.done $0x0  }
0xb4: {  	[sflag:s29] =	ssyncadd.s32 $0xFFFFE000  }
0xb5: {  	[spmem:s1] =	stream.indirect.scatter.add.f32 [tilespmem:s22], [sflag:$0x5], $0x80, s12, s3, $0xb8;
	[tilespmem:$0x1E800] =	vst v63  }
0xb6: {  	_ =	swait.ge [sflag:s26], $0x2000  }
0xb7: {  	[sflag:s26] =	ssyncset.done $0x0  }
0xb8: {  	[sflag:s26] =	ssyncadd.s32 $0xFFFFE000  }
0xb9: {  	_ =	swait.ge [sflag:s30], $0x2000  }
0xba: {  	[sflag:s30] =	ssyncset.done $0x0  }
0xbb: {  	[sflag:s30] =	ssyncadd.s32 $0xFFFFE000  }
0xbc: {  	[spmem:s1] =	stream.indirect.scatter.add.f32 [tilespmem:s7], [sflag:$0x5], $0x80, s13, s3, $0xb8;
	[tilespmem:$0x1E800] =	vst v63  }
0xbd: {  	_ =	swait.ge [sflag:s26], $0x2000  }
0xbe: {  	[sflag:s26] =	ssyncset.done $0x0  }
0xbf: {  	[sflag:s26] =	ssyncadd.s32 $0xFFFFE000  }
0xc0: {  	_ =	swait.ge [sflag:s31], $0x2000  }
0xc1: {  	[sflag:s31] =	ssyncset.done $0x0  }
0xc2: {  	[sflag:s31] =	ssyncadd.s32 $0xFFFFE000  }
0xc3: {  	[spmem:s1] =	stream.indirect.scatter.add.f32 [tilespmem:s9], [sflag:$0x5], $0x80, s14, s3, $0xb8;
	[tilespmem:$0x1E800] =	vst v63  }
0xc4: {  	_ =	swait.ge [sflag:s26], $0x2000  }
0xc5: {  	[sflag:s26] =	ssyncset.done $0x0  }
0xc6: {  	[sflag:s26] =	ssyncadd.s32 $0xFFFFE000  }
0xc7: {  	_ =	swait.ge [sflag:s0], $0x2000  }
0xc8: {  	[sflag:s0] =	ssyncset.done $0x0  }
0xc9: {  	[sflag:s0] =	ssyncadd.s32 $0xFFFFE000  }
0xca: {  	[spmem:s1] =	stream.indirect.scatter.add.f32 [tilespmem:s11], [sflag:$0x5], $0x80, s15, s3, $0xb8;
	[tilespmem:$0x1E800] =	vst v63  }
0xcb: {  	_ =	swait.ge [sflag:s26], $0x2000  }
0xcc: {  	[sflag:s26] =	ssyncset.done $0x0  }
0xcd: {  	s16 =	simm.s32 $0x0;
	s18 =	rddreg [dreg:$0xf];
	[sflag:s26] =	ssyncadd.s32 $0xFFFFE000  }
0xce: {  	[tilespmem:s23], [sflag:$0x5] =	stream.linear.gather [hbm4b:s18+s16], $0x1400, $0x38;
	[tilespmem:$0x1E800] =	vst v63  }
0xcf: {  	_ =	swait.ge [sflag:s26], $0x1400  }
0xd0: {  	[sflag:s26] =	ssyncset.done $0x0  }
0xd1: {  	s18 =	rddreg [dreg:$0x10];
	[sflag:s26] =	ssyncadd.s32 $0xFFFFEC00  }
0xd2: {  	[tilespmem:s28], [sflag:$0x5] =	stream.linear.gather [hbm4b:s18+s16], $0x1400, $0x38;
	[tilespmem:$0x1E800] =	vst v63  }
0xd3: {  	_ =	swait.ge [sflag:s26], $0x1400  }
0xd4: {  	[sflag:s26] =	ssyncset.done $0x0  }
0xd5: {  	[sflag:s26] =	ssyncadd.s32 $0xFFFFEC00  }
0xd6: {  	[tilespmem:s22], [sflag:$0x1] =	stream.indirect.gather [hbm4b:s4+s3], $0x80, s23, s3, $0xb8;
	[tilespmem:$0x1E800] =	vst v63  }
0xd7: {  	_ = 	snop  }
0xd8: {  	[tilespmem:s7], [sflag:$0x2] =	stream.indirect.gather [hbm4b:s4+s3], $0x80, s6, s3, $0xb8;
	[tilespmem:$0x1E800] =	vst v63  }
0xd9: {  	_ = 	snop  }
0xda: {  	[tilespmem:s9], [sflag:$0x3] =	stream.indirect.gather [hbm4b:s4+s3], $0x80, s8, s3, $0xb8;
	[tilespmem:$0x1E800] =	vst v63  }
0xdb: {  	_ = 	snop  }
0xdc: {  	[tilespmem:s11], [sflag:$0x4] =	stream.indirect.gather [hbm4b:s4+s3], $0x80, s10, s3, $0xb8;
	[tilespmem:$0x1E800] =	vst v63  }
0xdd: {  	_ =	swait.ge [sflag:s29], $0x2000  }
0xde: {  	[sflag:s29] =	ssyncset.done $0x0  }
0xdf: {  	s18 =	simm.s32 $0x15400;
	[sflag:s29] =	ssyncadd.s32 $0xFFFFE000  }
0xe0: {  	[spmem:s1] =	stream.indirect.scatter.add.f32 [tilespmem:s22], [sflag:$0x5], $0x80, s18, s3, $0xb8;
	[tilespmem:$0x1E800] =	vst v63  }
0xe1: {  	_ =	swait.ge [sflag:s26], $0x2000  }
0xe2: {  	[sflag:s26] =	ssyncset.done $0x0  }
0xe3: {  	s17 =	simm.s32 $0x14100;
	[sflag:s26] =	ssyncadd.s32 $0xFFFFE000  }
0xe4: {  	[tilespmem:s22], [sflag:$0x1] =	stream.indirect.gather [hbm4b:s4+s3], $0x80, s17, s3, $0xb8;
	[tilespmem:$0x1E800] =	vst v63  }
0xe5: {  	_ =	swait.ge [sflag:s30], $0x2000  }
0xe6: {  	[sflag:s30] =	ssyncset.done $0x0  }
0xe7: {  	s18 =	simm.s32 $0x15440;
	[sflag:s30] =	ssyncadd.s32 $0xFFFFE000  }
0xe8: {  	[spmem:s1] =	stream.indirect.scatter.add.f32 [tilespmem:s7], [sflag:$0x5], $0x80, s18, s3, $0xb8;
	[tilespmem:$0x1E800] =	vst v63  }
0xe9: {  	_ =	swait.ge [sflag:s26], $0x2000  }
0xea: {  	[sflag:s26] =	ssyncset.done $0x0  }
0xeb: {  	s17 =	simm.s32 $0x14140;
	[sflag:s26] =	ssyncadd.s32 $0xFFFFE000  }
0xec: {  	[tilespmem:s7], [sflag:$0x2] =	stream.indirect.gather [hbm4b:s4+s3], $0x80, s17, s3, $0xb8;
	[tilespmem:$0x1E800] =	vst v63  }
0xed: {  	_ =	swait.ge [sflag:s31], $0x2000  }
0xee: {  	[sflag:s31] =	ssyncset.done $0x0  }
0xef: {  	s18 =	simm.s32 $0x15480;
	[sflag:s31] =	ssyncadd.s32 $0xFFFFE000  }
0xf0: {  	[spmem:s1] =	stream.indirect.scatter.add.f32 [tilespmem:s9], [sflag:$0x5], $0x80, s18, s3, $0xb8;
	[tilespmem:$0x1E800] =	vst v63  }
0xf1: {  	_ =	swait.ge [sflag:s26], $0x2000  }
0xf2: {  	[sflag:s26] =	ssyncset.done $0x0  }
0xf3: {  	s17 =	simm.s32 $0x14180;
	[sflag:s26] =	ssyncadd.s32 $0xFFFFE000  }
0xf4: {  	[tilespmem:s9], [sflag:$0x3] =	stream.indirect.gather [hbm4b:s4+s3], $0x80, s17, s3, $0xb8;
	[tilespmem:$0x1E800] =	vst v63  }
0xf5: {  	_ =	swait.ge [sflag:s0], $0x2000  }
0xf6: {  	[sflag:s0] =	ssyncset.done $0x0  }
0xf7: {  	s18 =	simm.s32 $0x154C0;
	[sflag:s0] =	ssyncadd.s32 $0xFFFFE000  }
0xf8: {  	[spmem:s1] =	stream.indirect.scatter.add.f32 [tilespmem:s11], [sflag:$0x5], $0x80, s18, s3, $0xb8;
	[tilespmem:$0x1E800] =	vst v63  }
0xf9: {  	_ =	swait.ge [sflag:s26], $0x2000  }
0xfa: {  	[sflag:s26] =	ssyncset.done $0x0  }
0xfb: {  	s16 =	simm.s32 $0x400;
	s17 =	simm.s32 $0x141C0;
	[sflag:s26] =	ssyncadd.s32 $0xFFFFE000  }
.LBB2_6:
0xfc: {  	[tilespmem:s11], [sflag:$0x4] =	stream.indirect.gather [hbm4b:s4+s3], $0x80, s17, s3, $0xb8;
	[tilespmem:$0x1E800] =	vst v63  }
0xfd: {  	s17 =	smov.u32 s16  }
0xfe: {  	p1 =	sne.s32 s16, $0x4800;
	s16 =	sadd.s32 $0x400, s16;
	_ =	swait.ge [sflag:s29], $0x2000  }
0xff: {  	s17 =	sshra.s32 s17, $0x2;
	[sflag:s29] =	ssyncset.done $0x0  }
0x100: {  	s18 =	sadd.s32 $0x15400, s17;
	[sflag:s29] =	ssyncadd.s32 $0xFFFFE000  }
0x101: {  	[spmem:s1] =	stream.indirect.scatter.add.f32 [tilespmem:s22], [sflag:$0x5], $0x80, s18, s3, $0xb8;
	[tilespmem:$0x1E800] =	vst v63  }
0x102: {  	_ =	swait.ge [sflag:s26], $0x2000  }
0x103: {  	[sflag:s26] =	ssyncset.done $0x0  }
0x104: {  	s18 =	sadd.s32 $0x14100, s17;
	[sflag:s26] =	ssyncadd.s32 $0xFFFFE000  }
0x105: {  	[tilespmem:s22], [sflag:$0x1] =	stream.indirect.gather [hbm4b:s4+s3], $0x80, s18, s3, $0xb8;
	[tilespmem:$0x1E800] =	vst v63  }
0x106: {  	_ =	swait.ge [sflag:s30], $0x2000  }
0x107: {  	[sflag:s30] =	ssyncset.done $0x0  }
0x108: {  	s18 =	sadd.s32 $0x15440, s17;
	[sflag:s30] =	ssyncadd.s32 $0xFFFFE000  }
0x109: {  	[spmem:s1] =	stream.indirect.scatter.add.f32 [tilespmem:s7], [sflag:$0x5], $0x80, s18, s3, $0xb8;
	[tilespmem:$0x1E800] =	vst v63  }
0x10a: {  	_ =	swait.ge [sflag:s26], $0x2000  }
0x10b: {  	[sflag:s26] =	ssyncset.done $0x0  }
0x10c: {  	s18 =	sadd.s32 $0x14140, s17;
	[sflag:s26] =	ssyncadd.s32 $0xFFFFE000  }
0x10d: {  	[tilespmem:s7], [sflag:$0x2] =	stream.indirect.gather [hbm4b:s4+s3], $0x80, s18, s3, $0xb8;
	[tilespmem:$0x1E800] =	vst v63  }
0x10e: {  	_ =	swait.ge [sflag:s31], $0x2000  }
0x10f: {  	[sflag:s31] =	ssyncset.done $0x0  }
0x110: {  	s18 =	sadd.s32 $0x15480, s17;
	[sflag:s31] =	ssyncadd.s32 $0xFFFFE000  }
0x111: {  	[spmem:s1] =	stream.indirect.scatter.add.f32 [tilespmem:s9], [sflag:$0x5], $0x80, s18, s3, $0xb8;
	[tilespmem:$0x1E800] =	vst v63  }
0x112: {  	_ =	swait.ge [sflag:s26], $0x2000  }
0x113: {  	[sflag:s26] =	ssyncset.done $0x0  }
0x114: {  	s18 =	sadd.s32 $0x14180, s17;
	[sflag:s26] =	ssyncadd.s32 $0xFFFFE000  }
0x115: {  	[tilespmem:s9], [sflag:$0x3] =	stream.indirect.gather [hbm4b:s4+s3], $0x80, s18, s3, $0xb8;
	[tilespmem:$0x1E800] =	vst v63  }
0x116: {  	_ =	swait.ge [sflag:s0], $0x2000  }
0x117: {  	[sflag:s0] =	ssyncset.done $0x0  }
.Ltmp2:
0x118: {  	s18 =	sadd.s32 $0x154C0, s17;
	[sflag:s0] =	ssyncadd.s32 $0xFFFFE000;
	(pc) =	sbr.rel @p1 .LBB2_6-.Ltmp2, $4  }
0x119: {  	[spmem:s1] =	stream.indirect.scatter.add.f32 [tilespmem:s11], [sflag:$0x5], $0x80, s18, s3, $0xb8;
	[tilespmem:$0x1E800] =	vst v63  }
0x11a: {  	_ =	swait.ge [sflag:s26], $0x2000  }
0x11b: {  	[sflag:s26] =	ssyncset.done $0x0  }
0x11c: {  	s17 =	sadd.s32 $0x141C0, s17;
	[sflag:s26] =	ssyncadd.s32 $0xFFFFE000  }
0x11d: {  	[tilespmem:s11], [sflag:$0x4] =	stream.indirect.gather [hbm4b:s4+s3], $0x80, s17, s3, $0xb8;
	[tilespmem:$0x1E800] =	vst v63  }
0x11e: {  	_ =	swait.ge [sflag:s29], $0x2000  }
0x11f: {  	[sflag:s29] =	ssyncset.done $0x0  }
0x120: {  	[sflag:s29] =	ssyncadd.s32 $0xFFFFE000  }
0x121: {  	[spmem:s1] =	stream.indirect.scatter.add.f32 [tilespmem:s22], [sflag:$0x5], $0x80, s12, s3, $0xb8;
	[tilespmem:$0x1E800] =	vst v63  }
0x122: {  	_ =	swait.ge [sflag:s26], $0x2000  }
0x123: {  	[sflag:s26] =	ssyncset.done $0x0  }
0x124: {  	[sflag:s26] =	ssyncadd.s32 $0xFFFFE000  }
0x125: {  	_ =	swait.ge [sflag:s30], $0x2000  }
0x126: {  	[sflag:s30] =	ssyncset.done $0x0  }
0x127: {  	[sflag:s30] =	ssyncadd.s32 $0xFFFFE000  }
0x128: {  	[spmem:s1] =	stream.indirect.scatter.add.f32 [tilespmem:s7], [sflag:$0x5], $0x80, s13, s3, $0xb8;
	[tilespmem:$0x1E800] =	vst v63  }
0x129: {  	_ =	swait.ge [sflag:s26], $0x2000  }
0x12a: {  	[sflag:s26] =	ssyncset.done $0x0  }
0x12b: {  	[sflag:s26] =	ssyncadd.s32 $0xFFFFE000  }
0x12c: {  	_ =	swait.ge [sflag:s31], $0x2000  }
0x12d: {  	[sflag:s31] =	ssyncset.done $0x0  }
0x12e: {  	[sflag:s31] =	ssyncadd.s32 $0xFFFFE000  }
0x12f: {  	[spmem:s1] =	stream.indirect.scatter.add.f32 [tilespmem:s9], [sflag:$0x5], $0x80, s14, s3, $0xb8;
	[tilespmem:$0x1E800] =	vst v63  }
0x130: {  	_ =	swait.ge [sflag:s26], $0x2000  }
0x131: {  	[sflag:s26] =	ssyncset.done $0x0  }
0x132: {  	[sflag:s26] =	ssyncadd.s32 $0xFFFFE000  }
0x133: {  	_ =	swait.ge [sflag:s0], $0x2000  }
0x134: {  	[sflag:s0] =	ssyncset.done $0x0  }
0x135: {  	[sflag:s0] =	ssyncadd.s32 $0xFFFFE000  }
0x136: {  	[spmem:s1] =	stream.indirect.scatter.add.f32 [tilespmem:s11], [sflag:$0x5], $0x80, s15, s3, $0xb8;
	[tilespmem:$0x1E800] =	vst v63  }
0x137: {  	_ =	swait.ge [sflag:s26], $0x2000  }
0x138: {  	s16 =	stileid.u32;
	[sflag:s26] =	ssyncset.done $0x0  }
0x139: {  	s16 =	sshll.u32 s16, $0x6;
	[sflag:s26] =	ssyncadd.s32 $0xFFFFE000  }
0x13a: {  	s16 =	sor.u32 $0x1C05, s16;
	[bflag:$0x0] =	sbarrier.arrive $0xFFFF  }
0x13b: {  	[hbm:s19], [sflag:s16] =	dma.local [spmem:s24], $0x2700  }
0x13c: {  	_ =	swait.ge [sflag:s26], $0x2700  }
0x13d: {  	s2 =	sadd.s32 $0x1, s2;
	[sflag:s26] =	ssyncset.done $0x0  }
0x13e: {  	p1 =	sne.s32 s2, s21;
	[sflag:s26] =	ssyncadd.s32 $0xFFFFD900  }
0x13f: {  	[hbm:s20], [sflag:s16] =	dma.local @!p0 [spmem:s25], $0x100  }
.Ltmp3:
0x140: {  	_ = 	snop;
	(pc) =	sbr.rel @p1 .LBB2_1-.Ltmp3, $4  }
0x141: {  	s16 =	simm.s32 @!p0 $0x5  }
0x142: {  	_ =	swait.ge @!p0 [sflag:s16], $0x100  }
0x143: {  	[sflag:s16] =	ssyncset.done @!p0 $0x0  }
0x144: {  	[sflag:s16] =	ssyncadd.s32 @!p0 $0xFFFFFF00  }
0x145: {  	_ =	sfence.sel $0x180000  }
0x146: {  	[bflag:$0x0] =	sbarrier.arrive $0xFFFF  }
0x147: {  	_ =	strace $0x90000047  }
0x148: {  	[bflag:$0x2] =	sbarrier.arrive $0xFFFF  }
0x149: {  	s0 =	rddreg [dreg:$0x3]  }
0x14a: {  	s0 =	sadd.s32 @!p0 $0x100000, s0  }
0x14b: {  	[sflag:s0] =	ssyncadd.tile.s32 @!p0 $0x1;
	_ =	shalt  }
.Lfunc_end2:
_tile_overlayer_lowered:
.L_overlay_start_2:
0x14c: {  	(tag) =	ssettag $0x2  }
0x14d: {  	s0 =	rddreg [dreg:$0x0];
	s2 =	stileid.u32  }
0x14e: {  	s1 =	rddreg [dreg:$0x1];
	p0 =	sne.s32 s2, $0x0  }
0x14f: {  	s3 =	rddreg [dreg:$0x2];
	[bflag:$0x3] =	sbarrier.arrive $0xFFFF;
	s2 =	simm.s32 @!p0 $0x1C05  }
0x150: {  	[timem:s3], [sflag:s2] =	dma.local @!p0 [hbm:s0], s1  }
0x151: {  	s0 =	simm.s32 @!p0 $0x5  }
0x152: {  	_ =	swait.ge @!p0 [sflag:s0], s1  }
0x153: {  	s1 =	ssub.s32 @!p0 $0x0, s1;
	[sflag:s0] =	ssyncset.done @!p0 $0x0  }
0x154: {  	[sflag:s0] =	ssyncadd.s32 @!p0 s1  }
0x155: {  	[bflag:$0x3] =	sbarrier.arrive $0xFFFF  }
0x156: {  	_ =	shalt  }

</sc_bundles>
